<compile_context>
chip_gen: v7x
topology: tpu7x:2x2x1
jax: 0.10.2.dev20260603
libtpu: 0.0.44.dev20260713+nightly
codegen_flags: <defaults>
</compile_context>

<pallas_src>
import functools

import jax
import jax.numpy as jnp
from jax import lax
from jax.experimental import pallas as pl
from jax.experimental.pallas import tpu as pltpu
from jax.experimental.pallas import tpu_sc as plsc

N_HEADS = 16
D_HEAD = 64
D_MODEL = N_HEADS * D_HEAD
SCALE = 0.125
N_Q = 32
NHQ = N_HEADS * N_Q
SLOTS = 32768
BUF = 16384

SC_CORES = 2
SC_SUBCORES = 16
N_WORKERS = SC_CORES * SC_SUBCORES

ROWS_PER_WORKER = BUF // N_WORKERS
GCHUNK = 32
N_GCHUNKS = ROWS_PER_WORKER // GCHUNK


def _sc_gather_kernel(cache_hbm, idx_hbm, out_hbm, idx_v,
                      r0, r1, r2, g0, g1, g2, w0, w1, w2):
    cid = lax.axis_index("c")
    sid = lax.axis_index("s")
    wid = sid * SC_CORES + cid
    base = wid * ROWS_PER_WORKER

    pltpu.sync_copy(idx_hbm.at[pl.ds(base, ROWS_PER_WORKER)], idx_v)
    bufs = (r0, r1, r2)
    gsems = (g0, g1, g2)
    wsems = (w0, w1, w2)
    gh = {}
    wh = {}

    def start_write(c):
        b = c % 3
        wh[c] = pltpu.async_copy(
            bufs[b], out_hbm.at[pl.ds(base + c * GCHUNK, GCHUNK)], wsems[b])

    for c in range(N_GCHUNKS):
        b = c % 3
        if c >= 3:
            wh[c - 3].wait()
        gh[c] = pltpu.async_copy(
            cache_hbm.at[idx_v.at[pl.ds(c * GCHUNK, GCHUNK)]],
            bufs[b], gsems[b])
        if c >= 1:
            gh[c - 1].wait()
            start_write(c - 1)
    gh[N_GCHUNKS - 1].wait()
    start_write(N_GCHUNKS - 1)
    for c in range(N_GCHUNKS - 3, N_GCHUNKS):
        wh[c].wait()


def _sc_gather(cache2d, ctx_idx):
    mesh = plsc.VectorSubcoreMesh(
        core_axis_name="c", subcore_axis_name="s",
        num_cores=SC_CORES, num_subcores=SC_SUBCORES)
    fn = pl.kernel(
        _sc_gather_kernel,
        out_type=jax.ShapeDtypeStruct((BUF, D_MODEL), jnp.float32),
        mesh=mesh,
        scratch_types=[
            pltpu.VMEM((ROWS_PER_WORKER,), jnp.int32),
            pltpu.VMEM((GCHUNK, D_MODEL), jnp.float32),
            pltpu.VMEM((GCHUNK, D_MODEL), jnp.float32),
            pltpu.VMEM((GCHUNK, D_MODEL), jnp.float32),
            pltpu.SemaphoreType.DMA,
            pltpu.SemaphoreType.DMA,
            pltpu.SemaphoreType.DMA,
            pltpu.SemaphoreType.DMA,
            pltpu.SemaphoreType.DMA,
            pltpu.SemaphoreType.DMA,
        ],
    )
    return fn(cache2d, ctx_idx)



CH = 1024
N_CHUNKS = BUF // CH
BF = jnp.bfloat16
DN = (((1,), (1,)), ((), ()))
DS = (((1,), (0,)), ((), ()))


def _attn_kernel(qblk_ref, kb_ref, vb_ref, ctx_ref, alloc_ref, knew_ref,
                 vnew_ref, bias_ref, out_ref, m_ref, l_ref, acc_ref,
                 fix_ref):
    c = pl.program_id(0)

    @pl.when(c == 0)
    def _init():
        m_ref[...] = jnp.full_like(m_ref, -1e30)
        l_ref[...] = jnp.zeros_like(l_ref)
        acc_ref[...] = jnp.zeros_like(acc_ref)
        r = lax.broadcasted_iota(jnp.int32, (NHQ, N_Q), 0)
        j = lax.broadcasted_iota(jnp.int32, (NHQ, N_Q), 1)
        e = (lax.rem(r, N_Q) == j).astype(BF)
        snew = lax.dot_general(qblk_ref[...], knew_ref[...].astype(BF), DN,
                               preferred_element_type=jnp.float32)
        fix_ref[...] = jnp.concatenate([e, snew.astype(BF)], axis=1)

    ctxr = ctx_ref[0]
    best = jnp.full((1, CH), -1, jnp.int32)
    for j in range(N_Q):
        best = jnp.where(ctxr == alloc_ref[j], j, best)
    keep = (best < 0).astype(jnp.float32)
    onehot = (lax.broadcasted_iota(jnp.int32, (N_Q, CH), 0) == best
              ).astype(BF)

    kb = kb_ref[...].astype(BF)
    vb = vb_ref[...].astype(BF)

    s0 = lax.dot_general(qblk_ref[...], kb, DN,
                         preferred_element_type=jnp.float32)
    badd = jnp.concatenate([bias_ref[...].astype(BF), onehot], axis=0)
    s = s0 * keep + lax.dot_general(fix_ref[...], badd, DS,
                                    preferred_element_type=jnp.float32)

    m_old = m_ref[...]
    m_new = jnp.maximum(m_old, jnp.max(s, axis=1, keepdims=True))
    alpha = jnp.exp(m_old - m_new)
    p = jnp.exp(s - m_new)
    l_ref[...] = alpha * l_ref[...] + jnp.sum(p, axis=1, keepdims=True)
    m_ref[...] = m_new

    pk = (p * keep).astype(BF)
    pnew = lax.dot_general(p.astype(BF), onehot, DN,
                           preferred_element_type=jnp.float32)
    pv = (lax.dot_general(pk, vb, DS,
                          preferred_element_type=jnp.float32)
          + lax.dot_general(pnew.astype(BF), vnew_ref[...].astype(BF), DS,
                            preferred_element_type=jnp.float32))

    for h in range(N_HEADS):
        rs = slice(h * N_Q, (h + 1) * N_Q)
        cs = slice(h * D_HEAD, (h + 1) * D_HEAD)
        acc_ref[rs, :] = alpha[rs] * acc_ref[rs, :] + pv[rs, cs]

    @pl.when(c == N_CHUNKS - 1)
    def _fin():
        for h in range(N_HEADS):
            rs = slice(h * N_Q, (h + 1) * N_Q)
            cs = slice(h * D_HEAD, (h + 1) * D_HEAD)
            out_ref[:, cs] = acc_ref[rs, :] / l_ref[rs]


def _tc_attention(qblk, k_buf, v_buf, ctx_r, alloc, knew, vnew, attn_bias):
    return pl.pallas_call(
        _attn_kernel,
        grid=(N_CHUNKS,),
        in_specs=[
            pl.BlockSpec((NHQ, D_MODEL), lambda c: (0, 0)),
            pl.BlockSpec((CH, D_MODEL), lambda c: (c, 0)),
            pl.BlockSpec((CH, D_MODEL), lambda c: (c, 0)),
            pl.BlockSpec((1, 1, CH), lambda c: (c, 0, 0)),
            pl.BlockSpec(memory_space=pltpu.SMEM),
            pl.BlockSpec((N_Q, D_MODEL), lambda c: (0, 0)),
            pl.BlockSpec((N_Q, D_MODEL), lambda c: (0, 0)),
            pl.BlockSpec((N_Q, CH), lambda c: (0, c)),
        ],
        out_specs=pl.BlockSpec((N_Q, D_MODEL), lambda c: (0, 0)),
        out_shape=jax.ShapeDtypeStruct((N_Q, D_MODEL), jnp.float32),
        scratch_shapes=[
            pltpu.VMEM((NHQ, 1), jnp.float32),
            pltpu.VMEM((NHQ, 1), jnp.float32),
            pltpu.VMEM((NHQ, D_HEAD), jnp.float32),
            pltpu.VMEM((NHQ, 2 * N_Q), BF),
        ],
    )(qblk, k_buf, v_buf, ctx_r, alloc, knew, vnew, attn_bias)


def _build_qblk(q):
    qt = jnp.transpose(q, (1, 0, 2)) * SCALE
    eye = jnp.eye(N_HEADS, dtype=q.dtype)
    qblk = jnp.einsum('hqd,hg->hqgd', qt, eye)
    return qblk.reshape(NHQ, D_MODEL).astype(BF)


def kernel(q, k, v, k_cache, v_cache, allocated_index_tensor,
           context_index_tensor, attn_bias):
    ctx = context_index_tensor.astype(jnp.int32)
    alloc = allocated_index_tensor.astype(jnp.int32)
    k_buf = _sc_gather(k_cache.reshape(SLOTS, D_MODEL), ctx)
    v_buf = _sc_gather(v_cache.reshape(SLOTS, D_MODEL), ctx)
    out = _tc_attention(
        _build_qblk(q), k_buf, v_buf,
        ctx.reshape(N_CHUNKS, 1, CH), alloc,
        k.reshape(N_Q, D_MODEL), v.reshape(N_Q, D_MODEL), attn_bias)
    return out

# --- scband reference (transcript-rebuilt; emitter-appended) ---
"""Pipeline reference for scband-x-formers-with-buffer-41171556499847 (READ-ONLY COPY).

The authoritative reference and input builder live on the scoring server;
editing this copy changes nothing except your own understanding.
"""

import jax, jax.numpy as jnp
import numpy as np

NUM_HEADS = 16
HEAD_DIM = 64
SCALING = 0.125
TQ = 32
CACHE_SLOTS = 32768
BUF_LEN = 16384


def setup_inputs(seed: int = 0) -> dict:
    key = jax.random.key(seed)
    ks = jax.random.split(key, 7)
    q = jax.random.normal(ks[0], (TQ, NUM_HEADS, HEAD_DIM), dtype=jnp.float32)
    k = jax.random.normal(ks[1], (TQ, NUM_HEADS, HEAD_DIM), dtype=jnp.float32)
    v = jax.random.normal(ks[2], (TQ, NUM_HEADS, HEAD_DIM), dtype=jnp.float32)
    k_cache = jax.random.normal(ks[3], (CACHE_SLOTS, NUM_HEADS, HEAD_DIM), dtype=jnp.float32)
    v_cache = jax.random.normal(ks[4], (CACHE_SLOTS, NUM_HEADS, HEAD_DIM), dtype=jnp.float32)
    allocated_index_tensor = jax.random.randint(ks[5], (TQ,), 0, CACHE_SLOTS).astype(jnp.int64)
    context_index_tensor = jax.random.randint(ks[6], (BUF_LEN,), 0, CACHE_SLOTS).astype(jnp.int64)
    attn_bias = jnp.zeros((TQ, BUF_LEN), dtype=jnp.float32)
    return {
        'q': q, 'k': k, 'v': v,
        'k_cache': k_cache, 'v_cache': v_cache,
        'allocated_index_tensor': allocated_index_tensor,
        'context_index_tensor': context_index_tensor,
        'attn_bias': attn_bias,
    }


def reference(q, k, v, k_cache, v_cache, allocated_index_tensor, context_index_tensor, attn_bias):
    # discontinuous_move_tokens: scatter new k/v tokens into paged cache slots
    k_cache = k_cache.at[allocated_index_tensor].set(k)
    v_cache = v_cache.at[allocated_index_tensor].set(v)
    # discontinuous_move_tokens: gather context tokens from cache into contiguous buffers
    k_buffer = jnp.take(k_cache, context_index_tensor, axis=0)
    v_buffer = jnp.take(v_cache, context_index_tensor, axis=0)
    # memory_efficient_attention_forward on unsqueezed batch dim with attn_bias
    logits = jnp.einsum('qhd,khd->hqk', q, k_buffer) * SCALING
    logits = logits + attn_bias[None, :, :]
    weights = jax.nn.softmax(logits, axis=-1)
    attn_output = jnp.einsum('hqk,khd->qhd', weights, v_buffer)
    return attn_output.reshape(-1, NUM_HEADS * HEAD_DIM)

if __name__ == "__main__":
    import jax
    _d = setup_inputs()
    print(jax.jit(kernel)(*tuple(_d.values())))

</pallas_src>

<mosaic_0001>
#map = affine_map<(d0, d1) -> (0, 0)>
#map1 = affine_map<(d0, d1) -> (0)>
module attributes {stable_mosaic.version = 14 : i64} {
  func.func @_sc_gather_kernel(%arg0: i32, %arg1: i32, %arg2: memref<32768x1024xf32, #tpu.memory_space<hbm>>, %arg3: memref<16384xi32, #tpu.memory_space<hbm>>, %arg4: memref<16384x1024xf32, #tpu.memory_space<hbm>>, %arg5: memref<512xi32, #tpu.memory_space<vmem>>, %arg6: memref<32x1024xf32, #tpu.memory_space<vmem>>, %arg7: memref<32x1024xf32, #tpu.memory_space<vmem>>, %arg8: memref<32x1024xf32, #tpu.memory_space<vmem>>, %arg9: memref<!tpu.dma_semaphore, #tpu.memory_space<semaphore_mem>>, %arg10: memref<!tpu.dma_semaphore, #tpu.memory_space<semaphore_mem>>, %arg11: memref<!tpu.dma_semaphore, #tpu.memory_space<semaphore_mem>>, %arg12: memref<!tpu.dma_semaphore, #tpu.memory_space<semaphore_mem>>, %arg13: memref<!tpu.dma_semaphore, #tpu.memory_space<semaphore_mem>>, %arg14: memref<!tpu.dma_semaphore, #tpu.memory_space<semaphore_mem>>) attributes {dimension_semantics = [#tpu.dimension_semantics<core_parallel>, #tpu.dimension_semantics<subcore_parallel>], iteration_bounds = array<i64: 2, 16>, scalar_prefetch = 0 : i64, scratch_operands = 10 : i64, tpu.core_type = #tpu.core_type<sc_vector_subcore>, window_params = [{transform_indices = #map}, {transform_indices = #map1}, {transform_indices = #map}]} {
    %mul3A = arith.constant 2 : i32
    %mul3A_0 = arith.muli %arg1, %mul3A : i32
    %add3A = arith.addi %mul3A_0, %arg0 : i32
    %mul3A_1 = arith.constant 512 : i32
    %mul3A_2 = arith.muli %add3A, %mul3A_1 : i32
    "tpu.region"() ({
      %run_scoped3A = tpu.sem_alloc : memref<!tpu.dma_semaphore, #tpu.memory_space<semaphore_mem>>
      %dma_start3A_321 = tpu.memref_slice %arg3[%mul3A_2] : memref<16384xi32, #tpu.memory_space<hbm>> -> memref<512xi32, #tpu.memory_space<hbm>>
      %dma_start3A_322 = tpu.memref_slice %arg3[%mul3A_2] : memref<16384xi32, #tpu.memory_space<hbm>> -> memref<512xi32, #tpu.memory_space<hbm>>
      tpu.enqueue_dma source(%dma_start3A_322 : memref<512xi32, #tpu.memory_space<hbm>>) target(%arg5 : memref<512xi32, #tpu.memory_space<vmem>>) target_semaphore(%run_scoped3A : memref<!tpu.dma_semaphore, #tpu.memory_space<semaphore_mem>>)
      %dma_wait3A_323 = tpu.memref_slice %arg3[%mul3A_2] : memref<16384xi32, #tpu.memory_space<hbm>> -> memref<512xi32, #tpu.memory_space<hbm>>
      %dma_wait3A_324 = tpu.memref_slice %arg3[%mul3A_2] : memref<16384xi32, #tpu.memory_space<hbm>> -> memref<512xi32, #tpu.memory_space<hbm>>
      tpu.wait_dma2 semaphore(%run_scoped3A : memref<!tpu.dma_semaphore, #tpu.memory_space<semaphore_mem>>) src(%dma_wait3A_324 : memref<512xi32, #tpu.memory_space<hbm>>) dst(%arg5 : memref<512xi32, #tpu.memory_space<vmem>>)
      tpu.yield
    }) : () -> ()
    %dma_start3A = arith.constant 0 : i32
    %dma_start3A_3 = tpu.memref_slice %arg5[%dma_start3A] : memref<512xi32, #tpu.memory_space<vmem>> -> memref<32xi32, #tpu.memory_space<vmem>>
    %dma_start3A_4 = arith.constant 0 : i32
    %dma_start3A_5 = arith.constant 0 : i32
    %dma_start3A_6 = tpu.memref_slice %arg2[%dma_start3A_4, %dma_start3A_5] : memref<32768x1024xf32, #tpu.memory_space<hbm>> -> memref<32768x1024xf32, #tpu.memory_space<hbm>>
    tpu.enqueue_indirect_dma source(%dma_start3A_6 : memref<32768x1024xf32, #tpu.memory_space<hbm>>) target(%arg6 : memref<32x1024xf32, #tpu.memory_space<vmem>>) offsets(%dma_start3A_3 : memref<32xi32, #tpu.memory_space<vmem>>) semaphore(%arg9 : memref<!tpu.dma_semaphore, #tpu.memory_space<semaphore_mem>>)
    %dma_start3A_7 = arith.constant 32 : i32
    %dma_start3A_8 = tpu.memref_slice %arg5[%dma_start3A_7] : memref<512xi32, #tpu.memory_space<vmem>> -> memref<32xi32, #tpu.memory_space<vmem>>
    %dma_start3A_9 = arith.constant 0 : i32
    %dma_start3A_10 = arith.constant 0 : i32
    %dma_start3A_11 = tpu.memref_slice %arg2[%dma_start3A_9, %dma_start3A_10] : memref<32768x1024xf32, #tpu.memory_space<hbm>> -> memref<32768x1024xf32, #tpu.memory_space<hbm>>
    tpu.enqueue_indirect_dma source(%dma_start3A_11 : memref<32768x1024xf32, #tpu.memory_space<hbm>>) target(%arg7 : memref<32x1024xf32, #tpu.memory_space<vmem>>) offsets(%dma_start3A_8 : memref<32xi32, #tpu.memory_space<vmem>>) semaphore(%arg10 : memref<!tpu.dma_semaphore, #tpu.memory_space<semaphore_mem>>)
    %dma_wait3A = arith.constant 0 : i32
    %dma_wait3A_12 = tpu.memref_slice %arg5[%dma_wait3A] : memref<512xi32, #tpu.memory_space<vmem>> -> memref<32xi32, #tpu.memory_space<vmem>>
    %dma_wait3A_13 = arith.constant 0 : i32
    %dma_wait3A_14 = arith.constant 0 : i32
    %dma_wait3A_15 = tpu.memref_slice %arg2[%dma_wait3A_13, %dma_wait3A_14] : memref<32768x1024xf32, #tpu.memory_space<hbm>> -> memref<32768x1024xf32, #tpu.memory_space<hbm>>
    tpu.wait_indirect_dma semaphore(%arg9 : memref<!tpu.dma_semaphore, #tpu.memory_space<semaphore_mem>>) src(%dma_wait3A_15 : memref<32768x1024xf32, #tpu.memory_space<hbm>>) dst(%arg6 : memref<32x1024xf32, #tpu.memory_space<vmem>>)
    %add3A_16 = arith.constant 0 : i32
    %add3A_17 = arith.addi %mul3A_2, %add3A_16 : i32
    %dma_start3A_18 = arith.constant 0 : i32
    %dma_start3A_19 = tpu.memref_slice %arg4[%add3A_17, %dma_start3A_18] : memref<16384x1024xf32, #tpu.memory_space<hbm>> -> memref<32x1024xf32, #tpu.memory_space<hbm>>
    %dma_start3A_20 = arith.constant 0 : i32
    %dma_start3A_21 = tpu.memref_slice %arg4[%add3A_17, %dma_start3A_20] : memref<16384x1024xf32, #tpu.memory_space<hbm>> -> memref<32x1024xf32, #tpu.memory_space<hbm>>
    tpu.enqueue_dma source(%arg6 : memref<32x1024xf32, #tpu.memory_space<vmem>>) target(%dma_start3A_21 : memref<32x1024xf32, #tpu.memory_space<hbm>>) target_semaphore(%arg12 : memref<!tpu.dma_semaphore, #tpu.memory_space<semaphore_mem>>)
    %dma_start3A_22 = arith.constant 64 : i32
    %dma_start3A_23 = tpu.memref_slice %arg5[%dma_start3A_22] : memref<512xi32, #tpu.memory_space<vmem>> -> memref<32xi32, #tpu.memory_space<vmem>>
    %dma_start3A_24 = arith.constant 0 : i32
    %dma_start3A_25 = arith.constant 0 : i32
    %dma_start3A_26 = tpu.memref_slice %arg2[%dma_start3A_24, %dma_start3A_25] : memref<32768x1024xf32, #tpu.memory_space<hbm>> -> memref<32768x1024xf32, #tpu.memory_space<hbm>>
    tpu.enqueue_indirect_dma source(%dma_start3A_26 : memref<32768x1024xf32, #tpu.memory_space<hbm>>) target(%arg8 : memref<32x1024xf32, #tpu.memory_space<vmem>>) offsets(%dma_start3A_23 : memref<32xi32, #tpu.memory_space<vmem>>) semaphore(%arg11 : memref<!tpu.dma_semaphore, #tpu.memory_space<semaphore_mem>>)
    %dma_wait3A_27 = arith.constant 32 : i32
    %dma_wait3A_28 = tpu.memref_slice %arg5[%dma_wait3A_27] : memref<512xi32, #tpu.memory_space<vmem>> -> memref<32xi32, #tpu.memory_space<vmem>>
    %dma_wait3A_29 = arith.constant 0 : i32
    %dma_wait3A_30 = arith.constant 0 : i32
    %dma_wait3A_31 = tpu.memref_slice %arg2[%dma_wait3A_29, %dma_wait3A_30] : memref<32768x1024xf32, #tpu.memory_space<hbm>> -> memref<32768x1024xf32, #tpu.memory_space<hbm>>
    tpu.wait_indirect_dma semaphore(%arg10 : memref<!tpu.dma_semaphore, #tpu.memory_space<semaphore_mem>>) src(%dma_wait3A_31 : memref<32768x1024xf32, #tpu.memory_space<hbm>>) dst(%arg7 : memref<32x1024xf32, #tpu.memory_space<vmem>>)
    %add3A_32 = arith.constant 32 : i32
    %add3A_33 = arith.addi %mul3A_2, %add3A_32 : i32
    %dma_start3A_34 = arith.constant 0 : i32
    %dma_start3A_35 = tpu.memref_slice %arg4[%add3A_33, %dma_start3A_34] : memref<16384x1024xf32, #tpu.memory_space<hbm>> -> memref<32x1024xf32, #tpu.memory_space<hbm>>
    %dma_start3A_36 = arith.constant 0 : i32
    %dma_start3A_37 = tpu.memref_slice %arg4[%add3A_33, %dma_start3A_36] : memref<16384x1024xf32, #tpu.memory_space<hbm>> -> memref<32x1024xf32, #tpu.memory_space<hbm>>
    tpu.enqueue_dma source(%arg7 : memref<32x1024xf32, #tpu.memory_space<vmem>>) target(%dma_start3A_37 : memref<32x1024xf32, #tpu.memory_space<hbm>>) target_semaphore(%arg13 : memref<!tpu.dma_semaphore, #tpu.memory_space<semaphore_mem>>)
    %dma_wait3A_38 = arith.constant 0 : i32
    %dma_wait3A_39 = tpu.memref_slice %arg4[%add3A_17, %dma_wait3A_38] : memref<16384x1024xf32, #tpu.memory_space<hbm>> -> memref<32x1024xf32, #tpu.memory_space<hbm>>
    %dma_wait3A_40 = arith.constant 0 : i32
    %dma_wait3A_41 = tpu.memref_slice %arg4[%add3A_17, %dma_wait3A_40] : memref<16384x1024xf32, #tpu.memory_space<hbm>> -> memref<32x1024xf32, #tpu.memory_space<hbm>>
    tpu.wait_dma2 semaphore(%arg12 : memref<!tpu.dma_semaphore, #tpu.memory_space<semaphore_mem>>) src(%arg6 : memref<32x1024xf32, #tpu.memory_space<vmem>>) dst(%dma_wait3A_41 : memref<32x1024xf32, #tpu.memory_space<hbm>>)
    %dma_start3A_42 = arith.constant 96 : i32
    %dma_start3A_43 = tpu.memref_slice %arg5[%dma_start3A_42] : memref<512xi32, #tpu.memory_space<vmem>> -> memref<32xi32, #tpu.memory_space<vmem>>
    %dma_start3A_44 = arith.constant 0 : i32
    %dma_start3A_45 = arith.constant 0 : i32
    %dma_start3A_46 = tpu.memref_slice %arg2[%dma_start3A_44, %dma_start3A_45] : memref<32768x1024xf32, #tpu.memory_space<hbm>> -> memref<32768x1024xf32, #tpu.memory_space<hbm>>
    tpu.enqueue_indirect_dma source(%dma_start3A_46 : memref<32768x1024xf32, #tpu.memory_space<hbm>>) target(%arg6 : memref<32x1024xf32, #tpu.memory_space<vmem>>) offsets(%dma_start3A_43 : memref<32xi32, #tpu.memory_space<vmem>>) semaphore(%arg9 : memref<!tpu.dma_semaphore, #tpu.memory_space<semaphore_mem>>)
    %dma_wait3A_47 = arith.constant 64 : i32
    %dma_wait3A_48 = tpu.memref_slice %arg5[%dma_wait3A_47] : memref<512xi32, #tpu.memory_space<vmem>> -> memref<32xi32, #tpu.memory_space<vmem>>
    %dma_wait3A_49 = arith.constant 0 : i32
    %dma_wait3A_50 = arith.constant 0 : i32
    %dma_wait3A_51 = tpu.memref_slice %arg2[%dma_wait3A_49, %dma_wait3A_50] : memref<32768x1024xf32, #tpu.memory_space<hbm>> -> memref<32768x1024xf32, #tpu.memory_space<hbm>>
    tpu.wait_indirect_dma semaphore(%arg11 : memref<!tpu.dma_semaphore, #tpu.memory_space<semaphore_mem>>) src(%dma_wait3A_51 : memref<32768x1024xf32, #tpu.memory_space<hbm>>) dst(%arg8 : memref<32x1024xf32, #tpu.memory_space<vmem>>)
    %add3A_52 = arith.constant 64 : i32
    %add3A_53 = arith.addi %mul3A_2, %add3A_52 : i32
    %dma_start3A_54 = arith.constant 0 : i32
    %dma_start3A_55 = tpu.memref_slice %arg4[%add3A_53, %dma_start3A_54] : memref<16384x1024xf32, #tpu.memory_space<hbm>> -> memref<32x1024xf32, #tpu.memory_space<hbm>>
    %dma_start3A_56 = arith.constant 0 : i32
    %dma_start3A_57 = tpu.memref_slice %arg4[%add3A_53, %dma_start3A_56] : memref<16384x1024xf32, #tpu.memory_space<hbm>> -> memref<32x1024xf32, #tpu.memory_space<hbm>>
    tpu.enqueue_dma source(%arg8 : memref<32x1024xf32, #tpu.memory_space<vmem>>) target(%dma_start3A_57 : memref<32x1024xf32, #tpu.memory_space<hbm>>) target_semaphore(%arg14 : memref<!tpu.dma_semaphore, #tpu.memory_space<semaphore_mem>>)
    %dma_wait3A_58 = arith.constant 0 : i32
    %dma_wait3A_59 = tpu.memref_slice %arg4[%add3A_33, %dma_wait3A_58] : memref<16384x1024xf32, #tpu.memory_space<hbm>> -> memref<32x1024xf32, #tpu.memory_space<hbm>>
    %dma_wait3A_60 = arith.constant 0 : i32
    %dma_wait3A_61 = tpu.memref_slice %arg4[%add3A_33, %dma_wait3A_60] : memref<16384x1024xf32, #tpu.memory_space<hbm>> -> memref<32x1024xf32, #tpu.memory_space<hbm>>
    tpu.wait_dma2 semaphore(%arg13 : memref<!tpu.dma_semaphore, #tpu.memory_space<semaphore_mem>>) src(%arg7 : memref<32x1024xf32, #tpu.memory_space<vmem>>) dst(%dma_wait3A_61 : memref<32x1024xf32, #tpu.memory_space<hbm>>)
    %dma_start3A_62 = arith.constant 128 : i32
    %dma_start3A_63 = tpu.memref_slice %arg5[%dma_start3A_62] : memref<512xi32, #tpu.memory_space<vmem>> -> memref<32xi32, #tpu.memory_space<vmem>>
    %dma_start3A_64 = arith.constant 0 : i32
    %dma_start3A_65 = arith.constant 0 : i32
    %dma_start3A_66 = tpu.memref_slice %arg2[%dma_start3A_64, %dma_start3A_65] : memref<32768x1024xf32, #tpu.memory_space<hbm>> -> memref<32768x1024xf32, #tpu.memory_space<hbm>>
    tpu.enqueue_indirect_dma source(%dma_start3A_66 : memref<32768x1024xf32, #tpu.memory_space<hbm>>) target(%arg7 : memref<32x1024xf32, #tpu.memory_space<vmem>>) offsets(%dma_start3A_63 : memref<32xi32, #tpu.memory_space<vmem>>) semaphore(%arg10 : memref<!tpu.dma_semaphore, #tpu.memory_space<semaphore_mem>>)
    %dma_wait3A_67 = arith.constant 96 : i32
    %dma_wait3A_68 = tpu.memref_slice %arg5[%dma_wait3A_67] : memref<512xi32, #tpu.memory_space<vmem>> -> memref<32xi32, #tpu.memory_space<vmem>>
    %dma_wait3A_69 = arith.constant 0 : i32
    %dma_wait3A_70 = arith.constant 0 : i32
    %dma_wait3A_71 = tpu.memref_slice %arg2[%dma_wait3A_69, %dma_wait3A_70] : memref<32768x1024xf32, #tpu.memory_space<hbm>> -> memref<32768x1024xf32, #tpu.memory_space<hbm>>
    tpu.wait_indirect_dma semaphore(%arg9 : memref<!tpu.dma_semaphore, #tpu.memory_space<semaphore_mem>>) src(%dma_wait3A_71 : memref<32768x1024xf32, #tpu.memory_space<hbm>>) dst(%arg6 : memref<32x1024xf32, #tpu.memory_space<vmem>>)
    %add3A_72 = arith.constant 96 : i32
    %add3A_73 = arith.addi %mul3A_2, %add3A_72 : i32
    %dma_start3A_74 = arith.constant 0 : i32
    %dma_start3A_75 = tpu.memref_slice %arg4[%add3A_73, %dma_start3A_74] : memref<16384x1024xf32, #tpu.memory_space<hbm>> -> memref<32x1024xf32, #tpu.memory_space<hbm>>
    %dma_start3A_76 = arith.constant 0 : i32
    %dma_start3A_77 = tpu.memref_slice %arg4[%add3A_73, %dma_start3A_76] : memref<16384x1024xf32, #tpu.memory_space<hbm>> -> memref<32x1024xf32, #tpu.memory_space<hbm>>
    tpu.enqueue_dma source(%arg6 : memref<32x1024xf32, #tpu.memory_space<vmem>>) target(%dma_start3A_77 : memref<32x1024xf32, #tpu.memory_space<hbm>>) target_semaphore(%arg12 : memref<!tpu.dma_semaphore, #tpu.memory_space<semaphore_mem>>)
    %dma_wait3A_78 = arith.constant 0 : i32
    %dma_wait3A_79 = tpu.memref_slice %arg4[%add3A_53, %dma_wait3A_78] : memref<16384x1024xf32, #tpu.memory_space<hbm>> -> memref<32x1024xf32, #tpu.memory_space<hbm>>
    %dma_wait3A_80 = arith.constant 0 : i32
    %dma_wait3A_81 = tpu.memref_slice %arg4[%add3A_53, %dma_wait3A_80] : memref<16384x1024xf32, #tpu.memory_space<hbm>> -> memref<32x1024xf32, #tpu.memory_space<hbm>>
    tpu.wait_dma2 semaphore(%arg14 : memref<!tpu.dma_semaphore, #tpu.memory_space<semaphore_mem>>) src(%arg8 : memref<32x1024xf32, #tpu.memory_space<vmem>>) dst(%dma_wait3A_81 : memref<32x1024xf32, #tpu.memory_space<hbm>>)
    %dma_start3A_82 = arith.constant 160 : i32
    %dma_start3A_83 = tpu.memref_slice %arg5[%dma_start3A_82] : memref<512xi32, #tpu.memory_space<vmem>> -> memref<32xi32, #tpu.memory_space<vmem>>
    %dma_start3A_84 = arith.constant 0 : i32
    %dma_start3A_85 = arith.constant 0 : i32
    %dma_start3A_86 = tpu.memref_slice %arg2[%dma_start3A_84, %dma_start3A_85] : memref<32768x1024xf32, #tpu.memory_space<hbm>> -> memref<32768x1024xf32, #tpu.memory_space<hbm>>
    tpu.enqueue_indirect_dma source(%dma_start3A_86 : memref<32768x1024xf32, #tpu.memory_space<hbm>>) target(%arg8 : memref<32x1024xf32, #tpu.memory_space<vmem>>) offsets(%dma_start3A_83 : memref<32xi32, #tpu.memory_space<vmem>>) semaphore(%arg11 : memref<!tpu.dma_semaphore, #tpu.memory_space<semaphore_mem>>)
    %dma_wait3A_87 = arith.constant 128 : i32
    %dma_wait3A_88 = tpu.memref_slice %arg5[%dma_wait3A_87] : memref<512xi32, #tpu.memory_space<vmem>> -> memref<32xi32, #tpu.memory_space<vmem>>
    %dma_wait3A_89 = arith.constant 0 : i32
    %dma_wait3A_90 = arith.constant 0 : i32
    %dma_wait3A_91 = tpu.memref_slice %arg2[%dma_wait3A_89, %dma_wait3A_90] : memref<32768x1024xf32, #tpu.memory_space<hbm>> -> memref<32768x1024xf32, #tpu.memory_space<hbm>>
    tpu.wait_indirect_dma semaphore(%arg10 : memref<!tpu.dma_semaphore, #tpu.memory_space<semaphore_mem>>) src(%dma_wait3A_91 : memref<32768x1024xf32, #tpu.memory_space<hbm>>) dst(%arg7 : memref<32x1024xf32, #tpu.memory_space<vmem>>)
    %add3A_92 = arith.constant 128 : i32
    %add3A_93 = arith.addi %mul3A_2, %add3A_92 : i32
    %dma_start3A_94 = arith.constant 0 : i32
    %dma_start3A_95 = tpu.memref_slice %arg4[%add3A_93, %dma_start3A_94] : memref<16384x1024xf32, #tpu.memory_space<hbm>> -> memref<32x1024xf32, #tpu.memory_space<hbm>>
    %dma_start3A_96 = arith.constant 0 : i32
    %dma_start3A_97 = tpu.memref_slice %arg4[%add3A_93, %dma_start3A_96] : memref<16384x1024xf32, #tpu.memory_space<hbm>> -> memref<32x1024xf32, #tpu.memory_space<hbm>>
    tpu.enqueue_dma source(%arg7 : memref<32x1024xf32, #tpu.memory_space<vmem>>) target(%dma_start3A_97 : memref<32x1024xf32, #tpu.memory_space<hbm>>) target_semaphore(%arg13 : memref<!tpu.dma_semaphore, #tpu.memory_space<semaphore_mem>>)
    %dma_wait3A_98 = arith.constant 0 : i32
    %dma_wait3A_99 = tpu.memref_slice %arg4[%add3A_73, %dma_wait3A_98] : memref<16384x1024xf32, #tpu.memory_space<hbm>> -> memref<32x1024xf32, #tpu.memory_space<hbm>>
    %dma_wait3A_100 = arith.constant 0 : i32
    %dma_wait3A_101 = tpu.memref_slice %arg4[%add3A_73, %dma_wait3A_100] : memref<16384x1024xf32, #tpu.memory_space<hbm>> -> memref<32x1024xf32, #tpu.memory_space<hbm>>
    tpu.wait_dma2 semaphore(%arg12 : memref<!tpu.dma_semaphore, #tpu.memory_space<semaphore_mem>>) src(%arg6 : memref<32x1024xf32, #tpu.memory_space<vmem>>) dst(%dma_wait3A_101 : memref<32x1024xf32, #tpu.memory_space<hbm>>)
    %dma_start3A_102 = arith.constant 192 : i32
    %dma_start3A_103 = tpu.memref_slice %arg5[%dma_start3A_102] : memref<512xi32, #tpu.memory_space<vmem>> -> memref<32xi32, #tpu.memory_space<vmem>>
    %dma_start3A_104 = arith.constant 0 : i32
    %dma_start3A_105 = arith.constant 0 : i32
    %dma_start3A_106 = tpu.memref_slice %arg2[%dma_start3A_104, %dma_start3A_105] : memref<32768x1024xf32, #tpu.memory_space<hbm>> -> memref<32768x1024xf32, #tpu.memory_space<hbm>>
    tpu.enqueue_indirect_dma source(%dma_start3A_106 : memref<32768x1024xf32, #tpu.memory_space<hbm>>) target(%arg6 : memref<32x1024xf32, #tpu.memory_space<vmem>>) offsets(%dma_start3A_103 : memref<32xi32, #tpu.memory_space<vmem>>) semaphore(%arg9 : memref<!tpu.dma_semaphore, #tpu.memory_space<semaphore_mem>>)
    %dma_wait3A_107 = arith.constant 160 : i32
    %dma_wait3A_108 = tpu.memref_slice %arg5[%dma_wait3A_107] : memref<512xi32, #tpu.memory_space<vmem>> -> memref<32xi32, #tpu.memory_space<vmem>>
    %dma_wait3A_109 = arith.constant 0 : i32
    %dma_wait3A_110 = arith.constant 0 : i32
    %dma_wait3A_111 = tpu.memref_slice %arg2[%dma_wait3A_109, %dma_wait3A_110] : memref<32768x1024xf32, #tpu.memory_space<hbm>> -> memref<32768x1024xf32, #tpu.memory_space<hbm>>
    tpu.wait_indirect_dma semaphore(%arg11 : memref<!tpu.dma_semaphore, #tpu.memory_space<semaphore_mem>>) src(%dma_wait3A_111 : memref<32768x1024xf32, #tpu.memory_space<hbm>>) dst(%arg8 : memref<32x1024xf32, #tpu.memory_space<vmem>>)
    %add3A_112 = arith.constant 160 : i32
    %add3A_113 = arith.addi %mul3A_2, %add3A_112 : i32
    %dma_start3A_114 = arith.constant 0 : i32
    %dma_start3A_115 = tpu.memref_slice %arg4[%add3A_113, %dma_start3A_114] : memref<16384x1024xf32, #tpu.memory_space<hbm>> -> memref<32x1024xf32, #tpu.memory_space<hbm>>
    %dma_start3A_116 = arith.constant 0 : i32
    %dma_start3A_117 = tpu.memref_slice %arg4[%add3A_113, %dma_start3A_116] : memref<16384x1024xf32, #tpu.memory_space<hbm>> -> memref<32x1024xf32, #tpu.memory_space<hbm>>
    tpu.enqueue_dma source(%arg8 : memref<32x1024xf32, #tpu.memory_space<vmem>>) target(%dma_start3A_117 : memref<32x1024xf32, #tpu.memory_space<hbm>>) target_semaphore(%arg14 : memref<!tpu.dma_semaphore, #tpu.memory_space<semaphore_mem>>)
    %dma_wait3A_118 = arith.constant 0 : i32
    %dma_wait3A_119 = tpu.memref_slice %arg4[%add3A_93, %dma_wait3A_118] : memref<16384x1024xf32, #tpu.memory_space<hbm>> -> memref<32x1024xf32, #tpu.memory_space<hbm>>
    %dma_wait3A_120 = arith.constant 0 : i32
    %dma_wait3A_121 = tpu.memref_slice %arg4[%add3A_93, %dma_wait3A_120] : memref<16384x1024xf32, #tpu.memory_space<hbm>> -> memref<32x1024xf32, #tpu.memory_space<hbm>>
    tpu.wait_dma2 semaphore(%arg13 : memref<!tpu.dma_semaphore, #tpu.memory_space<semaphore_mem>>) src(%arg7 : memref<32x1024xf32, #tpu.memory_space<vmem>>) dst(%dma_wait3A_121 : memref<32x1024xf32, #tpu.memory_space<hbm>>)
    %dma_start3A_122 = arith.constant 224 : i32
    %dma_start3A_123 = tpu.memref_slice %arg5[%dma_start3A_122] : memref<512xi32, #tpu.memory_space<vmem>> -> memref<32xi32, #tpu.memory_space<vmem>>
    %dma_start3A_124 = arith.constant 0 : i32
    %dma_start3A_125 = arith.constant 0 : i32
    %dma_start3A_126 = tpu.memref_slice %arg2[%dma_start3A_124, %dma_start3A_125] : memref<32768x1024xf32, #tpu.memory_space<hbm>> -> memref<32768x1024xf32, #tpu.memory_space<hbm>>
    tpu.enqueue_indirect_dma source(%dma_start3A_126 : memref<32768x1024xf32, #tpu.memory_space<hbm>>) target(%arg7 : memref<32x1024xf32, #tpu.memory_space<vmem>>) offsets(%dma_start3A_123 : memref<32xi32, #tpu.memory_space<vmem>>) semaphore(%arg10 : memref<!tpu.dma_semaphore, #tpu.memory_space<semaphore_mem>>)
    %dma_wait3A_127 = arith.constant 192 : i32
    %dma_wait3A_128 = tpu.memref_slice %arg5[%dma_wait3A_127] : memref<512xi32, #tpu.memory_space<vmem>> -> memref<32xi32, #tpu.memory_space<vmem>>
    %dma_wait3A_129 = arith.constant 0 : i32
    %dma_wait3A_130 = arith.constant 0 : i32
    %dma_wait3A_131 = tpu.memref_slice %arg2[%dma_wait3A_129, %dma_wait3A_130] : memref<32768x1024xf32, #tpu.memory_space<hbm>> -> memref<32768x1024xf32, #tpu.memory_space<hbm>>
    tpu.wait_indirect_dma semaphore(%arg9 : memref<!tpu.dma_semaphore, #tpu.memory_space<semaphore_mem>>) src(%dma_wait3A_131 : memref<32768x1024xf32, #tpu.memory_space<hbm>>) dst(%arg6 : memref<32x1024xf32, #tpu.memory_space<vmem>>)
    %add3A_132 = arith.constant 192 : i32
    %add3A_133 = arith.addi %mul3A_2, %add3A_132 : i32
    %dma_start3A_134 = arith.constant 0 : i32
    %dma_start3A_135 = tpu.memref_slice %arg4[%add3A_133, %dma_start3A_134] : memref<16384x1024xf32, #tpu.memory_space<hbm>> -> memref<32x1024xf32, #tpu.memory_space<hbm>>
    %dma_start3A_136 = arith.constant 0 : i32
    %dma_start3A_137 = tpu.memref_slice %arg4[%add3A_133, %dma_start3A_136] : memref<16384x1024xf32, #tpu.memory_space<hbm>> -> memref<32x1024xf32, #tpu.memory_space<hbm>>
    tpu.enqueue_dma source(%arg6 : memref<32x1024xf32, #tpu.memory_space<vmem>>) target(%dma_start3A_137 : memref<32x1024xf32, #tpu.memory_space<hbm>>) target_semaphore(%arg12 : memref<!tpu.dma_semaphore, #tpu.memory_space<semaphore_mem>>)
    %dma_wait3A_138 = arith.constant 0 : i32
    %dma_wait3A_139 = tpu.memref_slice %arg4[%add3A_113, %dma_wait3A_138] : memref<16384x1024xf32, #tpu.memory_space<hbm>> -> memref<32x1024xf32, #tpu.memory_space<hbm>>
    %dma_wait3A_140 = arith.constant 0 : i32
    %dma_wait3A_141 = tpu.memref_slice %arg4[%add3A_113, %dma_wait3A_140] : memref<16384x1024xf32, #tpu.memory_space<hbm>> -> memref<32x1024xf32, #tpu.memory_space<hbm>>
    tpu.wait_dma2 semaphore(%arg14 : memref<!tpu.dma_semaphore, #tpu.memory_space<semaphore_mem>>) src(%arg8 : memref<32x1024xf32, #tpu.memory_space<vmem>>) dst(%dma_wait3A_141 : memref<32x1024xf32, #tpu.memory_space<hbm>>)
    %dma_start3A_142 = arith.constant 256 : i32
    %dma_start3A_143 = tpu.memref_slice %arg5[%dma_start3A_142] : memref<512xi32, #tpu.memory_space<vmem>> -> memref<32xi32, #tpu.memory_space<vmem>>
    %dma_start3A_144 = arith.constant 0 : i32
    %dma_start3A_145 = arith.constant 0 : i32
    %dma_start3A_146 = tpu.memref_slice %arg2[%dma_start3A_144, %dma_start3A_145] : memref<32768x1024xf32, #tpu.memory_space<hbm>> -> memref<32768x1024xf32, #tpu.memory_space<hbm>>
    tpu.enqueue_indirect_dma source(%dma_start3A_146 : memref<32768x1024xf32, #tpu.memory_space<hbm>>) target(%arg8 : memref<32x1024xf32, #tpu.memory_space<vmem>>) offsets(%dma_start3A_143 : memref<32xi32, #tpu.memory_space<vmem>>) semaphore(%arg11 : memref<!tpu.dma_semaphore, #tpu.memory_space<semaphore_mem>>)
    %dma_wait3A_147 = arith.constant 224 : i32
    %dma_wait3A_148 = tpu.memref_slice %arg5[%dma_wait3A_147] : memref<512xi32, #tpu.memory_space<vmem>> -> memref<32xi32, #tpu.memory_space<vmem>>
    %dma_wait3A_149 = arith.constant 0 : i32
    %dma_wait3A_150 = arith.constant 0 : i32
    %dma_wait3A_151 = tpu.memref_slice %arg2[%dma_wait3A_149, %dma_wait3A_150] : memref<32768x1024xf32, #tpu.memory_space<hbm>> -> memref<32768x1024xf32, #tpu.memory_space<hbm>>
    tpu.wait_indirect_dma semaphore(%arg10 : memref<!tpu.dma_semaphore, #tpu.memory_space<semaphore_mem>>) src(%dma_wait3A_151 : memref<32768x1024xf32, #tpu.memory_space<hbm>>) dst(%arg7 : memref<32x1024xf32, #tpu.memory_space<vmem>>)
    %add3A_152 = arith.constant 224 : i32
    %add3A_153 = arith.addi %mul3A_2, %add3A_152 : i32
    %dma_start3A_154 = arith.constant 0 : i32
    %dma_start3A_155 = tpu.memref_slice %arg4[%add3A_153, %dma_start3A_154] : memref<16384x1024xf32, #tpu.memory_space<hbm>> -> memref<32x1024xf32, #tpu.memory_space<hbm>>
    %dma_start3A_156 = arith.constant 0 : i32
    %dma_start3A_157 = tpu.memref_slice %arg4[%add3A_153, %dma_start3A_156] : memref<16384x1024xf32, #tpu.memory_space<hbm>> -> memref<32x1024xf32, #tpu.memory_space<hbm>>
    tpu.enqueue_dma source(%arg7 : memref<32x1024xf32, #tpu.memory_space<vmem>>) target(%dma_start3A_157 : memref<32x1024xf32, #tpu.memory_space<hbm>>) target_semaphore(%arg13 : memref<!tpu.dma_semaphore, #tpu.memory_space<semaphore_mem>>)
    %dma_wait3A_158 = arith.constant 0 : i32
    %dma_wait3A_159 = tpu.memref_slice %arg4[%add3A_133, %dma_wait3A_158] : memref<16384x1024xf32, #tpu.memory_space<hbm>> -> memref<32x1024xf32, #tpu.memory_space<hbm>>
    %dma_wait3A_160 = arith.constant 0 : i32
    %dma_wait3A_161 = tpu.memref_slice %arg4[%add3A_133, %dma_wait3A_160] : memref<16384x1024xf32, #tpu.memory_space<hbm>> -> memref<32x1024xf32, #tpu.memory_space<hbm>>
    tpu.wait_dma2 semaphore(%arg12 : memref<!tpu.dma_semaphore, #tpu.memory_space<semaphore_mem>>) src(%arg6 : memref<32x1024xf32, #tpu.memory_space<vmem>>) dst(%dma_wait3A_161 : memref<32x1024xf32, #tpu.memory_space<hbm>>)
    %dma_start3A_162 = arith.constant 288 : i32
    %dma_start3A_163 = tpu.memref_slice %arg5[%dma_start3A_162] : memref<512xi32, #tpu.memory_space<vmem>> -> memref<32xi32, #tpu.memory_space<vmem>>
    %dma_start3A_164 = arith.constant 0 : i32
    %dma_start3A_165 = arith.constant 0 : i32
    %dma_start3A_166 = tpu.memref_slice %arg2[%dma_start3A_164, %dma_start3A_165] : memref<32768x1024xf32, #tpu.memory_space<hbm>> -> memref<32768x1024xf32, #tpu.memory_space<hbm>>
    tpu.enqueue_indirect_dma source(%dma_start3A_166 : memref<32768x1024xf32, #tpu.memory_space<hbm>>) target(%arg6 : memref<32x1024xf32, #tpu.memory_space<vmem>>) offsets(%dma_start3A_163 : memref<32xi32, #tpu.memory_space<vmem>>) semaphore(%arg9 : memref<!tpu.dma_semaphore, #tpu.memory_space<semaphore_mem>>)
    %dma_wait3A_167 = arith.constant 256 : i32
    %dma_wait3A_168 = tpu.memref_slice %arg5[%dma_wait3A_167] : memref<512xi32, #tpu.memory_space<vmem>> -> memref<32xi32, #tpu.memory_space<vmem>>
    %dma_wait3A_169 = arith.constant 0 : i32
    %dma_wait3A_170 = arith.constant 0 : i32
    %dma_wait3A_171 = tpu.memref_slice %arg2[%dma_wait3A_169, %dma_wait3A_170] : memref<32768x1024xf32, #tpu.memory_space<hbm>> -> memref<32768x1024xf32, #tpu.memory_space<hbm>>
    tpu.wait_indirect_dma semaphore(%arg11 : memref<!tpu.dma_semaphore, #tpu.memory_space<semaphore_mem>>) src(%dma_wait3A_171 : memref<32768x1024xf32, #tpu.memory_space<hbm>>) dst(%arg8 : memref<32x1024xf32, #tpu.memory_space<vmem>>)
    %add3A_172 = arith.constant 256 : i32
    %add3A_173 = arith.addi %mul3A_2, %add3A_172 : i32
    %dma_start3A_174 = arith.constant 0 : i32
    %dma_start3A_175 = tpu.memref_slice %arg4[%add3A_173, %dma_start3A_174] : memref<16384x1024xf32, #tpu.memory_space<hbm>> -> memref<32x1024xf32, #tpu.memory_space<hbm>>
    %dma_start3A_176 = arith.constant 0 : i32
    %dma_start3A_177 = tpu.memref_slice %arg4[%add3A_173, %dma_start3A_176] : memref<16384x1024xf32, #tpu.memory_space<hbm>> -> memref<32x1024xf32, #tpu.memory_space<hbm>>
    tpu.enqueue_dma source(%arg8 : memref<32x1024xf32, #tpu.memory_space<vmem>>) target(%dma_start3A_177 : memref<32x1024xf32, #tpu.memory_space<hbm>>) target_semaphore(%arg14 : memref<!tpu.dma_semaphore, #tpu.memory_space<semaphore_mem>>)
    %dma_wait3A_178 = arith.constant 0 : i32
    %dma_wait3A_179 = tpu.memref_slice %arg4[%add3A_153, %dma_wait3A_178] : memref<16384x1024xf32, #tpu.memory_space<hbm>> -> memref<32x1024xf32, #tpu.memory_space<hbm>>
    %dma_wait3A_180 = arith.constant 0 : i32
    %dma_wait3A_181 = tpu.memref_slice %arg4[%add3A_153, %dma_wait3A_180] : memref<16384x1024xf32, #tpu.memory_space<hbm>> -> memref<32x1024xf32, #tpu.memory_space<hbm>>
    tpu.wait_dma2 semaphore(%arg13 : memref<!tpu.dma_semaphore, #tpu.memory_space<semaphore_mem>>) src(%arg7 : memref<32x1024xf32, #tpu.memory_space<vmem>>) dst(%dma_wait3A_181 : memref<32x1024xf32, #tpu.memory_space<hbm>>)
    %dma_start3A_182 = arith.constant 320 : i32
    %dma_start3A_183 = tpu.memref_slice %arg5[%dma_start3A_182] : memref<512xi32, #tpu.memory_space<vmem>> -> memref<32xi32, #tpu.memory_space<vmem>>
    %dma_start3A_184 = arith.constant 0 : i32
    %dma_start3A_185 = arith.constant 0 : i32
    %dma_start3A_186 = tpu.memref_slice %arg2[%dma_start3A_184, %dma_start3A_185] : memref<32768x1024xf32, #tpu.memory_space<hbm>> -> memref<32768x1024xf32, #tpu.memory_space<hbm>>
    tpu.enqueue_indirect_dma source(%dma_start3A_186 : memref<32768x1024xf32, #tpu.memory_space<hbm>>) target(%arg7 : memref<32x1024xf32, #tpu.memory_space<vmem>>) offsets(%dma_start3A_183 : memref<32xi32, #tpu.memory_space<vmem>>) semaphore(%arg10 : memref<!tpu.dma_semaphore, #tpu.memory_space<semaphore_mem>>)
    %dma_wait3A_187 = arith.constant 288 : i32
    %dma_wait3A_188 = tpu.memref_slice %arg5[%dma_wait3A_187] : memref<512xi32, #tpu.memory_space<vmem>> -> memref<32xi32, #tpu.memory_space<vmem>>
    %dma_wait3A_189 = arith.constant 0 : i32
    %dma_wait3A_190 = arith.constant 0 : i32
    %dma_wait3A_191 = tpu.memref_slice %arg2[%dma_wait3A_189, %dma_wait3A_190] : memref<32768x1024xf32, #tpu.memory_space<hbm>> -> memref<32768x1024xf32, #tpu.memory_space<hbm>>
    tpu.wait_indirect_dma semaphore(%arg9 : memref<!tpu.dma_semaphore, #tpu.memory_space<semaphore_mem>>) src(%dma_wait3A_191 : memref<32768x1024xf32, #tpu.memory_space<hbm>>) dst(%arg6 : memref<32x1024xf32, #tpu.memory_space<vmem>>)
    %add3A_192 = arith.constant 288 : i32
    %add3A_193 = arith.addi %mul3A_2, %add3A_192 : i32
    %dma_start3A_194 = arith.constant 0 : i32
    %dma_start3A_195 = tpu.memref_slice %arg4[%add3A_193, %dma_start3A_194] : memref<16384x1024xf32, #tpu.memory_space<hbm>> -> memref<32x1024xf32, #tpu.memory_space<hbm>>
    %dma_start3A_196 = arith.constant 0 : i32
    %dma_start3A_197 = tpu.memref_slice %arg4[%add3A_193, %dma_start3A_196] : memref<16384x1024xf32, #tpu.memory_space<hbm>> -> memref<32x1024xf32, #tpu.memory_space<hbm>>
    tpu.enqueue_dma source(%arg6 : memref<32x1024xf32, #tpu.memory_space<vmem>>) target(%dma_start3A_197 : memref<32x1024xf32, #tpu.memory_space<hbm>>) target_semaphore(%arg12 : memref<!tpu.dma_semaphore, #tpu.memory_space<semaphore_mem>>)
    %dma_wait3A_198 = arith.constant 0 : i32
    %dma_wait3A_199 = tpu.memref_slice %arg4[%add3A_173, %dma_wait3A_198] : memref<16384x1024xf32, #tpu.memory_space<hbm>> -> memref<32x1024xf32, #tpu.memory_space<hbm>>
    %dma_wait3A_200 = arith.constant 0 : i32
    %dma_wait3A_201 = tpu.memref_slice %arg4[%add3A_173, %dma_wait3A_200] : memref<16384x1024xf32, #tpu.memory_space<hbm>> -> memref<32x1024xf32, #tpu.memory_space<hbm>>
    tpu.wait_dma2 semaphore(%arg14 : memref<!tpu.dma_semaphore, #tpu.memory_space<semaphore_mem>>) src(%arg8 : memref<32x1024xf32, #tpu.memory_space<vmem>>) dst(%dma_wait3A_201 : memref<32x1024xf32, #tpu.memory_space<hbm>>)
    %dma_start3A_202 = arith.constant 352 : i32
    %dma_start3A_203 = tpu.memref_slice %arg5[%dma_start3A_202] : memref<512xi32, #tpu.memory_space<vmem>> -> memref<32xi32, #tpu.memory_space<vmem>>
    %dma_start3A_204 = arith.constant 0 : i32
    %dma_start3A_205 = arith.constant 0 : i32
    %dma_start3A_206 = tpu.memref_slice %arg2[%dma_start3A_204, %dma_start3A_205] : memref<32768x1024xf32, #tpu.memory_space<hbm>> -> memref<32768x1024xf32, #tpu.memory_space<hbm>>
    tpu.enqueue_indirect_dma source(%dma_start3A_206 : memref<32768x1024xf32, #tpu.memory_space<hbm>>) target(%arg8 : memref<32x1024xf32, #tpu.memory_space<vmem>>) offsets(%dma_start3A_203 : memref<32xi32, #tpu.memory_space<vmem>>) semaphore(%arg11 : memref<!tpu.dma_semaphore, #tpu.memory_space<semaphore_mem>>)
    %dma_wait3A_207 = arith.constant 320 : i32
    %dma_wait3A_208 = tpu.memref_slice %arg5[%dma_wait3A_207] : memref<512xi32, #tpu.memory_space<vmem>> -> memref<32xi32, #tpu.memory_space<vmem>>
    %dma_wait3A_209 = arith.constant 0 : i32
    %dma_wait3A_210 = arith.constant 0 : i32
    %dma_wait3A_211 = tpu.memref_slice %arg2[%dma_wait3A_209, %dma_wait3A_210] : memref<32768x1024xf32, #tpu.memory_space<hbm>> -> memref<32768x1024xf32, #tpu.memory_space<hbm>>
    tpu.wait_indirect_dma semaphore(%arg10 : memref<!tpu.dma_semaphore, #tpu.memory_space<semaphore_mem>>) src(%dma_wait3A_211 : memref<32768x1024xf32, #tpu.memory_space<hbm>>) dst(%arg7 : memref<32x1024xf32, #tpu.memory_space<vmem>>)
    %add3A_212 = arith.constant 320 : i32
    %add3A_213 = arith.addi %mul3A_2, %add3A_212 : i32
    %dma_start3A_214 = arith.constant 0 : i32
    %dma_start3A_215 = tpu.memref_slice %arg4[%add3A_213, %dma_start3A_214] : memref<16384x1024xf32, #tpu.memory_space<hbm>> -> memref<32x1024xf32, #tpu.memory_space<hbm>>
    %dma_start3A_216 = arith.constant 0 : i32
    %dma_start3A_217 = tpu.memref_slice %arg4[%add3A_213, %dma_start3A_216] : memref<16384x1024xf32, #tpu.memory_space<hbm>> -> memref<32x1024xf32, #tpu.memory_space<hbm>>
    tpu.enqueue_dma source(%arg7 : memref<32x1024xf32, #tpu.memory_space<vmem>>) target(%dma_start3A_217 : memref<32x1024xf32, #tpu.memory_space<hbm>>) target_semaphore(%arg13 : memref<!tpu.dma_semaphore, #tpu.memory_space<semaphore_mem>>)
    %dma_wait3A_218 = arith.constant 0 : i32
    %dma_wait3A_219 = tpu.memref_slice %arg4[%add3A_193, %dma_wait3A_218] : memref<16384x1024xf32, #tpu.memory_space<hbm>> -> memref<32x1024xf32, #tpu.memory_space<hbm>>
    %dma_wait3A_220 = arith.constant 0 : i32
    %dma_wait3A_221 = tpu.memref_slice %arg4[%add3A_193, %dma_wait3A_220] : memref<16384x1024xf32, #tpu.memory_space<hbm>> -> memref<32x1024xf32, #tpu.memory_space<hbm>>
    tpu.wait_dma2 semaphore(%arg12 : memref<!tpu.dma_semaphore, #tpu.memory_space<semaphore_mem>>) src(%arg6 : memref<32x1024xf32, #tpu.memory_space<vmem>>) dst(%dma_wait3A_221 : memref<32x1024xf32, #tpu.memory_space<hbm>>)
    %dma_start3A_222 = arith.constant 384 : i32
    %dma_start3A_223 = tpu.memref_slice %arg5[%dma_start3A_222] : memref<512xi32, #tpu.memory_space<vmem>> -> memref<32xi32, #tpu.memory_space<vmem>>
    %dma_start3A_224 = arith.constant 0 : i32
    %dma_start3A_225 = arith.constant 0 : i32
    %dma_start3A_226 = tpu.memref_slice %arg2[%dma_start3A_224, %dma_start3A_225] : memref<32768x1024xf32, #tpu.memory_space<hbm>> -> memref<32768x1024xf32, #tpu.memory_space<hbm>>
    tpu.enqueue_indirect_dma source(%dma_start3A_226 : memref<32768x1024xf32, #tpu.memory_space<hbm>>) target(%arg6 : memref<32x1024xf32, #tpu.memory_space<vmem>>) offsets(%dma_start3A_223 : memref<32xi32, #tpu.memory_space<vmem>>) semaphore(%arg9 : memref<!tpu.dma_semaphore, #tpu.memory_space<semaphore_mem>>)
    %dma_wait3A_227 = arith.constant 352 : i32
    %dma_wait3A_228 = tpu.memref_slice %arg5[%dma_wait3A_227] : memref<512xi32, #tpu.memory_space<vmem>> -> memref<32xi32, #tpu.memory_space<vmem>>
    %dma_wait3A_229 = arith.constant 0 : i32
    %dma_wait3A_230 = arith.constant 0 : i32
    %dma_wait3A_231 = tpu.memref_slice %arg2[%dma_wait3A_229, %dma_wait3A_230] : memref<32768x1024xf32, #tpu.memory_space<hbm>> -> memref<32768x1024xf32, #tpu.memory_space<hbm>>
    tpu.wait_indirect_dma semaphore(%arg11 : memref<!tpu.dma_semaphore, #tpu.memory_space<semaphore_mem>>) src(%dma_wait3A_231 : memref<32768x1024xf32, #tpu.memory_space<hbm>>) dst(%arg8 : memref<32x1024xf32, #tpu.memory_space<vmem>>)
    %add3A_232 = arith.constant 352 : i32
    %add3A_233 = arith.addi %mul3A_2, %add3A_232 : i32
    %dma_start3A_234 = arith.constant 0 : i32
    %dma_start3A_235 = tpu.memref_slice %arg4[%add3A_233, %dma_start3A_234] : memref<16384x1024xf32, #tpu.memory_space<hbm>> -> memref<32x1024xf32, #tpu.memory_space<hbm>>
    %dma_start3A_236 = arith.constant 0 : i32
    %dma_start3A_237 = tpu.memref_slice %arg4[%add3A_233, %dma_start3A_236] : memref<16384x1024xf32, #tpu.memory_space<hbm>> -> memref<32x1024xf32, #tpu.memory_space<hbm>>
    tpu.enqueue_dma source(%arg8 : memref<32x1024xf32, #tpu.memory_space<vmem>>) target(%dma_start3A_237 : memref<32x1024xf32, #tpu.memory_space<hbm>>) target_semaphore(%arg14 : memref<!tpu.dma_semaphore, #tpu.memory_space<semaphore_mem>>)
    %dma_wait3A_238 = arith.constant 0 : i32
    %dma_wait3A_239 = tpu.memref_slice %arg4[%add3A_213, %dma_wait3A_238] : memref<16384x1024xf32, #tpu.memory_space<hbm>> -> memref<32x1024xf32, #tpu.memory_space<hbm>>
    %dma_wait3A_240 = arith.constant 0 : i32
    %dma_wait3A_241 = tpu.memref_slice %arg4[%add3A_213, %dma_wait3A_240] : memref<16384x1024xf32, #tpu.memory_space<hbm>> -> memref<32x1024xf32, #tpu.memory_space<hbm>>
    tpu.wait_dma2 semaphore(%arg13 : memref<!tpu.dma_semaphore, #tpu.memory_space<semaphore_mem>>) src(%arg7 : memref<32x1024xf32, #tpu.memory_space<vmem>>) dst(%dma_wait3A_241 : memref<32x1024xf32, #tpu.memory_space<hbm>>)
    %dma_start3A_242 = arith.constant 416 : i32
    %dma_start3A_243 = tpu.memref_slice %arg5[%dma_start3A_242] : memref<512xi32, #tpu.memory_space<vmem>> -> memref<32xi32, #tpu.memory_space<vmem>>
    %dma_start3A_244 = arith.constant 0 : i32
    %dma_start3A_245 = arith.constant 0 : i32
    %dma_start3A_246 = tpu.memref_slice %arg2[%dma_start3A_244, %dma_start3A_245] : memref<32768x1024xf32, #tpu.memory_space<hbm>> -> memref<32768x1024xf32, #tpu.memory_space<hbm>>
    tpu.enqueue_indirect_dma source(%dma_start3A_246 : memref<32768x1024xf32, #tpu.memory_space<hbm>>) target(%arg7 : memref<32x1024xf32, #tpu.memory_space<vmem>>) offsets(%dma_start3A_243 : memref<32xi32, #tpu.memory_space<vmem>>) semaphore(%arg10 : memref<!tpu.dma_semaphore, #tpu.memory_space<semaphore_mem>>)
    %dma_wait3A_247 = arith.constant 384 : i32
    %dma_wait3A_248 = tpu.memref_slice %arg5[%dma_wait3A_247] : memref<512xi32, #tpu.memory_space<vmem>> -> memref<32xi32, #tpu.memory_space<vmem>>
    %dma_wait3A_249 = arith.constant 0 : i32
    %dma_wait3A_250 = arith.constant 0 : i32
    %dma_wait3A_251 = tpu.memref_slice %arg2[%dma_wait3A_249, %dma_wait3A_250] : memref<32768x1024xf32, #tpu.memory_space<hbm>> -> memref<32768x1024xf32, #tpu.memory_space<hbm>>
    tpu.wait_indirect_dma semaphore(%arg9 : memref<!tpu.dma_semaphore, #tpu.memory_space<semaphore_mem>>) src(%dma_wait3A_251 : memref<32768x1024xf32, #tpu.memory_space<hbm>>) dst(%arg6 : memref<32x1024xf32, #tpu.memory_space<vmem>>)
    %add3A_252 = arith.constant 384 : i32
    %add3A_253 = arith.addi %mul3A_2, %add3A_252 : i32
    %dma_start3A_254 = arith.constant 0 : i32
    %dma_start3A_255 = tpu.memref_slice %arg4[%add3A_253, %dma_start3A_254] : memref<16384x1024xf32, #tpu.memory_space<hbm>> -> memref<32x1024xf32, #tpu.memory_space<hbm>>
    %dma_start3A_256 = arith.constant 0 : i32
    %dma_start3A_257 = tpu.memref_slice %arg4[%add3A_253, %dma_start3A_256] : memref<16384x1024xf32, #tpu.memory_space<hbm>> -> memref<32x1024xf32, #tpu.memory_space<hbm>>
    tpu.enqueue_dma source(%arg6 : memref<32x1024xf32, #tpu.memory_space<vmem>>) target(%dma_start3A_257 : memref<32x1024xf32, #tpu.memory_space<hbm>>) target_semaphore(%arg12 : memref<!tpu.dma_semaphore, #tpu.memory_space<semaphore_mem>>)
    %dma_wait3A_258 = arith.constant 0 : i32
    %dma_wait3A_259 = tpu.memref_slice %arg4[%add3A_233, %dma_wait3A_258] : memref<16384x1024xf32, #tpu.memory_space<hbm>> -> memref<32x1024xf32, #tpu.memory_space<hbm>>
    %dma_wait3A_260 = arith.constant 0 : i32
    %dma_wait3A_261 = tpu.memref_slice %arg4[%add3A_233, %dma_wait3A_260] : memref<16384x1024xf32, #tpu.memory_space<hbm>> -> memref<32x1024xf32, #tpu.memory_space<hbm>>
    tpu.wait_dma2 semaphore(%arg14 : memref<!tpu.dma_semaphore, #tpu.memory_space<semaphore_mem>>) src(%arg8 : memref<32x1024xf32, #tpu.memory_space<vmem>>) dst(%dma_wait3A_261 : memref<32x1024xf32, #tpu.memory_space<hbm>>)
    %dma_start3A_262 = arith.constant 448 : i32
    %dma_start3A_263 = tpu.memref_slice %arg5[%dma_start3A_262] : memref<512xi32, #tpu.memory_space<vmem>> -> memref<32xi32, #tpu.memory_space<vmem>>
    %dma_start3A_264 = arith.constant 0 : i32
    %dma_start3A_265 = arith.constant 0 : i32
    %dma_start3A_266 = tpu.memref_slice %arg2[%dma_start3A_264, %dma_start3A_265] : memref<32768x1024xf32, #tpu.memory_space<hbm>> -> memref<32768x1024xf32, #tpu.memory_space<hbm>>
    tpu.enqueue_indirect_dma source(%dma_start3A_266 : memref<32768x1024xf32, #tpu.memory_space<hbm>>) target(%arg8 : memref<32x1024xf32, #tpu.memory_space<vmem>>) offsets(%dma_start3A_263 : memref<32xi32, #tpu.memory_space<vmem>>) semaphore(%arg11 : memref<!tpu.dma_semaphore, #tpu.memory_space<semaphore_mem>>)
    %dma_wait3A_267 = arith.constant 416 : i32
    %dma_wait3A_268 = tpu.memref_slice %arg5[%dma_wait3A_267] : memref<512xi32, #tpu.memory_space<vmem>> -> memref<32xi32, #tpu.memory_space<vmem>>
    %dma_wait3A_269 = arith.constant 0 : i32
    %dma_wait3A_270 = arith.constant 0 : i32
    %dma_wait3A_271 = tpu.memref_slice %arg2[%dma_wait3A_269, %dma_wait3A_270] : memref<32768x1024xf32, #tpu.memory_space<hbm>> -> memref<32768x1024xf32, #tpu.memory_space<hbm>>
    tpu.wait_indirect_dma semaphore(%arg10 : memref<!tpu.dma_semaphore, #tpu.memory_space<semaphore_mem>>) src(%dma_wait3A_271 : memref<32768x1024xf32, #tpu.memory_space<hbm>>) dst(%arg7 : memref<32x1024xf32, #tpu.memory_space<vmem>>)
    %add3A_272 = arith.constant 416 : i32
    %add3A_273 = arith.addi %mul3A_2, %add3A_272 : i32
    %dma_start3A_274 = arith.constant 0 : i32
    %dma_start3A_275 = tpu.memref_slice %arg4[%add3A_273, %dma_start3A_274] : memref<16384x1024xf32, #tpu.memory_space<hbm>> -> memref<32x1024xf32, #tpu.memory_space<hbm>>
    %dma_start3A_276 = arith.constant 0 : i32
    %dma_start3A_277 = tpu.memref_slice %arg4[%add3A_273, %dma_start3A_276] : memref<16384x1024xf32, #tpu.memory_space<hbm>> -> memref<32x1024xf32, #tpu.memory_space<hbm>>
    tpu.enqueue_dma source(%arg7 : memref<32x1024xf32, #tpu.memory_space<vmem>>) target(%dma_start3A_277 : memref<32x1024xf32, #tpu.memory_space<hbm>>) target_semaphore(%arg13 : memref<!tpu.dma_semaphore, #tpu.memory_space<semaphore_mem>>)
    %dma_wait3A_278 = arith.constant 0 : i32
    %dma_wait3A_279 = tpu.memref_slice %arg4[%add3A_253, %dma_wait3A_278] : memref<16384x1024xf32, #tpu.memory_space<hbm>> -> memref<32x1024xf32, #tpu.memory_space<hbm>>
    %dma_wait3A_280 = arith.constant 0 : i32
    %dma_wait3A_281 = tpu.memref_slice %arg4[%add3A_253, %dma_wait3A_280] : memref<16384x1024xf32, #tpu.memory_space<hbm>> -> memref<32x1024xf32, #tpu.memory_space<hbm>>
    tpu.wait_dma2 semaphore(%arg12 : memref<!tpu.dma_semaphore, #tpu.memory_space<semaphore_mem>>) src(%arg6 : memref<32x1024xf32, #tpu.memory_space<vmem>>) dst(%dma_wait3A_281 : memref<32x1024xf32, #tpu.memory_space<hbm>>)
    %dma_start3A_282 = arith.constant 480 : i32
    %dma_start3A_283 = tpu.memref_slice %arg5[%dma_start3A_282] : memref<512xi32, #tpu.memory_space<vmem>> -> memref<32xi32, #tpu.memory_space<vmem>>
    %dma_start3A_284 = arith.constant 0 : i32
    %dma_start3A_285 = arith.constant 0 : i32
    %dma_start3A_286 = tpu.memref_slice %arg2[%dma_start3A_284, %dma_start3A_285] : memref<32768x1024xf32, #tpu.memory_space<hbm>> -> memref<32768x1024xf32, #tpu.memory_space<hbm>>
    tpu.enqueue_indirect_dma source(%dma_start3A_286 : memref<32768x1024xf32, #tpu.memory_space<hbm>>) target(%arg6 : memref<32x1024xf32, #tpu.memory_space<vmem>>) offsets(%dma_start3A_283 : memref<32xi32, #tpu.memory_space<vmem>>) semaphore(%arg9 : memref<!tpu.dma_semaphore, #tpu.memory_space<semaphore_mem>>)
    %dma_wait3A_287 = arith.constant 448 : i32
    %dma_wait3A_288 = tpu.memref_slice %arg5[%dma_wait3A_287] : memref<512xi32, #tpu.memory_space<vmem>> -> memref<32xi32, #tpu.memory_space<vmem>>
    %dma_wait3A_289 = arith.constant 0 : i32
    %dma_wait3A_290 = arith.constant 0 : i32
    %dma_wait3A_291 = tpu.memref_slice %arg2[%dma_wait3A_289, %dma_wait3A_290] : memref<32768x1024xf32, #tpu.memory_space<hbm>> -> memref<32768x1024xf32, #tpu.memory_space<hbm>>
    tpu.wait_indirect_dma semaphore(%arg11 : memref<!tpu.dma_semaphore, #tpu.memory_space<semaphore_mem>>) src(%dma_wait3A_291 : memref<32768x1024xf32, #tpu.memory_space<hbm>>) dst(%arg8 : memref<32x1024xf32, #tpu.memory_space<vmem>>)
    %add3A_292 = arith.constant 448 : i32
    %add3A_293 = arith.addi %mul3A_2, %add3A_292 : i32
    %dma_start3A_294 = arith.constant 0 : i32
    %dma_start3A_295 = tpu.memref_slice %arg4[%add3A_293, %dma_start3A_294] : memref<16384x1024xf32, #tpu.memory_space<hbm>> -> memref<32x1024xf32, #tpu.memory_space<hbm>>
    %dma_start3A_296 = arith.constant 0 : i32
    %dma_start3A_297 = tpu.memref_slice %arg4[%add3A_293, %dma_start3A_296] : memref<16384x1024xf32, #tpu.memory_space<hbm>> -> memref<32x1024xf32, #tpu.memory_space<hbm>>
    tpu.enqueue_dma source(%arg8 : memref<32x1024xf32, #tpu.memory_space<vmem>>) target(%dma_start3A_297 : memref<32x1024xf32, #tpu.memory_space<hbm>>) target_semaphore(%arg14 : memref<!tpu.dma_semaphore, #tpu.memory_space<semaphore_mem>>)
    %dma_wait3A_298 = arith.constant 480 : i32
    %dma_wait3A_299 = tpu.memref_slice %arg5[%dma_wait3A_298] : memref<512xi32, #tpu.memory_space<vmem>> -> memref<32xi32, #tpu.memory_space<vmem>>
    %dma_wait3A_300 = arith.constant 0 : i32
    %dma_wait3A_301 = arith.constant 0 : i32
    %dma_wait3A_302 = tpu.memref_slice %arg2[%dma_wait3A_300, %dma_wait3A_301] : memref<32768x1024xf32, #tpu.memory_space<hbm>> -> memref<32768x1024xf32, #tpu.memory_space<hbm>>
    tpu.wait_indirect_dma semaphore(%arg9 : memref<!tpu.dma_semaphore, #tpu.memory_space<semaphore_mem>>) src(%dma_wait3A_302 : memref<32768x1024xf32, #tpu.memory_space<hbm>>) dst(%arg6 : memref<32x1024xf32, #tpu.memory_space<vmem>>)
    %add3A_303 = arith.constant 480 : i32
    %add3A_304 = arith.addi %mul3A_2, %add3A_303 : i32
    %dma_start3A_305 = arith.constant 0 : i32
    %dma_start3A_306 = tpu.memref_slice %arg4[%add3A_304, %dma_start3A_305] : memref<16384x1024xf32, #tpu.memory_space<hbm>> -> memref<32x1024xf32, #tpu.memory_space<hbm>>
    %dma_start3A_307 = arith.constant 0 : i32
    %dma_start3A_308 = tpu.memref_slice %arg4[%add3A_304, %dma_start3A_307] : memref<16384x1024xf32, #tpu.memory_space<hbm>> -> memref<32x1024xf32, #tpu.memory_space<hbm>>
    tpu.enqueue_dma source(%arg6 : memref<32x1024xf32, #tpu.memory_space<vmem>>) target(%dma_start3A_308 : memref<32x1024xf32, #tpu.memory_space<hbm>>) target_semaphore(%arg12 : memref<!tpu.dma_semaphore, #tpu.memory_space<semaphore_mem>>)
    %dma_wait3A_309 = arith.constant 0 : i32
    %dma_wait3A_310 = tpu.memref_slice %arg4[%add3A_273, %dma_wait3A_309] : memref<16384x1024xf32, #tpu.memory_space<hbm>> -> memref<32x1024xf32, #tpu.memory_space<hbm>>
    %dma_wait3A_311 = arith.constant 0 : i32
    %dma_wait3A_312 = tpu.memref_slice %arg4[%add3A_273, %dma_wait3A_311] : memref<16384x1024xf32, #tpu.memory_space<hbm>> -> memref<32x1024xf32, #tpu.memory_space<hbm>>
    tpu.wait_dma2 semaphore(%arg13 : memref<!tpu.dma_semaphore, #tpu.memory_space<semaphore_mem>>) src(%arg7 : memref<32x1024xf32, #tpu.memory_space<vmem>>) dst(%dma_wait3A_312 : memref<32x1024xf32, #tpu.memory_space<hbm>>)
    %dma_wait3A_313 = arith.constant 0 : i32
    %dma_wait3A_314 = tpu.memref_slice %arg4[%add3A_293, %dma_wait3A_313] : memref<16384x1024xf32, #tpu.memory_space<hbm>> -> memref<32x1024xf32, #tpu.memory_space<hbm>>
    %dma_wait3A_315 = arith.constant 0 : i32
    %dma_wait3A_316 = tpu.memref_slice %arg4[%add3A_293, %dma_wait3A_315] : memref<16384x1024xf32, #tpu.memory_space<hbm>> -> memref<32x1024xf32, #tpu.memory_space<hbm>>
    tpu.wait_dma2 semaphore(%arg14 : memref<!tpu.dma_semaphore, #tpu.memory_space<semaphore_mem>>) src(%arg8 : memref<32x1024xf32, #tpu.memory_space<vmem>>) dst(%dma_wait3A_316 : memref<32x1024xf32, #tpu.memory_space<hbm>>)
    %dma_wait3A_317 = arith.constant 0 : i32
    %dma_wait3A_318 = tpu.memref_slice %arg4[%add3A_304, %dma_wait3A_317] : memref<16384x1024xf32, #tpu.memory_space<hbm>> -> memref<32x1024xf32, #tpu.memory_space<hbm>>
    %dma_wait3A_319 = arith.constant 0 : i32
    %dma_wait3A_320 = tpu.memref_slice %arg4[%add3A_304, %dma_wait3A_319] : memref<16384x1024xf32, #tpu.memory_space<hbm>> -> memref<32x1024xf32, #tpu.memory_space<hbm>>
    tpu.wait_dma2 semaphore(%arg12 : memref<!tpu.dma_semaphore, #tpu.memory_space<semaphore_mem>>) src(%arg6 : memref<32x1024xf32, #tpu.memory_space<vmem>>) dst(%dma_wait3A_320 : memref<32x1024xf32, #tpu.memory_space<hbm>>)
    return
  }
}

#map = affine_map<(d0, d1) -> (0, 0)>
#map1 = affine_map<(d0, d1) -> (0)>
module attributes {stable_mosaic.version = 14 : i64} {
  func.func @_sc_gather_kernel(%arg0: i32, %arg1: i32, %arg2: memref<32768x1024xf32, #tpu.memory_space<hbm>>, %arg3: memref<16384xi32, #tpu.memory_space<hbm>>, %arg4: memref<16384x1024xf32, #tpu.memory_space<hbm>>, %arg5: memref<512xi32, #tpu.memory_space<vmem>>, %arg6: memref<32x1024xf32, #tpu.memory_space<vmem>>, %arg7: memref<32x1024xf32, #tpu.memory_space<vmem>>, %arg8: memref<32x1024xf32, #tpu.memory_space<vmem>>, %arg9: memref<!tpu.dma_semaphore, #tpu.memory_space<semaphore_mem>>, %arg10: memref<!tpu.dma_semaphore, #tpu.memory_space<semaphore_mem>>, %arg11: memref<!tpu.dma_semaphore, #tpu.memory_space<semaphore_mem>>, %arg12: memref<!tpu.dma_semaphore, #tpu.memory_space<semaphore_mem>>, %arg13: memref<!tpu.dma_semaphore, #tpu.memory_space<semaphore_mem>>, %arg14: memref<!tpu.dma_semaphore, #tpu.memory_space<semaphore_mem>>) attributes {dimension_semantics = [#tpu.dimension_semantics<core_parallel>, #tpu.dimension_semantics<subcore_parallel>], iteration_bounds = array<i64: 2, 16>, scalar_prefetch = 0 : i64, scratch_operands = 10 : i64, tpu.core_type = #tpu.core_type<sc_vector_subcore>, window_params = [{transform_indices = #map}, {transform_indices = #map1}, {transform_indices = #map}]} {
    %mul3A = arith.constant 2 : i32
    %mul3A_0 = arith.muli %arg1, %mul3A : i32
    %add3A = arith.addi %mul3A_0, %arg0 : i32
    %mul3A_1 = arith.constant 512 : i32
    %mul3A_2 = arith.muli %add3A, %mul3A_1 : i32
    "tpu.region"() ({
      %run_scoped3A = tpu.sem_alloc : memref<!tpu.dma_semaphore, #tpu.memory_space<semaphore_mem>>
      %dma_start3A_321 = tpu.memref_slice %arg3[%mul3A_2] : memref<16384xi32, #tpu.memory_space<hbm>> -> memref<512xi32, #tpu.memory_space<hbm>>
      %dma_start3A_322 = tpu.memref_slice %arg3[%mul3A_2] : memref<16384xi32, #tpu.memory_space<hbm>> -> memref<512xi32, #tpu.memory_space<hbm>>
      tpu.enqueue_dma source(%dma_start3A_322 : memref<512xi32, #tpu.memory_space<hbm>>) target(%arg5 : memref<512xi32, #tpu.memory_space<vmem>>) target_semaphore(%run_scoped3A : memref<!tpu.dma_semaphore, #tpu.memory_space<semaphore_mem>>)
      %dma_wait3A_323 = tpu.memref_slice %arg3[%mul3A_2] : memref<16384xi32, #tpu.memory_space<hbm>> -> memref<512xi32, #tpu.memory_space<hbm>>
      %dma_wait3A_324 = tpu.memref_slice %arg3[%mul3A_2] : memref<16384xi32, #tpu.memory_space<hbm>> -> memref<512xi32, #tpu.memory_space<hbm>>
      tpu.wait_dma2 semaphore(%run_scoped3A : memref<!tpu.dma_semaphore, #tpu.memory_space<semaphore_mem>>) src(%dma_wait3A_324 : memref<512xi32, #tpu.memory_space<hbm>>) dst(%arg5 : memref<512xi32, #tpu.memory_space<vmem>>)
      tpu.yield
    }) : () -> ()
    %dma_start3A = arith.constant 0 : i32
    %dma_start3A_3 = tpu.memref_slice %arg5[%dma_start3A] : memref<512xi32, #tpu.memory_space<vmem>> -> memref<32xi32, #tpu.memory_space<vmem>>
    %dma_start3A_4 = arith.constant 0 : i32
    %dma_start3A_5 = arith.constant 0 : i32
    %dma_start3A_6 = tpu.memref_slice %arg2[%dma_start3A_4, %dma_start3A_5] : memref<32768x1024xf32, #tpu.memory_space<hbm>> -> memref<32768x1024xf32, #tpu.memory_space<hbm>>
    tpu.enqueue_indirect_dma source(%dma_start3A_6 : memref<32768x1024xf32, #tpu.memory_space<hbm>>) target(%arg6 : memref<32x1024xf32, #tpu.memory_space<vmem>>) offsets(%dma_start3A_3 : memref<32xi32, #tpu.memory_space<vmem>>) semaphore(%arg9 : memref<!tpu.dma_semaphore, #tpu.memory_space<semaphore_mem>>)
    %dma_start3A_7 = arith.constant 32 : i32
    %dma_start3A_8 = tpu.memref_slice %arg5[%dma_start3A_7] : memref<512xi32, #tpu.memory_space<vmem>> -> memref<32xi32, #tpu.memory_space<vmem>>
    %dma_start3A_9 = arith.constant 0 : i32
    %dma_start3A_10 = arith.constant 0 : i32
    %dma_start3A_11 = tpu.memref_slice %arg2[%dma_start3A_9, %dma_start3A_10] : memref<32768x1024xf32, #tpu.memory_space<hbm>> -> memref<32768x1024xf32, #tpu.memory_space<hbm>>
    tpu.enqueue_indirect_dma source(%dma_start3A_11 : memref<32768x1024xf32, #tpu.memory_space<hbm>>) target(%arg7 : memref<32x1024xf32, #tpu.memory_space<vmem>>) offsets(%dma_start3A_8 : memref<32xi32, #tpu.memory_space<vmem>>) semaphore(%arg10 : memref<!tpu.dma_semaphore, #tpu.memory_space<semaphore_mem>>)
    %dma_wait3A = arith.constant 0 : i32
    %dma_wait3A_12 = tpu.memref_slice %arg5[%dma_wait3A] : memref<512xi32, #tpu.memory_space<vmem>> -> memref<32xi32, #tpu.memory_space<vmem>>
    %dma_wait3A_13 = arith.constant 0 : i32
    %dma_wait3A_14 = arith.constant 0 : i32
    %dma_wait3A_15 = tpu.memref_slice %arg2[%dma_wait3A_13, %dma_wait3A_14] : memref<32768x1024xf32, #tpu.memory_space<hbm>> -> memref<32768x1024xf32, #tpu.memory_space<hbm>>
    tpu.wait_indirect_dma semaphore(%arg9 : memref<!tpu.dma_semaphore, #tpu.memory_space<semaphore_mem>>) src(%dma_wait3A_15 : memref<32768x1024xf32, #tpu.memory_space<hbm>>) dst(%arg6 : memref<32x1024xf32, #tpu.memory_space<vmem>>)
    %add3A_16 = arith.constant 0 : i32
    %add3A_17 = arith.addi %mul3A_2, %add3A_16 : i32
    %dma_start3A_18 = arith.constant 0 : i32
    %dma_start3A_19 = tpu.memref_slice %arg4[%add3A_17, %dma_start3A_18] : memref<16384x1024xf32, #tpu.memory_space<hbm>> -> memref<32x1024xf32, #tpu.memory_space<hbm>>
    %dma_start3A_20 = arith.constant 0 : i32
    %dma_start3A_21 = tpu.memref_slice %arg4[%add3A_17, %dma_start3A_20] : memref<16384x1024xf32, #tpu.memory_space<hbm>> -> memref<32x1024xf32, #tpu.memory_space<hbm>>
    tpu.enqueue_dma source(%arg6 : memref<32x1024xf32, #tpu.memory_space<vmem>>) target(%dma_start3A_21 : memref<32x1024xf32, #tpu.memory_space<hbm>>) target_semaphore(%arg12 : memref<!tpu.dma_semaphore, #tpu.memory_space<semaphore_mem>>)
    %dma_start3A_22 = arith.constant 64 : i32
    %dma_start3A_23 = tpu.memref_slice %arg5[%dma_start3A_22] : memref<512xi32, #tpu.memory_space<vmem>> -> memref<32xi32, #tpu.memory_space<vmem>>
    %dma_start3A_24 = arith.constant 0 : i32
    %dma_start3A_25 = arith.constant 0 : i32
    %dma_start3A_26 = tpu.memref_slice %arg2[%dma_start3A_24, %dma_start3A_25] : memref<32768x1024xf32, #tpu.memory_space<hbm>> -> memref<32768x1024xf32, #tpu.memory_space<hbm>>
    tpu.enqueue_indirect_dma source(%dma_start3A_26 : memref<32768x1024xf32, #tpu.memory_space<hbm>>) target(%arg8 : memref<32x1024xf32, #tpu.memory_space<vmem>>) offsets(%dma_start3A_23 : memref<32xi32, #tpu.memory_space<vmem>>) semaphore(%arg11 : memref<!tpu.dma_semaphore, #tpu.memory_space<semaphore_mem>>)
    %dma_wait3A_27 = arith.constant 32 : i32
    %dma_wait3A_28 = tpu.memref_slice %arg5[%dma_wait3A_27] : memref<512xi32, #tpu.memory_space<vmem>> -> memref<32xi32, #tpu.memory_space<vmem>>
    %dma_wait3A_29 = arith.constant 0 : i32
    %dma_wait3A_30 = arith.constant 0 : i32
    %dma_wait3A_31 = tpu.memref_slice %arg2[%dma_wait3A_29, %dma_wait3A_30] : memref<32768x1024xf32, #tpu.memory_space<hbm>> -> memref<32768x1024xf32, #tpu.memory_space<hbm>>
    tpu.wait_indirect_dma semaphore(%arg10 : memref<!tpu.dma_semaphore, #tpu.memory_space<semaphore_mem>>) src(%dma_wait3A_31 : memref<32768x1024xf32, #tpu.memory_space<hbm>>) dst(%arg7 : memref<32x1024xf32, #tpu.memory_space<vmem>>)
    %add3A_32 = arith.constant 32 : i32
    %add3A_33 = arith.addi %mul3A_2, %add3A_32 : i32
    %dma_start3A_34 = arith.constant 0 : i32
    %dma_start3A_35 = tpu.memref_slice %arg4[%add3A_33, %dma_start3A_34] : memref<16384x1024xf32, #tpu.memory_space<hbm>> -> memref<32x1024xf32, #tpu.memory_space<hbm>>
    %dma_start3A_36 = arith.constant 0 : i32
    %dma_start3A_37 = tpu.memref_slice %arg4[%add3A_33, %dma_start3A_36] : memref<16384x1024xf32, #tpu.memory_space<hbm>> -> memref<32x1024xf32, #tpu.memory_space<hbm>>
    tpu.enqueue_dma source(%arg7 : memref<32x1024xf32, #tpu.memory_space<vmem>>) target(%dma_start3A_37 : memref<32x1024xf32, #tpu.memory_space<hbm>>) target_semaphore(%arg13 : memref<!tpu.dma_semaphore, #tpu.memory_space<semaphore_mem>>)
    %dma_wait3A_38 = arith.constant 0 : i32
    %dma_wait3A_39 = tpu.memref_slice %arg4[%add3A_17, %dma_wait3A_38] : memref<16384x1024xf32, #tpu.memory_space<hbm>> -> memref<32x1024xf32, #tpu.memory_space<hbm>>
    %dma_wait3A_40 = arith.constant 0 : i32
    %dma_wait3A_41 = tpu.memref_slice %arg4[%add3A_17, %dma_wait3A_40] : memref<16384x1024xf32, #tpu.memory_space<hbm>> -> memref<32x1024xf32, #tpu.memory_space<hbm>>
    tpu.wait_dma2 semaphore(%arg12 : memref<!tpu.dma_semaphore, #tpu.memory_space<semaphore_mem>>) src(%arg6 : memref<32x1024xf32, #tpu.memory_space<vmem>>) dst(%dma_wait3A_41 : memref<32x1024xf32, #tpu.memory_space<hbm>>)
    %dma_start3A_42 = arith.constant 96 : i32
    %dma_start3A_43 = tpu.memref_slice %arg5[%dma_start3A_42] : memref<512xi32, #tpu.memory_space<vmem>> -> memref<32xi32, #tpu.memory_space<vmem>>
    %dma_start3A_44 = arith.constant 0 : i32
    %dma_start3A_45 = arith.constant 0 : i32
    %dma_start3A_46 = tpu.memref_slice %arg2[%dma_start3A_44, %dma_start3A_45] : memref<32768x1024xf32, #tpu.memory_space<hbm>> -> memref<32768x1024xf32, #tpu.memory_space<hbm>>
    tpu.enqueue_indirect_dma source(%dma_start3A_46 : memref<32768x1024xf32, #tpu.memory_space<hbm>>) target(%arg6 : memref<32x1024xf32, #tpu.memory_space<vmem>>) offsets(%dma_start3A_43 : memref<32xi32, #tpu.memory_space<vmem>>) semaphore(%arg9 : memref<!tpu.dma_semaphore, #tpu.memory_space<semaphore_mem>>)
    %dma_wait3A_47 = arith.constant 64 : i32
    %dma_wait3A_48 = tpu.memref_slice %arg5[%dma_wait3A_47] : memref<512xi32, #tpu.memory_space<vmem>> -> memref<32xi32, #tpu.memory_space<vmem>>
    %dma_wait3A_49 = arith.constant 0 : i32
    %dma_wait3A_50 = arith.constant 0 : i32
    %dma_wait3A_51 = tpu.memref_slice %arg2[%dma_wait3A_49, %dma_wait3A_50] : memref<32768x1024xf32, #tpu.memory_space<hbm>> -> memref<32768x1024xf32, #tpu.memory_space<hbm>>
    tpu.wait_indirect_dma semaphore(%arg11 : memref<!tpu.dma_semaphore, #tpu.memory_space<semaphore_mem>>) src(%dma_wait3A_51 : memref<32768x1024xf32, #tpu.memory_space<hbm>>) dst(%arg8 : memref<32x1024xf32, #tpu.memory_space<vmem>>)
    %add3A_52 = arith.constant 64 : i32
    %add3A_53 = arith.addi %mul3A_2, %add3A_52 : i32
    %dma_start3A_54 = arith.constant 0 : i32
    %dma_start3A_55 = tpu.memref_slice %arg4[%add3A_53, %dma_start3A_54] : memref<16384x1024xf32, #tpu.memory_space<hbm>> -> memref<32x1024xf32, #tpu.memory_space<hbm>>
    %dma_start3A_56 = arith.constant 0 : i32
    %dma_start3A_57 = tpu.memref_slice %arg4[%add3A_53, %dma_start3A_56] : memref<16384x1024xf32, #tpu.memory_space<hbm>> -> memref<32x1024xf32, #tpu.memory_space<hbm>>
    tpu.enqueue_dma source(%arg8 : memref<32x1024xf32, #tpu.memory_space<vmem>>) target(%dma_start3A_57 : memref<32x1024xf32, #tpu.memory_space<hbm>>) target_semaphore(%arg14 : memref<!tpu.dma_semaphore, #tpu.memory_space<semaphore_mem>>)
    %dma_wait3A_58 = arith.constant 0 : i32
    %dma_wait3A_59 = tpu.memref_slice %arg4[%add3A_33, %dma_wait3A_58] : memref<16384x1024xf32, #tpu.memory_space<hbm>> -> memref<32x1024xf32, #tpu.memory_space<hbm>>
    %dma_wait3A_60 = arith.constant 0 : i32
    %dma_wait3A_61 = tpu.memref_slice %arg4[%add3A_33, %dma_wait3A_60] : memref<16384x1024xf32, #tpu.memory_space<hbm>> -> memref<32x1024xf32, #tpu.memory_space<hbm>>
    tpu.wait_dma2 semaphore(%arg13 : memref<!tpu.dma_semaphore, #tpu.memory_space<semaphore_mem>>) src(%arg7 : memref<32x1024xf32, #tpu.memory_space<vmem>>) dst(%dma_wait3A_61 : memref<32x1024xf32, #tpu.memory_space<hbm>>)
    %dma_start3A_62 = arith.constant 128 : i32
    %dma_start3A_63 = tpu.memref_slice %arg5[%dma_start3A_62] : memref<512xi32, #tpu.memory_space<vmem>> -> memref<32xi32, #tpu.memory_space<vmem>>
    %dma_start3A_64 = arith.constant 0 : i32
    %dma_start3A_65 = arith.constant 0 : i32
    %dma_start3A_66 = tpu.memref_slice %arg2[%dma_start3A_64, %dma_start3A_65] : memref<32768x1024xf32, #tpu.memory_space<hbm>> -> memref<32768x1024xf32, #tpu.memory_space<hbm>>
    tpu.enqueue_indirect_dma source(%dma_start3A_66 : memref<32768x1024xf32, #tpu.memory_space<hbm>>) target(%arg7 : memref<32x1024xf32, #tpu.memory_space<vmem>>) offsets(%dma_start3A_63 : memref<32xi32, #tpu.memory_space<vmem>>) semaphore(%arg10 : memref<!tpu.dma_semaphore, #tpu.memory_space<semaphore_mem>>)
    %dma_wait3A_67 = arith.constant 96 : i32
    %dma_wait3A_68 = tpu.memref_slice %arg5[%dma_wait3A_67] : memref<512xi32, #tpu.memory_space<vmem>> -> memref<32xi32, #tpu.memory_space<vmem>>
    %dma_wait3A_69 = arith.constant 0 : i32
    %dma_wait3A_70 = arith.constant 0 : i32
    %dma_wait3A_71 = tpu.memref_slice %arg2[%dma_wait3A_69, %dma_wait3A_70] : memref<32768x1024xf32, #tpu.memory_space<hbm>> -> memref<32768x1024xf32, #tpu.memory_space<hbm>>
    tpu.wait_indirect_dma semaphore(%arg9 : memref<!tpu.dma_semaphore, #tpu.memory_space<semaphore_mem>>) src(%dma_wait3A_71 : memref<32768x1024xf32, #tpu.memory_space<hbm>>) dst(%arg6 : memref<32x1024xf32, #tpu.memory_space<vmem>>)
    %add3A_72 = arith.constant 96 : i32
    %add3A_73 = arith.addi %mul3A_2, %add3A_72 : i32
    %dma_start3A_74 = arith.constant 0 : i32
    %dma_start3A_75 = tpu.memref_slice %arg4[%add3A_73, %dma_start3A_74] : memref<16384x1024xf32, #tpu.memory_space<hbm>> -> memref<32x1024xf32, #tpu.memory_space<hbm>>
    %dma_start3A_76 = arith.constant 0 : i32
    %dma_start3A_77 = tpu.memref_slice %arg4[%add3A_73, %dma_start3A_76] : memref<16384x1024xf32, #tpu.memory_space<hbm>> -> memref<32x1024xf32, #tpu.memory_space<hbm>>
    tpu.enqueue_dma source(%arg6 : memref<32x1024xf32, #tpu.memory_space<vmem>>) target(%dma_start3A_77 : memref<32x1024xf32, #tpu.memory_space<hbm>>) target_semaphore(%arg12 : memref<!tpu.dma_semaphore, #tpu.memory_space<semaphore_mem>>)
    %dma_wait3A_78 = arith.constant 0 : i32
    %dma_wait3A_79 = tpu.memref_slice %arg4[%add3A_53, %dma_wait3A_78] : memref<16384x1024xf32, #tpu.memory_space<hbm>> -> memref<32x1024xf32, #tpu.memory_space<hbm>>
    %dma_wait3A_80 = arith.constant 0 : i32
    %dma_wait3A_81 = tpu.memref_slice %arg4[%add3A_53, %dma_wait3A_80] : memref<16384x1024xf32, #tpu.memory_space<hbm>> -> memref<32x1024xf32, #tpu.memory_space<hbm>>
    tpu.wait_dma2 semaphore(%arg14 : memref<!tpu.dma_semaphore, #tpu.memory_space<semaphore_mem>>) src(%arg8 : memref<32x1024xf32, #tpu.memory_space<vmem>>) dst(%dma_wait3A_81 : memref<32x1024xf32, #tpu.memory_space<hbm>>)
    %dma_start3A_82 = arith.constant 160 : i32
    %dma_start3A_83 = tpu.memref_slice %arg5[%dma_start3A_82] : memref<512xi32, #tpu.memory_space<vmem>> -> memref<32xi32, #tpu.memory_space<vmem>>
    %dma_start3A_84 = arith.constant 0 : i32
    %dma_start3A_85 = arith.constant 0 : i32
    %dma_start3A_86 = tpu.memref_slice %arg2[%dma_start3A_84, %dma_start3A_85] : memref<32768x1024xf32, #tpu.memory_space<hbm>> -> memref<32768x1024xf32, #tpu.memory_space<hbm>>
    tpu.enqueue_indirect_dma source(%dma_start3A_86 : memref<32768x1024xf32, #tpu.memory_space<hbm>>) target(%arg8 : memref<32x1024xf32, #tpu.memory_space<vmem>>) offsets(%dma_start3A_83 : memref<32xi32, #tpu.memory_space<vmem>>) semaphore(%arg11 : memref<!tpu.dma_semaphore, #tpu.memory_space<semaphore_mem>>)
    %dma_wait3A_87 = arith.constant 128 : i32
    %dma_wait3A_88 = tpu.memref_slice %arg5[%dma_wait3A_87] : memref<512xi32, #tpu.memory_space<vmem>> -> memref<32xi32, #tpu.memory_space<vmem>>
    %dma_wait3A_89 = arith.constant 0 : i32
    %dma_wait3A_90 = arith.constant 0 : i32
    %dma_wait3A_91 = tpu.memref_slice %arg2[%dma_wait3A_89, %dma_wait3A_90] : memref<32768x1024xf32, #tpu.memory_space<hbm>> -> memref<32768x1024xf32, #tpu.memory_space<hbm>>
    tpu.wait_indirect_dma semaphore(%arg10 : memref<!tpu.dma_semaphore, #tpu.memory_space<semaphore_mem>>) src(%dma_wait3A_91 : memref<32768x1024xf32, #tpu.memory_space<hbm>>) dst(%arg7 : memref<32x1024xf32, #tpu.memory_space<vmem>>)
    %add3A_92 = arith.constant 128 : i32
    %add3A_93 = arith.addi %mul3A_2, %add3A_92 : i32
    %dma_start3A_94 = arith.constant 0 : i32
    %dma_start3A_95 = tpu.memref_slice %arg4[%add3A_93, %dma_start3A_94] : memref<16384x1024xf32, #tpu.memory_space<hbm>> -> memref<32x1024xf32, #tpu.memory_space<hbm>>
    %dma_start3A_96 = arith.constant 0 : i32
    %dma_start3A_97 = tpu.memref_slice %arg4[%add3A_93, %dma_start3A_96] : memref<16384x1024xf32, #tpu.memory_space<hbm>> -> memref<32x1024xf32, #tpu.memory_space<hbm>>
    tpu.enqueue_dma source(%arg7 : memref<32x1024xf32, #tpu.memory_space<vmem>>) target(%dma_start3A_97 : memref<32x1024xf32, #tpu.memory_space<hbm>>) target_semaphore(%arg13 : memref<!tpu.dma_semaphore, #tpu.memory_space<semaphore_mem>>)
    %dma_wait3A_98 = arith.constant 0 : i32
    %dma_wait3A_99 = tpu.memref_slice %arg4[%add3A_73, %dma_wait3A_98] : memref<16384x1024xf32, #tpu.memory_space<hbm>> -> memref<32x1024xf32, #tpu.memory_space<hbm>>
    %dma_wait3A_100 = arith.constant 0 : i32
    %dma_wait3A_101 = tpu.memref_slice %arg4[%add3A_73, %dma_wait3A_100] : memref<16384x1024xf32, #tpu.memory_space<hbm>> -> memref<32x1024xf32, #tpu.memory_space<hbm>>
    tpu.wait_dma2 semaphore(%arg12 : memref<!tpu.dma_semaphore, #tpu.memory_space<semaphore_mem>>) src(%arg6 : memref<32x1024xf32, #tpu.memory_space<vmem>>) dst(%dma_wait3A_101 : memref<32x1024xf32, #tpu.memory_space<hbm>>)
    %dma_start3A_102 = arith.constant 192 : i32
    %dma_start3A_103 = tpu.memref_slice %arg5[%dma_start3A_102] : memref<512xi32, #tpu.memory_space<vmem>> -> memref<32xi32, #tpu.memory_space<vmem>>
    %dma_start3A_104 = arith.constant 0 : i32
    %dma_start3A_105 = arith.constant 0 : i32
    %dma_start3A_106 = tpu.memref_slice %arg2[%dma_start3A_104, %dma_start3A_105] : memref<32768x1024xf32, #tpu.memory_space<hbm>> -> memref<32768x1024xf32, #tpu.memory_space<hbm>>
    tpu.enqueue_indirect_dma source(%dma_start3A_106 : memref<32768x1024xf32, #tpu.memory_space<hbm>>) target(%arg6 : memref<32x1024xf32, #tpu.memory_space<vmem>>) offsets(%dma_start3A_103 : memref<32xi32, #tpu.memory_space<vmem>>) semaphore(%arg9 : memref<!tpu.dma_semaphore, #tpu.memory_space<semaphore_mem>>)
    %dma_wait3A_107 = arith.constant 160 : i32
    %dma_wait3A_108 = tpu.memref_slice %arg5[%dma_wait3A_107] : memref<512xi32, #tpu.memory_space<vmem>> -> memref<32xi32, #tpu.memory_space<vmem>>
    %dma_wait3A_109 = arith.constant 0 : i32
    %dma_wait3A_110 = arith.constant 0 : i32
    %dma_wait3A_111 = tpu.memref_slice %arg2[%dma_wait3A_109, %dma_wait3A_110] : memref<32768x1024xf32, #tpu.memory_space<hbm>> -> memref<32768x1024xf32, #tpu.memory_space<hbm>>
    tpu.wait_indirect_dma semaphore(%arg11 : memref<!tpu.dma_semaphore, #tpu.memory_space<semaphore_mem>>) src(%dma_wait3A_111 : memref<32768x1024xf32, #tpu.memory_space<hbm>>) dst(%arg8 : memref<32x1024xf32, #tpu.memory_space<vmem>>)
    %add3A_112 = arith.constant 160 : i32
    %add3A_113 = arith.addi %mul3A_2, %add3A_112 : i32
    %dma_start3A_114 = arith.constant 0 : i32
    %dma_start3A_115 = tpu.memref_slice %arg4[%add3A_113, %dma_start3A_114] : memref<16384x1024xf32, #tpu.memory_space<hbm>> -> memref<32x1024xf32, #tpu.memory_space<hbm>>
    %dma_start3A_116 = arith.constant 0 : i32
    %dma_start3A_117 = tpu.memref_slice %arg4[%add3A_113, %dma_start3A_116] : memref<16384x1024xf32, #tpu.memory_space<hbm>> -> memref<32x1024xf32, #tpu.memory_space<hbm>>
    tpu.enqueue_dma source(%arg8 : memref<32x1024xf32, #tpu.memory_space<vmem>>) target(%dma_start3A_117 : memref<32x1024xf32, #tpu.memory_space<hbm>>) target_semaphore(%arg14 : memref<!tpu.dma_semaphore, #tpu.memory_space<semaphore_mem>>)
    %dma_wait3A_118 = arith.constant 0 : i32
    %dma_wait3A_119 = tpu.memref_slice %arg4[%add3A_93, %dma_wait3A_118] : memref<16384x1024xf32, #tpu.memory_space<hbm>> -> memref<32x1024xf32, #tpu.memory_space<hbm>>
    %dma_wait3A_120 = arith.constant 0 : i32
    %dma_wait3A_121 = tpu.memref_slice %arg4[%add3A_93, %dma_wait3A_120] : memref<16384x1024xf32, #tpu.memory_space<hbm>> -> memref<32x1024xf32, #tpu.memory_space<hbm>>
    tpu.wait_dma2 semaphore(%arg13 : memref<!tpu.dma_semaphore, #tpu.memory_space<semaphore_mem>>) src(%arg7 : memref<32x1024xf32, #tpu.memory_space<vmem>>) dst(%dma_wait3A_121 : memref<32x1024xf32, #tpu.memory_space<hbm>>)
    %dma_start3A_122 = arith.constant 224 : i32
    %dma_start3A_123 = tpu.memref_slice %arg5[%dma_start3A_122] : memref<512xi32, #tpu.memory_space<vmem>> -> memref<32xi32, #tpu.memory_space<vmem>>
    %dma_start3A_124 = arith.constant 0 : i32
    %dma_start3A_125 = arith.constant 0 : i32
    %dma_start3A_126 = tpu.memref_slice %arg2[%dma_start3A_124, %dma_start3A_125] : memref<32768x1024xf32, #tpu.memory_space<hbm>> -> memref<32768x1024xf32, #tpu.memory_space<hbm>>
    tpu.enqueue_indirect_dma source(%dma_start3A_126 : memref<32768x1024xf32, #tpu.memory_space<hbm>>) target(%arg7 : memref<32x1024xf32, #tpu.memory_space<vmem>>) offsets(%dma_start3A_123 : memref<32xi32, #tpu.memory_space<vmem>>) semaphore(%arg10 : memref<!tpu.dma_semaphore, #tpu.memory_space<semaphore_mem>>)
    %dma_wait3A_127 = arith.constant 192 : i32
    %dma_wait3A_128 = tpu.memref_slice %arg5[%dma_wait3A_127] : memref<512xi32, #tpu.memory_space<vmem>> -> memref<32xi32, #tpu.memory_space<vmem>>
    %dma_wait3A_129 = arith.constant 0 : i32
    %dma_wait3A_130 = arith.constant 0 : i32
    %dma_wait3A_131 = tpu.memref_slice %arg2[%dma_wait3A_129, %dma_wait3A_130] : memref<32768x1024xf32, #tpu.memory_space<hbm>> -> memref<32768x1024xf32, #tpu.memory_space<hbm>>
    tpu.wait_indirect_dma semaphore(%arg9 : memref<!tpu.dma_semaphore, #tpu.memory_space<semaphore_mem>>) src(%dma_wait3A_131 : memref<32768x1024xf32, #tpu.memory_space<hbm>>) dst(%arg6 : memref<32x1024xf32, #tpu.memory_space<vmem>>)
    %add3A_132 = arith.constant 192 : i32
    %add3A_133 = arith.addi %mul3A_2, %add3A_132 : i32
    %dma_start3A_134 = arith.constant 0 : i32
    %dma_start3A_135 = tpu.memref_slice %arg4[%add3A_133, %dma_start3A_134] : memref<16384x1024xf32, #tpu.memory_space<hbm>> -> memref<32x1024xf32, #tpu.memory_space<hbm>>
    %dma_start3A_136 = arith.constant 0 : i32
    %dma_start3A_137 = tpu.memref_slice %arg4[%add3A_133, %dma_start3A_136] : memref<16384x1024xf32, #tpu.memory_space<hbm>> -> memref<32x1024xf32, #tpu.memory_space<hbm>>
    tpu.enqueue_dma source(%arg6 : memref<32x1024xf32, #tpu.memory_space<vmem>>) target(%dma_start3A_137 : memref<32x1024xf32, #tpu.memory_space<hbm>>) target_semaphore(%arg12 : memref<!tpu.dma_semaphore, #tpu.memory_space<semaphore_mem>>)
    %dma_wait3A_138 = arith.constant 0 : i32
    %dma_wait3A_139 = tpu.memref_slice %arg4[%add3A_113, %dma_wait3A_138] : memref<16384x1024xf32, #tpu.memory_space<hbm>> -> memref<32x1024xf32, #tpu.memory_space<hbm>>
    %dma_wait3A_140 = arith.constant 0 : i32
    %dma_wait3A_141 = tpu.memref_slice %arg4[%add3A_113, %dma_wait3A_140] : memref<16384x1024xf32, #tpu.memory_space<hbm>> -> memref<32x1024xf32, #tpu.memory_space<hbm>>
    tpu.wait_dma2 semaphore(%arg14 : memref<!tpu.dma_semaphore, #tpu.memory_space<semaphore_mem>>) src(%arg8 : memref<32x1024xf32, #tpu.memory_space<vmem>>) dst(%dma_wait3A_141 : memref<32x1024xf32, #tpu.memory_space<hbm>>)
    %dma_start3A_142 = arith.constant 256 : i32
    %dma_start3A_143 = tpu.memref_slice %arg5[%dma_start3A_142] : memref<512xi32, #tpu.memory_space<vmem>> -> memref<32xi32, #tpu.memory_space<vmem>>
    %dma_start3A_144 = arith.constant 0 : i32
    %dma_start3A_145 = arith.constant 0 : i32
    %dma_start3A_146 = tpu.memref_slice %arg2[%dma_start3A_144, %dma_start3A_145] : memref<32768x1024xf32, #tpu.memory_space<hbm>> -> memref<32768x1024xf32, #tpu.memory_space<hbm>>
    tpu.enqueue_indirect_dma source(%dma_start3A_146 : memref<32768x1024xf32, #tpu.memory_space<hbm>>) target(%arg8 : memref<32x1024xf32, #tpu.memory_space<vmem>>) offsets(%dma_start3A_143 : memref<32xi32, #tpu.memory_space<vmem>>) semaphore(%arg11 : memref<!tpu.dma_semaphore, #tpu.memory_space<semaphore_mem>>)
    %dma_wait3A_147 = arith.constant 224 : i32
    %dma_wait3A_148 = tpu.memref_slice %arg5[%dma_wait3A_147] : memref<512xi32, #tpu.memory_space<vmem>> -> memref<32xi32, #tpu.memory_space<vmem>>
    %dma_wait3A_149 = arith.constant 0 : i32
    %dma_wait3A_150 = arith.constant 0 : i32
    %dma_wait3A_151 = tpu.memref_slice %arg2[%dma_wait3A_149, %dma_wait3A_150] : memref<32768x1024xf32, #tpu.memory_space<hbm>> -> memref<32768x1024xf32, #tpu.memory_space<hbm>>
    tpu.wait_indirect_dma semaphore(%arg10 : memref<!tpu.dma_semaphore, #tpu.memory_space<semaphore_mem>>) src(%dma_wait3A_151 : memref<32768x1024xf32, #tpu.memory_space<hbm>>) dst(%arg7 : memref<32x1024xf32, #tpu.memory_space<vmem>>)
    %add3A_152 = arith.constant 224 : i32
    %add3A_153 = arith.addi %mul3A_2, %add3A_152 : i32
    %dma_start3A_154 = arith.constant 0 : i32
    %dma_start3A_155 = tpu.memref_slice %arg4[%add3A_153, %dma_start3A_154] : memref<16384x1024xf32, #tpu.memory_space<hbm>> -> memref<32x1024xf32, #tpu.memory_space<hbm>>
    %dma_start3A_156 = arith.constant 0 : i32
    %dma_start3A_157 = tpu.memref_slice %arg4[%add3A_153, %dma_start3A_156] : memref<16384x1024xf32, #tpu.memory_space<hbm>> -> memref<32x1024xf32, #tpu.memory_space<hbm>>
    tpu.enqueue_dma source(%arg7 : memref<32x1024xf32, #tpu.memory_space<vmem>>) target(%dma_start3A_157 : memref<32x1024xf32, #tpu.memory_space<hbm>>) target_semaphore(%arg13 : memref<!tpu.dma_semaphore, #tpu.memory_space<semaphore_mem>>)
    %dma_wait3A_158 = arith.constant 0 : i32
    %dma_wait3A_159 = tpu.memref_slice %arg4[%add3A_133, %dma_wait3A_158] : memref<16384x1024xf32, #tpu.memory_space<hbm>> -> memref<32x1024xf32, #tpu.memory_space<hbm>>
    %dma_wait3A_160 = arith.constant 0 : i32
    %dma_wait3A_161 = tpu.memref_slice %arg4[%add3A_133, %dma_wait3A_160] : memref<16384x1024xf32, #tpu.memory_space<hbm>> -> memref<32x1024xf32, #tpu.memory_space<hbm>>
    tpu.wait_dma2 semaphore(%arg12 : memref<!tpu.dma_semaphore, #tpu.memory_space<semaphore_mem>>) src(%arg6 : memref<32x1024xf32, #tpu.memory_space<vmem>>) dst(%dma_wait3A_161 : memref<32x1024xf32, #tpu.memory_space<hbm>>)
    %dma_start3A_162 = arith.constant 288 : i32
    %dma_start3A_163 = tpu.memref_slice %arg5[%dma_start3A_162] : memref<512xi32, #tpu.memory_space<vmem>> -> memref<32xi32, #tpu.memory_space<vmem>>
    %dma_start3A_164 = arith.constant 0 : i32
    %dma_start3A_165 = arith.constant 0 : i32
    %dma_start3A_166 = tpu.memref_slice %arg2[%dma_start3A_164, %dma_start3A_165] : memref<32768x1024xf32, #tpu.memory_space<hbm>> -> memref<32768x1024xf32, #tpu.memory_space<hbm>>
    tpu.enqueue_indirect_dma source(%dma_start3A_166 : memref<32768x1024xf32, #tpu.memory_space<hbm>>) target(%arg6 : memref<32x1024xf32, #tpu.memory_space<vmem>>) offsets(%dma_start3A_163 : memref<32xi32, #tpu.memory_space<vmem>>) semaphore(%arg9 : memref<!tpu.dma_semaphore, #tpu.memory_space<semaphore_mem>>)
    %dma_wait3A_167 = arith.constant 256 : i32
    %dma_wait3A_168 = tpu.memref_slice %arg5[%dma_wait3A_167] : memref<512xi32, #tpu.memory_space<vmem>> -> memref<32xi32, #tpu.memory_space<vmem>>
    %dma_wait3A_169 = arith.constant 0 : i32
    %dma_wait3A_170 = arith.constant 0 : i32
    %dma_wait3A_171 = tpu.memref_slice %arg2[%dma_wait3A_169, %dma_wait3A_170] : memref<32768x1024xf32, #tpu.memory_space<hbm>> -> memref<32768x1024xf32, #tpu.memory_space<hbm>>
    tpu.wait_indirect_dma semaphore(%arg11 : memref<!tpu.dma_semaphore, #tpu.memory_space<semaphore_mem>>) src(%dma_wait3A_171 : memref<32768x1024xf32, #tpu.memory_space<hbm>>) dst(%arg8 : memref<32x1024xf32, #tpu.memory_space<vmem>>)
    %add3A_172 = arith.constant 256 : i32
    %add3A_173 = arith.addi %mul3A_2, %add3A_172 : i32
    %dma_start3A_174 = arith.constant 0 : i32
    %dma_start3A_175 = tpu.memref_slice %arg4[%add3A_173, %dma_start3A_174] : memref<16384x1024xf32, #tpu.memory_space<hbm>> -> memref<32x1024xf32, #tpu.memory_space<hbm>>
    %dma_start3A_176 = arith.constant 0 : i32
    %dma_start3A_177 = tpu.memref_slice %arg4[%add3A_173, %dma_start3A_176] : memref<16384x1024xf32, #tpu.memory_space<hbm>> -> memref<32x1024xf32, #tpu.memory_space<hbm>>
    tpu.enqueue_dma source(%arg8 : memref<32x1024xf32, #tpu.memory_space<vmem>>) target(%dma_start3A_177 : memref<32x1024xf32, #tpu.memory_space<hbm>>) target_semaphore(%arg14 : memref<!tpu.dma_semaphore, #tpu.memory_space<semaphore_mem>>)
    %dma_wait3A_178 = arith.constant 0 : i32
    %dma_wait3A_179 = tpu.memref_slice %arg4[%add3A_153, %dma_wait3A_178] : memref<16384x1024xf32, #tpu.memory_space<hbm>> -> memref<32x1024xf32, #tpu.memory_space<hbm>>
    %dma_wait3A_180 = arith.constant 0 : i32
    %dma_wait3A_181 = tpu.memref_slice %arg4[%add3A_153, %dma_wait3A_180] : memref<16384x1024xf32, #tpu.memory_space<hbm>> -> memref<32x1024xf32, #tpu.memory_space<hbm>>
    tpu.wait_dma2 semaphore(%arg13 : memref<!tpu.dma_semaphore, #tpu.memory_space<semaphore_mem>>) src(%arg7 : memref<32x1024xf32, #tpu.memory_space<vmem>>) dst(%dma_wait3A_181 : memref<32x1024xf32, #tpu.memory_space<hbm>>)
    %dma_start3A_182 = arith.constant 320 : i32
    %dma_start3A_183 = tpu.memref_slice %arg5[%dma_start3A_182] : memref<512xi32, #tpu.memory_space<vmem>> -> memref<32xi32, #tpu.memory_space<vmem>>
    %dma_start3A_184 = arith.constant 0 : i32
    %dma_start3A_185 = arith.constant 0 : i32
    %dma_start3A_186 = tpu.memref_slice %arg2[%dma_start3A_184, %dma_start3A_185] : memref<32768x1024xf32, #tpu.memory_space<hbm>> -> memref<32768x1024xf32, #tpu.memory_space<hbm>>
    tpu.enqueue_indirect_dma source(%dma_start3A_186 : memref<32768x1024xf32, #tpu.memory_space<hbm>>) target(%arg7 : memref<32x1024xf32, #tpu.memory_space<vmem>>) offsets(%dma_start3A_183 : memref<32xi32, #tpu.memory_space<vmem>>) semaphore(%arg10 : memref<!tpu.dma_semaphore, #tpu.memory_space<semaphore_mem>>)
    %dma_wait3A_187 = arith.constant 288 : i32
    %dma_wait3A_188 = tpu.memref_slice %arg5[%dma_wait3A_187] : memref<512xi32, #tpu.memory_space<vmem>> -> memref<32xi32, #tpu.memory_space<vmem>>
    %dma_wait3A_189 = arith.constant 0 : i32
    %dma_wait3A_190 = arith.constant 0 : i32
    %dma_wait3A_191 = tpu.memref_slice %arg2[%dma_wait3A_189, %dma_wait3A_190] : memref<32768x1024xf32, #tpu.memory_space<hbm>> -> memref<32768x1024xf32, #tpu.memory_space<hbm>>
    tpu.wait_indirect_dma semaphore(%arg9 : memref<!tpu.dma_semaphore, #tpu.memory_space<semaphore_mem>>) src(%dma_wait3A_191 : memref<32768x1024xf32, #tpu.memory_space<hbm>>) dst(%arg6 : memref<32x1024xf32, #tpu.memory_space<vmem>>)
    %add3A_192 = arith.constant 288 : i32
    %add3A_193 = arith.addi %mul3A_2, %add3A_192 : i32
    %dma_start3A_194 = arith.constant 0 : i32
    %dma_start3A_195 = tpu.memref_slice %arg4[%add3A_193, %dma_start3A_194] : memref<16384x1024xf32, #tpu.memory_space<hbm>> -> memref<32x1024xf32, #tpu.memory_space<hbm>>
    %dma_start3A_196 = arith.constant 0 : i32
    %dma_start3A_197 = tpu.memref_slice %arg4[%add3A_193, %dma_start3A_196] : memref<16384x1024xf32, #tpu.memory_space<hbm>> -> memref<32x1024xf32, #tpu.memory_space<hbm>>
    tpu.enqueue_dma source(%arg6 : memref<32x1024xf32, #tpu.memory_space<vmem>>) target(%dma_start3A_197 : memref<32x1024xf32, #tpu.memory_space<hbm>>) target_semaphore(%arg12 : memref<!tpu.dma_semaphore, #tpu.memory_space<semaphore_mem>>)
    %dma_wait3A_198 = arith.constant 0 : i32
    %dma_wait3A_199 = tpu.memref_slice %arg4[%add3A_173, %dma_wait3A_198] : memref<16384x1024xf32, #tpu.memory_space<hbm>> -> memref<32x1024xf32, #tpu.memory_space<hbm>>
    %dma_wait3A_200 = arith.constant 0 : i32
    %dma_wait3A_201 = tpu.memref_slice %arg4[%add3A_173, %dma_wait3A_200] : memref<16384x1024xf32, #tpu.memory_space<hbm>> -> memref<32x1024xf32, #tpu.memory_space<hbm>>
    tpu.wait_dma2 semaphore(%arg14 : memref<!tpu.dma_semaphore, #tpu.memory_space<semaphore_mem>>) src(%arg8 : memref<32x1024xf32, #tpu.memory_space<vmem>>) dst(%dma_wait3A_201 : memref<32x1024xf32, #tpu.memory_space<hbm>>)
    %dma_start3A_202 = arith.constant 352 : i32
    %dma_start3A_203 = tpu.memref_slice %arg5[%dma_start3A_202] : memref<512xi32, #tpu.memory_space<vmem>> -> memref<32xi32, #tpu.memory_space<vmem>>
    %dma_start3A_204 = arith.constant 0 : i32
    %dma_start3A_205 = arith.constant 0 : i32
    %dma_start3A_206 = tpu.memref_slice %arg2[%dma_start3A_204, %dma_start3A_205] : memref<32768x1024xf32, #tpu.memory_space<hbm>> -> memref<32768x1024xf32, #tpu.memory_space<hbm>>
    tpu.enqueue_indirect_dma source(%dma_start3A_206 : memref<32768x1024xf32, #tpu.memory_space<hbm>>) target(%arg8 : memref<32x1024xf32, #tpu.memory_space<vmem>>) offsets(%dma_start3A_203 : memref<32xi32, #tpu.memory_space<vmem>>) semaphore(%arg11 : memref<!tpu.dma_semaphore, #tpu.memory_space<semaphore_mem>>)
    %dma_wait3A_207 = arith.constant 320 : i32
    %dma_wait3A_208 = tpu.memref_slice %arg5[%dma_wait3A_207] : memref<512xi32, #tpu.memory_space<vmem>> -> memref<32xi32, #tpu.memory_space<vmem>>
    %dma_wait3A_209 = arith.constant 0 : i32
    %dma_wait3A_210 = arith.constant 0 : i32
    %dma_wait3A_211 = tpu.memref_slice %arg2[%dma_wait3A_209, %dma_wait3A_210] : memref<32768x1024xf32, #tpu.memory_space<hbm>> -> memref<32768x1024xf32, #tpu.memory_space<hbm>>
    tpu.wait_indirect_dma semaphore(%arg10 : memref<!tpu.dma_semaphore, #tpu.memory_space<semaphore_mem>>) src(%dma_wait3A_211 : memref<32768x1024xf32, #tpu.memory_space<hbm>>) dst(%arg7 : memref<32x1024xf32, #tpu.memory_space<vmem>>)
    %add3A_212 = arith.constant 320 : i32
    %add3A_213 = arith.addi %mul3A_2, %add3A_212 : i32
    %dma_start3A_214 = arith.constant 0 : i32
    %dma_start3A_215 = tpu.memref_slice %arg4[%add3A_213, %dma_start3A_214] : memref<16384x1024xf32, #tpu.memory_space<hbm>> -> memref<32x1024xf32, #tpu.memory_space<hbm>>
    %dma_start3A_216 = arith.constant 0 : i32
    %dma_start3A_217 = tpu.memref_slice %arg4[%add3A_213, %dma_start3A_216] : memref<16384x1024xf32, #tpu.memory_space<hbm>> -> memref<32x1024xf32, #tpu.memory_space<hbm>>
    tpu.enqueue_dma source(%arg7 : memref<32x1024xf32, #tpu.memory_space<vmem>>) target(%dma_start3A_217 : memref<32x1024xf32, #tpu.memory_space<hbm>>) target_semaphore(%arg13 : memref<!tpu.dma_semaphore, #tpu.memory_space<semaphore_mem>>)
    %dma_wait3A_218 = arith.constant 0 : i32
    %dma_wait3A_219 = tpu.memref_slice %arg4[%add3A_193, %dma_wait3A_218] : memref<16384x1024xf32, #tpu.memory_space<hbm>> -> memref<32x1024xf32, #tpu.memory_space<hbm>>
    %dma_wait3A_220 = arith.constant 0 : i32
    %dma_wait3A_221 = tpu.memref_slice %arg4[%add3A_193, %dma_wait3A_220] : memref<16384x1024xf32, #tpu.memory_space<hbm>> -> memref<32x1024xf32, #tpu.memory_space<hbm>>
    tpu.wait_dma2 semaphore(%arg12 : memref<!tpu.dma_semaphore, #tpu.memory_space<semaphore_mem>>) src(%arg6 : memref<32x1024xf32, #tpu.memory_space<vmem>>) dst(%dma_wait3A_221 : memref<32x1024xf32, #tpu.memory_space<hbm>>)
    %dma_start3A_222 = arith.constant 384 : i32
    %dma_start3A_223 = tpu.memref_slice %arg5[%dma_start3A_222] : memref<512xi32, #tpu.memory_space<vmem>> -> memref<32xi32, #tpu.memory_space<vmem>>
    %dma_start3A_224 = arith.constant 0 : i32
    %dma_start3A_225 = arith.constant 0 : i32
    %dma_start3A_226 = tpu.memref_slice %arg2[%dma_start3A_224, %dma_start3A_225] : memref<32768x1024xf32, #tpu.memory_space<hbm>> -> memref<32768x1024xf32, #tpu.memory_space<hbm>>
    tpu.enqueue_indirect_dma source(%dma_start3A_226 : memref<32768x1024xf32, #tpu.memory_space<hbm>>) target(%arg6 : memref<32x1024xf32, #tpu.memory_space<vmem>>) offsets(%dma_start3A_223 : memref<32xi32, #tpu.memory_space<vmem>>) semaphore(%arg9 : memref<!tpu.dma_semaphore, #tpu.memory_space<semaphore_mem>>)
    %dma_wait3A_227 = arith.constant 352 : i32
    %dma_wait3A_228 = tpu.memref_slice %arg5[%dma_wait3A_227] : memref<512xi32, #tpu.memory_space<vmem>> -> memref<32xi32, #tpu.memory_space<vmem>>
    %dma_wait3A_229 = arith.constant 0 : i32
    %dma_wait3A_230 = arith.constant 0 : i32
    %dma_wait3A_231 = tpu.memref_slice %arg2[%dma_wait3A_229, %dma_wait3A_230] : memref<32768x1024xf32, #tpu.memory_space<hbm>> -> memref<32768x1024xf32, #tpu.memory_space<hbm>>
    tpu.wait_indirect_dma semaphore(%arg11 : memref<!tpu.dma_semaphore, #tpu.memory_space<semaphore_mem>>) src(%dma_wait3A_231 : memref<32768x1024xf32, #tpu.memory_space<hbm>>) dst(%arg8 : memref<32x1024xf32, #tpu.memory_space<vmem>>)
    %add3A_232 = arith.constant 352 : i32
    %add3A_233 = arith.addi %mul3A_2, %add3A_232 : i32
    %dma_start3A_234 = arith.constant 0 : i32
    %dma_start3A_235 = tpu.memref_slice %arg4[%add3A_233, %dma_start3A_234] : memref<16384x1024xf32, #tpu.memory_space<hbm>> -> memref<32x1024xf32, #tpu.memory_space<hbm>>
    %dma_start3A_236 = arith.constant 0 : i32
    %dma_start3A_237 = tpu.memref_slice %arg4[%add3A_233, %dma_start3A_236] : memref<16384x1024xf32, #tpu.memory_space<hbm>> -> memref<32x1024xf32, #tpu.memory_space<hbm>>
    tpu.enqueue_dma source(%arg8 : memref<32x1024xf32, #tpu.memory_space<vmem>>) target(%dma_start3A_237 : memref<32x1024xf32, #tpu.memory_space<hbm>>) target_semaphore(%arg14 : memref<!tpu.dma_semaphore, #tpu.memory_space<semaphore_mem>>)
    %dma_wait3A_238 = arith.constant 0 : i32
    %dma_wait3A_239 = tpu.memref_slice %arg4[%add3A_213, %dma_wait3A_238] : memref<16384x1024xf32, #tpu.memory_space<hbm>> -> memref<32x1024xf32, #tpu.memory_space<hbm>>
    %dma_wait3A_240 = arith.constant 0 : i32
    %dma_wait3A_241 = tpu.memref_slice %arg4[%add3A_213, %dma_wait3A_240] : memref<16384x1024xf32, #tpu.memory_space<hbm>> -> memref<32x1024xf32, #tpu.memory_space<hbm>>
    tpu.wait_dma2 semaphore(%arg13 : memref<!tpu.dma_semaphore, #tpu.memory_space<semaphore_mem>>) src(%arg7 : memref<32x1024xf32, #tpu.memory_space<vmem>>) dst(%dma_wait3A_241 : memref<32x1024xf32, #tpu.memory_space<hbm>>)
    %dma_start3A_242 = arith.constant 416 : i32
    %dma_start3A_243 = tpu.memref_slice %arg5[%dma_start3A_242] : memref<512xi32, #tpu.memory_space<vmem>> -> memref<32xi32, #tpu.memory_space<vmem>>
    %dma_start3A_244 = arith.constant 0 : i32
    %dma_start3A_245 = arith.constant 0 : i32
    %dma_start3A_246 = tpu.memref_slice %arg2[%dma_start3A_244, %dma_start3A_245] : memref<32768x1024xf32, #tpu.memory_space<hbm>> -> memref<32768x1024xf32, #tpu.memory_space<hbm>>
    tpu.enqueue_indirect_dma source(%dma_start3A_246 : memref<32768x1024xf32, #tpu.memory_space<hbm>>) target(%arg7 : memref<32x1024xf32, #tpu.memory_space<vmem>>) offsets(%dma_start3A_243 : memref<32xi32, #tpu.memory_space<vmem>>) semaphore(%arg10 : memref<!tpu.dma_semaphore, #tpu.memory_space<semaphore_mem>>)
    %dma_wait3A_247 = arith.constant 384 : i32
    %dma_wait3A_248 = tpu.memref_slice %arg5[%dma_wait3A_247] : memref<512xi32, #tpu.memory_space<vmem>> -> memref<32xi32, #tpu.memory_space<vmem>>
    %dma_wait3A_249 = arith.constant 0 : i32
    %dma_wait3A_250 = arith.constant 0 : i32
    %dma_wait3A_251 = tpu.memref_slice %arg2[%dma_wait3A_249, %dma_wait3A_250] : memref<32768x1024xf32, #tpu.memory_space<hbm>> -> memref<32768x1024xf32, #tpu.memory_space<hbm>>
    tpu.wait_indirect_dma semaphore(%arg9 : memref<!tpu.dma_semaphore, #tpu.memory_space<semaphore_mem>>) src(%dma_wait3A_251 : memref<32768x1024xf32, #tpu.memory_space<hbm>>) dst(%arg6 : memref<32x1024xf32, #tpu.memory_space<vmem>>)
    %add3A_252 = arith.constant 384 : i32
    %add3A_253 = arith.addi %mul3A_2, %add3A_252 : i32
    %dma_start3A_254 = arith.constant 0 : i32
    %dma_start3A_255 = tpu.memref_slice %arg4[%add3A_253, %dma_start3A_254] : memref<16384x1024xf32, #tpu.memory_space<hbm>> -> memref<32x1024xf32, #tpu.memory_space<hbm>>
    %dma_start3A_256 = arith.constant 0 : i32
    %dma_start3A_257 = tpu.memref_slice %arg4[%add3A_253, %dma_start3A_256] : memref<16384x1024xf32, #tpu.memory_space<hbm>> -> memref<32x1024xf32, #tpu.memory_space<hbm>>
    tpu.enqueue_dma source(%arg6 : memref<32x1024xf32, #tpu.memory_space<vmem>>) target(%dma_start3A_257 : memref<32x1024xf32, #tpu.memory_space<hbm>>) target_semaphore(%arg12 : memref<!tpu.dma_semaphore, #tpu.memory_space<semaphore_mem>>)
    %dma_wait3A_258 = arith.constant 0 : i32
    %dma_wait3A_259 = tpu.memref_slice %arg4[%add3A_233, %dma_wait3A_258] : memref<16384x1024xf32, #tpu.memory_space<hbm>> -> memref<32x1024xf32, #tpu.memory_space<hbm>>
    %dma_wait3A_260 = arith.constant 0 : i32
    %dma_wait3A_261 = tpu.memref_slice %arg4[%add3A_233, %dma_wait3A_260] : memref<16384x1024xf32, #tpu.memory_space<hbm>> -> memref<32x1024xf32, #tpu.memory_space<hbm>>
    tpu.wait_dma2 semaphore(%arg14 : memref<!tpu.dma_semaphore, #tpu.memory_space<semaphore_mem>>) src(%arg8 : memref<32x1024xf32, #tpu.memory_space<vmem>>) dst(%dma_wait3A_261 : memref<32x1024xf32, #tpu.memory_space<hbm>>)
    %dma_start3A_262 = arith.constant 448 : i32
    %dma_start3A_263 = tpu.memref_slice %arg5[%dma_start3A_262] : memref<512xi32, #tpu.memory_space<vmem>> -> memref<32xi32, #tpu.memory_space<vmem>>
    %dma_start3A_264 = arith.constant 0 : i32
    %dma_start3A_265 = arith.constant 0 : i32
    %dma_start3A_266 = tpu.memref_slice %arg2[%dma_start3A_264, %dma_start3A_265] : memref<32768x1024xf32, #tpu.memory_space<hbm>> -> memref<32768x1024xf32, #tpu.memory_space<hbm>>
    tpu.enqueue_indirect_dma source(%dma_start3A_266 : memref<32768x1024xf32, #tpu.memory_space<hbm>>) target(%arg8 : memref<32x1024xf32, #tpu.memory_space<vmem>>) offsets(%dma_start3A_263 : memref<32xi32, #tpu.memory_space<vmem>>) semaphore(%arg11 : memref<!tpu.dma_semaphore, #tpu.memory_space<semaphore_mem>>)
    %dma_wait3A_267 = arith.constant 416 : i32
    %dma_wait3A_268 = tpu.memref_slice %arg5[%dma_wait3A_267] : memref<512xi32, #tpu.memory_space<vmem>> -> memref<32xi32, #tpu.memory_space<vmem>>
    %dma_wait3A_269 = arith.constant 0 : i32
    %dma_wait3A_270 = arith.constant 0 : i32
    %dma_wait3A_271 = tpu.memref_slice %arg2[%dma_wait3A_269, %dma_wait3A_270] : memref<32768x1024xf32, #tpu.memory_space<hbm>> -> memref<32768x1024xf32, #tpu.memory_space<hbm>>
    tpu.wait_indirect_dma semaphore(%arg10 : memref<!tpu.dma_semaphore, #tpu.memory_space<semaphore_mem>>) src(%dma_wait3A_271 : memref<32768x1024xf32, #tpu.memory_space<hbm>>) dst(%arg7 : memref<32x1024xf32, #tpu.memory_space<vmem>>)
    %add3A_272 = arith.constant 416 : i32
    %add3A_273 = arith.addi %mul3A_2, %add3A_272 : i32
    %dma_start3A_274 = arith.constant 0 : i32
    %dma_start3A_275 = tpu.memref_slice %arg4[%add3A_273, %dma_start3A_274] : memref<16384x1024xf32, #tpu.memory_space<hbm>> -> memref<32x1024xf32, #tpu.memory_space<hbm>>
    %dma_start3A_276 = arith.constant 0 : i32
    %dma_start3A_277 = tpu.memref_slice %arg4[%add3A_273, %dma_start3A_276] : memref<16384x1024xf32, #tpu.memory_space<hbm>> -> memref<32x1024xf32, #tpu.memory_space<hbm>>
    tpu.enqueue_dma source(%arg7 : memref<32x1024xf32, #tpu.memory_space<vmem>>) target(%dma_start3A_277 : memref<32x1024xf32, #tpu.memory_space<hbm>>) target_semaphore(%arg13 : memref<!tpu.dma_semaphore, #tpu.memory_space<semaphore_mem>>)
    %dma_wait3A_278 = arith.constant 0 : i32
    %dma_wait3A_279 = tpu.memref_slice %arg4[%add3A_253, %dma_wait3A_278] : memref<16384x1024xf32, #tpu.memory_space<hbm>> -> memref<32x1024xf32, #tpu.memory_space<hbm>>
    %dma_wait3A_280 = arith.constant 0 : i32
    %dma_wait3A_281 = tpu.memref_slice %arg4[%add3A_253, %dma_wait3A_280] : memref<16384x1024xf32, #tpu.memory_space<hbm>> -> memref<32x1024xf32, #tpu.memory_space<hbm>>
    tpu.wait_dma2 semaphore(%arg12 : memref<!tpu.dma_semaphore, #tpu.memory_space<semaphore_mem>>) src(%arg6 : memref<32x1024xf32, #tpu.memory_space<vmem>>) dst(%dma_wait3A_281 : memref<32x1024xf32, #tpu.memory_space<hbm>>)
    %dma_start3A_282 = arith.constant 480 : i32
    %dma_start3A_283 = tpu.memref_slice %arg5[%dma_start3A_282] : memref<512xi32, #tpu.memory_space<vmem>> -> memref<32xi32, #tpu.memory_space<vmem>>
    %dma_start3A_284 = arith.constant 0 : i32
    %dma_start3A_285 = arith.constant 0 : i32
    %dma_start3A_286 = tpu.memref_slice %arg2[%dma_start3A_284, %dma_start3A_285] : memref<32768x1024xf32, #tpu.memory_space<hbm>> -> memref<32768x1024xf32, #tpu.memory_space<hbm>>
    tpu.enqueue_indirect_dma source(%dma_start3A_286 : memref<32768x1024xf32, #tpu.memory_space<hbm>>) target(%arg6 : memref<32x1024xf32, #tpu.memory_space<vmem>>) offsets(%dma_start3A_283 : memref<32xi32, #tpu.memory_space<vmem>>) semaphore(%arg9 : memref<!tpu.dma_semaphore, #tpu.memory_space<semaphore_mem>>)
    %dma_wait3A_287 = arith.constant 448 : i32
    %dma_wait3A_288 = tpu.memref_slice %arg5[%dma_wait3A_287] : memref<512xi32, #tpu.memory_space<vmem>> -> memref<32xi32, #tpu.memory_space<vmem>>
    %dma_wait3A_289 = arith.constant 0 : i32
    %dma_wait3A_290 = arith.constant 0 : i32
    %dma_wait3A_291 = tpu.memref_slice %arg2[%dma_wait3A_289, %dma_wait3A_290] : memref<32768x1024xf32, #tpu.memory_space<hbm>> -> memref<32768x1024xf32, #tpu.memory_space<hbm>>
    tpu.wait_indirect_dma semaphore(%arg11 : memref<!tpu.dma_semaphore, #tpu.memory_space<semaphore_mem>>) src(%dma_wait3A_291 : memref<32768x1024xf32, #tpu.memory_space<hbm>>) dst(%arg8 : memref<32x1024xf32, #tpu.memory_space<vmem>>)
    %add3A_292 = arith.constant 448 : i32
    %add3A_293 = arith.addi %mul3A_2, %add3A_292 : i32
    %dma_start3A_294 = arith.constant 0 : i32
    %dma_start3A_295 = tpu.memref_slice %arg4[%add3A_293, %dma_start3A_294] : memref<16384x1024xf32, #tpu.memory_space<hbm>> -> memref<32x1024xf32, #tpu.memory_space<hbm>>
    %dma_start3A_296 = arith.constant 0 : i32
    %dma_start3A_297 = tpu.memref_slice %arg4[%add3A_293, %dma_start3A_296] : memref<16384x1024xf32, #tpu.memory_space<hbm>> -> memref<32x1024xf32, #tpu.memory_space<hbm>>
    tpu.enqueue_dma source(%arg8 : memref<32x1024xf32, #tpu.memory_space<vmem>>) target(%dma_start3A_297 : memref<32x1024xf32, #tpu.memory_space<hbm>>) target_semaphore(%arg14 : memref<!tpu.dma_semaphore, #tpu.memory_space<semaphore_mem>>)
    %dma_wait3A_298 = arith.constant 480 : i32
    %dma_wait3A_299 = tpu.memref_slice %arg5[%dma_wait3A_298] : memref<512xi32, #tpu.memory_space<vmem>> -> memref<32xi32, #tpu.memory_space<vmem>>
    %dma_wait3A_300 = arith.constant 0 : i32
    %dma_wait3A_301 = arith.constant 0 : i32
    %dma_wait3A_302 = tpu.memref_slice %arg2[%dma_wait3A_300, %dma_wait3A_301] : memref<32768x1024xf32, #tpu.memory_space<hbm>> -> memref<32768x1024xf32, #tpu.memory_space<hbm>>
    tpu.wait_indirect_dma semaphore(%arg9 : memref<!tpu.dma_semaphore, #tpu.memory_space<semaphore_mem>>) src(%dma_wait3A_302 : memref<32768x1024xf32, #tpu.memory_space<hbm>>) dst(%arg6 : memref<32x1024xf32, #tpu.memory_space<vmem>>)
    %add3A_303 = arith.constant 480 : i32
    %add3A_304 = arith.addi %mul3A_2, %add3A_303 : i32
    %dma_start3A_305 = arith.constant 0 : i32
    %dma_start3A_306 = tpu.memref_slice %arg4[%add3A_304, %dma_start3A_305] : memref<16384x1024xf32, #tpu.memory_space<hbm>> -> memref<32x1024xf32, #tpu.memory_space<hbm>>
    %dma_start3A_307 = arith.constant 0 : i32
    %dma_start3A_308 = tpu.memref_slice %arg4[%add3A_304, %dma_start3A_307] : memref<16384x1024xf32, #tpu.memory_space<hbm>> -> memref<32x1024xf32, #tpu.memory_space<hbm>>
    tpu.enqueue_dma source(%arg6 : memref<32x1024xf32, #tpu.memory_space<vmem>>) target(%dma_start3A_308 : memref<32x1024xf32, #tpu.memory_space<hbm>>) target_semaphore(%arg12 : memref<!tpu.dma_semaphore, #tpu.memory_space<semaphore_mem>>)
    %dma_wait3A_309 = arith.constant 0 : i32
    %dma_wait3A_310 = tpu.memref_slice %arg4[%add3A_273, %dma_wait3A_309] : memref<16384x1024xf32, #tpu.memory_space<hbm>> -> memref<32x1024xf32, #tpu.memory_space<hbm>>
    %dma_wait3A_311 = arith.constant 0 : i32
    %dma_wait3A_312 = tpu.memref_slice %arg4[%add3A_273, %dma_wait3A_311] : memref<16384x1024xf32, #tpu.memory_space<hbm>> -> memref<32x1024xf32, #tpu.memory_space<hbm>>
    tpu.wait_dma2 semaphore(%arg13 : memref<!tpu.dma_semaphore, #tpu.memory_space<semaphore_mem>>) src(%arg7 : memref<32x1024xf32, #tpu.memory_space<vmem>>) dst(%dma_wait3A_312 : memref<32x1024xf32, #tpu.memory_space<hbm>>)
    %dma_wait3A_313 = arith.constant 0 : i32
    %dma_wait3A_314 = tpu.memref_slice %arg4[%add3A_293, %dma_wait3A_313] : memref<16384x1024xf32, #tpu.memory_space<hbm>> -> memref<32x1024xf32, #tpu.memory_space<hbm>>
    %dma_wait3A_315 = arith.constant 0 : i32
    %dma_wait3A_316 = tpu.memref_slice %arg4[%add3A_293, %dma_wait3A_315] : memref<16384x1024xf32, #tpu.memory_space<hbm>> -> memref<32x1024xf32, #tpu.memory_space<hbm>>
    tpu.wait_dma2 semaphore(%arg14 : memref<!tpu.dma_semaphore, #tpu.memory_space<semaphore_mem>>) src(%arg8 : memref<32x1024xf32, #tpu.memory_space<vmem>>) dst(%dma_wait3A_316 : memref<32x1024xf32, #tpu.memory_space<hbm>>)
    %dma_wait3A_317 = arith.constant 0 : i32
    %dma_wait3A_318 = tpu.memref_slice %arg4[%add3A_304, %dma_wait3A_317] : memref<16384x1024xf32, #tpu.memory_space<hbm>> -> memref<32x1024xf32, #tpu.memory_space<hbm>>
    %dma_wait3A_319 = arith.constant 0 : i32
    %dma_wait3A_320 = tpu.memref_slice %arg4[%add3A_304, %dma_wait3A_319] : memref<16384x1024xf32, #tpu.memory_space<hbm>> -> memref<32x1024xf32, #tpu.memory_space<hbm>>
    tpu.wait_dma2 semaphore(%arg12 : memref<!tpu.dma_semaphore, #tpu.memory_space<semaphore_mem>>) src(%arg6 : memref<32x1024xf32, #tpu.memory_space<vmem>>) dst(%dma_wait3A_320 : memref<32x1024xf32, #tpu.memory_space<hbm>>)
    return
  }
}

module attributes {stable_mosaic.version = 14 : i64} {
  func.func @_attn_kernel(%arg0: i32, %arg1: memref<512x1024xbf16, #tpu.memory_space<vmem>>, %arg2: memref<1024x1024xf32, #tpu.memory_space<vmem>>, %arg3: memref<1024x1024xf32, #tpu.memory_space<vmem>>, %arg4: memref<1x1x1024xi32, #tpu.memory_space<vmem>>, %arg5: memref<32xi32, #tpu.memory_space<smem>>, %arg6: memref<32x1024xf32, #tpu.memory_space<vmem>>, %arg7: memref<32x1024xf32, #tpu.memory_space<vmem>>, %arg8: memref<32x1024xf32, #tpu.memory_space<vmem>>, %arg9: memref<32x1024xf32, #tpu.memory_space<vmem>>, %arg10: memref<512x1xf32, #tpu.memory_space<vmem>>, %arg11: memref<512x1xf32, #tpu.memory_space<vmem>>, %arg12: memref<512x64xf32, #tpu.memory_space<vmem>>, %arg13: memref<512x64xbf16, #tpu.memory_space<vmem>>) attributes {dimension_semantics = [#tpu.dimension_semantics<arbitrary>], iteration_bounds = array<i64: 16>, scalar_prefetch = 0 : i64, scratch_operands = 4 : i64, tpu.core_type = #tpu.core_type<tc>, window_params = [{pipeline_mode = #tpu.pipeline_mode<synchronous>, transform_indices = @transform_0, window_bounds = array<i64: 512, 1024>}, {transform_indices = @transform_1, window_bounds = array<i64: 1024, 1024>}, {transform_indices = @transform_2, window_bounds = array<i64: 1024, 1024>}, {transform_indices = @transform_3, window_bounds = array<i64: 1, 1, 1024>}, {transform_indices = @transform_4, window_bounds = array<i64: 32>}, {pipeline_mode = #tpu.pipeline_mode<synchronous>, transform_indices = @transform_5, window_bounds = array<i64: 32, 1024>}, {pipeline_mode = #tpu.pipeline_mode<synchronous>, transform_indices = @transform_6, window_bounds = array<i64: 32, 1024>}, {transform_indices = @transform_7, window_bounds = array<i64: 32, 1024>}, {pipeline_mode = #tpu.pipeline_mode<synchronous>, transform_indices = @transform_8, window_bounds = array<i64: 32, 1024>}]} {
    %eq3A = arith.constant 0 : i32
    %eq3A_0 = arith.cmpi eq, %arg0, %eq3A : i32
    %convert_element_type3A = arith.extui %eq3A_0 : i1 to i32
    %cond3A = arith.constant 0 : i32
    %cond3A_1 = arith.cmpi ne, %convert_element_type3A, %cond3A : i32
    scf.if %cond3A_1 {
      %broadcast_in_dim3A_476 = arith.constant -1.000000e+30 : f32
      %broadcast_in_dim3A_477 = vector.broadcast %broadcast_in_dim3A_476 : f32 to vector<512x1xf32>
      %swap3A_478 = arith.constant 0 : index
      %swap3A_479 = arith.constant 0 : index
      %swap3A_480 = vector.load %arg10[%swap3A_478, %swap3A_479] : memref<512x1xf32, #tpu.memory_space<vmem>>, vector<512x1xf32>
      tpu.vector_store %arg10[%swap3A_478, %swap3A_479], %broadcast_in_dim3A_477 {strides = array<i32>} : memref<512x1xf32, #tpu.memory_space<vmem>>, vector<512x1xf32>,
      %broadcast_in_dim3A_481 = arith.constant 0.000000e+00 : f32
      %broadcast_in_dim3A_482 = vector.broadcast %broadcast_in_dim3A_481 : f32 to vector<512x1xf32>
      %swap3A_483 = arith.constant 0 : index
      %swap3A_484 = arith.constant 0 : index
      %swap3A_485 = vector.load %arg11[%swap3A_483, %swap3A_484] : memref<512x1xf32, #tpu.memory_space<vmem>>, vector<512x1xf32>
      tpu.vector_store %arg11[%swap3A_483, %swap3A_484], %broadcast_in_dim3A_482 {strides = array<i32>} : memref<512x1xf32, #tpu.memory_space<vmem>>, vector<512x1xf32>,
      %broadcast_in_dim3A_486 = arith.constant 0.000000e+00 : f32
      %broadcast_in_dim3A_487 = vector.broadcast %broadcast_in_dim3A_486 : f32 to vector<512x64xf32>
      %swap3A_488 = arith.constant 0 : index
      %swap3A_489 = arith.constant 0 : index
      %swap3A_490 = vector.load %arg12[%swap3A_488, %swap3A_489] : memref<512x64xf32, #tpu.memory_space<vmem>>, vector<512x64xf32>
      tpu.vector_store %arg12[%swap3A_488, %swap3A_489], %broadcast_in_dim3A_487 {strides = array<i32>} : memref<512x64xf32, #tpu.memory_space<vmem>>, vector<512x64xf32>,
      %iota3A_491 = tpu.iota {dimensions = array<i32: 0>} : vector<512x32xi32>
      %iota3A_492 = tpu.iota {dimensions = array<i32: 1>} : vector<512x32xi32>
      %rem3A = arith.constant 32 : i32
      %rem3A_493 = vector.broadcast %rem3A : i32 to vector<512x32xi32>
      %rem3A_494 = arith.remsi %iota3A_491, %rem3A_493 : vector<512x32xi32>
      %eq3A_495 = arith.cmpi eq, %rem3A_494, %iota3A_492 : vector<512x32xi32>
      %convert_element_type3A_496 = arith.extui %eq3A_495 : vector<512x32xi1> to vector<512x32xi32>
      %convert_element_type3A_497 = arith.sitofp %convert_element_type3A_496 : vector<512x32xi32> to vector<512x32xf32>
      %convert_element_type3A_498 = arith.truncf %convert_element_type3A_497 : vector<512x32xf32> to vector<512x32xbf16>
      %get3A_499 = arith.constant 0 : index
      %get3A_500 = arith.constant 0 : index
      %get3A_501 = vector.load %arg1[%get3A_499, %get3A_500] : memref<512x1024xbf16, #tpu.memory_space<vmem>>, vector<512x1024xbf16>
      %get3A_502 = arith.constant 0 : index
      %get3A_503 = arith.constant 0 : index
      %get3A_504 = vector.load %arg6[%get3A_502, %get3A_503] : memref<32x1024xf32, #tpu.memory_space<vmem>>, vector<32x1024xf32>
      %convert_element_type3A_505 = arith.truncf %get3A_504 : vector<32x1024xf32> to vector<32x1024xbf16>
      %dot_general3A_506 = arith.constant dense<0.000000e+00> : vector<512x32xf32>
      %dot_general3A_507 = tpu.matmul %get3A_501, %convert_element_type3A_505, %dot_general3A_506 {dimension_numbers = #tpu.dot_dimension_numbers<[1], [1], [0], [0], [0, 0, 1, 0], [], []>, transpose_lhs_hint = false} : vector<512x1024xbf16>, vector<32x1024xbf16>, vector<512x32xf32> -> vector<512x32xf32>
      %convert_element_type3A_508 = arith.truncf %dot_general3A_507 : vector<512x32xf32> to vector<512x32xbf16>
      %concatenate3A_509 = tpu.concatenate %convert_element_type3A_498, %convert_element_type3A_508 in 1 : vector<512x32xbf16>, vector<512x32xbf16> -> vector<512x64xbf16>
      %swap3A_510 = arith.constant 0 : index
      %swap3A_511 = arith.constant 0 : index
      %swap3A_512 = vector.load %arg13[%swap3A_510, %swap3A_511] : memref<512x64xbf16, #tpu.memory_space<vmem>>, vector<512x64xbf16>
      tpu.vector_store %arg13[%swap3A_510, %swap3A_511], %concatenate3A_509 {strides = array<i32>} : memref<512x64xbf16, #tpu.memory_space<vmem>>, vector<512x64xbf16>,
    } else {
    }
    %get3A = arith.constant 0 : index
    %get3A_2 = arith.constant 0 : index
    %get3A_3 = arith.constant 0 : index
    %get3A_4 = vector.load %arg4[%get3A, %get3A_2, %get3A_3] : memref<1x1x1024xi32, #tpu.memory_space<vmem>>, vector<1x1x1024xi32>
    %get3A_5 = vector.shape_cast %get3A_4 : vector<1x1x1024xi32> to vector<1x1024xi32>
    %broadcast_in_dim3A = arith.constant -1 : i32
    %broadcast_in_dim3A_6 = vector.broadcast %broadcast_in_dim3A : i32 to vector<1x1024xi32>
    %get3A_7 = arith.constant 0 : index
    %get3A_8 = memref.load %arg5[%get3A_7] : memref<32xi32, #tpu.memory_space<smem>>
    %eq3A_9 = vector.broadcast %get3A_8 : i32 to vector<1x1024xi32>
    %eq3A_10 = arith.cmpi eq, %get3A_5, %eq3A_9 : vector<1x1024xi32>
    %jit3A = arith.constant 0 : i32
    %broadcast_in_dim3A_11 = vector.broadcast %jit3A : i32 to vector<1x1024xi32>
    %select_n3A = arith.select %eq3A_10, %broadcast_in_dim3A_11, %broadcast_in_dim3A_6 : vector<1x1024xi1>, vector<1x1024xi32>
    %get3A_12 = arith.constant 1 : index
    %get3A_13 = memref.load %arg5[%get3A_12] : memref<32xi32, #tpu.memory_space<smem>>
    %eq3A_14 = vector.broadcast %get3A_13 : i32 to vector<1x1024xi32>
    %eq3A_15 = arith.cmpi eq, %get3A_5, %eq3A_14 : vector<1x1024xi32>
    %jit3A_16 = arith.constant 1 : i32
    %broadcast_in_dim3A_17 = vector.broadcast %jit3A_16 : i32 to vector<1x1024xi32>
    %select_n3A_18 = arith.select %eq3A_15, %broadcast_in_dim3A_17, %select_n3A : vector<1x1024xi1>, vector<1x1024xi32>
    %get3A_19 = arith.constant 2 : index
    %get3A_20 = memref.load %arg5[%get3A_19] : memref<32xi32, #tpu.memory_space<smem>>
    %eq3A_21 = vector.broadcast %get3A_20 : i32 to vector<1x1024xi32>
    %eq3A_22 = arith.cmpi eq, %get3A_5, %eq3A_21 : vector<1x1024xi32>
    %jit3A_23 = arith.constant 2 : i32
    %broadcast_in_dim3A_24 = vector.broadcast %jit3A_23 : i32 to vector<1x1024xi32>
    %select_n3A_25 = arith.select %eq3A_22, %broadcast_in_dim3A_24, %select_n3A_18 : vector<1x1024xi1>, vector<1x1024xi32>
    %get3A_26 = arith.constant 3 : index
    %get3A_27 = memref.load %arg5[%get3A_26] : memref<32xi32, #tpu.memory_space<smem>>
    %eq3A_28 = vector.broadcast %get3A_27 : i32 to vector<1x1024xi32>
    %eq3A_29 = arith.cmpi eq, %get3A_5, %eq3A_28 : vector<1x1024xi32>
    %jit3A_30 = arith.constant 3 : i32
    %broadcast_in_dim3A_31 = vector.broadcast %jit3A_30 : i32 to vector<1x1024xi32>
    %select_n3A_32 = arith.select %eq3A_29, %broadcast_in_dim3A_31, %select_n3A_25 : vector<1x1024xi1>, vector<1x1024xi32>
    %get3A_33 = arith.constant 4 : index
    %get3A_34 = memref.load %arg5[%get3A_33] : memref<32xi32, #tpu.memory_space<smem>>
    %eq3A_35 = vector.broadcast %get3A_34 : i32 to vector<1x1024xi32>
    %eq3A_36 = arith.cmpi eq, %get3A_5, %eq3A_35 : vector<1x1024xi32>
    %jit3A_37 = arith.constant 4 : i32
    %broadcast_in_dim3A_38 = vector.broadcast %jit3A_37 : i32 to vector<1x1024xi32>
    %select_n3A_39 = arith.select %eq3A_36, %broadcast_in_dim3A_38, %select_n3A_32 : vector<1x1024xi1>, vector<1x1024xi32>
    %get3A_40 = arith.constant 5 : index
    %get3A_41 = memref.load %arg5[%get3A_40] : memref<32xi32, #tpu.memory_space<smem>>
    %eq3A_42 = vector.broadcast %get3A_41 : i32 to vector<1x1024xi32>
    %eq3A_43 = arith.cmpi eq, %get3A_5, %eq3A_42 : vector<1x1024xi32>
    %jit3A_44 = arith.constant 5 : i32
    %broadcast_in_dim3A_45 = vector.broadcast %jit3A_44 : i32 to vector<1x1024xi32>
    %select_n3A_46 = arith.select %eq3A_43, %broadcast_in_dim3A_45, %select_n3A_39 : vector<1x1024xi1>, vector<1x1024xi32>
    %get3A_47 = arith.constant 6 : index
    %get3A_48 = memref.load %arg5[%get3A_47] : memref<32xi32, #tpu.memory_space<smem>>
    %eq3A_49 = vector.broadcast %get3A_48 : i32 to vector<1x1024xi32>
    %eq3A_50 = arith.cmpi eq, %get3A_5, %eq3A_49 : vector<1x1024xi32>
    %jit3A_51 = arith.constant 6 : i32
    %broadcast_in_dim3A_52 = vector.broadcast %jit3A_51 : i32 to vector<1x1024xi32>
    %select_n3A_53 = arith.select %eq3A_50, %broadcast_in_dim3A_52, %select_n3A_46 : vector<1x1024xi1>, vector<1x1024xi32>
    %get3A_54 = arith.constant 7 : index
    %get3A_55 = memref.load %arg5[%get3A_54] : memref<32xi32, #tpu.memory_space<smem>>
    %eq3A_56 = vector.broadcast %get3A_55 : i32 to vector<1x1024xi32>
    %eq3A_57 = arith.cmpi eq, %get3A_5, %eq3A_56 : vector<1x1024xi32>
    %jit3A_58 = arith.constant 7 : i32
    %broadcast_in_dim3A_59 = vector.broadcast %jit3A_58 : i32 to vector<1x1024xi32>
    %select_n3A_60 = arith.select %eq3A_57, %broadcast_in_dim3A_59, %select_n3A_53 : vector<1x1024xi1>, vector<1x1024xi32>
    %get3A_61 = arith.constant 8 : index
    %get3A_62 = memref.load %arg5[%get3A_61] : memref<32xi32, #tpu.memory_space<smem>>
    %eq3A_63 = vector.broadcast %get3A_62 : i32 to vector<1x1024xi32>
    %eq3A_64 = arith.cmpi eq, %get3A_5, %eq3A_63 : vector<1x1024xi32>
    %jit3A_65 = arith.constant 8 : i32
    %broadcast_in_dim3A_66 = vector.broadcast %jit3A_65 : i32 to vector<1x1024xi32>
    %select_n3A_67 = arith.select %eq3A_64, %broadcast_in_dim3A_66, %select_n3A_60 : vector<1x1024xi1>, vector<1x1024xi32>
    %get3A_68 = arith.constant 9 : index
    %get3A_69 = memref.load %arg5[%get3A_68] : memref<32xi32, #tpu.memory_space<smem>>
    %eq3A_70 = vector.broadcast %get3A_69 : i32 to vector<1x1024xi32>
    %eq3A_71 = arith.cmpi eq, %get3A_5, %eq3A_70 : vector<1x1024xi32>
    %jit3A_72 = arith.constant 9 : i32
    %broadcast_in_dim3A_73 = vector.broadcast %jit3A_72 : i32 to vector<1x1024xi32>
    %select_n3A_74 = arith.select %eq3A_71, %broadcast_in_dim3A_73, %select_n3A_67 : vector<1x1024xi1>, vector<1x1024xi32>
    %get3A_75 = arith.constant 10 : index
    %get3A_76 = memref.load %arg5[%get3A_75] : memref<32xi32, #tpu.memory_space<smem>>
    %eq3A_77 = vector.broadcast %get3A_76 : i32 to vector<1x1024xi32>
    %eq3A_78 = arith.cmpi eq, %get3A_5, %eq3A_77 : vector<1x1024xi32>
    %jit3A_79 = arith.constant 10 : i32
    %broadcast_in_dim3A_80 = vector.broadcast %jit3A_79 : i32 to vector<1x1024xi32>
    %select_n3A_81 = arith.select %eq3A_78, %broadcast_in_dim3A_80, %select_n3A_74 : vector<1x1024xi1>, vector<1x1024xi32>
    %get3A_82 = arith.constant 11 : index
    %get3A_83 = memref.load %arg5[%get3A_82] : memref<32xi32, #tpu.memory_space<smem>>
    %eq3A_84 = vector.broadcast %get3A_83 : i32 to vector<1x1024xi32>
    %eq3A_85 = arith.cmpi eq, %get3A_5, %eq3A_84 : vector<1x1024xi32>
    %jit3A_86 = arith.constant 11 : i32
    %broadcast_in_dim3A_87 = vector.broadcast %jit3A_86 : i32 to vector<1x1024xi32>
    %select_n3A_88 = arith.select %eq3A_85, %broadcast_in_dim3A_87, %select_n3A_81 : vector<1x1024xi1>, vector<1x1024xi32>
    %get3A_89 = arith.constant 12 : index
    %get3A_90 = memref.load %arg5[%get3A_89] : memref<32xi32, #tpu.memory_space<smem>>
    %eq3A_91 = vector.broadcast %get3A_90 : i32 to vector<1x1024xi32>
    %eq3A_92 = arith.cmpi eq, %get3A_5, %eq3A_91 : vector<1x1024xi32>
    %jit3A_93 = arith.constant 12 : i32
    %broadcast_in_dim3A_94 = vector.broadcast %jit3A_93 : i32 to vector<1x1024xi32>
    %select_n3A_95 = arith.select %eq3A_92, %broadcast_in_dim3A_94, %select_n3A_88 : vector<1x1024xi1>, vector<1x1024xi32>
    %get3A_96 = arith.constant 13 : index
    %get3A_97 = memref.load %arg5[%get3A_96] : memref<32xi32, #tpu.memory_space<smem>>
    %eq3A_98 = vector.broadcast %get3A_97 : i32 to vector<1x1024xi32>
    %eq3A_99 = arith.cmpi eq, %get3A_5, %eq3A_98 : vector<1x1024xi32>
    %jit3A_100 = arith.constant 13 : i32
    %broadcast_in_dim3A_101 = vector.broadcast %jit3A_100 : i32 to vector<1x1024xi32>
    %select_n3A_102 = arith.select %eq3A_99, %broadcast_in_dim3A_101, %select_n3A_95 : vector<1x1024xi1>, vector<1x1024xi32>
    %get3A_103 = arith.constant 14 : index
    %get3A_104 = memref.load %arg5[%get3A_103] : memref<32xi32, #tpu.memory_space<smem>>
    %eq3A_105 = vector.broadcast %get3A_104 : i32 to vector<1x1024xi32>
    %eq3A_106 = arith.cmpi eq, %get3A_5, %eq3A_105 : vector<1x1024xi32>
    %jit3A_107 = arith.constant 14 : i32
    %broadcast_in_dim3A_108 = vector.broadcast %jit3A_107 : i32 to vector<1x1024xi32>
    %select_n3A_109 = arith.select %eq3A_106, %broadcast_in_dim3A_108, %select_n3A_102 : vector<1x1024xi1>, vector<1x1024xi32>
    %get3A_110 = arith.constant 15 : index
    %get3A_111 = memref.load %arg5[%get3A_110] : memref<32xi32, #tpu.memory_space<smem>>
    %eq3A_112 = vector.broadcast %get3A_111 : i32 to vector<1x1024xi32>
    %eq3A_113 = arith.cmpi eq, %get3A_5, %eq3A_112 : vector<1x1024xi32>
    %jit3A_114 = arith.constant 15 : i32
    %broadcast_in_dim3A_115 = vector.broadcast %jit3A_114 : i32 to vector<1x1024xi32>
    %select_n3A_116 = arith.select %eq3A_113, %broadcast_in_dim3A_115, %select_n3A_109 : vector<1x1024xi1>, vector<1x1024xi32>
    %get3A_117 = arith.constant 16 : index
    %get3A_118 = memref.load %arg5[%get3A_117] : memref<32xi32, #tpu.memory_space<smem>>
    %eq3A_119 = vector.broadcast %get3A_118 : i32 to vector<1x1024xi32>
    %eq3A_120 = arith.cmpi eq, %get3A_5, %eq3A_119 : vector<1x1024xi32>
    %jit3A_121 = arith.constant 16 : i32
    %broadcast_in_dim3A_122 = vector.broadcast %jit3A_121 : i32 to vector<1x1024xi32>
    %select_n3A_123 = arith.select %eq3A_120, %broadcast_in_dim3A_122, %select_n3A_116 : vector<1x1024xi1>, vector<1x1024xi32>
    %get3A_124 = arith.constant 17 : index
    %get3A_125 = memref.load %arg5[%get3A_124] : memref<32xi32, #tpu.memory_space<smem>>
    %eq3A_126 = vector.broadcast %get3A_125 : i32 to vector<1x1024xi32>
    %eq3A_127 = arith.cmpi eq, %get3A_5, %eq3A_126 : vector<1x1024xi32>
    %jit3A_128 = arith.constant 17 : i32
    %broadcast_in_dim3A_129 = vector.broadcast %jit3A_128 : i32 to vector<1x1024xi32>
    %select_n3A_130 = arith.select %eq3A_127, %broadcast_in_dim3A_129, %select_n3A_123 : vector<1x1024xi1>, vector<1x1024xi32>
    %get3A_131 = arith.constant 18 : index
    %get3A_132 = memref.load %arg5[%get3A_131] : memref<32xi32, #tpu.memory_space<smem>>
    %eq3A_133 = vector.broadcast %get3A_132 : i32 to vector<1x1024xi32>
    %eq3A_134 = arith.cmpi eq, %get3A_5, %eq3A_133 : vector<1x1024xi32>
    %jit3A_135 = arith.constant 18 : i32
    %broadcast_in_dim3A_136 = vector.broadcast %jit3A_135 : i32 to vector<1x1024xi32>
    %select_n3A_137 = arith.select %eq3A_134, %broadcast_in_dim3A_136, %select_n3A_130 : vector<1x1024xi1>, vector<1x1024xi32>
    %get3A_138 = arith.constant 19 : index
    %get3A_139 = memref.load %arg5[%get3A_138] : memref<32xi32, #tpu.memory_space<smem>>
    %eq3A_140 = vector.broadcast %get3A_139 : i32 to vector<1x1024xi32>
    %eq3A_141 = arith.cmpi eq, %get3A_5, %eq3A_140 : vector<1x1024xi32>
    %jit3A_142 = arith.constant 19 : i32
    %broadcast_in_dim3A_143 = vector.broadcast %jit3A_142 : i32 to vector<1x1024xi32>
    %select_n3A_144 = arith.select %eq3A_141, %broadcast_in_dim3A_143, %select_n3A_137 : vector<1x1024xi1>, vector<1x1024xi32>
    %get3A_145 = arith.constant 20 : index
    %get3A_146 = memref.load %arg5[%get3A_145] : memref<32xi32, #tpu.memory_space<smem>>
    %eq3A_147 = vector.broadcast %get3A_146 : i32 to vector<1x1024xi32>
    %eq3A_148 = arith.cmpi eq, %get3A_5, %eq3A_147 : vector<1x1024xi32>
    %jit3A_149 = arith.constant 20 : i32
    %broadcast_in_dim3A_150 = vector.broadcast %jit3A_149 : i32 to vector<1x1024xi32>
    %select_n3A_151 = arith.select %eq3A_148, %broadcast_in_dim3A_150, %select_n3A_144 : vector<1x1024xi1>, vector<1x1024xi32>
    %get3A_152 = arith.constant 21 : index
    %get3A_153 = memref.load %arg5[%get3A_152] : memref<32xi32, #tpu.memory_space<smem>>
    %eq3A_154 = vector.broadcast %get3A_153 : i32 to vector<1x1024xi32>
    %eq3A_155 = arith.cmpi eq, %get3A_5, %eq3A_154 : vector<1x1024xi32>
    %jit3A_156 = arith.constant 21 : i32
    %broadcast_in_dim3A_157 = vector.broadcast %jit3A_156 : i32 to vector<1x1024xi32>
    %select_n3A_158 = arith.select %eq3A_155, %broadcast_in_dim3A_157, %select_n3A_151 : vector<1x1024xi1>, vector<1x1024xi32>
    %get3A_159 = arith.constant 22 : index
    %get3A_160 = memref.load %arg5[%get3A_159] : memref<32xi32, #tpu.memory_space<smem>>
    %eq3A_161 = vector.broadcast %get3A_160 : i32 to vector<1x1024xi32>
    %eq3A_162 = arith.cmpi eq, %get3A_5, %eq3A_161 : vector<1x1024xi32>
    %jit3A_163 = arith.constant 22 : i32
    %broadcast_in_dim3A_164 = vector.broadcast %jit3A_163 : i32 to vector<1x1024xi32>
    %select_n3A_165 = arith.select %eq3A_162, %broadcast_in_dim3A_164, %select_n3A_158 : vector<1x1024xi1>, vector<1x1024xi32>
    %get3A_166 = arith.constant 23 : index
    %get3A_167 = memref.load %arg5[%get3A_166] : memref<32xi32, #tpu.memory_space<smem>>
    %eq3A_168 = vector.broadcast %get3A_167 : i32 to vector<1x1024xi32>
    %eq3A_169 = arith.cmpi eq, %get3A_5, %eq3A_168 : vector<1x1024xi32>
    %jit3A_170 = arith.constant 23 : i32
    %broadcast_in_dim3A_171 = vector.broadcast %jit3A_170 : i32 to vector<1x1024xi32>
    %select_n3A_172 = arith.select %eq3A_169, %broadcast_in_dim3A_171, %select_n3A_165 : vector<1x1024xi1>, vector<1x1024xi32>
    %get3A_173 = arith.constant 24 : index
    %get3A_174 = memref.load %arg5[%get3A_173] : memref<32xi32, #tpu.memory_space<smem>>
    %eq3A_175 = vector.broadcast %get3A_174 : i32 to vector<1x1024xi32>
    %eq3A_176 = arith.cmpi eq, %get3A_5, %eq3A_175 : vector<1x1024xi32>
    %jit3A_177 = arith.constant 24 : i32
    %broadcast_in_dim3A_178 = vector.broadcast %jit3A_177 : i32 to vector<1x1024xi32>
    %select_n3A_179 = arith.select %eq3A_176, %broadcast_in_dim3A_178, %select_n3A_172 : vector<1x1024xi1>, vector<1x1024xi32>
    %get3A_180 = arith.constant 25 : index
    %get3A_181 = memref.load %arg5[%get3A_180] : memref<32xi32, #tpu.memory_space<smem>>
    %eq3A_182 = vector.broadcast %get3A_181 : i32 to vector<1x1024xi32>
    %eq3A_183 = arith.cmpi eq, %get3A_5, %eq3A_182 : vector<1x1024xi32>
    %jit3A_184 = arith.constant 25 : i32
    %broadcast_in_dim3A_185 = vector.broadcast %jit3A_184 : i32 to vector<1x1024xi32>
    %select_n3A_186 = arith.select %eq3A_183, %broadcast_in_dim3A_185, %select_n3A_179 : vector<1x1024xi1>, vector<1x1024xi32>
    %get3A_187 = arith.constant 26 : index
    %get3A_188 = memref.load %arg5[%get3A_187] : memref<32xi32, #tpu.memory_space<smem>>
    %eq3A_189 = vector.broadcast %get3A_188 : i32 to vector<1x1024xi32>
    %eq3A_190 = arith.cmpi eq, %get3A_5, %eq3A_189 : vector<1x1024xi32>
    %jit3A_191 = arith.constant 26 : i32
    %broadcast_in_dim3A_192 = vector.broadcast %jit3A_191 : i32 to vector<1x1024xi32>
    %select_n3A_193 = arith.select %eq3A_190, %broadcast_in_dim3A_192, %select_n3A_186 : vector<1x1024xi1>, vector<1x1024xi32>
    %get3A_194 = arith.constant 27 : index
    %get3A_195 = memref.load %arg5[%get3A_194] : memref<32xi32, #tpu.memory_space<smem>>
    %eq3A_196 = vector.broadcast %get3A_195 : i32 to vector<1x1024xi32>
    %eq3A_197 = arith.cmpi eq, %get3A_5, %eq3A_196 : vector<1x1024xi32>
    %jit3A_198 = arith.constant 27 : i32
    %broadcast_in_dim3A_199 = vector.broadcast %jit3A_198 : i32 to vector<1x1024xi32>
    %select_n3A_200 = arith.select %eq3A_197, %broadcast_in_dim3A_199, %select_n3A_193 : vector<1x1024xi1>, vector<1x1024xi32>
    %get3A_201 = arith.constant 28 : index
    %get3A_202 = memref.load %arg5[%get3A_201] : memref<32xi32, #tpu.memory_space<smem>>
    %eq3A_203 = vector.broadcast %get3A_202 : i32 to vector<1x1024xi32>
    %eq3A_204 = arith.cmpi eq, %get3A_5, %eq3A_203 : vector<1x1024xi32>
    %jit3A_205 = arith.constant 28 : i32
    %broadcast_in_dim3A_206 = vector.broadcast %jit3A_205 : i32 to vector<1x1024xi32>
    %select_n3A_207 = arith.select %eq3A_204, %broadcast_in_dim3A_206, %select_n3A_200 : vector<1x1024xi1>, vector<1x1024xi32>
    %get3A_208 = arith.constant 29 : index
    %get3A_209 = memref.load %arg5[%get3A_208] : memref<32xi32, #tpu.memory_space<smem>>
    %eq3A_210 = vector.broadcast %get3A_209 : i32 to vector<1x1024xi32>
    %eq3A_211 = arith.cmpi eq, %get3A_5, %eq3A_210 : vector<1x1024xi32>
    %jit3A_212 = arith.constant 29 : i32
    %broadcast_in_dim3A_213 = vector.broadcast %jit3A_212 : i32 to vector<1x1024xi32>
    %select_n3A_214 = arith.select %eq3A_211, %broadcast_in_dim3A_213, %select_n3A_207 : vector<1x1024xi1>, vector<1x1024xi32>
    %get3A_215 = arith.constant 30 : index
    %get3A_216 = memref.load %arg5[%get3A_215] : memref<32xi32, #tpu.memory_space<smem>>
    %eq3A_217 = vector.broadcast %get3A_216 : i32 to vector<1x1024xi32>
    %eq3A_218 = arith.cmpi eq, %get3A_5, %eq3A_217 : vector<1x1024xi32>
    %jit3A_219 = arith.constant 30 : i32
    %broadcast_in_dim3A_220 = vector.broadcast %jit3A_219 : i32 to vector<1x1024xi32>
    %select_n3A_221 = arith.select %eq3A_218, %broadcast_in_dim3A_220, %select_n3A_214 : vector<1x1024xi1>, vector<1x1024xi32>
    %get3A_222 = arith.constant 31 : index
    %get3A_223 = memref.load %arg5[%get3A_222] : memref<32xi32, #tpu.memory_space<smem>>
    %eq3A_224 = vector.broadcast %get3A_223 : i32 to vector<1x1024xi32>
    %eq3A_225 = arith.cmpi eq, %get3A_5, %eq3A_224 : vector<1x1024xi32>
    %jit3A_226 = arith.constant 31 : i32
    %broadcast_in_dim3A_227 = vector.broadcast %jit3A_226 : i32 to vector<1x1024xi32>
    %select_n3A_228 = arith.select %eq3A_225, %broadcast_in_dim3A_227, %select_n3A_221 : vector<1x1024xi1>, vector<1x1024xi32>
    %lt3A = arith.constant 0 : i32
    %lt3A_229 = vector.broadcast %lt3A : i32 to vector<1x1024xi32>
    %lt3A_230 = arith.cmpi slt, %select_n3A_228, %lt3A_229 : vector<1x1024xi32>
    %convert_element_type3A_231 = arith.extui %lt3A_230 : vector<1x1024xi1> to vector<1x1024xi32>
    %convert_element_type3A_232 = arith.sitofp %convert_element_type3A_231 : vector<1x1024xi32> to vector<1x1024xf32>
    %iota3A = tpu.iota {dimensions = array<i32: 0>} : vector<32x1024xi32>
    %eq3A_233 = vector.broadcast %select_n3A_228 : vector<1x1024xi32> to vector<32x1024xi32>
    %eq3A_234 = arith.cmpi eq, %iota3A, %eq3A_233 : vector<32x1024xi32>
    %convert_element_type3A_235 = arith.extui %eq3A_234 : vector<32x1024xi1> to vector<32x1024xi32>
    %convert_element_type3A_236 = arith.sitofp %convert_element_type3A_235 : vector<32x1024xi32> to vector<32x1024xf32>
    %convert_element_type3A_237 = arith.truncf %convert_element_type3A_236 : vector<32x1024xf32> to vector<32x1024xbf16>
    %get3A_238 = arith.constant 0 : index
    %get3A_239 = arith.constant 0 : index
    %get3A_240 = vector.load %arg2[%get3A_238, %get3A_239] : memref<1024x1024xf32, #tpu.memory_space<vmem>>, vector<1024x1024xf32>
    %convert_element_type3A_241 = arith.truncf %get3A_240 : vector<1024x1024xf32> to vector<1024x1024xbf16>
    %get3A_242 = arith.constant 0 : index
    %get3A_243 = arith.constant 0 : index
    %get3A_244 = vector.load %arg3[%get3A_242, %get3A_243] : memref<1024x1024xf32, #tpu.memory_space<vmem>>, vector<1024x1024xf32>
    %convert_element_type3A_245 = arith.truncf %get3A_244 : vector<1024x1024xf32> to vector<1024x1024xbf16>
    %get3A_246 = arith.constant 0 : index
    %get3A_247 = arith.constant 0 : index
    %get3A_248 = vector.load %arg1[%get3A_246, %get3A_247] : memref<512x1024xbf16, #tpu.memory_space<vmem>>, vector<512x1024xbf16>
    %dot_general3A = arith.constant dense<0.000000e+00> : vector<512x1024xf32>
    %dot_general3A_249 = tpu.matmul %get3A_248, %convert_element_type3A_241, %dot_general3A {dimension_numbers = #tpu.dot_dimension_numbers<[1], [1], [0], [0], [0, 0, 1, 0], [], []>, transpose_lhs_hint = false} : vector<512x1024xbf16>, vector<1024x1024xbf16>, vector<512x1024xf32> -> vector<512x1024xf32>
    %get3A_250 = arith.constant 0 : index
    %get3A_251 = arith.constant 0 : index
    %get3A_252 = vector.load %arg8[%get3A_250, %get3A_251] : memref<32x1024xf32, #tpu.memory_space<vmem>>, vector<32x1024xf32>
    %convert_element_type3A_253 = arith.truncf %get3A_252 : vector<32x1024xf32> to vector<32x1024xbf16>
    %concatenate3A = tpu.concatenate %convert_element_type3A_253, %convert_element_type3A_237 in 0 : vector<32x1024xbf16>, vector<32x1024xbf16> -> vector<64x1024xbf16>
    %mul3A = vector.broadcast %convert_element_type3A_232 : vector<1x1024xf32> to vector<512x1024xf32>
    %mul3A_254 = arith.mulf %dot_general3A_249, %mul3A : vector<512x1024xf32>
    %get3A_255 = arith.constant 0 : index
    %get3A_256 = arith.constant 0 : index
    %get3A_257 = vector.load %arg13[%get3A_255, %get3A_256] : memref<512x64xbf16, #tpu.memory_space<vmem>>, vector<512x64xbf16>
    %dot_general3A_258 = arith.constant dense<0.000000e+00> : vector<512x1024xf32>
    %dot_general3A_259 = tpu.matmul %get3A_257, %concatenate3A, %dot_general3A_258 {dimension_numbers = #tpu.dot_dimension_numbers<[1], [0], [0], [1], [0, 0, 1, 1], [], []>, transpose_lhs_hint = false} : vector<512x64xbf16>, vector<64x1024xbf16>, vector<512x1024xf32> -> vector<512x1024xf32>
    %add3A = arith.addf %mul3A_254, %dot_general3A_259 : vector<512x1024xf32>
    %get3A_260 = arith.constant 0 : index
    %get3A_261 = arith.constant 0 : index
    %get3A_262 = vector.load %arg10[%get3A_260, %get3A_261] : memref<512x1xf32, #tpu.memory_space<vmem>>, vector<512x1xf32>
    %reduce_max3A = arith.constant dense<0xFF800000> : vector<512xf32>
    %reduce_max3A_263 = vector.multi_reduction <maximumf>, %add3A, %reduce_max3A [1] : vector<512x1024xf32> to vector<512xf32>
    %broadcast_in_dim3A_264 = vector.shape_cast %reduce_max3A_263 : vector<512xf32> to vector<512x1xf32>
    %max3A = arith.maximumf %get3A_262, %broadcast_in_dim3A_264 : vector<512x1xf32>
    %sub3A = arith.subf %get3A_262, %max3A : vector<512x1xf32>
    %exp3A = math.exp %sub3A : vector<512x1xf32>
    %sub3A_265 = vector.broadcast %max3A : vector<512x1xf32> to vector<512x1024xf32>
    %sub3A_266 = arith.subf %add3A, %sub3A_265 : vector<512x1024xf32>
    %exp3A_267 = math.exp %sub3A_266 : vector<512x1024xf32>
    %get3A_268 = arith.constant 0 : index
    %get3A_269 = arith.constant 0 : index
    %get3A_270 = vector.load %arg11[%get3A_268, %get3A_269] : memref<512x1xf32, #tpu.memory_space<vmem>>, vector<512x1xf32>
    %mul3A_271 = arith.mulf %exp3A, %get3A_270 : vector<512x1xf32>
    %reduce_sum3A = arith.constant dense<0.000000e+00> : vector<512xf32>
    %reduce_sum3A_272 = vector.multi_reduction <add>, %exp3A_267, %reduce_sum3A [1] : vector<512x1024xf32> to vector<512xf32>
    %broadcast_in_dim3A_273 = vector.shape_cast %reduce_sum3A_272 : vector<512xf32> to vector<512x1xf32>
    %add3A_274 = arith.addf %mul3A_271, %broadcast_in_dim3A_273 : vector<512x1xf32>
    %swap3A = arith.constant 0 : index
    %swap3A_275 = arith.constant 0 : index
    %swap3A_276 = vector.load %arg11[%swap3A, %swap3A_275] : memref<512x1xf32, #tpu.memory_space<vmem>>, vector<512x1xf32>
    tpu.vector_store %arg11[%swap3A, %swap3A_275], %add3A_274 {strides = array<i32>} : memref<512x1xf32, #tpu.memory_space<vmem>>, vector<512x1xf32>,
    %swap3A_277 = arith.constant 0 : index
    %swap3A_278 = arith.constant 0 : index
    %swap3A_279 = vector.load %arg10[%swap3A_277, %swap3A_278] : memref<512x1xf32, #tpu.memory_space<vmem>>, vector<512x1xf32>
    tpu.vector_store %arg10[%swap3A_277, %swap3A_278], %max3A {strides = array<i32>} : memref<512x1xf32, #tpu.memory_space<vmem>>, vector<512x1xf32>,
    %mul3A_280 = vector.broadcast %convert_element_type3A_232 : vector<1x1024xf32> to vector<512x1024xf32>
    %mul3A_281 = arith.mulf %exp3A_267, %mul3A_280 : vector<512x1024xf32>
    %convert_element_type3A_282 = arith.truncf %mul3A_281 : vector<512x1024xf32> to vector<512x1024xbf16>
    %convert_element_type3A_283 = arith.truncf %exp3A_267 : vector<512x1024xf32> to vector<512x1024xbf16>
    %dot_general3A_284 = arith.constant dense<0.000000e+00> : vector<512x32xf32>
    %dot_general3A_285 = tpu.matmul %convert_element_type3A_283, %convert_element_type3A_237, %dot_general3A_284 {dimension_numbers = #tpu.dot_dimension_numbers<[1], [1], [0], [0], [0, 0, 1, 0], [], []>, transpose_lhs_hint = false} : vector<512x1024xbf16>, vector<32x1024xbf16>, vector<512x32xf32> -> vector<512x32xf32>
    %dot_general3A_286 = arith.constant dense<0.000000e+00> : vector<512x1024xf32>
    %dot_general3A_287 = tpu.matmul %convert_element_type3A_282, %convert_element_type3A_245, %dot_general3A_286 {dimension_numbers = #tpu.dot_dimension_numbers<[1], [0], [0], [1], [0, 0, 1, 1], [], []>, transpose_lhs_hint = false} : vector<512x1024xbf16>, vector<1024x1024xbf16>, vector<512x1024xf32> -> vector<512x1024xf32>
    %convert_element_type3A_288 = arith.truncf %dot_general3A_285 : vector<512x32xf32> to vector<512x32xbf16>
    %get3A_289 = arith.constant 0 : index
    %get3A_290 = arith.constant 0 : index
    %get3A_291 = vector.load %arg7[%get3A_289, %get3A_290] : memref<32x1024xf32, #tpu.memory_space<vmem>>, vector<32x1024xf32>
    %convert_element_type3A_292 = arith.truncf %get3A_291 : vector<32x1024xf32> to vector<32x1024xbf16>
    %dot_general3A_293 = arith.constant dense<0.000000e+00> : vector<512x1024xf32>
    %dot_general3A_294 = tpu.matmul %convert_element_type3A_288, %convert_element_type3A_292, %dot_general3A_293 {dimension_numbers = #tpu.dot_dimension_numbers<[1], [0], [0], [1], [0, 0, 1, 1], [], []>, transpose_lhs_hint = false} : vector<512x32xbf16>, vector<32x1024xbf16>, vector<512x1024xf32> -> vector<512x1024xf32>
    %add3A_295 = arith.addf %dot_general3A_287, %dot_general3A_294 : vector<512x1024xf32>
    %slice3A = vector.extract_strided_slice %exp3A {offsets = [0, 0], sizes = [32, 1], strides = [1, 1]} : vector<512x1xf32> to vector<32x1xf32>
    %get3A_296 = arith.constant 0 : index
    %get3A_297 = arith.constant 0 : index
    %get3A_298 = vector.load %arg12[%get3A_296, %get3A_297] : memref<512x64xf32, #tpu.memory_space<vmem>>, vector<32x64xf32>
    %mul3A_299 = vector.broadcast %slice3A : vector<32x1xf32> to vector<32x64xf32>
    %mul3A_300 = arith.mulf %mul3A_299, %get3A_298 : vector<32x64xf32>
    %slice3A_301 = vector.extract_strided_slice %add3A_295 {offsets = [0, 0], sizes = [32, 64], strides = [1, 1]} : vector<512x1024xf32> to vector<32x64xf32>
    %add3A_302 = arith.addf %mul3A_300, %slice3A_301 : vector<32x64xf32>
    %swap3A_303 = arith.constant 0 : index
    %swap3A_304 = arith.constant 0 : index
    %swap3A_305 = vector.load %arg12[%swap3A_303, %swap3A_304] : memref<512x64xf32, #tpu.memory_space<vmem>>, vector<32x64xf32>
    tpu.vector_store %arg12[%swap3A_303, %swap3A_304], %add3A_302 {strides = array<i32>} : memref<512x64xf32, #tpu.memory_space<vmem>>, vector<32x64xf32>,
    %slice3A_306 = vector.extract_strided_slice %exp3A {offsets = [32, 0], sizes = [32, 1], strides = [1, 1]} : vector<512x1xf32> to vector<32x1xf32>
    %get3A_307 = arith.constant 32 : index
    %get3A_308 = arith.constant 0 : index
    %get3A_309 = vector.load %arg12[%get3A_307, %get3A_308] : memref<512x64xf32, #tpu.memory_space<vmem>>, vector<32x64xf32>
    %mul3A_310 = vector.broadcast %slice3A_306 : vector<32x1xf32> to vector<32x64xf32>
    %mul3A_311 = arith.mulf %mul3A_310, %get3A_309 : vector<32x64xf32>
    %slice3A_312 = vector.extract_strided_slice %add3A_295 {offsets = [32, 64], sizes = [32, 64], strides = [1, 1]} : vector<512x1024xf32> to vector<32x64xf32>
    %add3A_313 = arith.addf %mul3A_311, %slice3A_312 : vector<32x64xf32>
    %swap3A_314 = arith.constant 32 : index
    %swap3A_315 = arith.constant 0 : index
    %swap3A_316 = vector.load %arg12[%swap3A_314, %swap3A_315] : memref<512x64xf32, #tpu.memory_space<vmem>>, vector<32x64xf32>
    tpu.vector_store %arg12[%swap3A_314, %swap3A_315], %add3A_313 {strides = array<i32>} : memref<512x64xf32, #tpu.memory_space<vmem>>, vector<32x64xf32>,
    %slice3A_317 = vector.extract_strided_slice %exp3A {offsets = [64, 0], sizes = [32, 1], strides = [1, 1]} : vector<512x1xf32> to vector<32x1xf32>
    %get3A_318 = arith.constant 64 : index
    %get3A_319 = arith.constant 0 : index
    %get3A_320 = vector.load %arg12[%get3A_318, %get3A_319] : memref<512x64xf32, #tpu.memory_space<vmem>>, vector<32x64xf32>
    %mul3A_321 = vector.broadcast %slice3A_317 : vector<32x1xf32> to vector<32x64xf32>
    %mul3A_322 = arith.mulf %mul3A_321, %get3A_320 : vector<32x64xf32>
    %slice3A_323 = vector.extract_strided_slice %add3A_295 {offsets = [64, 128], sizes = [32, 64], strides = [1, 1]} : vector<512x1024xf32> to vector<32x64xf32>
    %add3A_324 = arith.addf %mul3A_322, %slice3A_323 : vector<32x64xf32>
    %swap3A_325 = arith.constant 64 : index
    %swap3A_326 = arith.constant 0 : index
    %swap3A_327 = vector.load %arg12[%swap3A_325, %swap3A_326] : memref<512x64xf32, #tpu.memory_space<vmem>>, vector<32x64xf32>
    tpu.vector_store %arg12[%swap3A_325, %swap3A_326], %add3A_324 {strides = array<i32>} : memref<512x64xf32, #tpu.memory_space<vmem>>, vector<32x64xf32>,
    %slice3A_328 = vector.extract_strided_slice %exp3A {offsets = [96, 0], sizes = [32, 1], strides = [1, 1]} : vector<512x1xf32> to vector<32x1xf32>
    %get3A_329 = arith.constant 96 : index
    %get3A_330 = arith.constant 0 : index
    %get3A_331 = vector.load %arg12[%get3A_329, %get3A_330] : memref<512x64xf32, #tpu.memory_space<vmem>>, vector<32x64xf32>
    %mul3A_332 = vector.broadcast %slice3A_328 : vector<32x1xf32> to vector<32x64xf32>
    %mul3A_333 = arith.mulf %mul3A_332, %get3A_331 : vector<32x64xf32>
    %slice3A_334 = vector.extract_strided_slice %add3A_295 {offsets = [96, 192], sizes = [32, 64], strides = [1, 1]} : vector<512x1024xf32> to vector<32x64xf32>
    %add3A_335 = arith.addf %mul3A_333, %slice3A_334 : vector<32x64xf32>
    %swap3A_336 = arith.constant 96 : index
    %swap3A_337 = arith.constant 0 : index
    %swap3A_338 = vector.load %arg12[%swap3A_336, %swap3A_337] : memref<512x64xf32, #tpu.memory_space<vmem>>, vector<32x64xf32>
    tpu.vector_store %arg12[%swap3A_336, %swap3A_337], %add3A_335 {strides = array<i32>} : memref<512x64xf32, #tpu.memory_space<vmem>>, vector<32x64xf32>,
    %slice3A_339 = vector.extract_strided_slice %exp3A {offsets = [128, 0], sizes = [32, 1], strides = [1, 1]} : vector<512x1xf32> to vector<32x1xf32>
    %get3A_340 = arith.constant 128 : index
    %get3A_341 = arith.constant 0 : index
    %get3A_342 = vector.load %arg12[%get3A_340, %get3A_341] : memref<512x64xf32, #tpu.memory_space<vmem>>, vector<32x64xf32>
    %mul3A_343 = vector.broadcast %slice3A_339 : vector<32x1xf32> to vector<32x64xf32>
    %mul3A_344 = arith.mulf %mul3A_343, %get3A_342 : vector<32x64xf32>
    %slice3A_345 = vector.extract_strided_slice %add3A_295 {offsets = [128, 256], sizes = [32, 64], strides = [1, 1]} : vector<512x1024xf32> to vector<32x64xf32>
    %add3A_346 = arith.addf %mul3A_344, %slice3A_345 : vector<32x64xf32>
    %swap3A_347 = arith.constant 128 : index
    %swap3A_348 = arith.constant 0 : index
    %swap3A_349 = vector.load %arg12[%swap3A_347, %swap3A_348] : memref<512x64xf32, #tpu.memory_space<vmem>>, vector<32x64xf32>
    tpu.vector_store %arg12[%swap3A_347, %swap3A_348], %add3A_346 {strides = array<i32>} : memref<512x64xf32, #tpu.memory_space<vmem>>, vector<32x64xf32>,
    %slice3A_350 = vector.extract_strided_slice %exp3A {offsets = [160, 0], sizes = [32, 1], strides = [1, 1]} : vector<512x1xf32> to vector<32x1xf32>
    %get3A_351 = arith.constant 160 : index
    %get3A_352 = arith.constant 0 : index
    %get3A_353 = vector.load %arg12[%get3A_351, %get3A_352] : memref<512x64xf32, #tpu.memory_space<vmem>>, vector<32x64xf32>
    %mul3A_354 = vector.broadcast %slice3A_350 : vector<32x1xf32> to vector<32x64xf32>
    %mul3A_355 = arith.mulf %mul3A_354, %get3A_353 : vector<32x64xf32>
    %slice3A_356 = vector.extract_strided_slice %add3A_295 {offsets = [160, 320], sizes = [32, 64], strides = [1, 1]} : vector<512x1024xf32> to vector<32x64xf32>
    %add3A_357 = arith.addf %mul3A_355, %slice3A_356 : vector<32x64xf32>
    %swap3A_358 = arith.constant 160 : index
    %swap3A_359 = arith.constant 0 : index
    %swap3A_360 = vector.load %arg12[%swap3A_358, %swap3A_359] : memref<512x64xf32, #tpu.memory_space<vmem>>, vector<32x64xf32>
    tpu.vector_store %arg12[%swap3A_358, %swap3A_359], %add3A_357 {strides = array<i32>} : memref<512x64xf32, #tpu.memory_space<vmem>>, vector<32x64xf32>,
    %slice3A_361 = vector.extract_strided_slice %exp3A {offsets = [192, 0], sizes = [32, 1], strides = [1, 1]} : vector<512x1xf32> to vector<32x1xf32>
    %get3A_362 = arith.constant 192 : index
    %get3A_363 = arith.constant 0 : index
    %get3A_364 = vector.load %arg12[%get3A_362, %get3A_363] : memref<512x64xf32, #tpu.memory_space<vmem>>, vector<32x64xf32>
    %mul3A_365 = vector.broadcast %slice3A_361 : vector<32x1xf32> to vector<32x64xf32>
    %mul3A_366 = arith.mulf %mul3A_365, %get3A_364 : vector<32x64xf32>
    %slice3A_367 = vector.extract_strided_slice %add3A_295 {offsets = [192, 384], sizes = [32, 64], strides = [1, 1]} : vector<512x1024xf32> to vector<32x64xf32>
    %add3A_368 = arith.addf %mul3A_366, %slice3A_367 : vector<32x64xf32>
    %swap3A_369 = arith.constant 192 : index
    %swap3A_370 = arith.constant 0 : index
    %swap3A_371 = vector.load %arg12[%swap3A_369, %swap3A_370] : memref<512x64xf32, #tpu.memory_space<vmem>>, vector<32x64xf32>
    tpu.vector_store %arg12[%swap3A_369, %swap3A_370], %add3A_368 {strides = array<i32>} : memref<512x64xf32, #tpu.memory_space<vmem>>, vector<32x64xf32>,
    %slice3A_372 = vector.extract_strided_slice %exp3A {offsets = [224, 0], sizes = [32, 1], strides = [1, 1]} : vector<512x1xf32> to vector<32x1xf32>
    %get3A_373 = arith.constant 224 : index
    %get3A_374 = arith.constant 0 : index
    %get3A_375 = vector.load %arg12[%get3A_373, %get3A_374] : memref<512x64xf32, #tpu.memory_space<vmem>>, vector<32x64xf32>
    %mul3A_376 = vector.broadcast %slice3A_372 : vector<32x1xf32> to vector<32x64xf32>
    %mul3A_377 = arith.mulf %mul3A_376, %get3A_375 : vector<32x64xf32>
    %slice3A_378 = vector.extract_strided_slice %add3A_295 {offsets = [224, 448], sizes = [32, 64], strides = [1, 1]} : vector<512x1024xf32> to vector<32x64xf32>
    %add3A_379 = arith.addf %mul3A_377, %slice3A_378 : vector<32x64xf32>
    %swap3A_380 = arith.constant 224 : index
    %swap3A_381 = arith.constant 0 : index
    %swap3A_382 = vector.load %arg12[%swap3A_380, %swap3A_381] : memref<512x64xf32, #tpu.memory_space<vmem>>, vector<32x64xf32>
    tpu.vector_store %arg12[%swap3A_380, %swap3A_381], %add3A_379 {strides = array<i32>} : memref<512x64xf32, #tpu.memory_space<vmem>>, vector<32x64xf32>,
    %slice3A_383 = vector.extract_strided_slice %exp3A {offsets = [256, 0], sizes = [32, 1], strides = [1, 1]} : vector<512x1xf32> to vector<32x1xf32>
    %get3A_384 = arith.constant 256 : index
    %get3A_385 = arith.constant 0 : index
    %get3A_386 = vector.load %arg12[%get3A_384, %get3A_385] : memref<512x64xf32, #tpu.memory_space<vmem>>, vector<32x64xf32>
    %mul3A_387 = vector.broadcast %slice3A_383 : vector<32x1xf32> to vector<32x64xf32>
    %mul3A_388 = arith.mulf %mul3A_387, %get3A_386 : vector<32x64xf32>
    %slice3A_389 = vector.extract_strided_slice %add3A_295 {offsets = [256, 512], sizes = [32, 64], strides = [1, 1]} : vector<512x1024xf32> to vector<32x64xf32>
    %add3A_390 = arith.addf %mul3A_388, %slice3A_389 : vector<32x64xf32>
    %swap3A_391 = arith.constant 256 : index
    %swap3A_392 = arith.constant 0 : index
    %swap3A_393 = vector.load %arg12[%swap3A_391, %swap3A_392] : memref<512x64xf32, #tpu.memory_space<vmem>>, vector<32x64xf32>
    tpu.vector_store %arg12[%swap3A_391, %swap3A_392], %add3A_390 {strides = array<i32>} : memref<512x64xf32, #tpu.memory_space<vmem>>, vector<32x64xf32>,
    %slice3A_394 = vector.extract_strided_slice %exp3A {offsets = [288, 0], sizes = [32, 1], strides = [1, 1]} : vector<512x1xf32> to vector<32x1xf32>
    %get3A_395 = arith.constant 288 : index
    %get3A_396 = arith.constant 0 : index
    %get3A_397 = vector.load %arg12[%get3A_395, %get3A_396] : memref<512x64xf32, #tpu.memory_space<vmem>>, vector<32x64xf32>
    %mul3A_398 = vector.broadcast %slice3A_394 : vector<32x1xf32> to vector<32x64xf32>
    %mul3A_399 = arith.mulf %mul3A_398, %get3A_397 : vector<32x64xf32>
    %slice3A_400 = vector.extract_strided_slice %add3A_295 {offsets = [288, 576], sizes = [32, 64], strides = [1, 1]} : vector<512x1024xf32> to vector<32x64xf32>
    %add3A_401 = arith.addf %mul3A_399, %slice3A_400 : vector<32x64xf32>
    %swap3A_402 = arith.constant 288 : index
    %swap3A_403 = arith.constant 0 : index
    %swap3A_404 = vector.load %arg12[%swap3A_402, %swap3A_403] : memref<512x64xf32, #tpu.memory_space<vmem>>, vector<32x64xf32>
    tpu.vector_store %arg12[%swap3A_402, %swap3A_403], %add3A_401 {strides = array<i32>} : memref<512x64xf32, #tpu.memory_space<vmem>>, vector<32x64xf32>,
    %slice3A_405 = vector.extract_strided_slice %exp3A {offsets = [320, 0], sizes = [32, 1], strides = [1, 1]} : vector<512x1xf32> to vector<32x1xf32>
    %get3A_406 = arith.constant 320 : index
    %get3A_407 = arith.constant 0 : index
    %get3A_408 = vector.load %arg12[%get3A_406, %get3A_407] : memref<512x64xf32, #tpu.memory_space<vmem>>, vector<32x64xf32>
    %mul3A_409 = vector.broadcast %slice3A_405 : vector<32x1xf32> to vector<32x64xf32>
    %mul3A_410 = arith.mulf %mul3A_409, %get3A_408 : vector<32x64xf32>
    %slice3A_411 = vector.extract_strided_slice %add3A_295 {offsets = [320, 640], sizes = [32, 64], strides = [1, 1]} : vector<512x1024xf32> to vector<32x64xf32>
    %add3A_412 = arith.addf %mul3A_410, %slice3A_411 : vector<32x64xf32>
    %swap3A_413 = arith.constant 320 : index
    %swap3A_414 = arith.constant 0 : index
    %swap3A_415 = vector.load %arg12[%swap3A_413, %swap3A_414] : memref<512x64xf32, #tpu.memory_space<vmem>>, vector<32x64xf32>
    tpu.vector_store %arg12[%swap3A_413, %swap3A_414], %add3A_412 {strides = array<i32>} : memref<512x64xf32, #tpu.memory_space<vmem>>, vector<32x64xf32>,
    %slice3A_416 = vector.extract_strided_slice %exp3A {offsets = [352, 0], sizes = [32, 1], strides = [1, 1]} : vector<512x1xf32> to vector<32x1xf32>
    %get3A_417 = arith.constant 352 : index
    %get3A_418 = arith.constant 0 : index
    %get3A_419 = vector.load %arg12[%get3A_417, %get3A_418] : memref<512x64xf32, #tpu.memory_space<vmem>>, vector<32x64xf32>
    %mul3A_420 = vector.broadcast %slice3A_416 : vector<32x1xf32> to vector<32x64xf32>
    %mul3A_421 = arith.mulf %mul3A_420, %get3A_419 : vector<32x64xf32>
    %slice3A_422 = vector.extract_strided_slice %add3A_295 {offsets = [352, 704], sizes = [32, 64], strides = [1, 1]} : vector<512x1024xf32> to vector<32x64xf32>
    %add3A_423 = arith.addf %mul3A_421, %slice3A_422 : vector<32x64xf32>
    %swap3A_424 = arith.constant 352 : index
    %swap3A_425 = arith.constant 0 : index
    %swap3A_426 = vector.load %arg12[%swap3A_424, %swap3A_425] : memref<512x64xf32, #tpu.memory_space<vmem>>, vector<32x64xf32>
    tpu.vector_store %arg12[%swap3A_424, %swap3A_425], %add3A_423 {strides = array<i32>} : memref<512x64xf32, #tpu.memory_space<vmem>>, vector<32x64xf32>,
    %slice3A_427 = vector.extract_strided_slice %exp3A {offsets = [384, 0], sizes = [32, 1], strides = [1, 1]} : vector<512x1xf32> to vector<32x1xf32>
    %get3A_428 = arith.constant 384 : index
    %get3A_429 = arith.constant 0 : index
    %get3A_430 = vector.load %arg12[%get3A_428, %get3A_429] : memref<512x64xf32, #tpu.memory_space<vmem>>, vector<32x64xf32>
    %mul3A_431 = vector.broadcast %slice3A_427 : vector<32x1xf32> to vector<32x64xf32>
    %mul3A_432 = arith.mulf %mul3A_431, %get3A_430 : vector<32x64xf32>
    %slice3A_433 = vector.extract_strided_slice %add3A_295 {offsets = [384, 768], sizes = [32, 64], strides = [1, 1]} : vector<512x1024xf32> to vector<32x64xf32>
    %add3A_434 = arith.addf %mul3A_432, %slice3A_433 : vector<32x64xf32>
    %swap3A_435 = arith.constant 384 : index
    %swap3A_436 = arith.constant 0 : index
    %swap3A_437 = vector.load %arg12[%swap3A_435, %swap3A_436] : memref<512x64xf32, #tpu.memory_space<vmem>>, vector<32x64xf32>
    tpu.vector_store %arg12[%swap3A_435, %swap3A_436], %add3A_434 {strides = array<i32>} : memref<512x64xf32, #tpu.memory_space<vmem>>, vector<32x64xf32>,
    %slice3A_438 = vector.extract_strided_slice %exp3A {offsets = [416, 0], sizes = [32, 1], strides = [1, 1]} : vector<512x1xf32> to vector<32x1xf32>
    %get3A_439 = arith.constant 416 : index
    %get3A_440 = arith.constant 0 : index
    %get3A_441 = vector.load %arg12[%get3A_439, %get3A_440] : memref<512x64xf32, #tpu.memory_space<vmem>>, vector<32x64xf32>
    %mul3A_442 = vector.broadcast %slice3A_438 : vector<32x1xf32> to vector<32x64xf32>
    %mul3A_443 = arith.mulf %mul3A_442, %get3A_441 : vector<32x64xf32>
    %slice3A_444 = vector.extract_strided_slice %add3A_295 {offsets = [416, 832], sizes = [32, 64], strides = [1, 1]} : vector<512x1024xf32> to vector<32x64xf32>
    %add3A_445 = arith.addf %mul3A_443, %slice3A_444 : vector<32x64xf32>
    %swap3A_446 = arith.constant 416 : index
    %swap3A_447 = arith.constant 0 : index
    %swap3A_448 = vector.load %arg12[%swap3A_446, %swap3A_447] : memref<512x64xf32, #tpu.memory_space<vmem>>, vector<32x64xf32>
    tpu.vector_store %arg12[%swap3A_446, %swap3A_447], %add3A_445 {strides = array<i32>} : memref<512x64xf32, #tpu.memory_space<vmem>>, vector<32x64xf32>,
    %slice3A_449 = vector.extract_strided_slice %exp3A {offsets = [448, 0], sizes = [32, 1], strides = [1, 1]} : vector<512x1xf32> to vector<32x1xf32>
    %get3A_450 = arith.constant 448 : index
    %get3A_451 = arith.constant 0 : index
    %get3A_452 = vector.load %arg12[%get3A_450, %get3A_451] : memref<512x64xf32, #tpu.memory_space<vmem>>, vector<32x64xf32>
    %mul3A_453 = vector.broadcast %slice3A_449 : vector<32x1xf32> to vector<32x64xf32>
    %mul3A_454 = arith.mulf %mul3A_453, %get3A_452 : vector<32x64xf32>
    %slice3A_455 = vector.extract_strided_slice %add3A_295 {offsets = [448, 896], sizes = [32, 64], strides = [1, 1]} : vector<512x1024xf32> to vector<32x64xf32>
    %add3A_456 = arith.addf %mul3A_454, %slice3A_455 : vector<32x64xf32>
    %swap3A_457 = arith.constant 448 : index
    %swap3A_458 = arith.constant 0 : index
    %swap3A_459 = vector.load %arg12[%swap3A_457, %swap3A_458] : memref<512x64xf32, #tpu.memory_space<vmem>>, vector<32x64xf32>
    tpu.vector_store %arg12[%swap3A_457, %swap3A_458], %add3A_456 {strides = array<i32>} : memref<512x64xf32, #tpu.memory_space<vmem>>, vector<32x64xf32>,
    %slice3A_460 = vector.extract_strided_slice %exp3A {offsets = [480, 0], sizes = [32, 1], strides = [1, 1]} : vector<512x1xf32> to vector<32x1xf32>
    %get3A_461 = arith.constant 480 : index
    %get3A_462 = arith.constant 0 : index
    %get3A_463 = vector.load %arg12[%get3A_461, %get3A_462] : memref<512x64xf32, #tpu.memory_space<vmem>>, vector<32x64xf32>
    %mul3A_464 = vector.broadcast %slice3A_460 : vector<32x1xf32> to vector<32x64xf32>
    %mul3A_465 = arith.mulf %mul3A_464, %get3A_463 : vector<32x64xf32>
    %slice3A_466 = vector.extract_strided_slice %add3A_295 {offsets = [480, 960], sizes = [32, 64], strides = [1, 1]} : vector<512x1024xf32> to vector<32x64xf32>
    %add3A_467 = arith.addf %mul3A_465, %slice3A_466 : vector<32x64xf32>
    %swap3A_468 = arith.constant 480 : index
    %swap3A_469 = arith.constant 0 : index
    %swap3A_470 = vector.load %arg12[%swap3A_468, %swap3A_469] : memref<512x64xf32, #tpu.memory_space<vmem>>, vector<32x64xf32>
    tpu.vector_store %arg12[%swap3A_468, %swap3A_469], %add3A_467 {strides = array<i32>} : memref<512x64xf32, #tpu.memory_space<vmem>>, vector<32x64xf32>,
    %eq3A_471 = arith.constant 15 : i32
    %eq3A_472 = arith.cmpi eq, %arg0, %eq3A_471 : i32
    %convert_element_type3A_473 = arith.extui %eq3A_472 : i1 to i32
    %cond3A_474 = arith.constant 0 : i32
    %cond3A_475 = arith.cmpi ne, %convert_element_type3A_473, %cond3A_474 : i32
    scf.if %cond3A_475 {
      %get3A_476 = arith.constant 0 : index
      %get3A_477 = arith.constant 0 : index
      %get3A_478 = vector.load %arg12[%get3A_476, %get3A_477] : memref<512x64xf32, #tpu.memory_space<vmem>>, vector<32x64xf32>
      %get3A_479 = arith.constant 0 : index
      %get3A_480 = arith.constant 0 : index
      %get3A_481 = vector.load %arg11[%get3A_479, %get3A_480] : memref<512x1xf32, #tpu.memory_space<vmem>>, vector<32x1xf32>
      %div3A = vector.broadcast %get3A_481 : vector<32x1xf32> to vector<32x64xf32>
      %div3A_482 = arith.divf %get3A_478, %div3A : vector<32x64xf32>
      %swap3A_483 = arith.constant 0 : index
      %swap3A_484 = arith.constant 0 : index
      %swap3A_485 = vector.load %arg9[%swap3A_483, %swap3A_484] : memref<32x1024xf32, #tpu.memory_space<vmem>>, vector<32x64xf32>
      tpu.vector_store %arg9[%swap3A_483, %swap3A_484], %div3A_482 {strides = array<i32>} : memref<32x1024xf32, #tpu.memory_space<vmem>>, vector<32x64xf32>,
      %get3A_486 = arith.constant 32 : index
      %get3A_487 = arith.constant 0 : index
      %get3A_488 = vector.load %arg12[%get3A_486, %get3A_487] : memref<512x64xf32, #tpu.memory_space<vmem>>, vector<32x64xf32>
      %get3A_489 = arith.constant 32 : index
      %get3A_490 = arith.constant 0 : index
      %get3A_491 = vector.load %arg11[%get3A_489, %get3A_490] : memref<512x1xf32, #tpu.memory_space<vmem>>, vector<32x1xf32>
      %div3A_492 = vector.broadcast %get3A_491 : vector<32x1xf32> to vector<32x64xf32>
      %div3A_493 = arith.divf %get3A_488, %div3A_492 : vector<32x64xf32>
      %swap3A_494 = arith.constant 0 : index
      %swap3A_495 = arith.constant 64 : index
      %swap3A_496 = vector.load %arg9[%swap3A_494, %swap3A_495] : memref<32x1024xf32, #tpu.memory_space<vmem>>, vector<32x64xf32>
      tpu.vector_store %arg9[%swap3A_494, %swap3A_495], %div3A_493 {strides = array<i32>} : memref<32x1024xf32, #tpu.memory_space<vmem>>, vector<32x64xf32>,
      %get3A_497 = arith.constant 64 : index
      %get3A_498 = arith.constant 0 : index
      %get3A_499 = vector.load %arg12[%get3A_497, %get3A_498] : memref<512x64xf32, #tpu.memory_space<vmem>>, vector<32x64xf32>
      %get3A_500 = arith.constant 64 : index
      %get3A_501 = arith.constant 0 : index
      %get3A_502 = vector.load %arg11[%get3A_500, %get3A_501] : memref<512x1xf32, #tpu.memory_space<vmem>>, vector<32x1xf32>
      %div3A_503 = vector.broadcast %get3A_502 : vector<32x1xf32> to vector<32x64xf32>
      %div3A_504 = arith.divf %get3A_499, %div3A_503 : vector<32x64xf32>
      %swap3A_505 = arith.constant 0 : index
      %swap3A_506 = arith.constant 128 : index
      %swap3A_507 = vector.load %arg9[%swap3A_505, %swap3A_506] : memref<32x1024xf32, #tpu.memory_space<vmem>>, vector<32x64xf32>
      tpu.vector_store %arg9[%swap3A_505, %swap3A_506], %div3A_504 {strides = array<i32>} : memref<32x1024xf32, #tpu.memory_space<vmem>>, vector<32x64xf32>,
      %get3A_508 = arith.constant 96 : index
      %get3A_509 = arith.constant 0 : index
      %get3A_510 = vector.load %arg12[%get3A_508, %get3A_509] : memref<512x64xf32, #tpu.memory_space<vmem>>, vector<32x64xf32>
      %get3A_511 = arith.constant 96 : index
      %get3A_512 = arith.constant 0 : index
      %get3A_513 = vector.load %arg11[%get3A_511, %get3A_512] : memref<512x1xf32, #tpu.memory_space<vmem>>, vector<32x1xf32>
      %div3A_514 = vector.broadcast %get3A_513 : vector<32x1xf32> to vector<32x64xf32>
      %div3A_515 = arith.divf %get3A_510, %div3A_514 : vector<32x64xf32>
      %swap3A_516 = arith.constant 0 : index
      %swap3A_517 = arith.constant 192 : index
      %swap3A_518 = vector.load %arg9[%swap3A_516, %swap3A_517] : memref<32x1024xf32, #tpu.memory_space<vmem>>, vector<32x64xf32>
      tpu.vector_store %arg9[%swap3A_516, %swap3A_517], %div3A_515 {strides = array<i32>} : memref<32x1024xf32, #tpu.memory_space<vmem>>, vector<32x64xf32>,
      %get3A_519 = arith.constant 128 : index
      %get3A_520 = arith.constant 0 : index
      %get3A_521 = vector.load %arg12[%get3A_519, %get3A_520] : memref<512x64xf32, #tpu.memory_space<vmem>>, vector<32x64xf32>
      %get3A_522 = arith.constant 128 : index
      %get3A_523 = arith.constant 0 : index
      %get3A_524 = vector.load %arg11[%get3A_522, %get3A_523] : memref<512x1xf32, #tpu.memory_space<vmem>>, vector<32x1xf32>
      %div3A_525 = vector.broadcast %get3A_524 : vector<32x1xf32> to vector<32x64xf32>
      %div3A_526 = arith.divf %get3A_521, %div3A_525 : vector<32x64xf32>
      %swap3A_527 = arith.constant 0 : index
      %swap3A_528 = arith.constant 256 : index
      %swap3A_529 = vector.load %arg9[%swap3A_527, %swap3A_528] : memref<32x1024xf32, #tpu.memory_space<vmem>>, vector<32x64xf32>
      tpu.vector_store %arg9[%swap3A_527, %swap3A_528], %div3A_526 {strides = array<i32>} : memref<32x1024xf32, #tpu.memory_space<vmem>>, vector<32x64xf32>,
      %get3A_530 = arith.constant 160 : index
      %get3A_531 = arith.constant 0 : index
      %get3A_532 = vector.load %arg12[%get3A_530, %get3A_531] : memref<512x64xf32, #tpu.memory_space<vmem>>, vector<32x64xf32>
      %get3A_533 = arith.constant 160 : index
      %get3A_534 = arith.constant 0 : index
      %get3A_535 = vector.load %arg11[%get3A_533, %get3A_534] : memref<512x1xf32, #tpu.memory_space<vmem>>, vector<32x1xf32>
      %div3A_536 = vector.broadcast %get3A_535 : vector<32x1xf32> to vector<32x64xf32>
      %div3A_537 = arith.divf %get3A_532, %div3A_536 : vector<32x64xf32>
      %swap3A_538 = arith.constant 0 : index
      %swap3A_539 = arith.constant 320 : index
      %swap3A_540 = vector.load %arg9[%swap3A_538, %swap3A_539] : memref<32x1024xf32, #tpu.memory_space<vmem>>, vector<32x64xf32>
      tpu.vector_store %arg9[%swap3A_538, %swap3A_539], %div3A_537 {strides = array<i32>} : memref<32x1024xf32, #tpu.memory_space<vmem>>, vector<32x64xf32>,
      %get3A_541 = arith.constant 192 : index
      %get3A_542 = arith.constant 0 : index
      %get3A_543 = vector.load %arg12[%get3A_541, %get3A_542] : memref<512x64xf32, #tpu.memory_space<vmem>>, vector<32x64xf32>
      %get3A_544 = arith.constant 192 : index
      %get3A_545 = arith.constant 0 : index
      %get3A_546 = vector.load %arg11[%get3A_544, %get3A_545] : memref<512x1xf32, #tpu.memory_space<vmem>>, vector<32x1xf32>
      %div3A_547 = vector.broadcast %get3A_546 : vector<32x1xf32> to vector<32x64xf32>
      %div3A_548 = arith.divf %get3A_543, %div3A_547 : vector<32x64xf32>
      %swap3A_549 = arith.constant 0 : index
      %swap3A_550 = arith.constant 384 : index
      %swap3A_551 = vector.load %arg9[%swap3A_549, %swap3A_550] : memref<32x1024xf32, #tpu.memory_space<vmem>>, vector<32x64xf32>
      tpu.vector_store %arg9[%swap3A_549, %swap3A_550], %div3A_548 {strides = array<i32>} : memref<32x1024xf32, #tpu.memory_space<vmem>>, vector<32x64xf32>,
      %get3A_552 = arith.constant 224 : index
      %get3A_553 = arith.constant 0 : index
      %get3A_554 = vector.load %arg12[%get3A_552, %get3A_553] : memref<512x64xf32, #tpu.memory_space<vmem>>, vector<32x64xf32>
      %get3A_555 = arith.constant 224 : index
      %get3A_556 = arith.constant 0 : index
      %get3A_557 = vector.load %arg11[%get3A_555, %get3A_556] : memref<512x1xf32, #tpu.memory_space<vmem>>, vector<32x1xf32>
      %div3A_558 = vector.broadcast %get3A_557 : vector<32x1xf32> to vector<32x64xf32>
      %div3A_559 = arith.divf %get3A_554, %div3A_558 : vector<32x64xf32>
      %swap3A_560 = arith.constant 0 : index
      %swap3A_561 = arith.constant 448 : index
      %swap3A_562 = vector.load %arg9[%swap3A_560, %swap3A_561] : memref<32x1024xf32, #tpu.memory_space<vmem>>, vector<32x64xf32>
      tpu.vector_store %arg9[%swap3A_560, %swap3A_561], %div3A_559 {strides = array<i32>} : memref<32x1024xf32, #tpu.memory_space<vmem>>, vector<32x64xf32>,
      %get3A_563 = arith.constant 256 : index
      %get3A_564 = arith.constant 0 : index
      %get3A_565 = vector.load %arg12[%get3A_563, %get3A_564] : memref<512x64xf32, #tpu.memory_space<vmem>>, vector<32x64xf32>
      %get3A_566 = arith.constant 256 : index
      %get3A_567 = arith.constant 0 : index
      %get3A_568 = vector.load %arg11[%get3A_566, %get3A_567] : memref<512x1xf32, #tpu.memory_space<vmem>>, vector<32x1xf32>
      %div3A_569 = vector.broadcast %get3A_568 : vector<32x1xf32> to vector<32x64xf32>
      %div3A_570 = arith.divf %get3A_565, %div3A_569 : vector<32x64xf32>
      %swap3A_571 = arith.constant 0 : index
      %swap3A_572 = arith.constant 512 : index
      %swap3A_573 = vector.load %arg9[%swap3A_571, %swap3A_572] : memref<32x1024xf32, #tpu.memory_space<vmem>>, vector<32x64xf32>
      tpu.vector_store %arg9[%swap3A_571, %swap3A_572], %div3A_570 {strides = array<i32>} : memref<32x1024xf32, #tpu.memory_space<vmem>>, vector<32x64xf32>,
      %get3A_574 = arith.constant 288 : index
      %get3A_575 = arith.constant 0 : index
      %get3A_576 = vector.load %arg12[%get3A_574, %get3A_575] : memref<512x64xf32, #tpu.memory_space<vmem>>, vector<32x64xf32>
      %get3A_577 = arith.constant 288 : index
      %get3A_578 = arith.constant 0 : index
      %get3A_579 = vector.load %arg11[%get3A_577, %get3A_578] : memref<512x1xf32, #tpu.memory_space<vmem>>, vector<32x1xf32>
      %div3A_580 = vector.broadcast %get3A_579 : vector<32x1xf32> to vector<32x64xf32>
      %div3A_581 = arith.divf %get3A_576, %div3A_580 : vector<32x64xf32>
      %swap3A_582 = arith.constant 0 : index
      %swap3A_583 = arith.constant 576 : index
      %swap3A_584 = vector.load %arg9[%swap3A_582, %swap3A_583] : memref<32x1024xf32, #tpu.memory_space<vmem>>, vector<32x64xf32>
      tpu.vector_store %arg9[%swap3A_582, %swap3A_583], %div3A_581 {strides = array<i32>} : memref<32x1024xf32, #tpu.memory_space<vmem>>, vector<32x64xf32>,
      %get3A_585 = arith.constant 320 : index
      %get3A_586 = arith.constant 0 : index
      %get3A_587 = vector.load %arg12[%get3A_585, %get3A_586] : memref<512x64xf32, #tpu.memory_space<vmem>>, vector<32x64xf32>
      %get3A_588 = arith.constant 320 : index
      %get3A_589 = arith.constant 0 : index
      %get3A_590 = vector.load %arg11[%get3A_588, %get3A_589] : memref<512x1xf32, #tpu.memory_space<vmem>>, vector<32x1xf32>
      %div3A_591 = vector.broadcast %get3A_590 : vector<32x1xf32> to vector<32x64xf32>
      %div3A_592 = arith.divf %get3A_587, %div3A_591 : vector<32x64xf32>
      %swap3A_593 = arith.constant 0 : index
      %swap3A_594 = arith.constant 640 : index
      %swap3A_595 = vector.load %arg9[%swap3A_593, %swap3A_594] : memref<32x1024xf32, #tpu.memory_space<vmem>>, vector<32x64xf32>
      tpu.vector_store %arg9[%swap3A_593, %swap3A_594], %div3A_592 {strides = array<i32>} : memref<32x1024xf32, #tpu.memory_space<vmem>>, vector<32x64xf32>,
      %get3A_596 = arith.constant 352 : index
      %get3A_597 = arith.constant 0 : index
      %get3A_598 = vector.load %arg12[%get3A_596, %get3A_597] : memref<512x64xf32, #tpu.memory_space<vmem>>, vector<32x64xf32>
      %get3A_599 = arith.constant 352 : index
      %get3A_600 = arith.constant 0 : index
      %get3A_601 = vector.load %arg11[%get3A_599, %get3A_600] : memref<512x1xf32, #tpu.memory_space<vmem>>, vector<32x1xf32>
      %div3A_602 = vector.broadcast %get3A_601 : vector<32x1xf32> to vector<32x64xf32>
      %div3A_603 = arith.divf %get3A_598, %div3A_602 : vector<32x64xf32>
      %swap3A_604 = arith.constant 0 : index
      %swap3A_605 = arith.constant 704 : index
      %swap3A_606 = vector.load %arg9[%swap3A_604, %swap3A_605] : memref<32x1024xf32, #tpu.memory_space<vmem>>, vector<32x64xf32>
      tpu.vector_store %arg9[%swap3A_604, %swap3A_605], %div3A_603 {strides = array<i32>} : memref<32x1024xf32, #tpu.memory_space<vmem>>, vector<32x64xf32>,
      %get3A_607 = arith.constant 384 : index
      %get3A_608 = arith.constant 0 : index
      %get3A_609 = vector.load %arg12[%get3A_607, %get3A_608] : memref<512x64xf32, #tpu.memory_space<vmem>>, vector<32x64xf32>
      %get3A_610 = arith.constant 384 : index
      %get3A_611 = arith.constant 0 : index
      %get3A_612 = vector.load %arg11[%get3A_610, %get3A_611] : memref<512x1xf32, #tpu.memory_space<vmem>>, vector<32x1xf32>
      %div3A_613 = vector.broadcast %get3A_612 : vector<32x1xf32> to vector<32x64xf32>
      %div3A_614 = arith.divf %get3A_609, %div3A_613 : vector<32x64xf32>
      %swap3A_615 = arith.constant 0 : index
      %swap3A_616 = arith.constant 768 : index
      %swap3A_617 = vector.load %arg9[%swap3A_615, %swap3A_616] : memref<32x1024xf32, #tpu.memory_space<vmem>>, vector<32x64xf32>
      tpu.vector_store %arg9[%swap3A_615, %swap3A_616], %div3A_614 {strides = array<i32>} : memref<32x1024xf32, #tpu.memory_space<vmem>>, vector<32x64xf32>,
      %get3A_618 = arith.constant 416 : index
      %get3A_619 = arith.constant 0 : index
      %get3A_620 = vector.load %arg12[%get3A_618, %get3A_619] : memref<512x64xf32, #tpu.memory_space<vmem>>, vector<32x64xf32>
      %get3A_621 = arith.constant 416 : index
      %get3A_622 = arith.constant 0 : index
      %get3A_623 = vector.load %arg11[%get3A_621, %get3A_622] : memref<512x1xf32, #tpu.memory_space<vmem>>, vector<32x1xf32>
      %div3A_624 = vector.broadcast %get3A_623 : vector<32x1xf32> to vector<32x64xf32>
      %div3A_625 = arith.divf %get3A_620, %div3A_624 : vector<32x64xf32>
      %swap3A_626 = arith.constant 0 : index
      %swap3A_627 = arith.constant 832 : index
      %swap3A_628 = vector.load %arg9[%swap3A_626, %swap3A_627] : memref<32x1024xf32, #tpu.memory_space<vmem>>, vector<32x64xf32>
      tpu.vector_store %arg9[%swap3A_626, %swap3A_627], %div3A_625 {strides = array<i32>} : memref<32x1024xf32, #tpu.memory_space<vmem>>, vector<32x64xf32>,
      %get3A_629 = arith.constant 448 : index
      %get3A_630 = arith.constant 0 : index
      %get3A_631 = vector.load %arg12[%get3A_629, %get3A_630] : memref<512x64xf32, #tpu.memory_space<vmem>>, vector<32x64xf32>
      %get3A_632 = arith.constant 448 : index
      %get3A_633 = arith.constant 0 : index
      %get3A_634 = vector.load %arg11[%get3A_632, %get3A_633] : memref<512x1xf32, #tpu.memory_space<vmem>>, vector<32x1xf32>
      %div3A_635 = vector.broadcast %get3A_634 : vector<32x1xf32> to vector<32x64xf32>
      %div3A_636 = arith.divf %get3A_631, %div3A_635 : vector<32x64xf32>
      %swap3A_637 = arith.constant 0 : index
      %swap3A_638 = arith.constant 896 : index
      %swap3A_639 = vector.load %arg9[%swap3A_637, %swap3A_638] : memref<32x1024xf32, #tpu.memory_space<vmem>>, vector<32x64xf32>
      tpu.vector_store %arg9[%swap3A_637, %swap3A_638], %div3A_636 {strides = array<i32>} : memref<32x1024xf32, #tpu.memory_space<vmem>>, vector<32x64xf32>,
      %get3A_640 = arith.constant 480 : index
      %get3A_641 = arith.constant 0 : index
      %get3A_642 = vector.load %arg12[%get3A_640, %get3A_641] : memref<512x64xf32, #tpu.memory_space<vmem>>, vector<32x64xf32>
      %get3A_643 = arith.constant 480 : index
      %get3A_644 = arith.constant 0 : index
      %get3A_645 = vector.load %arg11[%get3A_643, %get3A_644] : memref<512x1xf32, #tpu.memory_space<vmem>>, vector<32x1xf32>
      %div3A_646 = vector.broadcast %get3A_645 : vector<32x1xf32> to vector<32x64xf32>
      %div3A_647 = arith.divf %get3A_642, %div3A_646 : vector<32x64xf32>
      %swap3A_648 = arith.constant 0 : index
      %swap3A_649 = arith.constant 960 : index
      %swap3A_650 = vector.load %arg9[%swap3A_648, %swap3A_649] : memref<32x1024xf32, #tpu.memory_space<vmem>>, vector<32x64xf32>
      tpu.vector_store %arg9[%swap3A_648, %swap3A_649], %div3A_647 {strides = array<i32>} : memref<32x1024xf32, #tpu.memory_space<vmem>>, vector<32x64xf32>,
    } else {
    }
    return
  }
  func.func @transform_0(%arg0: i32) -> (i32, i32) {
    %c0_i32 = arith.constant 0 : i32
    %c0_i32_0 = arith.constant 0 : i32
    %c0_i32_1 = arith.constant 0 : i32
    return %c0_i32, %c0_i32_0 : i32, i32
  }
  func.func @transform_1(%arg0: i32) -> (i32, i32) {
    %c0_i32 = arith.constant 0 : i32
    %c0_i32_0 = arith.constant 0 : i32
    return %arg0, %c0_i32 : i32, i32
  }
  func.func @transform_2(%arg0: i32) -> (i32, i32) {
    %c0_i32 = arith.constant 0 : i32
    %c0_i32_0 = arith.constant 0 : i32
    return %arg0, %c0_i32 : i32, i32
  }
  func.func @transform_3(%arg0: i32) -> (i32, i32, i32) {
    %c0_i32 = arith.constant 0 : i32
    %c0_i32_0 = arith.constant 0 : i32
    %c0_i32_1 = arith.constant 0 : i32
    return %arg0, %c0_i32, %c0_i32_0 : i32, i32, i32
  }
  func.func @transform_4(%arg0: i32) -> i32 {
    %c0_i32 = arith.constant 0 : i32
    %c0_i32_0 = arith.constant 0 : i32
    return %c0_i32 : i32
  }
  func.func @transform_5(%arg0: i32) -> (i32, i32) {
    %c0_i32 = arith.constant 0 : i32
    %c0_i32_0 = arith.constant 0 : i32
    %c0_i32_1 = arith.constant 0 : i32
    return %c0_i32, %c0_i32_0 : i32, i32
  }
  func.func @transform_6(%arg0: i32) -> (i32, i32) {
    %c0_i32 = arith.constant 0 : i32
    %c0_i32_0 = arith.constant 0 : i32
    %c0_i32_1 = arith.constant 0 : i32
    return %c0_i32, %c0_i32_0 : i32, i32
  }
  func.func @transform_7(%arg0: i32) -> (i32, i32) {
    %c0_i32 = arith.constant 0 : i32
    %c0_i32_0 = arith.constant 0 : i32
    return %c0_i32, %arg0 : i32, i32
  }
  func.func @transform_8(%arg0: i32) -> (i32, i32) {
    %c0_i32 = arith.constant 0 : i32
    %c0_i32_0 = arith.constant 0 : i32
    %c0_i32_1 = arith.constant 0 : i32
    return %c0_i32, %c0_i32_0 : i32, i32
  }
}

</mosaic_0001>

<sc_bundles>
// kernel: kernel.5.cloned.1.call-start
scs
__scs_entry_jumppad:
0x0: {  	(pc) =	sbr.rel $0x88, $3  }
0x1: {  	(tag) =	ssettag $0x0;
	lr =	simm.s32 $0x1  }
0x2: {  	[smem:$0x3F99] =	sst lr;
	_ =	strace $0xD0000000  }
0x3: {  	_ = 	snop  }
0x4: {  	_ = 	snop  }
0x5: {  	_ = 	snop  }
0x6: {  	_ = 	snop  }
0x7: {  	_ = 	snop  }
__scs_overlays_trampoline_lowered:
0x8: {  	[smem:$0x3FA8] =	sst s0  }
0x9: {  	[smem:$0x3FA9] =	sst s1  }
0xa: {  	[smem:$0x3FAA] =	sst s2  }
0xb: {  	[smem:$0x3FAB] =	sst s3  }
0xc: {  	[smem:$0x3FAC] =	sst s4  }
0xd: {  	[smem:$0x3FAD] =	sst s5  }
0xe: {  	[smem:$0x3FAE] =	sst s6  }
0xf: {  	[smem:$0x3FAF] =	sst s7  }
0x10: {  	[smem:$0x3FB0] =	sst s8  }
0x11: {  	[smem:$0x3FB1] =	sst s9;
	s0 =	simm.s32 @!p0 $0x0  }
0x12: {  	s1 =	sld [smem:$0x3F97];
	s0 =	simm.s32 @p0 $0x1  }
0x13: {  	[smem:$0x3FB2] =	sst s0;
	s0 =	simm.s32 @!p1 $0x0  }
0x14: {  	s2 =	sld [smem:$0x3F96];
	s0 =	simm.s32 @p1 $0x1  }
0x15: {  	[smem:$0x3FB3] =	sst s0;
	s0 =	simm.s32 @!p2 $0x0  }
0x16: {  	s3 =	sld [smem:$0x3FDB];
	s0 =	simm.s32 @p2 $0x1  }
0x17: {  	s4 =	simm.s32 $0x1BF5;
	[smem:$0x3FB5] =	sst s0  }
0x18: {  	s0 =	sld [smem:$0x3F98];
	_ =	swait.ge [sflag:s4], $0x0  }
0x19: {  	s7 =	sld [smem:$0x3F99]  }
0x1a: {  	s8 =	sadd.s32 $0xFFFFE003, lr  }
0x1b: {  	s9 =	sadd.s32 $0xFFFFFEF7, lr;
	s5 =	simm.s32 $0xFFFFFFFF;
	p2 =	slt.u32 s8, $0xFFFFF086  }
0x1c: {  	p1 =	slt.u32 s9, $0xF7A;
	s5 =	simm.s32 @!p2 $0x0  }
0x1d: {  	s5 =	simm.s32 @p1 $0x1;
	p0 =	seq.s32 s7, s2  }
0x1e: {  	s7 =	smul.u32 @!p0 $0xF7A, s2;
	p2 =	seq.s32 @!p0 s5, $0x0  }
0x1f: {  	s9 =	smul.u32 $0xF7A, s1;
	s8 =	simm.s32 @!p0 $0x1BF5;
	p2 =	por !p2, p0  }
0x20: {  	[sflag:s8] =	ssyncset.s32 @!p0 $0xFFFFF086;
	s6 =	sadd.s32 @!p0 s3, s7;
	s7 =	simm.s32 @!p0 $0x108  }
0x21: {  	s3 =	sadd.s32 s3, s9;
	s6 =	sadd.s32 @!p0 $0x88, s6;
	s7 =	simm.s32 @p2 $0x1082  }
0x22: {  	[simem:s7], [sflag:s8] =	dma.local @!p0 [hbm:s6], $0xF7A  }
0x23: {  	s9 =	sor.u32 $0xD0000000, s2;
	s6 =	simm.s32 $0x108;
	_ =	swait.ge @!p0 [sflag:s8], $0x0  }
0x24: {  	s3 =	sadd.s32 $0x88, s3;
	s6 =	simm.s32 @!p1 $0x1082;
	[sflag:s4] =	ssyncset.s32 $0xFFFFF086  }
0x25: {  	[simem:s6], [sflag:s4] =	dma.local [hbm:s3], $0xF7A  }
0x26: {  	[smem:$0x3F99] =	sst s1;
	(tag) =	ssettag s2;
	_ =	strace s9  }
0x27: {  	s1 =	sld [smem:$0x3FA9]  }
0x28: {  	s2 =	sld [smem:$0x3FAA]  }
0x29: {  	s4 =	sld [smem:$0x3FAC]  }
0x2a: {  	p0 =	seq.s32 s5, $0x0;
	s5 =	sld [smem:$0x3FAD]  }
0x2b: {  	s6 =	sld [smem:$0x3FAE]  }
0x2c: {  	s7 =	sld [smem:$0x3FAF]  }
0x2d: {  	s3 =	simm.s32 $0x108;
	s8 =	sld [smem:$0x3FB0]  }
0x2e: {  	s3 =	simm.s32 @!p0 $0x1082;
	s9 =	sld [smem:$0x3FB1]  }
0x2f: {  	lr =	sadd.s32 s0, s3;
	s0 =	sld [smem:$0x3FA8]  }
0x30: {  	s3 =	sld [smem:$0x3FAB]  }
0x31: {  	[smem:$0x3FB4] =	sst s10  }
0x32: {  	s10 =	sld [smem:$0x3FB2];
	_ =	sdelay $0x3  }
0x33: {  	p0 =	seq.s32 s10, $0x1;
	s10 =	sld [smem:$0x3FB4];
	_ =	sdelay $0x3  }
0x34: {  	[smem:$0x3FB4] =	sst s10  }
0x35: {  	s10 =	sld [smem:$0x3FB3];
	_ =	sdelay $0x3  }
0x36: {  	p1 =	seq.s32 s10, $0x1;
	s10 =	sld [smem:$0x3FB4];
	_ =	sdelay $0x3  }
0x37: {  	[smem:$0x3FB4] =	sst s10  }
0x38: {  	s10 =	sld [smem:$0x3FB5]  }
0x39: {  	_ = 	snop;
	(pc) =	sbr.ind lr, $3  }
0x3a: {  	_ = 	snop  }
0x3b: {  	_ = 	snop  }
0x3c: {  	p2 =	seq.s32 s10, $0x1;
	s10 =	sld [smem:$0x3FB4]  }
0x3d: {  	_ =	shalt  }
0x3e: {  	_ =	shalt  }
0x3f: {  	_ =	shalt  }
0x40: {  	_ =	shalt  }
0x41: {  	_ =	shalt  }
0x42: {  	_ =	shalt  }
0x43: {  	_ =	shalt  }
0x44: {  	_ =	shalt  }
0x45: {  	_ =	shalt  }
0x46: {  	_ =	shalt  }
0x47: {  	_ =	shalt  }
0x48: {  	_ =	shalt  }
0x49: {  	_ =	shalt  }
0x4a: {  	_ =	shalt  }
0x4b: {  	_ =	shalt  }
0x4c: {  	_ =	shalt  }
0x4d: {  	_ =	shalt  }
0x4e: {  	_ =	shalt  }
0x4f: {  	_ =	shalt  }
0x50: {  	_ =	shalt  }
0x51: {  	_ =	shalt  }
0x52: {  	_ =	shalt  }
0x53: {  	_ =	shalt  }
0x54: {  	_ =	shalt  }
0x55: {  	_ =	shalt  }
0x56: {  	_ =	shalt  }
0x57: {  	_ =	shalt  }
0x58: {  	_ =	shalt  }
0x59: {  	_ =	shalt  }
0x5a: {  	_ =	shalt  }
0x5b: {  	_ =	shalt  }
0x5c: {  	_ =	shalt  }
0x5d: {  	_ =	shalt  }
0x5e: {  	_ =	shalt  }
0x5f: {  	_ =	shalt  }
0x60: {  	_ =	shalt  }
0x61: {  	_ =	shalt  }
0x62: {  	_ =	shalt  }
0x63: {  	_ =	shalt  }
0x64: {  	_ =	shalt  }
0x65: {  	_ =	shalt  }
0x66: {  	_ =	shalt  }
0x67: {  	_ =	shalt  }
0x68: {  	_ =	shalt  }
0x69: {  	_ =	shalt  }
0x6a: {  	_ =	shalt  }
0x6b: {  	_ =	shalt  }
0x6c: {  	_ =	shalt  }
0x6d: {  	_ =	shalt  }
0x6e: {  	_ =	shalt  }
0x6f: {  	_ =	shalt  }
0x70: {  	_ =	shalt  }
0x71: {  	_ =	shalt  }
0x72: {  	_ =	shalt  }
0x73: {  	_ =	shalt  }
0x74: {  	_ =	shalt  }
0x75: {  	_ =	shalt  }
0x76: {  	_ =	shalt  }
0x77: {  	_ =	shalt  }
0x78: {  	_ =	shalt  }
0x79: {  	_ =	shalt  }
0x7a: {  	_ =	shalt  }
0x7b: {  	_ =	shalt  }
0x7c: {  	_ =	shalt  }
0x7d: {  	_ =	shalt  }
0x7e: {  	_ =	shalt  }
0x7f: {  	_ =	shalt  }
0x80: {  	_ =	shalt  }
0x81: {  	_ =	shalt  }
0x82: {  	_ =	shalt  }
0x83: {  	_ =	shalt  }
0x84: {  	_ =	shalt  }
0x85: {  	_ =	shalt  }
0x86: {  	_ =	shalt  }
0x87: {  	_ =	shalt  }
.Lfunc_end0:
.L_simem_size_0:
called_computation_lowered:
.L_overlay_start_0:
0x88: {  	s2 =	sld [smem:$0x3FD9]  }
0x89: {  	s3 =	sld [smem:$0x3FFE];
	_ =	sdelay $0x1  }
0x8a: {  	s1 =	srdreg.scid  }
0x8b: {  	s0 =	sand.u32 $0x1, s1  }
0x8c: {  	s17 =	sshll.u32 s0, $0xA;
	s2 =	sadd.s32 s3, s2  }
0x8d: {  	s2 =	sadd.s32 s2, s17  }
0x8e: {  	[smem:$0x3FC0] =	sst s2  }
0x8f: {  	_ = 	snop  }
0x90: {  	s2 =	sld [smem:$0x3FC3];
	(tm) =	ssettm $0x1  }
0x91: {  	s18 =	sld [smem:$0x3FFB];
	_ =	sdelay $0x3  }
0x92: {  	_ =	strace s18  }
0x93: {  	s3 =	sld [smem:$0x3FFC];
	_ =	sdelay $0x3  }
0x94: {  	_ =	strace s3  }
0x95: {  	s3 =	sld [smem:$0x3FFD];
	_ =	sdelay $0x3  }
0x96: {  	_ =	strace s3  }
0x97: {  	_ =	strace $0x8FFFFFFF  }
0x98: {  	s19 =	sld [smem:$0x3FDB];
	_ =	sdelay $0x1  }
0x99: {  	s4 =	simm.s32 $_scs_section_size  }
0x9a: {  	s5 =	simm.s32 $_size__tile_overlayer_lowered;
	s6 =	simm.s32 $_tile_overlayer_lowered  }
0x9b: {  	s22 =	simm.s32 $0x1BFF;
	s21 =	sshll.u32 s6, $0x1;
	s3 =	sadd.s32 s4, s19  }
0x9c: {  	s7 =	simm.s32 $0x0;
	s20 =	sshll.u32 s5, $0x1;
	s5 =	sadd.s32 s21, s3  }
0x9d: {  	[timem:s7], [sflag:s22] =	dma.local [hbm:s5], s20  }
0x9e: {  	_ =	swait.ge [sflag:s22], s20  }
0x9f: {  	s4 =	ssub.s32 $0x0, s20;
	[sflag:s22] =	ssyncset.done $0x0  }
0xa0: {  	[sflag:s22] =	ssyncadd.s32 s4;
	_ =	sdelay $0x1  }
0xa1: {  	s23 =	simm.s32 $0x1B8B  }
0xa2: {  	_ =	swait.ge [sflag:s23], $0x1  }
0xa3: {  	[sflag:s23] =	ssyncset.done $0x0  }
0xa4: {  	s25 =	simm.s32 $0x1B8E;
	s24 =	sld [smem:$0x3FFE];
	[sflag:s23] =	ssyncadd.s32 $0xFFFFFFFF  }
0xa5: {  	s26 =	simm.s32 $execute0_lowered;
	[smem:$0x3FD2] =	sst s25  }
0xa6: {  	s5 =	sshll.u32 s26, $0x1;
	_ =	strace $0x80000046;
	[dreg:$0x1] =	wrdreg $0xFFFFFFFF  }
0xa7: {  	s28 =	simm.s32 $_size_execute0_lowered;
	s3 =	sadd.s32 s3, s5;
	[dreg:$0x0] =	wrdreg $0x0  }
0xa8: {  	s5 =	sshll.u32 s28, $0x1;
	[dreg:$0x2] =	wrdreg s3  }
0xa9: {  	[dreg:$0x3] =	wrdreg s5  }
0xaa: {  	[dreg:$0x4] =	wrdreg $0xC0  }
0xab: {  	_ =	task [dreg:s7], $0x5FFFF  }
0xac: {  	[dreg:$0x1] =	wrdreg $0xFFFFFFFF  }
0xad: {  	[dreg:$0x0] =	wrdreg $0x60  }
0xae: {  	[dreg:$0x2] =	wrdreg s24  }
0xaf: {  	[dreg:$0x3] =	wrdreg s2  }
0xb0: {  	[dreg:$0x4] =	wrdreg $0x9  }
0xb1: {  	_ =	task.clear_ibuf [dreg:s7], $0x5FFFF;
	_ =	strace $0x90000046  }
0xb2: {  	s29 =	simm.s32 $0x9;
	_ =	strace $0x80000048  }
0xb3: {  	_ =	swait.ge [sflag:s29], $0x1  }
0xb4: {  	[sflag:s29] =	ssyncadd.s32 $0xFFFFFFFF  }
0xb5: {  	_ =	strace $0x90000048  }
0xb6: {  	_ =	sfence  }
0xb7: {  	s30 =	sld [smem:$0x0];
	_ =	sdelay $0x2  }
0xb8: {  	s31 =	sshll.u32 s1, $0xD;
	s1 =	sshrl.u32 s1, $0x2  }
0xb9: {  	s3 =	sand.u32 $0x4000, s31;
	s1 =	sadd.s32 s1, s30  }
0xba: {  	s0 =	sor.u32 s3, s0;
	s1 =	sshll.u32 s1, $0x11  }
0xbb: {  	s0 =	sor.u32 s1, s0  }
0xbc: {  	s0 =	sadd.s32 $0x8F2B, s0  }
0xbd: {  	[sflag:s0] =	ssyncadd.remote.s32 $0x1  }
0xbe: {  	_ =	sfence.sel $0xFFFF  }
0xbf: {  	[dreg:$0x0] =	wrdreg $0xFFFFFFFF;
	(pc) =	sbr.abs _section_cstart, $3  }
0xc0: {  	[dreg:$0x1] =	wrdreg $0xFFFFFFFF  }
0xc1: {  	_ =	task.clear_ibuf [dreg:s7], $0x2FFFF;
	_ =	strace $0x9FFFFFFF  }
0xc2: {  	(tm) =	ssettm $0x7FFFFFFF  }
0xc3: {  	_ =	shalt  }
tec
execute0_lowered:
.L_overlay_start_1:
0x0: {  	(tag) =	ssettag $0x1  }
0x1: {  	s0 =	srdreg.scid  }
0x2: {  	s2 =	stileid.u32;
	s0 =	sand.u32 $0x1, s0  }
0x3: {  	s1 =	rddreg [dreg:$0x0];
	s4 =	sshll.u32 s2, $0xA;
	s5 =	sshll.u32 s0, $0x9  }
0x4: {  	s3 =	rddreg [dreg:$0x1];
	s4 =	sor.u32 s5, s4  }
0x5: {  	s2 =	simm.s32 $0x0;
	s5 =	sshll.u32 s4, $0x7;
	s4 =	sshrl.u32 s4, $0x3  }
0x6: {  	[smem:$0x7FF] =	sst s2;
	s7 =	sadd.s32 s5, s1;
	s3 =	sadd.s32 s3, s4  }
0x7: {  	_ =	strace $0x80000047;
	[dreg:$0x3] =	wrdreg s3;
	s14 =	sadd.s32 $0x401400, s7  }
0x8: {  	s15 =	sadd.s32 $0x402400, s7;
	[dreg:$0x4] =	wrdreg s14  }
0x9: {  	s16 =	sadd.s32 $0x403400, s7;
	[dreg:$0x5] =	wrdreg s15  }
0xa: {  	s17 =	sadd.s32 $0x404400, s7;
	[dreg:$0x6] =	wrdreg s16  }
0xb: {  	s18 =	sadd.s32 $0x405400, s7;
	[dreg:$0x7] =	wrdreg s17  }
0xc: {  	s19 =	sadd.s32 $0x406400, s7;
	[dreg:$0x8] =	wrdreg s18  }
0xd: {  	s20 =	sadd.s32 $0x407400, s7;
	[dreg:$0x9] =	wrdreg s19  }
0xe: {  	s28 =	simm.s32 $0x5;
	s21 =	sadd.s32 $0x408400, s7;
	[dreg:$0xa] =	wrdreg s20  }
0xf: {  	s29 =	simm.s32 $0x6;
	s22 =	sadd.s32 $0x409400, s7;
	[dreg:$0xb] =	wrdreg s21  }
0x10: {  	s0 =	ssub.s32 $0x2, s0;
	s23 =	sadd.s32 $0x40A400, s7;
	[dreg:$0xc] =	wrdreg s22  }
0x11: {  	s25 =	sshrl.u32 s0, $0x1;
	s24 =	sadd.s32 $0x40B400, s7;
	[dreg:$0xd] =	wrdreg s23  }
0x12: {  	s0 =	ssub.s32 s0, s25;
	s26 =	sadd.s32 $0x40C400, s7;
	[dreg:$0xe] =	wrdreg s24  }
0x13: {  	s4 =	sadd.s32 $0x1500, s1;
	s30 =	sadd.s32 $0x40D400, s7;
	[dreg:$0xf] =	wrdreg s26  }
0x14: {  	s5 =	sadd.s32 $0x1600, s1;
	s6 =	sadd.s32 $0x40E400, s7;
	[dreg:$0x10] =	wrdreg s30  }
0x15: {  	s3 =	sadd.s32 $0x1400, s1;
	s8 =	sadd.s32 $0x40F400, s7;
	[dreg:$0x11] =	wrdreg s6  }
0x16: {  	v2 =	vlaneseq.u32;
	s31 =	sadd.s32 $0x410400, s7;
	s7 =	smax.u32 s0, $0x1;
	[dreg:$0x12] =	wrdreg s8  }
0x17: {  	vm0 =	vmmov $0xffff;
	v1 =	vshrl.u32 v2, $0x3;
	s0 =	simm.s32 $0x3;
	s6 =	sadd.s32 $0x1700, s1;
	[dreg:$0x13] =	wrdreg s31  }
0x18: {  	v0 =	vand.u32 $0x7, v2;
	v2 =	vor.u32 $0x8, v2;
	v1 =	vmul.u32 $0x8, v1;
	s8 =	simm.s32 $0x1;
	s14 =	simm.s32 $0x2;
	s1 =	simm.s32 $0x4  }
.LBB2_1:
0x19: {  	[dreg:$0x14] =	wrdreg s7  }
0x1a: {  	s30 =	rddreg [dreg:$0x3];
	s18 =	simm.s32 $0x7  }
0x1b: {  	[tilespmem:s2], [sflag:$0x7] =	stream.linear.gather [hbm4b:s30+s2], $0x200, $0x38;
	[tilespmem:$0x18200] =	vst v63  }
0x1c: {  	_ =	swait.ge [sflag:s18], $0x200  }
0x1d: {  	[sflag:s18] =	ssyncset.done $0x0  }
0x1e: {  	[sflag:s18] =	ssyncadd.s32 $0xFFFFFE00  }
0x1f: {  	v3 =	vld [tilespmem:$0x0];
	_ =	sdelay $0x4  }
0x20: {  	v4 =	vshll.u32 v3, $0x3  }
0x21: {  	v3 =	vand.u32 $0x7, v3;
	v4 =	vand.u32 $0xFFFFFFC0, v4  }
0x22: {  	v3 =	vor.u32 v3, v4  }
0x23: {  	v4 =	vperm.xlane v3, v0;
	_ =	sdelay $0x1  }
0x24: {  	v4 =	vadd.s32 v1, v4;
	_ =	sdelay $0x3  }
0x25: {  	s19 =	simm.s32 $0x200  }
0x26: {  	[tilespmem:s19], [sflag:$0x1] =	stream.indirect_vreg.gather [hbm4b:s3+s2], $0x80, v4, vm0, $0xb8;
	[tilespmem:$0x18200] =	vst v63  }
0x27: {  	s10 =	simm.s32 $0xA00;
	v3 =	vperm.xlane v3, v2  }
0x28: {  	[tilespmem:s10], [sflag:$0x1] =	stream.indirect_vreg.gather [hbm4b:s4+s2], $0x80, v4, vm0, $0xb8;
	[tilespmem:$0x18200] =	vst v63  }
0x29: {  	s20 =	simm.s32 $0x1200;
	v3 =	vadd.s32 v1, v3  }
0x2a: {  	[tilespmem:s20], [sflag:$0x1] =	stream.indirect_vreg.gather [hbm4b:s5+s2], $0x80, v4, vm0, $0xb8;
	[tilespmem:$0x18200] =	vst v63  }
0x2b: {  	s21 =	simm.s32 $0x1A00  }
0x2c: {  	[tilespmem:s21], [sflag:$0x1] =	stream.indirect_vreg.gather [hbm4b:s6+s2], $0x80, v4, vm0, $0xb8;
	[tilespmem:$0x18200] =	vst v63  }
0x2d: {  	s22 =	simm.s32 $0x2200  }
0x2e: {  	[tilespmem:s22], [sflag:$0x1] =	stream.indirect_vreg.gather [hbm4b:s3+s2], $0x80, v3, vm0, $0xb8;
	[tilespmem:$0x18200] =	vst v63  }
0x2f: {  	s23 =	simm.s32 $0x2A00  }
0x30: {  	[tilespmem:s23], [sflag:$0x1] =	stream.indirect_vreg.gather [hbm4b:s4+s2], $0x80, v3, vm0, $0xb8;
	[tilespmem:$0x18200] =	vst v63  }
0x31: {  	s24 =	simm.s32 $0x3200  }
0x32: {  	[tilespmem:s24], [sflag:$0x1] =	stream.indirect_vreg.gather [hbm4b:s5+s2], $0x80, v3, vm0, $0xb8;
	[tilespmem:$0x18200] =	vst v63  }
0x33: {  	s25 =	simm.s32 $0x3A00  }
0x34: {  	[tilespmem:s25], [sflag:$0x1] =	stream.indirect_vreg.gather [hbm4b:s6+s2], $0x80, v3, vm0, $0xb8;
	[tilespmem:$0x18200] =	vst v63  }
0x35: {  	v3 =	vld [tilespmem:$0x10];
	_ =	sdelay $0x4  }
0x36: {  	v33 =	vshll.u32 v3, $0x3  }
0x37: {  	v3 =	vand.u32 $0x7, v3;
	v4 =	vand.u32 $0xFFFFFFC0, v33  }
0x38: {  	v3 =	vor.u32 v3, v4  }
0x39: {  	v4 =	vperm.xlane v3, v0;
	_ =	sdelay $0x1  }
0x3a: {  	v4 =	vadd.s32 v1, v4;
	_ =	sdelay $0x3  }
0x3b: {  	s26 =	simm.s32 $0x4200  }
0x3c: {  	[tilespmem:s26], [sflag:$0x1] =	stream.indirect_vreg.gather [hbm4b:s3+s2], $0x80, v4, vm0, $0xb8;
	[tilespmem:$0x18200] =	vst v63  }
0x3d: {  	s30 =	simm.s32 $0x4A00;
	v3 =	vperm.xlane v3, v2  }
0x3e: {  	[tilespmem:s30], [sflag:$0x1] =	stream.indirect_vreg.gather [hbm4b:s4+s2], $0x80, v4, vm0, $0xb8;
	[tilespmem:$0x18200] =	vst v63  }
0x3f: {  	s31 =	simm.s32 $0x5200;
	v3 =	vadd.s32 v1, v3  }
0x40: {  	[tilespmem:s31], [sflag:$0x1] =	stream.indirect_vreg.gather [hbm4b:s5+s2], $0x80, v4, vm0, $0xb8;
	[tilespmem:$0x18200] =	vst v63  }
0x41: {  	s7 =	simm.s32 $0x5A00  }
0x42: {  	[tilespmem:s7], [sflag:$0x1] =	stream.indirect_vreg.gather [hbm4b:s6+s2], $0x80, v4, vm0, $0xb8;
	[tilespmem:$0x18200] =	vst v63  }
0x43: {  	s9 =	simm.s32 $0x6200  }
0x44: {  	[tilespmem:s9], [sflag:$0x1] =	stream.indirect_vreg.gather [hbm4b:s3+s2], $0x80, v3, vm0, $0xb8;
	[tilespmem:$0x18200] =	vst v63  }
0x45: {  	s11 =	simm.s32 $0x6A00  }
0x46: {  	[tilespmem:s11], [sflag:$0x1] =	stream.indirect_vreg.gather [hbm4b:s4+s2], $0x80, v3, vm0, $0xb8;
	[tilespmem:$0x18200] =	vst v63  }
0x47: {  	s12 =	simm.s32 $0x7200  }
0x48: {  	[tilespmem:s12], [sflag:$0x1] =	stream.indirect_vreg.gather [hbm4b:s5+s2], $0x80, v3, vm0, $0xb8;
	[tilespmem:$0x18200] =	vst v63  }
0x49: {  	s18 =	simm.s32 $0x7A00  }
0x4a: {  	[tilespmem:s18], [sflag:$0x1] =	stream.indirect_vreg.gather [hbm4b:s6+s2], $0x80, v3, vm0, $0xb8;
	[tilespmem:$0x18200] =	vst v63  }
0x4b: {  	v3 =	vld [tilespmem:$0x20];
	_ =	sdelay $0x4  }
0x4c: {  	v34 =	vshll.u32 v3, $0x3  }
0x4d: {  	v3 =	vand.u32 $0x7, v3;
	v4 =	vand.u32 $0xFFFFFFC0, v34  }
0x4e: {  	v3 =	vor.u32 v3, v4  }
0x4f: {  	v4 =	vperm.xlane v3, v0;
	_ =	sdelay $0x1  }
0x50: {  	v4 =	vadd.s32 v1, v4;
	_ =	sdelay $0x3  }
0x51: {  	s19 =	simm.s32 $0x8200  }
0x52: {  	[tilespmem:s19], [sflag:$0x2] =	stream.indirect_vreg.gather [hbm4b:s3+s2], $0x80, v4, vm0, $0xb8;
	[tilespmem:$0x18200] =	vst v63  }
0x53: {  	s20 =	simm.s32 $0x8A00;
	v3 =	vperm.xlane v3, v2  }
0x54: {  	[tilespmem:s20], [sflag:$0x2] =	stream.indirect_vreg.gather [hbm4b:s4+s2], $0x80, v4, vm0, $0xb8;
	[tilespmem:$0x18200] =	vst v63  }
0x55: {  	s21 =	simm.s32 $0x9200;
	v3 =	vadd.s32 v1, v3  }
0x56: {  	[tilespmem:s21], [sflag:$0x2] =	stream.indirect_vreg.gather [hbm4b:s5+s2], $0x80, v4, vm0, $0xb8;
	[tilespmem:$0x18200] =	vst v63  }
0x57: {  	s22 =	simm.s32 $0x9A00  }
0x58: {  	[tilespmem:s22], [sflag:$0x2] =	stream.indirect_vreg.gather [hbm4b:s6+s2], $0x80, v4, vm0, $0xb8;
	[tilespmem:$0x18200] =	vst v63  }
0x59: {  	s23 =	simm.s32 $0xA200  }
0x5a: {  	[tilespmem:s23], [sflag:$0x2] =	stream.indirect_vreg.gather [hbm4b:s3+s2], $0x80, v3, vm0, $0xb8;
	[tilespmem:$0x18200] =	vst v63  }
0x5b: {  	s24 =	simm.s32 $0xAA00  }
0x5c: {  	[tilespmem:s24], [sflag:$0x2] =	stream.indirect_vreg.gather [hbm4b:s4+s2], $0x80, v3, vm0, $0xb8;
	[tilespmem:$0x18200] =	vst v63  }
0x5d: {  	s25 =	simm.s32 $0xB200  }
0x5e: {  	[tilespmem:s25], [sflag:$0x2] =	stream.indirect_vreg.gather [hbm4b:s5+s2], $0x80, v3, vm0, $0xb8;
	[tilespmem:$0x18200] =	vst v63  }
0x5f: {  	s26 =	simm.s32 $0xBA00  }
0x60: {  	[tilespmem:s26], [sflag:$0x2] =	stream.indirect_vreg.gather [hbm4b:s6+s2], $0x80, v3, vm0, $0xb8;
	[tilespmem:$0x18200] =	vst v63  }
0x61: {  	v3 =	vld [tilespmem:$0x30];
	_ =	sdelay $0x4  }
0x62: {  	v35 =	vshll.u32 v3, $0x3  }
0x63: {  	v3 =	vand.u32 $0x7, v3;
	v4 =	vand.u32 $0xFFFFFFC0, v35  }
0x64: {  	v3 =	vor.u32 v3, v4  }
0x65: {  	v4 =	vperm.xlane v3, v0;
	_ =	sdelay $0x1  }
0x66: {  	v4 =	vadd.s32 v1, v4;
	_ =	sdelay $0x3  }
0x67: {  	s30 =	simm.s32 $0xC200  }
0x68: {  	[tilespmem:s30], [sflag:$0x2] =	stream.indirect_vreg.gather [hbm4b:s3+s2], $0x80, v4, vm0, $0xb8;
	[tilespmem:$0x18200] =	vst v63  }
0x69: {  	s31 =	simm.s32 $0xCA00;
	v3 =	vperm.xlane v3, v2  }
0x6a: {  	[tilespmem:s31], [sflag:$0x2] =	stream.indirect_vreg.gather [hbm4b:s4+s2], $0x80, v4, vm0, $0xb8;
	[tilespmem:$0x18200] =	vst v63  }
0x6b: {  	s9 =	simm.s32 $0xD200;
	v3 =	vadd.s32 v1, v3  }
0x6c: {  	[tilespmem:s9], [sflag:$0x2] =	stream.indirect_vreg.gather [hbm4b:s5+s2], $0x80, v4, vm0, $0xb8;
	[tilespmem:$0x18200] =	vst v63  }
0x6d: {  	s11 =	simm.s32 $0xDA00  }
0x6e: {  	[tilespmem:s11], [sflag:$0x2] =	stream.indirect_vreg.gather [hbm4b:s6+s2], $0x80, v4, vm0, $0xb8;
	[tilespmem:$0x18200] =	vst v63  }
0x6f: {  	s12 =	simm.s32 $0xE200  }
0x70: {  	[tilespmem:s12], [sflag:$0x2] =	stream.indirect_vreg.gather [hbm4b:s3+s2], $0x80, v3, vm0, $0xb8;
	[tilespmem:$0x18200] =	vst v63  }
0x71: {  	s18 =	simm.s32 $0xEA00  }
0x72: {  	[tilespmem:s18], [sflag:$0x2] =	stream.indirect_vreg.gather [hbm4b:s4+s2], $0x80, v3, vm0, $0xb8;
	[tilespmem:$0x18200] =	vst v63  }
0x73: {  	s19 =	simm.s32 $0xF200  }
0x74: {  	[tilespmem:s19], [sflag:$0x2] =	stream.indirect_vreg.gather [hbm4b:s5+s2], $0x80, v3, vm0, $0xb8;
	[tilespmem:$0x18200] =	vst v63  }
0x75: {  	s20 =	simm.s32 $0xFA00  }
0x76: {  	[tilespmem:s20], [sflag:$0x2] =	stream.indirect_vreg.gather [hbm4b:s6+s2], $0x80, v3, vm0, $0xb8;
	[tilespmem:$0x18200] =	vst v63  }
0x77: {  	_ =	swait.ge [sflag:s8], $0x8000  }
0x78: {  	[sflag:s8] =	ssyncset.done $0x0  }
0x79: {  	s9 =	simm.s32 $0x200;
	s24 =	rddreg [dreg:$0x4];
	[sflag:s8] =	ssyncadd.s32 $0xFFFF8000  }
0x7a: {  	[hbm4b:s24+s2] =	stream.linear.scatter [tilespmem:s9], [sflag:$0x4], $0x8000, $0x38;
	[tilespmem:$0x18200] =	vst v63  }
0x7b: {  	v3 =	vld [tilespmem:$0x40];
	_ =	sdelay $0x4  }
0x7c: {  	v36 =	vshll.u32 v3, $0x3  }
0x7d: {  	v3 =	vand.u32 $0x7, v3;
	v4 =	vand.u32 $0xFFFFFFC0, v36  }
0x7e: {  	v3 =	vor.u32 v3, v4  }
0x7f: {  	v4 =	vperm.xlane v3, v0;
	_ =	sdelay $0x1  }
0x80: {  	v4 =	vadd.s32 v1, v4;
	_ =	sdelay $0x3  }
0x81: {  	s12 =	simm.s32 $0x10200  }
0x82: {  	[tilespmem:s12], [sflag:$0x3] =	stream.indirect_vreg.gather [hbm4b:s3+s2], $0x80, v4, vm0, $0xb8;
	[tilespmem:$0x18200] =	vst v63  }
0x83: {  	s25 =	simm.s32 $0x10A00;
	v3 =	vperm.xlane v3, v2  }
0x84: {  	[tilespmem:s25], [sflag:$0x3] =	stream.indirect_vreg.gather [hbm4b:s4+s2], $0x80, v4, vm0, $0xb8;
	[tilespmem:$0x18200] =	vst v63  }
0x85: {  	s26 =	simm.s32 $0x11200;
	v3 =	vadd.s32 v1, v3  }
0x86: {  	[tilespmem:s26], [sflag:$0x3] =	stream.indirect_vreg.gather [hbm4b:s5+s2], $0x80, v4, vm0, $0xb8;
	[tilespmem:$0x18200] =	vst v63  }
0x87: {  	s30 =	simm.s32 $0x11A00  }
0x88: {  	[tilespmem:s30], [sflag:$0x3] =	stream.indirect_vreg.gather [hbm4b:s6+s2], $0x80, v4, vm0, $0xb8;
	[tilespmem:$0x18200] =	vst v63  }
0x89: {  	s31 =	simm.s32 $0x12200  }
0x8a: {  	[tilespmem:s31], [sflag:$0x3] =	stream.indirect_vreg.gather [hbm4b:s3+s2], $0x80, v3, vm0, $0xb8;
	[tilespmem:$0x18200] =	vst v63  }
0x8b: {  	s7 =	simm.s32 $0x12A00  }
0x8c: {  	[tilespmem:s7], [sflag:$0x3] =	stream.indirect_vreg.gather [hbm4b:s4+s2], $0x80, v3, vm0, $0xb8;
	[tilespmem:$0x18200] =	vst v63  }
0x8d: {  	s11 =	simm.s32 $0x13200  }
0x8e: {  	[tilespmem:s11], [sflag:$0x3] =	stream.indirect_vreg.gather [hbm4b:s5+s2], $0x80, v3, vm0, $0xb8;
	[tilespmem:$0x18200] =	vst v63  }
0x8f: {  	s18 =	simm.s32 $0x13A00  }
0x90: {  	[tilespmem:s18], [sflag:$0x3] =	stream.indirect_vreg.gather [hbm4b:s6+s2], $0x80, v3, vm0, $0xb8;
	[tilespmem:$0x18200] =	vst v63  }
0x91: {  	v3 =	vld [tilespmem:$0x50];
	_ =	sdelay $0x4  }
0x92: {  	v37 =	vshll.u32 v3, $0x3  }
0x93: {  	v3 =	vand.u32 $0x7, v3;
	v4 =	vand.u32 $0xFFFFFFC0, v37  }
0x94: {  	v3 =	vor.u32 v3, v4  }
0x95: {  	v4 =	vperm.xlane v3, v0;
	_ =	sdelay $0x1  }
0x96: {  	v4 =	vadd.s32 v1, v4;
	_ =	sdelay $0x3  }
0x97: {  	s19 =	simm.s32 $0x14200  }
0x98: {  	[tilespmem:s19], [sflag:$0x3] =	stream.indirect_vreg.gather [hbm4b:s3+s2], $0x80, v4, vm0, $0xb8;
	[tilespmem:$0x18200] =	vst v63  }
0x99: {  	s25 =	simm.s32 $0x14A00;
	v3 =	vperm.xlane v3, v2  }
0x9a: {  	[tilespmem:s25], [sflag:$0x3] =	stream.indirect_vreg.gather [hbm4b:s4+s2], $0x80, v4, vm0, $0xb8;
	[tilespmem:$0x18200] =	vst v63  }
0x9b: {  	s30 =	simm.s32 $0x15200;
	v3 =	vadd.s32 v1, v3  }
0x9c: {  	[tilespmem:s30], [sflag:$0x3] =	stream.indirect_vreg.gather [hbm4b:s5+s2], $0x80, v4, vm0, $0xb8;
	[tilespmem:$0x18200] =	vst v63  }
0x9d: {  	s31 =	simm.s32 $0x15A00  }
0x9e: {  	[tilespmem:s31], [sflag:$0x3] =	stream.indirect_vreg.gather [hbm4b:s6+s2], $0x80, v4, vm0, $0xb8;
	[tilespmem:$0x18200] =	vst v63  }
0x9f: {  	s7 =	simm.s32 $0x16200  }
0xa0: {  	[tilespmem:s7], [sflag:$0x3] =	stream.indirect_vreg.gather [hbm4b:s3+s2], $0x80, v3, vm0, $0xb8;
	[tilespmem:$0x18200] =	vst v63  }
0xa1: {  	s11 =	simm.s32 $0x16A00  }
0xa2: {  	[tilespmem:s11], [sflag:$0x3] =	stream.indirect_vreg.gather [hbm4b:s4+s2], $0x80, v3, vm0, $0xb8;
	[tilespmem:$0x18200] =	vst v63  }
0xa3: {  	s18 =	simm.s32 $0x17200  }
0xa4: {  	[tilespmem:s18], [sflag:$0x3] =	stream.indirect_vreg.gather [hbm4b:s5+s2], $0x80, v3, vm0, $0xb8;
	[tilespmem:$0x18200] =	vst v63  }
0xa5: {  	s19 =	simm.s32 $0x17A00  }
0xa6: {  	[tilespmem:s19], [sflag:$0x3] =	stream.indirect_vreg.gather [hbm4b:s6+s2], $0x80, v3, vm0, $0xb8;
	[tilespmem:$0x18200] =	vst v63  }
0xa7: {  	_ =	swait.ge [sflag:s14], $0x8000  }
0xa8: {  	[sflag:s14] =	ssyncset.done $0x0  }
0xa9: {  	s7 =	simm.s32 $0x8200;
	s25 =	rddreg [dreg:$0x5];
	[sflag:s14] =	ssyncadd.s32 $0xFFFF8000  }
0xaa: {  	[hbm4b:s25+s2] =	stream.linear.scatter [tilespmem:s7], [sflag:$0x5], $0x8000, $0x38;
	[tilespmem:$0x18200] =	vst v63  }
0xab: {  	_ =	swait.ge [sflag:s1], $0x8000  }
0xac: {  	[sflag:s1] =	ssyncset.done $0x0  }
0xad: {  	[sflag:s1] =	ssyncadd.s32 $0xFFFF8000  }
0xae: {  	v3 =	vld [tilespmem:$0x60];
	_ =	sdelay $0x4  }
0xaf: {  	v38 =	vshll.u32 v3, $0x3  }
0xb0: {  	v3 =	vand.u32 $0x7, v3;
	v4 =	vand.u32 $0xFFFFFFC0, v38  }
0xb1: {  	v3 =	vor.u32 v3, v4  }
0xb2: {  	v4 =	vperm.xlane v3, v0;
	_ =	sdelay $0x1  }
0xb3: {  	v4 =	vadd.s32 v1, v4;
	_ =	sdelay $0x4  }
0xb4: {  	[tilespmem:s9], [sflag:$0x1] =	stream.indirect_vreg.gather [hbm4b:s3+s2], $0x80, v4, vm0, $0xb8;
	[tilespmem:$0x18200] =	vst v63  }
0xb5: {  	s13 =	simm.s32 $0xA00;
	v3 =	vperm.xlane v3, v2  }
0xb6: {  	[tilespmem:s13], [sflag:$0x1] =	stream.indirect_vreg.gather [hbm4b:s4+s2], $0x80, v4, vm0, $0xb8;
	[tilespmem:$0x18200] =	vst v63  }
0xb7: {  	s25 =	simm.s32 $0x1200;
	v3 =	vadd.s32 v1, v3  }
0xb8: {  	[tilespmem:s25], [sflag:$0x1] =	stream.indirect_vreg.gather [hbm4b:s5+s2], $0x80, v4, vm0, $0xb8;
	[tilespmem:$0x18200] =	vst v63  }
0xb9: {  	s11 =	simm.s32 $0x1A00  }
0xba: {  	[tilespmem:s11], [sflag:$0x1] =	stream.indirect_vreg.gather [hbm4b:s6+s2], $0x80, v4, vm0, $0xb8;
	[tilespmem:$0x18200] =	vst v63  }
0xbb: {  	s30 =	simm.s32 $0x2200  }
0xbc: {  	[tilespmem:s30], [sflag:$0x1] =	stream.indirect_vreg.gather [hbm4b:s3+s2], $0x80, v3, vm0, $0xb8;
	[tilespmem:$0x18200] =	vst v63  }
0xbd: {  	s31 =	simm.s32 $0x2A00  }
0xbe: {  	[tilespmem:s31], [sflag:$0x1] =	stream.indirect_vreg.gather [hbm4b:s4+s2], $0x80, v3, vm0, $0xb8;
	[tilespmem:$0x18200] =	vst v63  }
0xbf: {  	s12 =	simm.s32 $0x3200  }
0xc0: {  	[tilespmem:s12], [sflag:$0x1] =	stream.indirect_vreg.gather [hbm4b:s5+s2], $0x80, v3, vm0, $0xb8;
	[tilespmem:$0x18200] =	vst v63  }
0xc1: {  	s15 =	simm.s32 $0x3A00  }
0xc2: {  	[tilespmem:s15], [sflag:$0x1] =	stream.indirect_vreg.gather [hbm4b:s6+s2], $0x80, v3, vm0, $0xb8;
	[tilespmem:$0x18200] =	vst v63  }
0xc3: {  	v3 =	vld [tilespmem:$0x70];
	_ =	sdelay $0x4  }
0xc4: {  	v39 =	vshll.u32 v3, $0x3  }
0xc5: {  	v3 =	vand.u32 $0x7, v3;
	v4 =	vand.u32 $0xFFFFFFC0, v39  }
0xc6: {  	v3 =	vor.u32 v3, v4  }
0xc7: {  	v4 =	vperm.xlane v3, v0;
	_ =	sdelay $0x1  }
0xc8: {  	v4 =	vadd.s32 v1, v4;
	_ =	sdelay $0x3  }
0xc9: {  	s16 =	simm.s32 $0x4200  }
0xca: {  	[tilespmem:s16], [sflag:$0x1] =	stream.indirect_vreg.gather [hbm4b:s3+s2], $0x80, v4, vm0, $0xb8;
	[tilespmem:$0x18200] =	vst v63  }
0xcb: {  	s17 =	simm.s32 $0x4A00;
	v3 =	vperm.xlane v3, v2  }
0xcc: {  	[tilespmem:s17], [sflag:$0x1] =	stream.indirect_vreg.gather [hbm4b:s4+s2], $0x80, v4, vm0, $0xb8;
	[tilespmem:$0x18200] =	vst v63  }
0xcd: {  	s15 =	simm.s32 $0x5200;
	v3 =	vadd.s32 v1, v3  }
0xce: {  	[tilespmem:s15], [sflag:$0x1] =	stream.indirect_vreg.gather [hbm4b:s5+s2], $0x80, v4, vm0, $0xb8;
	[tilespmem:$0x18200] =	vst v63  }
0xcf: {  	s16 =	simm.s32 $0x5A00  }
0xd0: {  	[tilespmem:s16], [sflag:$0x1] =	stream.indirect_vreg.gather [hbm4b:s6+s2], $0x80, v4, vm0, $0xb8;
	[tilespmem:$0x18200] =	vst v63  }
0xd1: {  	s17 =	simm.s32 $0x6200  }
0xd2: {  	[tilespmem:s17], [sflag:$0x1] =	stream.indirect_vreg.gather [hbm4b:s3+s2], $0x80, v3, vm0, $0xb8;
	[tilespmem:$0x18200] =	vst v63  }
0xd3: {  	s18 =	simm.s32 $0x6A00  }
0xd4: {  	[tilespmem:s18], [sflag:$0x1] =	stream.indirect_vreg.gather [hbm4b:s4+s2], $0x80, v3, vm0, $0xb8;
	[tilespmem:$0x18200] =	vst v63  }
0xd5: {  	s19 =	simm.s32 $0x7200  }
0xd6: {  	[tilespmem:s19], [sflag:$0x1] =	stream.indirect_vreg.gather [hbm4b:s5+s2], $0x80, v3, vm0, $0xb8;
	[tilespmem:$0x18200] =	vst v63  }
0xd7: {  	s10 =	simm.s32 $0x7A00  }
0xd8: {  	[tilespmem:s10], [sflag:$0x1] =	stream.indirect_vreg.gather [hbm4b:s6+s2], $0x80, v3, vm0, $0xb8;
	[tilespmem:$0x18200] =	vst v63  }
0xd9: {  	_ =	swait.ge [sflag:s0], $0x8000  }
0xda: {  	[sflag:s0] =	ssyncset.done $0x0  }
0xdb: {  	s10 =	simm.s32 $0x10200;
	s13 =	rddreg [dreg:$0x6];
	[sflag:s0] =	ssyncadd.s32 $0xFFFF8000  }
0xdc: {  	[hbm4b:s13+s2] =	stream.linear.scatter [tilespmem:s10], [sflag:$0x6], $0x8000, $0x38;
	[tilespmem:$0x18200] =	vst v63  }
0xdd: {  	_ =	swait.ge [sflag:s28], $0x8000  }
0xde: {  	[sflag:s28] =	ssyncset.done $0x0  }
0xdf: {  	[sflag:s28] =	ssyncadd.s32 $0xFFFF8000  }
0xe0: {  	v3 =	vld [tilespmem:$0x80];
	_ =	sdelay $0x4  }
0xe1: {  	v40 =	vshll.u32 v3, $0x3  }
0xe2: {  	v3 =	vand.u32 $0x7, v3;
	v4 =	vand.u32 $0xFFFFFFC0, v40  }
0xe3: {  	v3 =	vor.u32 v3, v4  }
0xe4: {  	v4 =	vperm.xlane v3, v0;
	_ =	sdelay $0x1  }
0xe5: {  	v4 =	vadd.s32 v1, v4;
	_ =	sdelay $0x4  }
0xe6: {  	[tilespmem:s7], [sflag:$0x2] =	stream.indirect_vreg.gather [hbm4b:s3+s2], $0x80, v4, vm0, $0xb8;
	[tilespmem:$0x18200] =	vst v63  }
0xe7: {  	s30 =	simm.s32 $0x8A00;
	v3 =	vperm.xlane v3, v2  }
0xe8: {  	[tilespmem:s30], [sflag:$0x2] =	stream.indirect_vreg.gather [hbm4b:s4+s2], $0x80, v4, vm0, $0xb8;
	[tilespmem:$0x18200] =	vst v63  }
0xe9: {  	s21 =	simm.s32 $0x9200;
	v3 =	vadd.s32 v1, v3  }
0xea: {  	[tilespmem:s21], [sflag:$0x2] =	stream.indirect_vreg.gather [hbm4b:s5+s2], $0x80, v4, vm0, $0xb8;
	[tilespmem:$0x18200] =	vst v63  }
0xeb: {  	s22 =	simm.s32 $0x9A00  }
0xec: {  	[tilespmem:s22], [sflag:$0x2] =	stream.indirect_vreg.gather [hbm4b:s6+s2], $0x80, v4, vm0, $0xb8;
	[tilespmem:$0x18200] =	vst v63  }
0xed: {  	s23 =	simm.s32 $0xA200  }
0xee: {  	[tilespmem:s23], [sflag:$0x2] =	stream.indirect_vreg.gather [hbm4b:s3+s2], $0x80, v3, vm0, $0xb8;
	[tilespmem:$0x18200] =	vst v63  }
0xef: {  	s13 =	simm.s32 $0xAA00  }
0xf0: {  	[tilespmem:s13], [sflag:$0x2] =	stream.indirect_vreg.gather [hbm4b:s4+s2], $0x80, v3, vm0, $0xb8;
	[tilespmem:$0x18200] =	vst v63  }
0xf1: {  	s31 =	simm.s32 $0xB200  }
0xf2: {  	[tilespmem:s31], [sflag:$0x2] =	stream.indirect_vreg.gather [hbm4b:s5+s2], $0x80, v3, vm0, $0xb8;
	[tilespmem:$0x18200] =	vst v63  }
0xf3: {  	s11 =	simm.s32 $0xBA00  }
0xf4: {  	[tilespmem:s11], [sflag:$0x2] =	stream.indirect_vreg.gather [hbm4b:s6+s2], $0x80, v3, vm0, $0xb8;
	[tilespmem:$0x18200] =	vst v63  }
0xf5: {  	v3 =	vld [tilespmem:$0x90];
	_ =	sdelay $0x4  }
0xf6: {  	v41 =	vshll.u32 v3, $0x3  }
0xf7: {  	v3 =	vand.u32 $0x7, v3;
	v4 =	vand.u32 $0xFFFFFFC0, v41  }
0xf8: {  	v3 =	vor.u32 v3, v4  }
0xf9: {  	v4 =	vperm.xlane v3, v0;
	_ =	sdelay $0x1  }
0xfa: {  	v4 =	vadd.s32 v1, v4;
	_ =	sdelay $0x3  }
0xfb: {  	s21 =	simm.s32 $0xC200  }
0xfc: {  	[tilespmem:s21], [sflag:$0x2] =	stream.indirect_vreg.gather [hbm4b:s3+s2], $0x80, v4, vm0, $0xb8;
	[tilespmem:$0x18200] =	vst v63  }
0xfd: {  	s22 =	simm.s32 $0xCA00;
	v3 =	vperm.xlane v3, v2  }
0xfe: {  	[tilespmem:s22], [sflag:$0x2] =	stream.indirect_vreg.gather [hbm4b:s4+s2], $0x80, v4, vm0, $0xb8;
	[tilespmem:$0x18200] =	vst v63  }
0xff: {  	s23 =	simm.s32 $0xD200;
	v3 =	vadd.s32 v1, v3  }
0x100: {  	[tilespmem:s23], [sflag:$0x2] =	stream.indirect_vreg.gather [hbm4b:s5+s2], $0x80, v4, vm0, $0xb8;
	[tilespmem:$0x18200] =	vst v63  }
0x101: {  	s30 =	simm.s32 $0xDA00  }
0x102: {  	[tilespmem:s30], [sflag:$0x2] =	stream.indirect_vreg.gather [hbm4b:s6+s2], $0x80, v4, vm0, $0xb8;
	[tilespmem:$0x18200] =	vst v63  }
0x103: {  	s31 =	simm.s32 $0xE200  }
0x104: {  	[tilespmem:s31], [sflag:$0x2] =	stream.indirect_vreg.gather [hbm4b:s3+s2], $0x80, v3, vm0, $0xb8;
	[tilespmem:$0x18200] =	vst v63  }
0x105: {  	s11 =	simm.s32 $0xEA00  }
0x106: {  	[tilespmem:s11], [sflag:$0x2] =	stream.indirect_vreg.gather [hbm4b:s4+s2], $0x80, v3, vm0, $0xb8;
	[tilespmem:$0x18200] =	vst v63  }
0x107: {  	s21 =	simm.s32 $0xF200  }
0x108: {  	[tilespmem:s21], [sflag:$0x2] =	stream.indirect_vreg.gather [hbm4b:s5+s2], $0x80, v3, vm0, $0xb8;
	[tilespmem:$0x18200] =	vst v63  }
0x109: {  	s22 =	simm.s32 $0xFA00  }
0x10a: {  	[tilespmem:s22], [sflag:$0x2] =	stream.indirect_vreg.gather [hbm4b:s6+s2], $0x80, v3, vm0, $0xb8;
	[tilespmem:$0x18200] =	vst v63  }
0x10b: {  	_ =	swait.ge [sflag:s8], $0x8000  }
0x10c: {  	[sflag:s8] =	ssyncset.done $0x0  }
0x10d: {  	s9 =	simm.s32 $0x200;
	s23 =	rddreg [dreg:$0x7];
	[sflag:s8] =	ssyncadd.s32 $0xFFFF8000  }
0x10e: {  	[hbm4b:s23+s2] =	stream.linear.scatter [tilespmem:s9], [sflag:$0x4], $0x8000, $0x38;
	[tilespmem:$0x18200] =	vst v63  }
0x10f: {  	_ =	swait.ge [sflag:s29], $0x8000  }
0x110: {  	[sflag:s29] =	ssyncset.done $0x0  }
0x111: {  	[sflag:s29] =	ssyncadd.s32 $0xFFFF8000  }
0x112: {  	v3 =	vld [tilespmem:$0xA0];
	_ =	sdelay $0x4  }
0x113: {  	v42 =	vshll.u32 v3, $0x3  }
0x114: {  	v3 =	vand.u32 $0x7, v3;
	v4 =	vand.u32 $0xFFFFFFC0, v42  }
0x115: {  	v3 =	vor.u32 v3, v4  }
0x116: {  	v4 =	vperm.xlane v3, v0;
	_ =	sdelay $0x1  }
0x117: {  	v4 =	vadd.s32 v1, v4;
	_ =	sdelay $0x4  }
0x118: {  	[tilespmem:s10], [sflag:$0x3] =	stream.indirect_vreg.gather [hbm4b:s3+s2], $0x80, v4, vm0, $0xb8;
	[tilespmem:$0x18200] =	vst v63  }
0x119: {  	s20 =	simm.s32 $0x10A00;
	v3 =	vperm.xlane v3, v2  }
0x11a: {  	[tilespmem:s20], [sflag:$0x3] =	stream.indirect_vreg.gather [hbm4b:s4+s2], $0x80, v4, vm0, $0xb8;
	[tilespmem:$0x18200] =	vst v63  }
0x11b: {  	v3 =	vadd.s32 v1, v3;
	s10 =	simm.s32 $0x11200  }
0x11c: {  	[tilespmem:s10], [sflag:$0x3] =	stream.indirect_vreg.gather [hbm4b:s5+s2], $0x80, v4, vm0, $0xb8;
	[tilespmem:$0x18200] =	vst v63  }
0x11d: {  	s20 =	simm.s32 $0x11A00  }
0x11e: {  	[tilespmem:s20], [sflag:$0x3] =	stream.indirect_vreg.gather [hbm4b:s6+s2], $0x80, v4, vm0, $0xb8;
	[tilespmem:$0x18200] =	vst v63  }
0x11f: {  	s21 =	simm.s32 $0x12200  }
0x120: {  	[tilespmem:s21], [sflag:$0x3] =	stream.indirect_vreg.gather [hbm4b:s3+s2], $0x80, v3, vm0, $0xb8;
	[tilespmem:$0x18200] =	vst v63  }
0x121: {  	s22 =	simm.s32 $0x12A00  }
0x122: {  	[tilespmem:s22], [sflag:$0x3] =	stream.indirect_vreg.gather [hbm4b:s4+s2], $0x80, v3, vm0, $0xb8;
	[tilespmem:$0x18200] =	vst v63  }
0x123: {  	s23 =	simm.s32 $0x13200  }
0x124: {  	[tilespmem:s23], [sflag:$0x3] =	stream.indirect_vreg.gather [hbm4b:s5+s2], $0x80, v3, vm0, $0xb8;
	[tilespmem:$0x18200] =	vst v63  }
0x125: {  	s24 =	simm.s32 $0x13A00  }
0x126: {  	[tilespmem:s24], [sflag:$0x3] =	stream.indirect_vreg.gather [hbm4b:s6+s2], $0x80, v3, vm0, $0xb8;
	[tilespmem:$0x18200] =	vst v63  }
0x127: {  	v3 =	vld [tilespmem:$0xB0];
	_ =	sdelay $0x4  }
0x128: {  	v43 =	vshll.u32 v3, $0x3  }
0x129: {  	v3 =	vand.u32 $0x7, v3;
	v4 =	vand.u32 $0xFFFFFFC0, v43  }
0x12a: {  	v3 =	vor.u32 v3, v4  }
0x12b: {  	v4 =	vperm.xlane v3, v0;
	_ =	sdelay $0x1  }
0x12c: {  	v4 =	vadd.s32 v1, v4;
	_ =	sdelay $0x3  }
0x12d: {  	s26 =	simm.s32 $0x14200  }
0x12e: {  	[tilespmem:s26], [sflag:$0x3] =	stream.indirect_vreg.gather [hbm4b:s3+s2], $0x80, v4, vm0, $0xb8;
	[tilespmem:$0x18200] =	vst v63  }
0x12f: {  	s24 =	simm.s32 $0x14A00;
	v3 =	vperm.xlane v3, v2  }
0x130: {  	[tilespmem:s24], [sflag:$0x3] =	stream.indirect_vreg.gather [hbm4b:s4+s2], $0x80, v4, vm0, $0xb8;
	[tilespmem:$0x18200] =	vst v63  }
0x131: {  	v3 =	vadd.s32 v1, v3;
	s24 =	simm.s32 $0x15200  }
0x132: {  	[tilespmem:s24], [sflag:$0x3] =	stream.indirect_vreg.gather [hbm4b:s5+s2], $0x80, v4, vm0, $0xb8;
	[tilespmem:$0x18200] =	vst v63  }
0x133: {  	s9 =	simm.s32 $0x15A00  }
0x134: {  	[tilespmem:s9], [sflag:$0x3] =	stream.indirect_vreg.gather [hbm4b:s6+s2], $0x80, v4, vm0, $0xb8;
	[tilespmem:$0x18200] =	vst v63  }
0x135: {  	s26 =	simm.s32 $0x16200  }
0x136: {  	[tilespmem:s26], [sflag:$0x3] =	stream.indirect_vreg.gather [hbm4b:s3+s2], $0x80, v3, vm0, $0xb8;
	[tilespmem:$0x18200] =	vst v63  }
0x137: {  	s26 =	simm.s32 $0x16A00  }
0x138: {  	[tilespmem:s26], [sflag:$0x3] =	stream.indirect_vreg.gather [hbm4b:s4+s2], $0x80, v3, vm0, $0xb8;
	[tilespmem:$0x18200] =	vst v63  }
0x139: {  	s30 =	simm.s32 $0x17200  }
0x13a: {  	[tilespmem:s30], [sflag:$0x3] =	stream.indirect_vreg.gather [hbm4b:s5+s2], $0x80, v3, vm0, $0xb8;
	[tilespmem:$0x18200] =	vst v63  }
0x13b: {  	s30 =	simm.s32 $0x17A00  }
0x13c: {  	[tilespmem:s30], [sflag:$0x3] =	stream.indirect_vreg.gather [hbm4b:s6+s2], $0x80, v3, vm0, $0xb8;
	[tilespmem:$0x18200] =	vst v63  }
0x13d: {  	_ =	swait.ge [sflag:s14], $0x8000  }
0x13e: {  	[sflag:s14] =	ssyncset.done $0x0  }
0x13f: {  	s12 =	simm.s32 $0x8200;
	s11 =	rddreg [dreg:$0x8];
	[sflag:s14] =	ssyncadd.s32 $0xFFFF8000  }
0x140: {  	[hbm4b:s11+s2] =	stream.linear.scatter [tilespmem:s12], [sflag:$0x5], $0x8000, $0x38;
	[tilespmem:$0x18200] =	vst v63  }
0x141: {  	_ =	swait.ge [sflag:s1], $0x8000  }
0x142: {  	[sflag:s1] =	ssyncset.done $0x0  }
0x143: {  	[sflag:s1] =	ssyncadd.s32 $0xFFFF8000  }
0x144: {  	v3 =	vld [tilespmem:$0xC0];
	_ =	sdelay $0x4  }
0x145: {  	v44 =	vshll.u32 v3, $0x3  }
0x146: {  	v3 =	vand.u32 $0x7, v3;
	v4 =	vand.u32 $0xFFFFFFC0, v44  }
0x147: {  	v3 =	vor.u32 v3, v4  }
0x148: {  	v4 =	vperm.xlane v3, v0;
	_ =	sdelay $0x1  }
0x149: {  	v4 =	vadd.s32 v1, v4;
	_ =	sdelay $0x3  }
0x14a: {  	s31 =	simm.s32 $0x200  }
0x14b: {  	[tilespmem:s31], [sflag:$0x1] =	stream.indirect_vreg.gather [hbm4b:s3+s2], $0x80, v4, vm0, $0xb8;
	[tilespmem:$0x18200] =	vst v63  }
0x14c: {  	s30 =	simm.s32 $0xA00;
	v3 =	vperm.xlane v3, v2  }
0x14d: {  	[tilespmem:s30], [sflag:$0x1] =	stream.indirect_vreg.gather [hbm4b:s4+s2], $0x80, v4, vm0, $0xb8;
	[tilespmem:$0x18200] =	vst v63  }
0x14e: {  	v3 =	vadd.s32 v1, v3  }
0x14f: {  	[tilespmem:s25], [sflag:$0x1] =	stream.indirect_vreg.gather [hbm4b:s5+s2], $0x80, v4, vm0, $0xb8;
	[tilespmem:$0x18200] =	vst v63  }
0x150: {  	s25 =	simm.s32 $0x1A00  }
0x151: {  	[tilespmem:s25], [sflag:$0x1] =	stream.indirect_vreg.gather [hbm4b:s6+s2], $0x80, v4, vm0, $0xb8;
	[tilespmem:$0x18200] =	vst v63  }
0x152: {  	s30 =	simm.s32 $0x2200  }
0x153: {  	[tilespmem:s30], [sflag:$0x1] =	stream.indirect_vreg.gather [hbm4b:s3+s2], $0x80, v3, vm0, $0xb8;
	[tilespmem:$0x18200] =	vst v63  }
0x154: {  	s25 =	simm.s32 $0x2A00  }
0x155: {  	[tilespmem:s25], [sflag:$0x1] =	stream.indirect_vreg.gather [hbm4b:s4+s2], $0x80, v3, vm0, $0xb8;
	[tilespmem:$0x18200] =	vst v63  }
0x156: {  	s30 =	simm.s32 $0x3200  }
0x157: {  	[tilespmem:s30], [sflag:$0x1] =	stream.indirect_vreg.gather [hbm4b:s5+s2], $0x80, v3, vm0, $0xb8;
	[tilespmem:$0x18200] =	vst v63  }
0x158: {  	s12 =	simm.s32 $0x3A00  }
0x159: {  	[tilespmem:s12], [sflag:$0x1] =	stream.indirect_vreg.gather [hbm4b:s6+s2], $0x80, v3, vm0, $0xb8;
	[tilespmem:$0x18200] =	vst v63  }
0x15a: {  	v3 =	vld [tilespmem:$0xD0];
	_ =	sdelay $0x4  }
0x15b: {  	v45 =	vshll.u32 v3, $0x3  }
0x15c: {  	v3 =	vand.u32 $0x7, v3;
	v4 =	vand.u32 $0xFFFFFFC0, v45  }
0x15d: {  	v3 =	vor.u32 v3, v4  }
0x15e: {  	v4 =	vperm.xlane v3, v0;
	_ =	sdelay $0x1  }
0x15f: {  	v4 =	vadd.s32 v1, v4;
	_ =	sdelay $0x3  }
0x160: {  	s25 =	simm.s32 $0x4200  }
0x161: {  	[tilespmem:s25], [sflag:$0x1] =	stream.indirect_vreg.gather [hbm4b:s3+s2], $0x80, v4, vm0, $0xb8;
	[tilespmem:$0x18200] =	vst v63  }
0x162: {  	s30 =	simm.s32 $0x4A00;
	v3 =	vperm.xlane v3, v2  }
0x163: {  	[tilespmem:s30], [sflag:$0x1] =	stream.indirect_vreg.gather [hbm4b:s4+s2], $0x80, v4, vm0, $0xb8;
	[tilespmem:$0x18200] =	vst v63  }
0x164: {  	v3 =	vadd.s32 v1, v3  }
0x165: {  	[tilespmem:s15], [sflag:$0x1] =	stream.indirect_vreg.gather [hbm4b:s5+s2], $0x80, v4, vm0, $0xb8;
	[tilespmem:$0x18200] =	vst v63  }
0x166: {  	_ = 	snop  }
0x167: {  	[tilespmem:s16], [sflag:$0x1] =	stream.indirect_vreg.gather [hbm4b:s6+s2], $0x80, v4, vm0, $0xb8;
	[tilespmem:$0x18200] =	vst v63  }
0x168: {  	_ = 	snop  }
0x169: {  	[tilespmem:s17], [sflag:$0x1] =	stream.indirect_vreg.gather [hbm4b:s3+s2], $0x80, v3, vm0, $0xb8;
	[tilespmem:$0x18200] =	vst v63  }
0x16a: {  	_ = 	snop  }
0x16b: {  	[tilespmem:s18], [sflag:$0x1] =	stream.indirect_vreg.gather [hbm4b:s4+s2], $0x80, v3, vm0, $0xb8;
	[tilespmem:$0x18200] =	vst v63  }
0x16c: {  	_ = 	snop  }
0x16d: {  	[tilespmem:s19], [sflag:$0x1] =	stream.indirect_vreg.gather [hbm4b:s5+s2], $0x80, v3, vm0, $0xb8;
	[tilespmem:$0x18200] =	vst v63  }
0x16e: {  	s15 =	simm.s32 $0x7A00  }
0x16f: {  	[tilespmem:s15], [sflag:$0x1] =	stream.indirect_vreg.gather [hbm4b:s6+s2], $0x80, v3, vm0, $0xb8;
	[tilespmem:$0x18200] =	vst v63  }
0x170: {  	_ =	swait.ge [sflag:s0], $0x8000  }
0x171: {  	[sflag:s0] =	ssyncset.done $0x0  }
0x172: {  	s7 =	simm.s32 $0x10200;
	s19 =	rddreg [dreg:$0x9];
	[sflag:s0] =	ssyncadd.s32 $0xFFFF8000  }
0x173: {  	[hbm4b:s19+s2] =	stream.linear.scatter [tilespmem:s7], [sflag:$0x6], $0x8000, $0x38;
	[tilespmem:$0x18200] =	vst v63  }
0x174: {  	_ =	swait.ge [sflag:s28], $0x8000  }
0x175: {  	[sflag:s28] =	ssyncset.done $0x0  }
0x176: {  	[sflag:s28] =	ssyncadd.s32 $0xFFFF8000  }
0x177: {  	v3 =	vld [tilespmem:$0xE0];
	_ =	sdelay $0x4  }
0x178: {  	v46 =	vshll.u32 v3, $0x3  }
0x179: {  	v3 =	vand.u32 $0x7, v3;
	v4 =	vand.u32 $0xFFFFFFC0, v46  }
0x17a: {  	v3 =	vor.u32 v3, v4  }
0x17b: {  	v4 =	vperm.xlane v3, v0;
	_ =	sdelay $0x1  }
0x17c: {  	v4 =	vadd.s32 v1, v4;
	_ =	sdelay $0x3  }
0x17d: {  	s11 =	simm.s32 $0x8200  }
0x17e: {  	[tilespmem:s11], [sflag:$0x2] =	stream.indirect_vreg.gather [hbm4b:s3+s2], $0x80, v4, vm0, $0xb8;
	[tilespmem:$0x18200] =	vst v63  }
0x17f: {  	v3 =	vperm.xlane v3, v2;
	s11 =	simm.s32 $0x8A00  }
0x180: {  	[tilespmem:s11], [sflag:$0x2] =	stream.indirect_vreg.gather [hbm4b:s4+s2], $0x80, v4, vm0, $0xb8;
	[tilespmem:$0x18200] =	vst v63  }
0x181: {  	s7 =	simm.s32 $0x9200;
	v3 =	vadd.s32 v1, v3  }
0x182: {  	[tilespmem:s7], [sflag:$0x2] =	stream.indirect_vreg.gather [hbm4b:s5+s2], $0x80, v4, vm0, $0xb8;
	[tilespmem:$0x18200] =	vst v63  }
0x183: {  	s16 =	simm.s32 $0x9A00  }
0x184: {  	[tilespmem:s16], [sflag:$0x2] =	stream.indirect_vreg.gather [hbm4b:s6+s2], $0x80, v4, vm0, $0xb8;
	[tilespmem:$0x18200] =	vst v63  }
0x185: {  	s17 =	simm.s32 $0xA200  }
0x186: {  	[tilespmem:s17], [sflag:$0x2] =	stream.indirect_vreg.gather [hbm4b:s3+s2], $0x80, v3, vm0, $0xb8;
	[tilespmem:$0x18200] =	vst v63  }
0x187: {  	_ = 	snop  }
0x188: {  	[tilespmem:s13], [sflag:$0x2] =	stream.indirect_vreg.gather [hbm4b:s4+s2], $0x80, v3, vm0, $0xb8;
	[tilespmem:$0x18200] =	vst v63  }
0x189: {  	s13 =	simm.s32 $0xB200  }
0x18a: {  	[tilespmem:s13], [sflag:$0x2] =	stream.indirect_vreg.gather [hbm4b:s5+s2], $0x80, v3, vm0, $0xb8;
	[tilespmem:$0x18200] =	vst v63  }
0x18b: {  	s30 =	simm.s32 $0xBA00  }
0x18c: {  	[tilespmem:s30], [sflag:$0x2] =	stream.indirect_vreg.gather [hbm4b:s6+s2], $0x80, v3, vm0, $0xb8;
	[tilespmem:$0x18200] =	vst v63  }
0x18d: {  	v3 =	vld [tilespmem:$0xF0];
	_ =	sdelay $0x4  }
0x18e: {  	v47 =	vshll.u32 v3, $0x3  }
0x18f: {  	v3 =	vand.u32 $0x7, v3;
	v4 =	vand.u32 $0xFFFFFFC0, v47  }
0x190: {  	v3 =	vor.u32 v3, v4  }
0x191: {  	v4 =	vperm.xlane v3, v0;
	_ =	sdelay $0x1  }
0x192: {  	v4 =	vadd.s32 v1, v4;
	_ =	sdelay $0x3  }
0x193: {  	s13 =	simm.s32 $0xC200  }
0x194: {  	[tilespmem:s13], [sflag:$0x2] =	stream.indirect_vreg.gather [hbm4b:s3+s2], $0x80, v4, vm0, $0xb8;
	[tilespmem:$0x18200] =	vst v63  }
0x195: {  	s30 =	simm.s32 $0xCA00;
	v3 =	vperm.xlane v3, v2  }
0x196: {  	[tilespmem:s30], [sflag:$0x2] =	stream.indirect_vreg.gather [hbm4b:s4+s2], $0x80, v4, vm0, $0xb8;
	[tilespmem:$0x18200] =	vst v63  }
0x197: {  	v3 =	vadd.s32 v1, v3;
	s13 =	simm.s32 $0xD200  }
0x198: {  	[tilespmem:s13], [sflag:$0x2] =	stream.indirect_vreg.gather [hbm4b:s5+s2], $0x80, v4, vm0, $0xb8;
	[tilespmem:$0x18200] =	vst v63  }
0x199: {  	s30 =	simm.s32 $0xDA00  }
0x19a: {  	[tilespmem:s30], [sflag:$0x2] =	stream.indirect_vreg.gather [hbm4b:s6+s2], $0x80, v4, vm0, $0xb8;
	[tilespmem:$0x18200] =	vst v63  }
0x19b: {  	s13 =	simm.s32 $0xE200  }
0x19c: {  	[tilespmem:s13], [sflag:$0x2] =	stream.indirect_vreg.gather [hbm4b:s3+s2], $0x80, v3, vm0, $0xb8;
	[tilespmem:$0x18200] =	vst v63  }
0x19d: {  	s30 =	simm.s32 $0xEA00  }
0x19e: {  	[tilespmem:s30], [sflag:$0x2] =	stream.indirect_vreg.gather [hbm4b:s4+s2], $0x80, v3, vm0, $0xb8;
	[tilespmem:$0x18200] =	vst v63  }
0x19f: {  	s13 =	simm.s32 $0xF200  }
0x1a0: {  	[tilespmem:s13], [sflag:$0x2] =	stream.indirect_vreg.gather [hbm4b:s5+s2], $0x80, v3, vm0, $0xb8;
	[tilespmem:$0x18200] =	vst v63  }
0x1a1: {  	s30 =	simm.s32 $0xFA00  }
0x1a2: {  	[tilespmem:s30], [sflag:$0x2] =	stream.indirect_vreg.gather [hbm4b:s6+s2], $0x80, v3, vm0, $0xb8;
	[tilespmem:$0x18200] =	vst v63  }
0x1a3: {  	_ =	swait.ge [sflag:s8], $0x8000  }
0x1a4: {  	[sflag:s8] =	ssyncset.done $0x0  }
0x1a5: {  	s31 =	simm.s32 $0x200;
	s13 =	rddreg [dreg:$0xa];
	[sflag:s8] =	ssyncadd.s32 $0xFFFF8000  }
0x1a6: {  	[hbm4b:s13+s2] =	stream.linear.scatter [tilespmem:s31], [sflag:$0x4], $0x8000, $0x38;
	[tilespmem:$0x18200] =	vst v63  }
0x1a7: {  	_ =	swait.ge [sflag:s29], $0x8000  }
0x1a8: {  	[sflag:s29] =	ssyncset.done $0x0  }
0x1a9: {  	[sflag:s29] =	ssyncadd.s32 $0xFFFF8000  }
0x1aa: {  	v3 =	vld [tilespmem:$0x100];
	_ =	sdelay $0x4  }
0x1ab: {  	v48 =	vshll.u32 v3, $0x3  }
0x1ac: {  	v3 =	vand.u32 $0x7, v3;
	v4 =	vand.u32 $0xFFFFFFC0, v48  }
0x1ad: {  	v3 =	vor.u32 v3, v4  }
0x1ae: {  	v4 =	vperm.xlane v3, v0;
	_ =	sdelay $0x1  }
0x1af: {  	v4 =	vadd.s32 v1, v4;
	_ =	sdelay $0x3  }
0x1b0: {  	s18 =	simm.s32 $0x10200  }
0x1b1: {  	[tilespmem:s18], [sflag:$0x3] =	stream.indirect_vreg.gather [hbm4b:s3+s2], $0x80, v4, vm0, $0xb8;
	[tilespmem:$0x18200] =	vst v63  }
0x1b2: {  	s30 =	simm.s32 $0x10A00;
	v3 =	vperm.xlane v3, v2  }
0x1b3: {  	[tilespmem:s30], [sflag:$0x3] =	stream.indirect_vreg.gather [hbm4b:s4+s2], $0x80, v4, vm0, $0xb8;
	[tilespmem:$0x18200] =	vst v63  }
0x1b4: {  	v3 =	vadd.s32 v1, v3  }
0x1b5: {  	[tilespmem:s10], [sflag:$0x3] =	stream.indirect_vreg.gather [hbm4b:s5+s2], $0x80, v4, vm0, $0xb8;
	[tilespmem:$0x18200] =	vst v63  }
0x1b6: {  	_ = 	snop  }
0x1b7: {  	[tilespmem:s20], [sflag:$0x3] =	stream.indirect_vreg.gather [hbm4b:s6+s2], $0x80, v4, vm0, $0xb8;
	[tilespmem:$0x18200] =	vst v63  }
0x1b8: {  	_ = 	snop  }
0x1b9: {  	[tilespmem:s21], [sflag:$0x3] =	stream.indirect_vreg.gather [hbm4b:s3+s2], $0x80, v3, vm0, $0xb8;
	[tilespmem:$0x18200] =	vst v63  }
0x1ba: {  	_ = 	snop  }
0x1bb: {  	[tilespmem:s22], [sflag:$0x3] =	stream.indirect_vreg.gather [hbm4b:s4+s2], $0x80, v3, vm0, $0xb8;
	[tilespmem:$0x18200] =	vst v63  }
0x1bc: {  	_ = 	snop  }
0x1bd: {  	[tilespmem:s23], [sflag:$0x3] =	stream.indirect_vreg.gather [hbm4b:s5+s2], $0x80, v3, vm0, $0xb8;
	[tilespmem:$0x18200] =	vst v63  }
0x1be: {  	s31 =	simm.s32 $0x13A00  }
0x1bf: {  	[tilespmem:s31], [sflag:$0x3] =	stream.indirect_vreg.gather [hbm4b:s6+s2], $0x80, v3, vm0, $0xb8;
	[tilespmem:$0x18200] =	vst v63  }
0x1c0: {  	v3 =	vld [tilespmem:$0x110];
	_ =	sdelay $0x4  }
0x1c1: {  	v49 =	vshll.u32 v3, $0x3  }
0x1c2: {  	v3 =	vand.u32 $0x7, v3;
	v4 =	vand.u32 $0xFFFFFFC0, v49  }
0x1c3: {  	v3 =	vor.u32 v3, v4  }
0x1c4: {  	v4 =	vperm.xlane v3, v0;
	_ =	sdelay $0x1  }
0x1c5: {  	v4 =	vadd.s32 v1, v4;
	_ =	sdelay $0x3  }
0x1c6: {  	s30 =	simm.s32 $0x14200  }
0x1c7: {  	[tilespmem:s30], [sflag:$0x3] =	stream.indirect_vreg.gather [hbm4b:s3+s2], $0x80, v4, vm0, $0xb8;
	[tilespmem:$0x18200] =	vst v63  }
0x1c8: {  	s31 =	simm.s32 $0x14A00;
	v3 =	vperm.xlane v3, v2  }
0x1c9: {  	[tilespmem:s31], [sflag:$0x3] =	stream.indirect_vreg.gather [hbm4b:s4+s2], $0x80, v4, vm0, $0xb8;
	[tilespmem:$0x18200] =	vst v63  }
0x1ca: {  	v3 =	vadd.s32 v1, v3  }
0x1cb: {  	[tilespmem:s24], [sflag:$0x3] =	stream.indirect_vreg.gather [hbm4b:s5+s2], $0x80, v4, vm0, $0xb8;
	[tilespmem:$0x18200] =	vst v63  }
0x1cc: {  	_ = 	snop  }
0x1cd: {  	[tilespmem:s9], [sflag:$0x3] =	stream.indirect_vreg.gather [hbm4b:s6+s2], $0x80, v4, vm0, $0xb8;
	[tilespmem:$0x18200] =	vst v63  }
0x1ce: {  	s20 =	simm.s32 $0x16200  }
0x1cf: {  	[tilespmem:s20], [sflag:$0x3] =	stream.indirect_vreg.gather [hbm4b:s3+s2], $0x80, v3, vm0, $0xb8;
	[tilespmem:$0x18200] =	vst v63  }
0x1d0: {  	_ = 	snop  }
0x1d1: {  	[tilespmem:s26], [sflag:$0x3] =	stream.indirect_vreg.gather [hbm4b:s4+s2], $0x80, v3, vm0, $0xb8;
	[tilespmem:$0x18200] =	vst v63  }
0x1d2: {  	s30 =	simm.s32 $0x17200  }
0x1d3: {  	[tilespmem:s30], [sflag:$0x3] =	stream.indirect_vreg.gather [hbm4b:s5+s2], $0x80, v3, vm0, $0xb8;
	[tilespmem:$0x18200] =	vst v63  }
0x1d4: {  	s30 =	simm.s32 $0x17A00  }
0x1d5: {  	[tilespmem:s30], [sflag:$0x3] =	stream.indirect_vreg.gather [hbm4b:s6+s2], $0x80, v3, vm0, $0xb8;
	[tilespmem:$0x18200] =	vst v63  }
0x1d6: {  	_ =	swait.ge [sflag:s14], $0x8000  }
0x1d7: {  	[sflag:s14] =	ssyncset.done $0x0  }
0x1d8: {  	s19 =	simm.s32 $0x8200;
	s9 =	rddreg [dreg:$0xb];
	[sflag:s14] =	ssyncadd.s32 $0xFFFF8000  }
0x1d9: {  	[hbm4b:s9+s2] =	stream.linear.scatter [tilespmem:s19], [sflag:$0x5], $0x8000, $0x38;
	[tilespmem:$0x18200] =	vst v63  }
0x1da: {  	_ =	swait.ge [sflag:s1], $0x8000  }
0x1db: {  	[sflag:s1] =	ssyncset.done $0x0  }
0x1dc: {  	[sflag:s1] =	ssyncadd.s32 $0xFFFF8000  }
0x1dd: {  	v3 =	vld [tilespmem:$0x120];
	_ =	sdelay $0x4  }
0x1de: {  	v50 =	vshll.u32 v3, $0x3  }
0x1df: {  	v3 =	vand.u32 $0x7, v3;
	v4 =	vand.u32 $0xFFFFFFC0, v50  }
0x1e0: {  	v3 =	vor.u32 v3, v4  }
0x1e1: {  	v4 =	vperm.xlane v3, v0;
	_ =	sdelay $0x1  }
0x1e2: {  	v4 =	vadd.s32 v1, v4;
	_ =	sdelay $0x3  }
0x1e3: {  	s13 =	simm.s32 $0x200  }
0x1e4: {  	[tilespmem:s13], [sflag:$0x1] =	stream.indirect_vreg.gather [hbm4b:s3+s2], $0x80, v4, vm0, $0xb8;
	[tilespmem:$0x18200] =	vst v63  }
0x1e5: {  	s30 =	simm.s32 $0xA00;
	v3 =	vperm.xlane v3, v2  }
0x1e6: {  	[tilespmem:s30], [sflag:$0x1] =	stream.indirect_vreg.gather [hbm4b:s4+s2], $0x80, v4, vm0, $0xb8;
	[tilespmem:$0x18200] =	vst v63  }
0x1e7: {  	v3 =	vadd.s32 v1, v3;
	s30 =	simm.s32 $0x1200  }
0x1e8: {  	[tilespmem:s30], [sflag:$0x1] =	stream.indirect_vreg.gather [hbm4b:s5+s2], $0x80, v4, vm0, $0xb8;
	[tilespmem:$0x18200] =	vst v63  }
0x1e9: {  	s30 =	simm.s32 $0x1A00  }
0x1ea: {  	[tilespmem:s30], [sflag:$0x1] =	stream.indirect_vreg.gather [hbm4b:s6+s2], $0x80, v4, vm0, $0xb8;
	[tilespmem:$0x18200] =	vst v63  }
0x1eb: {  	s30 =	simm.s32 $0x2200  }
0x1ec: {  	[tilespmem:s30], [sflag:$0x1] =	stream.indirect_vreg.gather [hbm4b:s3+s2], $0x80, v3, vm0, $0xb8;
	[tilespmem:$0x18200] =	vst v63  }
0x1ed: {  	s30 =	simm.s32 $0x2A00  }
0x1ee: {  	[tilespmem:s30], [sflag:$0x1] =	stream.indirect_vreg.gather [hbm4b:s4+s2], $0x80, v3, vm0, $0xb8;
	[tilespmem:$0x18200] =	vst v63  }
0x1ef: {  	s30 =	simm.s32 $0x3200  }
0x1f0: {  	[tilespmem:s30], [sflag:$0x1] =	stream.indirect_vreg.gather [hbm4b:s5+s2], $0x80, v3, vm0, $0xb8;
	[tilespmem:$0x18200] =	vst v63  }
0x1f1: {  	_ = 	snop  }
0x1f2: {  	[tilespmem:s12], [sflag:$0x1] =	stream.indirect_vreg.gather [hbm4b:s6+s2], $0x80, v3, vm0, $0xb8;
	[tilespmem:$0x18200] =	vst v63  }
0x1f3: {  	v3 =	vld [tilespmem:$0x130];
	_ =	sdelay $0x4  }
0x1f4: {  	v51 =	vshll.u32 v3, $0x3  }
0x1f5: {  	v3 =	vand.u32 $0x7, v3;
	v4 =	vand.u32 $0xFFFFFFC0, v51  }
0x1f6: {  	v3 =	vor.u32 v3, v4  }
0x1f7: {  	v4 =	vperm.xlane v3, v0;
	_ =	sdelay $0x1  }
0x1f8: {  	v4 =	vadd.s32 v1, v4;
	_ =	sdelay $0x4  }
0x1f9: {  	[tilespmem:s25], [sflag:$0x1] =	stream.indirect_vreg.gather [hbm4b:s3+s2], $0x80, v4, vm0, $0xb8;
	[tilespmem:$0x18200] =	vst v63  }
0x1fa: {  	s12 =	simm.s32 $0x4A00;
	v3 =	vperm.xlane v3, v2  }
0x1fb: {  	[tilespmem:s12], [sflag:$0x1] =	stream.indirect_vreg.gather [hbm4b:s4+s2], $0x80, v4, vm0, $0xb8;
	[tilespmem:$0x18200] =	vst v63  }
0x1fc: {  	s30 =	simm.s32 $0x5200;
	v3 =	vadd.s32 v1, v3  }
0x1fd: {  	[tilespmem:s30], [sflag:$0x1] =	stream.indirect_vreg.gather [hbm4b:s5+s2], $0x80, v4, vm0, $0xb8;
	[tilespmem:$0x18200] =	vst v63  }
0x1fe: {  	s12 =	simm.s32 $0x5A00  }
0x1ff: {  	[tilespmem:s12], [sflag:$0x1] =	stream.indirect_vreg.gather [hbm4b:s6+s2], $0x80, v4, vm0, $0xb8;
	[tilespmem:$0x18200] =	vst v63  }
0x200: {  	s30 =	simm.s32 $0x6200  }
0x201: {  	[tilespmem:s30], [sflag:$0x1] =	stream.indirect_vreg.gather [hbm4b:s3+s2], $0x80, v3, vm0, $0xb8;
	[tilespmem:$0x18200] =	vst v63  }
0x202: {  	s12 =	simm.s32 $0x6A00  }
0x203: {  	[tilespmem:s12], [sflag:$0x1] =	stream.indirect_vreg.gather [hbm4b:s4+s2], $0x80, v3, vm0, $0xb8;
	[tilespmem:$0x18200] =	vst v63  }
0x204: {  	s30 =	simm.s32 $0x7200  }
0x205: {  	[tilespmem:s30], [sflag:$0x1] =	stream.indirect_vreg.gather [hbm4b:s5+s2], $0x80, v3, vm0, $0xb8;
	[tilespmem:$0x18200] =	vst v63  }
0x206: {  	_ = 	snop  }
0x207: {  	[tilespmem:s15], [sflag:$0x1] =	stream.indirect_vreg.gather [hbm4b:s6+s2], $0x80, v3, vm0, $0xb8;
	[tilespmem:$0x18200] =	vst v63  }
0x208: {  	_ =	swait.ge [sflag:s0], $0x8000  }
0x209: {  	[sflag:s0] =	ssyncset.done $0x0  }
0x20a: {  	s9 =	rddreg [dreg:$0xc];
	[sflag:s0] =	ssyncadd.s32 $0xFFFF8000  }
0x20b: {  	[hbm4b:s9+s2] =	stream.linear.scatter [tilespmem:s18], [sflag:$0x6], $0x8000, $0x38;
	[tilespmem:$0x18200] =	vst v63  }
0x20c: {  	_ =	swait.ge [sflag:s28], $0x8000  }
0x20d: {  	[sflag:s28] =	ssyncset.done $0x0  }
0x20e: {  	[sflag:s28] =	ssyncadd.s32 $0xFFFF8000  }
0x20f: {  	v3 =	vld [tilespmem:$0x140];
	_ =	sdelay $0x4  }
0x210: {  	v52 =	vshll.u32 v3, $0x3  }
0x211: {  	v3 =	vand.u32 $0x7, v3;
	v4 =	vand.u32 $0xFFFFFFC0, v52  }
0x212: {  	v3 =	vor.u32 v3, v4  }
0x213: {  	v4 =	vperm.xlane v3, v0;
	_ =	sdelay $0x1  }
0x214: {  	v4 =	vadd.s32 v1, v4;
	_ =	sdelay $0x4  }
0x215: {  	[tilespmem:s19], [sflag:$0x2] =	stream.indirect_vreg.gather [hbm4b:s3+s2], $0x80, v4, vm0, $0xb8;
	[tilespmem:$0x18200] =	vst v63  }
0x216: {  	s12 =	simm.s32 $0x8A00;
	v3 =	vperm.xlane v3, v2  }
0x217: {  	[tilespmem:s12], [sflag:$0x2] =	stream.indirect_vreg.gather [hbm4b:s4+s2], $0x80, v4, vm0, $0xb8;
	[tilespmem:$0x18200] =	vst v63  }
0x218: {  	v3 =	vadd.s32 v1, v3  }
0x219: {  	[tilespmem:s7], [sflag:$0x2] =	stream.indirect_vreg.gather [hbm4b:s5+s2], $0x80, v4, vm0, $0xb8;
	[tilespmem:$0x18200] =	vst v63  }
0x21a: {  	_ = 	snop  }
0x21b: {  	[tilespmem:s16], [sflag:$0x2] =	stream.indirect_vreg.gather [hbm4b:s6+s2], $0x80, v4, vm0, $0xb8;
	[tilespmem:$0x18200] =	vst v63  }
0x21c: {  	_ = 	snop  }
0x21d: {  	[tilespmem:s17], [sflag:$0x2] =	stream.indirect_vreg.gather [hbm4b:s3+s2], $0x80, v3, vm0, $0xb8;
	[tilespmem:$0x18200] =	vst v63  }
0x21e: {  	s15 =	simm.s32 $0xAA00  }
0x21f: {  	[tilespmem:s15], [sflag:$0x2] =	stream.indirect_vreg.gather [hbm4b:s4+s2], $0x80, v3, vm0, $0xb8;
	[tilespmem:$0x18200] =	vst v63  }
0x220: {  	s30 =	simm.s32 $0xB200  }
0x221: {  	[tilespmem:s30], [sflag:$0x2] =	stream.indirect_vreg.gather [hbm4b:s5+s2], $0x80, v3, vm0, $0xb8;
	[tilespmem:$0x18200] =	vst v63  }
0x222: {  	s12 =	simm.s32 $0xBA00  }
0x223: {  	[tilespmem:s12], [sflag:$0x2] =	stream.indirect_vreg.gather [hbm4b:s6+s2], $0x80, v3, vm0, $0xb8;
	[tilespmem:$0x18200] =	vst v63  }
0x224: {  	v3 =	vld [tilespmem:$0x150];
	_ =	sdelay $0x4  }
0x225: {  	v53 =	vshll.u32 v3, $0x3  }
0x226: {  	v3 =	vand.u32 $0x7, v3;
	v4 =	vand.u32 $0xFFFFFFC0, v53  }
0x227: {  	v3 =	vor.u32 v3, v4  }
0x228: {  	v4 =	vperm.xlane v3, v0;
	_ =	sdelay $0x1  }
0x229: {  	v4 =	vadd.s32 v1, v4;
	_ =	sdelay $0x3  }
0x22a: {  	s15 =	simm.s32 $0xC200  }
0x22b: {  	[tilespmem:s15], [sflag:$0x2] =	stream.indirect_vreg.gather [hbm4b:s3+s2], $0x80, v4, vm0, $0xb8;
	[tilespmem:$0x18200] =	vst v63  }
0x22c: {  	s30 =	simm.s32 $0xCA00;
	v3 =	vperm.xlane v3, v2  }
0x22d: {  	[tilespmem:s30], [sflag:$0x2] =	stream.indirect_vreg.gather [hbm4b:s4+s2], $0x80, v4, vm0, $0xb8;
	[tilespmem:$0x18200] =	vst v63  }
0x22e: {  	s12 =	simm.s32 $0xD200;
	v3 =	vadd.s32 v1, v3  }
0x22f: {  	[tilespmem:s12], [sflag:$0x2] =	stream.indirect_vreg.gather [hbm4b:s5+s2], $0x80, v4, vm0, $0xb8;
	[tilespmem:$0x18200] =	vst v63  }
0x230: {  	s15 =	simm.s32 $0xDA00  }
0x231: {  	[tilespmem:s15], [sflag:$0x2] =	stream.indirect_vreg.gather [hbm4b:s6+s2], $0x80, v4, vm0, $0xb8;
	[tilespmem:$0x18200] =	vst v63  }
0x232: {  	s30 =	simm.s32 $0xE200  }
0x233: {  	[tilespmem:s30], [sflag:$0x2] =	stream.indirect_vreg.gather [hbm4b:s3+s2], $0x80, v3, vm0, $0xb8;
	[tilespmem:$0x18200] =	vst v63  }
0x234: {  	s12 =	simm.s32 $0xEA00  }
0x235: {  	[tilespmem:s12], [sflag:$0x2] =	stream.indirect_vreg.gather [hbm4b:s4+s2], $0x80, v3, vm0, $0xb8;
	[tilespmem:$0x18200] =	vst v63  }
0x236: {  	s15 =	simm.s32 $0xF200  }
0x237: {  	[tilespmem:s15], [sflag:$0x2] =	stream.indirect_vreg.gather [hbm4b:s5+s2], $0x80, v3, vm0, $0xb8;
	[tilespmem:$0x18200] =	vst v63  }
0x238: {  	s30 =	simm.s32 $0xFA00  }
0x239: {  	[tilespmem:s30], [sflag:$0x2] =	stream.indirect_vreg.gather [hbm4b:s6+s2], $0x80, v3, vm0, $0xb8;
	[tilespmem:$0x18200] =	vst v63  }
0x23a: {  	_ =	swait.ge [sflag:s8], $0x8000  }
0x23b: {  	[sflag:s8] =	ssyncset.done $0x0  }
0x23c: {  	s9 =	rddreg [dreg:$0xd];
	[sflag:s8] =	ssyncadd.s32 $0xFFFF8000  }
0x23d: {  	[hbm4b:s9+s2] =	stream.linear.scatter [tilespmem:s13], [sflag:$0x4], $0x8000, $0x38;
	[tilespmem:$0x18200] =	vst v63  }
0x23e: {  	_ =	swait.ge [sflag:s29], $0x8000  }
0x23f: {  	[sflag:s29] =	ssyncset.done $0x0  }
0x240: {  	[sflag:s29] =	ssyncadd.s32 $0xFFFF8000  }
0x241: {  	v3 =	vld [tilespmem:$0x160];
	_ =	sdelay $0x4  }
0x242: {  	v54 =	vshll.u32 v3, $0x3  }
0x243: {  	v3 =	vand.u32 $0x7, v3;
	v4 =	vand.u32 $0xFFFFFFC0, v54  }
0x244: {  	v3 =	vor.u32 v3, v4  }
0x245: {  	v4 =	vperm.xlane v3, v0;
	_ =	sdelay $0x1  }
0x246: {  	v4 =	vadd.s32 v1, v4;
	_ =	sdelay $0x4  }
0x247: {  	[tilespmem:s18], [sflag:$0x3] =	stream.indirect_vreg.gather [hbm4b:s3+s2], $0x80, v4, vm0, $0xb8;
	[tilespmem:$0x18200] =	vst v63  }
0x248: {  	s12 =	simm.s32 $0x10A00;
	v3 =	vperm.xlane v3, v2  }
0x249: {  	[tilespmem:s12], [sflag:$0x3] =	stream.indirect_vreg.gather [hbm4b:s4+s2], $0x80, v4, vm0, $0xb8;
	[tilespmem:$0x18200] =	vst v63  }
0x24a: {  	s11 =	simm.s32 $0x11200;
	v3 =	vadd.s32 v1, v3  }
0x24b: {  	[tilespmem:s11], [sflag:$0x3] =	stream.indirect_vreg.gather [hbm4b:s5+s2], $0x80, v4, vm0, $0xb8;
	[tilespmem:$0x18200] =	vst v63  }
0x24c: {  	s10 =	simm.s32 $0x11A00  }
0x24d: {  	[tilespmem:s10], [sflag:$0x3] =	stream.indirect_vreg.gather [hbm4b:s6+s2], $0x80, v4, vm0, $0xb8;
	[tilespmem:$0x18200] =	vst v63  }
0x24e: {  	s21 =	simm.s32 $0x12200  }
0x24f: {  	[tilespmem:s21], [sflag:$0x3] =	stream.indirect_vreg.gather [hbm4b:s3+s2], $0x80, v3, vm0, $0xb8;
	[tilespmem:$0x18200] =	vst v63  }
0x250: {  	s22 =	simm.s32 $0x12A00  }
0x251: {  	[tilespmem:s22], [sflag:$0x3] =	stream.indirect_vreg.gather [hbm4b:s4+s2], $0x80, v3, vm0, $0xb8;
	[tilespmem:$0x18200] =	vst v63  }
0x252: {  	s23 =	simm.s32 $0x13200  }
0x253: {  	[tilespmem:s23], [sflag:$0x3] =	stream.indirect_vreg.gather [hbm4b:s5+s2], $0x80, v3, vm0, $0xb8;
	[tilespmem:$0x18200] =	vst v63  }
0x254: {  	s15 =	simm.s32 $0x13A00  }
0x255: {  	[tilespmem:s15], [sflag:$0x3] =	stream.indirect_vreg.gather [hbm4b:s6+s2], $0x80, v3, vm0, $0xb8;
	[tilespmem:$0x18200] =	vst v63  }
0x256: {  	v3 =	vld [tilespmem:$0x170];
	_ =	sdelay $0x4  }
0x257: {  	v55 =	vshll.u32 v3, $0x3  }
0x258: {  	v3 =	vand.u32 $0x7, v3;
	v4 =	vand.u32 $0xFFFFFFC0, v55  }
0x259: {  	v3 =	vor.u32 v3, v4  }
0x25a: {  	v4 =	vperm.xlane v3, v0;
	_ =	sdelay $0x1  }
0x25b: {  	v4 =	vadd.s32 v1, v4;
	_ =	sdelay $0x3  }
0x25c: {  	s23 =	simm.s32 $0x14200  }
0x25d: {  	[tilespmem:s23], [sflag:$0x3] =	stream.indirect_vreg.gather [hbm4b:s3+s2], $0x80, v4, vm0, $0xb8;
	[tilespmem:$0x18200] =	vst v63  }
0x25e: {  	s30 =	simm.s32 $0x14A00;
	v3 =	vperm.xlane v3, v2  }
0x25f: {  	[tilespmem:s30], [sflag:$0x3] =	stream.indirect_vreg.gather [hbm4b:s4+s2], $0x80, v4, vm0, $0xb8;
	[tilespmem:$0x18200] =	vst v63  }
0x260: {  	s24 =	simm.s32 $0x15200;
	v3 =	vadd.s32 v1, v3  }
0x261: {  	[tilespmem:s24], [sflag:$0x3] =	stream.indirect_vreg.gather [hbm4b:s5+s2], $0x80, v4, vm0, $0xb8;
	[tilespmem:$0x18200] =	vst v63  }
0x262: {  	s31 =	simm.s32 $0x15A00  }
0x263: {  	[tilespmem:s31], [sflag:$0x3] =	stream.indirect_vreg.gather [hbm4b:s6+s2], $0x80, v4, vm0, $0xb8;
	[tilespmem:$0x18200] =	vst v63  }
0x264: {  	s20 =	simm.s32 $0x16200  }
0x265: {  	[tilespmem:s20], [sflag:$0x3] =	stream.indirect_vreg.gather [hbm4b:s3+s2], $0x80, v3, vm0, $0xb8;
	[tilespmem:$0x18200] =	vst v63  }
0x266: {  	s26 =	simm.s32 $0x16A00  }
0x267: {  	[tilespmem:s26], [sflag:$0x3] =	stream.indirect_vreg.gather [hbm4b:s4+s2], $0x80, v3, vm0, $0xb8;
	[tilespmem:$0x18200] =	vst v63  }
0x268: {  	s15 =	simm.s32 $0x17200  }
0x269: {  	[tilespmem:s15], [sflag:$0x3] =	stream.indirect_vreg.gather [hbm4b:s5+s2], $0x80, v3, vm0, $0xb8;
	[tilespmem:$0x18200] =	vst v63  }
0x26a: {  	s30 =	simm.s32 $0x17A00  }
0x26b: {  	[tilespmem:s30], [sflag:$0x3] =	stream.indirect_vreg.gather [hbm4b:s6+s2], $0x80, v3, vm0, $0xb8;
	[tilespmem:$0x18200] =	vst v63  }
0x26c: {  	_ =	swait.ge [sflag:s14], $0x8000  }
0x26d: {  	[sflag:s14] =	ssyncset.done $0x0  }
0x26e: {  	s31 =	rddreg [dreg:$0xe];
	[sflag:s14] =	ssyncadd.s32 $0xFFFF8000  }
0x26f: {  	[hbm4b:s31+s2] =	stream.linear.scatter [tilespmem:s19], [sflag:$0x5], $0x8000, $0x38;
	[tilespmem:$0x18200] =	vst v63  }
0x270: {  	_ =	swait.ge [sflag:s1], $0x8000  }
0x271: {  	[sflag:s1] =	ssyncset.done $0x0  }
0x272: {  	[sflag:s1] =	ssyncadd.s32 $0xFFFF8000  }
0x273: {  	v3 =	vld [tilespmem:$0x180];
	_ =	sdelay $0x4  }
0x274: {  	v56 =	vshll.u32 v3, $0x3  }
0x275: {  	v3 =	vand.u32 $0x7, v3;
	v4 =	vand.u32 $0xFFFFFFC0, v56  }
0x276: {  	v3 =	vor.u32 v3, v4  }
0x277: {  	v4 =	vperm.xlane v3, v0;
	_ =	sdelay $0x1  }
0x278: {  	v4 =	vadd.s32 v1, v4;
	_ =	sdelay $0x4  }
0x279: {  	[tilespmem:s13], [sflag:$0x1] =	stream.indirect_vreg.gather [hbm4b:s3+s2], $0x80, v4, vm0, $0xb8;
	[tilespmem:$0x18200] =	vst v63  }
0x27a: {  	s15 =	simm.s32 $0xA00;
	v3 =	vperm.xlane v3, v2  }
0x27b: {  	[tilespmem:s15], [sflag:$0x1] =	stream.indirect_vreg.gather [hbm4b:s4+s2], $0x80, v4, vm0, $0xb8;
	[tilespmem:$0x18200] =	vst v63  }
0x27c: {  	s30 =	simm.s32 $0x1200;
	v3 =	vadd.s32 v1, v3  }
0x27d: {  	[tilespmem:s30], [sflag:$0x1] =	stream.indirect_vreg.gather [hbm4b:s5+s2], $0x80, v4, vm0, $0xb8;
	[tilespmem:$0x18200] =	vst v63  }
0x27e: {  	s30 =	simm.s32 $0x1A00  }
0x27f: {  	[tilespmem:s30], [sflag:$0x1] =	stream.indirect_vreg.gather [hbm4b:s6+s2], $0x80, v4, vm0, $0xb8;
	[tilespmem:$0x18200] =	vst v63  }
0x280: {  	s30 =	simm.s32 $0x2200  }
0x281: {  	[tilespmem:s30], [sflag:$0x1] =	stream.indirect_vreg.gather [hbm4b:s3+s2], $0x80, v3, vm0, $0xb8;
	[tilespmem:$0x18200] =	vst v63  }
0x282: {  	s30 =	simm.s32 $0x2A00  }
0x283: {  	[tilespmem:s30], [sflag:$0x1] =	stream.indirect_vreg.gather [hbm4b:s4+s2], $0x80, v3, vm0, $0xb8;
	[tilespmem:$0x18200] =	vst v63  }
0x284: {  	s30 =	simm.s32 $0x3200  }
0x285: {  	[tilespmem:s30], [sflag:$0x1] =	stream.indirect_vreg.gather [hbm4b:s5+s2], $0x80, v3, vm0, $0xb8;
	[tilespmem:$0x18200] =	vst v63  }
0x286: {  	s30 =	simm.s32 $0x3A00  }
0x287: {  	[tilespmem:s30], [sflag:$0x1] =	stream.indirect_vreg.gather [hbm4b:s6+s2], $0x80, v3, vm0, $0xb8;
	[tilespmem:$0x18200] =	vst v63  }
0x288: {  	v3 =	vld [tilespmem:$0x190];
	_ =	sdelay $0x4  }
0x289: {  	v57 =	vshll.u32 v3, $0x3  }
0x28a: {  	v3 =	vand.u32 $0x7, v3;
	v4 =	vand.u32 $0xFFFFFFC0, v57  }
0x28b: {  	v3 =	vor.u32 v3, v4  }
0x28c: {  	v4 =	vperm.xlane v3, v0;
	_ =	sdelay $0x1  }
0x28d: {  	v4 =	vadd.s32 v1, v4;
	_ =	sdelay $0x3  }
0x28e: {  	s25 =	simm.s32 $0x4200  }
0x28f: {  	[tilespmem:s25], [sflag:$0x1] =	stream.indirect_vreg.gather [hbm4b:s3+s2], $0x80, v4, vm0, $0xb8;
	[tilespmem:$0x18200] =	vst v63  }
0x290: {  	s30 =	simm.s32 $0x4A00;
	v3 =	vperm.xlane v3, v2  }
0x291: {  	[tilespmem:s30], [sflag:$0x1] =	stream.indirect_vreg.gather [hbm4b:s4+s2], $0x80, v4, vm0, $0xb8;
	[tilespmem:$0x18200] =	vst v63  }
0x292: {  	v3 =	vadd.s32 v1, v3;
	s30 =	simm.s32 $0x5200  }
0x293: {  	[tilespmem:s30], [sflag:$0x1] =	stream.indirect_vreg.gather [hbm4b:s5+s2], $0x80, v4, vm0, $0xb8;
	[tilespmem:$0x18200] =	vst v63  }
0x294: {  	s30 =	simm.s32 $0x5A00  }
0x295: {  	[tilespmem:s30], [sflag:$0x1] =	stream.indirect_vreg.gather [hbm4b:s6+s2], $0x80, v4, vm0, $0xb8;
	[tilespmem:$0x18200] =	vst v63  }
0x296: {  	s30 =	simm.s32 $0x6200  }
0x297: {  	[tilespmem:s30], [sflag:$0x1] =	stream.indirect_vreg.gather [hbm4b:s3+s2], $0x80, v3, vm0, $0xb8;
	[tilespmem:$0x18200] =	vst v63  }
0x298: {  	s30 =	simm.s32 $0x6A00  }
0x299: {  	[tilespmem:s30], [sflag:$0x1] =	stream.indirect_vreg.gather [hbm4b:s4+s2], $0x80, v3, vm0, $0xb8;
	[tilespmem:$0x18200] =	vst v63  }
0x29a: {  	s30 =	simm.s32 $0x7200  }
0x29b: {  	[tilespmem:s30], [sflag:$0x1] =	stream.indirect_vreg.gather [hbm4b:s5+s2], $0x80, v3, vm0, $0xb8;
	[tilespmem:$0x18200] =	vst v63  }
0x29c: {  	s30 =	simm.s32 $0x7A00  }
0x29d: {  	[tilespmem:s30], [sflag:$0x1] =	stream.indirect_vreg.gather [hbm4b:s6+s2], $0x80, v3, vm0, $0xb8;
	[tilespmem:$0x18200] =	vst v63  }
0x29e: {  	_ =	swait.ge [sflag:s0], $0x8000  }
0x29f: {  	[sflag:s0] =	ssyncset.done $0x0  }
0x2a0: {  	s30 =	rddreg [dreg:$0xf];
	[sflag:s0] =	ssyncadd.s32 $0xFFFF8000  }
0x2a1: {  	[hbm4b:s30+s2] =	stream.linear.scatter [tilespmem:s18], [sflag:$0x6], $0x8000, $0x38;
	[tilespmem:$0x18200] =	vst v63  }
0x2a2: {  	_ =	swait.ge [sflag:s28], $0x8000  }
0x2a3: {  	[sflag:s28] =	ssyncset.done $0x0  }
0x2a4: {  	[sflag:s28] =	ssyncadd.s32 $0xFFFF8000  }
0x2a5: {  	v3 =	vld [tilespmem:$0x1A0];
	_ =	sdelay $0x4  }
0x2a6: {  	v58 =	vshll.u32 v3, $0x3  }
0x2a7: {  	v3 =	vand.u32 $0x7, v3;
	v4 =	vand.u32 $0xFFFFFFC0, v58  }
0x2a8: {  	v3 =	vor.u32 v3, v4  }
0x2a9: {  	v4 =	vperm.xlane v3, v0;
	_ =	sdelay $0x1  }
0x2aa: {  	v4 =	vadd.s32 v1, v4;
	_ =	sdelay $0x4  }
0x2ab: {  	[tilespmem:s19], [sflag:$0x2] =	stream.indirect_vreg.gather [hbm4b:s3+s2], $0x80, v4, vm0, $0xb8;
	[tilespmem:$0x18200] =	vst v63  }
0x2ac: {  	s30 =	simm.s32 $0x8A00;
	v3 =	vperm.xlane v3, v2  }
0x2ad: {  	[tilespmem:s30], [sflag:$0x2] =	stream.indirect_vreg.gather [hbm4b:s4+s2], $0x80, v4, vm0, $0xb8;
	[tilespmem:$0x18200] =	vst v63  }
0x2ae: {  	s7 =	simm.s32 $0x9200;
	v3 =	vadd.s32 v1, v3  }
0x2af: {  	[tilespmem:s7], [sflag:$0x2] =	stream.indirect_vreg.gather [hbm4b:s5+s2], $0x80, v4, vm0, $0xb8;
	[tilespmem:$0x18200] =	vst v63  }
0x2b0: {  	s16 =	simm.s32 $0x9A00  }
0x2b1: {  	[tilespmem:s16], [sflag:$0x2] =	stream.indirect_vreg.gather [hbm4b:s6+s2], $0x80, v4, vm0, $0xb8;
	[tilespmem:$0x18200] =	vst v63  }
0x2b2: {  	s17 =	simm.s32 $0xA200  }
0x2b3: {  	[tilespmem:s17], [sflag:$0x2] =	stream.indirect_vreg.gather [hbm4b:s3+s2], $0x80, v3, vm0, $0xb8;
	[tilespmem:$0x18200] =	vst v63  }
0x2b4: {  	s17 =	simm.s32 $0xAA00  }
0x2b5: {  	[tilespmem:s17], [sflag:$0x2] =	stream.indirect_vreg.gather [hbm4b:s4+s2], $0x80, v3, vm0, $0xb8;
	[tilespmem:$0x18200] =	vst v63  }
0x2b6: {  	s30 =	simm.s32 $0xB200  }
0x2b7: {  	[tilespmem:s30], [sflag:$0x2] =	stream.indirect_vreg.gather [hbm4b:s5+s2], $0x80, v3, vm0, $0xb8;
	[tilespmem:$0x18200] =	vst v63  }
0x2b8: {  	s16 =	simm.s32 $0xBA00  }
0x2b9: {  	[tilespmem:s16], [sflag:$0x2] =	stream.indirect_vreg.gather [hbm4b:s6+s2], $0x80, v3, vm0, $0xb8;
	[tilespmem:$0x18200] =	vst v63  }
0x2ba: {  	v3 =	vld [tilespmem:$0x1B0];
	_ =	sdelay $0x4  }
0x2bb: {  	v59 =	vshll.u32 v3, $0x3  }
0x2bc: {  	v3 =	vand.u32 $0x7, v3;
	v4 =	vand.u32 $0xFFFFFFC0, v59  }
0x2bd: {  	v3 =	vor.u32 v3, v4  }
0x2be: {  	v4 =	vperm.xlane v3, v0;
	_ =	sdelay $0x1  }
0x2bf: {  	v4 =	vadd.s32 v1, v4;
	_ =	sdelay $0x3  }
0x2c0: {  	s17 =	simm.s32 $0xC200  }
0x2c1: {  	[tilespmem:s17], [sflag:$0x2] =	stream.indirect_vreg.gather [hbm4b:s3+s2], $0x80, v4, vm0, $0xb8;
	[tilespmem:$0x18200] =	vst v63  }
0x2c2: {  	s30 =	simm.s32 $0xCA00;
	v3 =	vperm.xlane v3, v2  }
0x2c3: {  	[tilespmem:s30], [sflag:$0x2] =	stream.indirect_vreg.gather [hbm4b:s4+s2], $0x80, v4, vm0, $0xb8;
	[tilespmem:$0x18200] =	vst v63  }
0x2c4: {  	s16 =	simm.s32 $0xD200;
	v3 =	vadd.s32 v1, v3  }
0x2c5: {  	[tilespmem:s16], [sflag:$0x2] =	stream.indirect_vreg.gather [hbm4b:s5+s2], $0x80, v4, vm0, $0xb8;
	[tilespmem:$0x18200] =	vst v63  }
0x2c6: {  	s17 =	simm.s32 $0xDA00  }
0x2c7: {  	[tilespmem:s17], [sflag:$0x2] =	stream.indirect_vreg.gather [hbm4b:s6+s2], $0x80, v4, vm0, $0xb8;
	[tilespmem:$0x18200] =	vst v63  }
0x2c8: {  	s30 =	simm.s32 $0xE200  }
0x2c9: {  	[tilespmem:s30], [sflag:$0x2] =	stream.indirect_vreg.gather [hbm4b:s3+s2], $0x80, v3, vm0, $0xb8;
	[tilespmem:$0x18200] =	vst v63  }
0x2ca: {  	s16 =	simm.s32 $0xEA00  }
0x2cb: {  	[tilespmem:s16], [sflag:$0x2] =	stream.indirect_vreg.gather [hbm4b:s4+s2], $0x80, v3, vm0, $0xb8;
	[tilespmem:$0x18200] =	vst v63  }
0x2cc: {  	s17 =	simm.s32 $0xF200  }
0x2cd: {  	[tilespmem:s17], [sflag:$0x2] =	stream.indirect_vreg.gather [hbm4b:s5+s2], $0x80, v3, vm0, $0xb8;
	[tilespmem:$0x18200] =	vst v63  }
0x2ce: {  	s30 =	simm.s32 $0xFA00  }
0x2cf: {  	[tilespmem:s30], [sflag:$0x2] =	stream.indirect_vreg.gather [hbm4b:s6+s2], $0x80, v3, vm0, $0xb8;
	[tilespmem:$0x18200] =	vst v63  }
0x2d0: {  	_ =	swait.ge [sflag:s8], $0x8000  }
0x2d1: {  	[sflag:s8] =	ssyncset.done $0x0  }
0x2d2: {  	s7 =	rddreg [dreg:$0x10];
	[sflag:s8] =	ssyncadd.s32 $0xFFFF8000  }
0x2d3: {  	[hbm4b:s7+s2] =	stream.linear.scatter [tilespmem:s13], [sflag:$0x4], $0x8000, $0x38;
	[tilespmem:$0x18200] =	vst v63  }
0x2d4: {  	_ =	swait.ge [sflag:s29], $0x8000  }
0x2d5: {  	[sflag:s29] =	ssyncset.done $0x0  }
0x2d6: {  	[sflag:s29] =	ssyncadd.s32 $0xFFFF8000  }
0x2d7: {  	v3 =	vld [tilespmem:$0x1C0];
	_ =	sdelay $0x4  }
0x2d8: {  	v60 =	vshll.u32 v3, $0x3  }
0x2d9: {  	v3 =	vand.u32 $0x7, v3;
	v4 =	vand.u32 $0xFFFFFFC0, v60  }
0x2da: {  	v3 =	vor.u32 v3, v4  }
0x2db: {  	v4 =	vperm.xlane v3, v0;
	_ =	sdelay $0x1  }
0x2dc: {  	v4 =	vadd.s32 v1, v4;
	_ =	sdelay $0x4  }
0x2dd: {  	[tilespmem:s18], [sflag:$0x3] =	stream.indirect_vreg.gather [hbm4b:s3+s2], $0x80, v4, vm0, $0xb8;
	[tilespmem:$0x18200] =	vst v63  }
0x2de: {  	s16 =	simm.s32 $0x10A00;
	v3 =	vperm.xlane v3, v2  }
0x2df: {  	[tilespmem:s16], [sflag:$0x3] =	stream.indirect_vreg.gather [hbm4b:s4+s2], $0x80, v4, vm0, $0xb8;
	[tilespmem:$0x18200] =	vst v63  }
0x2e0: {  	s11 =	simm.s32 $0x11200;
	v3 =	vadd.s32 v1, v3  }
0x2e1: {  	[tilespmem:s11], [sflag:$0x3] =	stream.indirect_vreg.gather [hbm4b:s5+s2], $0x80, v4, vm0, $0xb8;
	[tilespmem:$0x18200] =	vst v63  }
0x2e2: {  	s9 =	simm.s32 $0x11A00  }
0x2e3: {  	[tilespmem:s9], [sflag:$0x3] =	stream.indirect_vreg.gather [hbm4b:s6+s2], $0x80, v4, vm0, $0xb8;
	[tilespmem:$0x18200] =	vst v63  }
0x2e4: {  	s12 =	simm.s32 $0x12200  }
0x2e5: {  	[tilespmem:s12], [sflag:$0x3] =	stream.indirect_vreg.gather [hbm4b:s3+s2], $0x80, v3, vm0, $0xb8;
	[tilespmem:$0x18200] =	vst v63  }
0x2e6: {  	s21 =	simm.s32 $0x12A00  }
0x2e7: {  	[tilespmem:s21], [sflag:$0x3] =	stream.indirect_vreg.gather [hbm4b:s4+s2], $0x80, v3, vm0, $0xb8;
	[tilespmem:$0x18200] =	vst v63  }
0x2e8: {  	s22 =	simm.s32 $0x13200  }
0x2e9: {  	[tilespmem:s22], [sflag:$0x3] =	stream.indirect_vreg.gather [hbm4b:s5+s2], $0x80, v3, vm0, $0xb8;
	[tilespmem:$0x18200] =	vst v63  }
0x2ea: {  	s17 =	simm.s32 $0x13A00  }
0x2eb: {  	[tilespmem:s17], [sflag:$0x3] =	stream.indirect_vreg.gather [hbm4b:s6+s2], $0x80, v3, vm0, $0xb8;
	[tilespmem:$0x18200] =	vst v63  }
0x2ec: {  	v3 =	vld [tilespmem:$0x1D0];
	_ =	sdelay $0x4  }
0x2ed: {  	v61 =	vshll.u32 v3, $0x3  }
0x2ee: {  	v3 =	vand.u32 $0x7, v3;
	v4 =	vand.u32 $0xFFFFFFC0, v61  }
0x2ef: {  	v3 =	vor.u32 v3, v4  }
0x2f0: {  	v4 =	vperm.xlane v3, v0;
	_ =	sdelay $0x1  }
0x2f1: {  	v4 =	vadd.s32 v1, v4;
	_ =	sdelay $0x3  }
0x2f2: {  	s21 =	simm.s32 $0x14200  }
0x2f3: {  	[tilespmem:s21], [sflag:$0x3] =	stream.indirect_vreg.gather [hbm4b:s3+s2], $0x80, v4, vm0, $0xb8;
	[tilespmem:$0x18200] =	vst v63  }
0x2f4: {  	s22 =	simm.s32 $0x14A00;
	v3 =	vperm.xlane v3, v2  }
0x2f5: {  	[tilespmem:s22], [sflag:$0x3] =	stream.indirect_vreg.gather [hbm4b:s4+s2], $0x80, v4, vm0, $0xb8;
	[tilespmem:$0x18200] =	vst v63  }
0x2f6: {  	s23 =	simm.s32 $0x15200;
	v3 =	vadd.s32 v1, v3  }
0x2f7: {  	[tilespmem:s23], [sflag:$0x3] =	stream.indirect_vreg.gather [hbm4b:s5+s2], $0x80, v4, vm0, $0xb8;
	[tilespmem:$0x18200] =	vst v63  }
0x2f8: {  	s24 =	simm.s32 $0x15A00  }
0x2f9: {  	[tilespmem:s24], [sflag:$0x3] =	stream.indirect_vreg.gather [hbm4b:s6+s2], $0x80, v4, vm0, $0xb8;
	[tilespmem:$0x18200] =	vst v63  }
0x2fa: {  	s10 =	simm.s32 $0x16200  }
0x2fb: {  	[tilespmem:s10], [sflag:$0x3] =	stream.indirect_vreg.gather [hbm4b:s3+s2], $0x80, v3, vm0, $0xb8;
	[tilespmem:$0x18200] =	vst v63  }
0x2fc: {  	s20 =	simm.s32 $0x16A00  }
0x2fd: {  	[tilespmem:s20], [sflag:$0x3] =	stream.indirect_vreg.gather [hbm4b:s4+s2], $0x80, v3, vm0, $0xb8;
	[tilespmem:$0x18200] =	vst v63  }
0x2fe: {  	s26 =	simm.s32 $0x17200  }
0x2ff: {  	[tilespmem:s26], [sflag:$0x3] =	stream.indirect_vreg.gather [hbm4b:s5+s2], $0x80, v3, vm0, $0xb8;
	[tilespmem:$0x18200] =	vst v63  }
0x300: {  	s30 =	simm.s32 $0x17A00  }
0x301: {  	[tilespmem:s30], [sflag:$0x3] =	stream.indirect_vreg.gather [hbm4b:s6+s2], $0x80, v3, vm0, $0xb8;
	[tilespmem:$0x18200] =	vst v63  }
0x302: {  	_ =	swait.ge [sflag:s14], $0x8000  }
0x303: {  	[sflag:s14] =	ssyncset.done $0x0  }
0x304: {  	s7 =	rddreg [dreg:$0x11];
	[sflag:s14] =	ssyncadd.s32 $0xFFFF8000  }
0x305: {  	[hbm4b:s7+s2] =	stream.linear.scatter [tilespmem:s19], [sflag:$0x5], $0x8000, $0x38;
	[tilespmem:$0x18200] =	vst v63  }
0x306: {  	_ =	swait.ge [sflag:s1], $0x8000  }
0x307: {  	[sflag:s1] =	ssyncset.done $0x0  }
0x308: {  	[sflag:s1] =	ssyncadd.s32 $0xFFFF8000  }
0x309: {  	v3 =	vld [tilespmem:$0x1E0];
	_ =	sdelay $0x4  }
0x30a: {  	v62 =	vshll.u32 v3, $0x3  }
0x30b: {  	v3 =	vand.u32 $0x7, v3;
	v4 =	vand.u32 $0xFFFFFFC0, v62  }
0x30c: {  	v3 =	vor.u32 v3, v4  }
0x30d: {  	v4 =	vperm.xlane v3, v0;
	_ =	sdelay $0x1  }
0x30e: {  	v4 =	vadd.s32 v1, v4;
	_ =	sdelay $0x4  }
0x30f: {  	[tilespmem:s13], [sflag:$0x1] =	stream.indirect_vreg.gather [hbm4b:s3+s2], $0x80, v4, vm0, $0xb8;
	[tilespmem:$0x18200] =	vst v63  }
0x310: {  	s31 =	simm.s32 $0xA00;
	v3 =	vperm.xlane v3, v2  }
0x311: {  	[tilespmem:s31], [sflag:$0x1] =	stream.indirect_vreg.gather [hbm4b:s4+s2], $0x80, v4, vm0, $0xb8;
	[tilespmem:$0x18200] =	vst v63  }
0x312: {  	s9 =	simm.s32 $0x1200;
	v3 =	vadd.s32 v1, v3  }
0x313: {  	[tilespmem:s9], [sflag:$0x1] =	stream.indirect_vreg.gather [hbm4b:s5+s2], $0x80, v4, vm0, $0xb8;
	[tilespmem:$0x18200] =	vst v63  }
0x314: {  	s10 =	simm.s32 $0x1A00  }
0x315: {  	[tilespmem:s10], [sflag:$0x1] =	stream.indirect_vreg.gather [hbm4b:s6+s2], $0x80, v4, vm0, $0xb8;
	[tilespmem:$0x18200] =	vst v63  }
0x316: {  	s11 =	simm.s32 $0x2200  }
0x317: {  	[tilespmem:s11], [sflag:$0x1] =	stream.indirect_vreg.gather [hbm4b:s3+s2], $0x80, v3, vm0, $0xb8;
	[tilespmem:$0x18200] =	vst v63  }
0x318: {  	s12 =	simm.s32 $0x2A00  }
0x319: {  	[tilespmem:s12], [sflag:$0x1] =	stream.indirect_vreg.gather [hbm4b:s4+s2], $0x80, v3, vm0, $0xb8;
	[tilespmem:$0x18200] =	vst v63  }
0x31a: {  	s16 =	simm.s32 $0x3200  }
0x31b: {  	[tilespmem:s16], [sflag:$0x1] =	stream.indirect_vreg.gather [hbm4b:s5+s2], $0x80, v3, vm0, $0xb8;
	[tilespmem:$0x18200] =	vst v63  }
0x31c: {  	s15 =	simm.s32 $0x3A00  }
0x31d: {  	[tilespmem:s15], [sflag:$0x1] =	stream.indirect_vreg.gather [hbm4b:s6+s2], $0x80, v3, vm0, $0xb8;
	[tilespmem:$0x18200] =	vst v63  }
0x31e: {  	v3 =	vld [tilespmem:$0x1F0];
	_ =	sdelay $0x4  }
0x31f: {  	v63 =	vshll.u32 v3, $0x3  }
0x320: {  	v3 =	vand.u32 $0x7, v3;
	v4 =	vand.u32 $0xFFFFFFC0, v63  }
0x321: {  	v3 =	vor.u32 v3, v4  }
0x322: {  	v4 =	vperm.xlane v3, v0;
	_ =	sdelay $0x1  }
0x323: {  	v4 =	vadd.s32 v1, v4;
	_ =	sdelay $0x3  }
0x324: {  	s25 =	simm.s32 $0x4200  }
0x325: {  	[tilespmem:s25], [sflag:$0x1] =	stream.indirect_vreg.gather [hbm4b:s3+s2], $0x80, v4, vm0, $0xb8;
	[tilespmem:$0x18200] =	vst v63  }
0x326: {  	s17 =	simm.s32 $0x4A00;
	v3 =	vperm.xlane v3, v2  }
0x327: {  	[tilespmem:s17], [sflag:$0x1] =	stream.indirect_vreg.gather [hbm4b:s4+s2], $0x80, v4, vm0, $0xb8;
	[tilespmem:$0x18200] =	vst v63  }
0x328: {  	s19 =	simm.s32 $0x5200;
	v3 =	vadd.s32 v1, v3  }
0x329: {  	[tilespmem:s19], [sflag:$0x1] =	stream.indirect_vreg.gather [hbm4b:s5+s2], $0x80, v4, vm0, $0xb8;
	[tilespmem:$0x18200] =	vst v63  }
0x32a: {  	s20 =	simm.s32 $0x5A00  }
0x32b: {  	[tilespmem:s20], [sflag:$0x1] =	stream.indirect_vreg.gather [hbm4b:s6+s2], $0x80, v4, vm0, $0xb8;
	[tilespmem:$0x18200] =	vst v63  }
0x32c: {  	s21 =	simm.s32 $0x6200  }
0x32d: {  	[tilespmem:s21], [sflag:$0x1] =	stream.indirect_vreg.gather [hbm4b:s3+s2], $0x80, v3, vm0, $0xb8;
	[tilespmem:$0x18200] =	vst v63  }
0x32e: {  	s22 =	simm.s32 $0x6A00  }
0x32f: {  	[tilespmem:s22], [sflag:$0x1] =	stream.indirect_vreg.gather [hbm4b:s4+s2], $0x80, v3, vm0, $0xb8;
	[tilespmem:$0x18200] =	vst v63  }
0x330: {  	s23 =	simm.s32 $0x7200  }
0x331: {  	[tilespmem:s23], [sflag:$0x1] =	stream.indirect_vreg.gather [hbm4b:s5+s2], $0x80, v3, vm0, $0xb8;
	[tilespmem:$0x18200] =	vst v63  }
0x332: {  	s24 =	simm.s32 $0x7A00  }
0x333: {  	[tilespmem:s24], [sflag:$0x1] =	stream.indirect_vreg.gather [hbm4b:s6+s2], $0x80, v3, vm0, $0xb8;
	[tilespmem:$0x18200] =	vst v63  }
0x334: {  	_ =	swait.ge [sflag:s0], $0x8000  }
0x335: {  	[sflag:s0] =	ssyncset.done $0x0  }
0x336: {  	s25 =	rddreg [dreg:$0x12];
	[sflag:s0] =	ssyncadd.s32 $0xFFFF8000  }
0x337: {  	[hbm4b:s25+s2] =	stream.linear.scatter [tilespmem:s18], [sflag:$0x6], $0x8000, $0x38;
	[tilespmem:$0x18200] =	vst v63  }
0x338: {  	_ =	swait.ge [sflag:s8], $0x8000  }
0x339: {  	[sflag:s8] =	ssyncset.done $0x0  }
0x33a: {  	s26 =	rddreg [dreg:$0x13];
	[sflag:s8] =	ssyncadd.s32 $0xFFFF8000  }
0x33b: {  	[hbm4b:s26+s2] =	stream.linear.scatter [tilespmem:s13], [sflag:$0x4], $0x8000, $0x38;
	[tilespmem:$0x18200] =	vst v63  }
0x33c: {  	s31 =	rddreg [dreg:$0x14];
	_ =	swait.ge [sflag:s28], $0x8000  }
0x33d: {  	[sflag:s28] =	ssyncset.done $0x0  }
0x33e: {  	[sflag:s28] =	ssyncadd.s32 $0xFFFF8000  }
0x33f: {  	p0 =	sne.s32 s31, $0x1;
	_ =	swait.ge [sflag:s29], $0x8000  }
.Ltmp0:
0x340: {  	[sflag:s29] =	ssyncset.done $0x0;
	(pc) =	sbr.rel @p0 .LBB2_1-.Ltmp0, $4  }
0x341: {  	[sflag:s29] =	ssyncadd.s32 $0xFFFF8000  }
0x342: {  	_ =	swait.ge [sflag:s1], $0x8000  }
0x343: {  	[sflag:s1] =	ssyncset.done $0x0  }
0x344: {  	s7 =	sadd.s32 $0xFFFFFFFF, s31;
	[sflag:s1] =	ssyncadd.s32 $0xFFFF8000  }
0x345: {  	_ =	sfence.sel $0x180000  }
0x346: {  	[bflag:$0x0] =	sbarrier.arrive $0xFFFF  }
0x347: {  	_ =	strace $0x90000047  }
0x348: {  	s0 =	stileid.u32;
	[bflag:$0x2] =	sbarrier.arrive $0xFFFF  }
0x349: {  	p0 =	sne.s32 s0, $0x0;
	s0 =	rddreg [dreg:$0x2]  }
0x34a: {  	s0 =	sadd.s32 @!p0 $0x100000, s0  }
0x34b: {  	[sflag:s0] =	ssyncadd.tile.s32 @!p0 $0x1;
	_ =	shalt  }
.Lfunc_end2:
_tile_overlayer_lowered:
.L_overlay_start_2:
0x34c: {  	(tag) =	ssettag $0x2  }
0x34d: {  	s0 =	rddreg [dreg:$0x0];
	s2 =	stileid.u32  }
0x34e: {  	s1 =	rddreg [dreg:$0x1];
	p0 =	sne.s32 s2, $0x0  }
0x34f: {  	s3 =	rddreg [dreg:$0x2];
	[bflag:$0x3] =	sbarrier.arrive $0xFFFF;
	s2 =	simm.s32 @!p0 $0x1C07  }
0x350: {  	[timem:s3], [sflag:s2] =	dma.local @!p0 [hbm:s0], s1  }
0x351: {  	s0 =	simm.s32 @!p0 $0x7  }
0x352: {  	_ =	swait.ge @!p0 [sflag:s0], s1  }
0x353: {  	s1 =	ssub.s32 @!p0 $0x0, s1;
	[sflag:s0] =	ssyncset.done @!p0 $0x0  }
0x354: {  	[sflag:s0] =	ssyncadd.s32 @!p0 s1  }
0x355: {  	[bflag:$0x3] =	sbarrier.arrive $0xFFFF  }
0x356: {  	_ =	shalt  }

// kernel: kernel.8.cloned.1.call-start
scs
__scs_entry_jumppad:
0x0: {  	(pc) =	sbr.rel $0x88, $3  }
0x1: {  	(tag) =	ssettag $0x0;
	lr =	simm.s32 $0x1  }
0x2: {  	[smem:$0x3F99] =	sst lr;
	_ =	strace $0xD0000000  }
0x3: {  	_ = 	snop  }
0x4: {  	_ = 	snop  }
0x5: {  	_ = 	snop  }
0x6: {  	_ = 	snop  }
0x7: {  	_ = 	snop  }
__scs_overlays_trampoline_lowered:
0x8: {  	[smem:$0x3FA8] =	sst s0  }
0x9: {  	[smem:$0x3FA9] =	sst s1  }
0xa: {  	[smem:$0x3FAA] =	sst s2  }
0xb: {  	[smem:$0x3FAB] =	sst s3  }
0xc: {  	[smem:$0x3FAC] =	sst s4  }
0xd: {  	[smem:$0x3FAD] =	sst s5  }
0xe: {  	[smem:$0x3FAE] =	sst s6  }
0xf: {  	[smem:$0x3FAF] =	sst s7  }
0x10: {  	[smem:$0x3FB0] =	sst s8  }
0x11: {  	[smem:$0x3FB1] =	sst s9;
	s0 =	simm.s32 @!p0 $0x0  }
0x12: {  	s1 =	sld [smem:$0x3F97];
	s0 =	simm.s32 @p0 $0x1  }
0x13: {  	[smem:$0x3FB2] =	sst s0;
	s0 =	simm.s32 @!p1 $0x0  }
0x14: {  	s2 =	sld [smem:$0x3F96];
	s0 =	simm.s32 @p1 $0x1  }
0x15: {  	[smem:$0x3FB3] =	sst s0;
	s0 =	simm.s32 @!p2 $0x0  }
0x16: {  	s3 =	sld [smem:$0x3FDB];
	s0 =	simm.s32 @p2 $0x1  }
0x17: {  	s4 =	simm.s32 $0x1BF5;
	[smem:$0x3FB5] =	sst s0  }
0x18: {  	s0 =	sld [smem:$0x3F98];
	_ =	swait.ge [sflag:s4], $0x0  }
0x19: {  	s7 =	sld [smem:$0x3F99]  }
0x1a: {  	s8 =	sadd.s32 $0xFFFFE003, lr  }
0x1b: {  	s9 =	sadd.s32 $0xFFFFFEF7, lr;
	s5 =	simm.s32 $0xFFFFFFFF;
	p2 =	slt.u32 s8, $0xFFFFF086  }
0x1c: {  	p1 =	slt.u32 s9, $0xF7A;
	s5 =	simm.s32 @!p2 $0x0  }
0x1d: {  	s5 =	simm.s32 @p1 $0x1;
	p0 =	seq.s32 s7, s2  }
0x1e: {  	s7 =	smul.u32 @!p0 $0xF7A, s2;
	p2 =	seq.s32 @!p0 s5, $0x0  }
0x1f: {  	s9 =	smul.u32 $0xF7A, s1;
	s8 =	simm.s32 @!p0 $0x1BF5;
	p2 =	por !p2, p0  }
0x20: {  	[sflag:s8] =	ssyncset.s32 @!p0 $0xFFFFF086;
	s6 =	sadd.s32 @!p0 s3, s7;
	s7 =	simm.s32 @!p0 $0x108  }
0x21: {  	s3 =	sadd.s32 s3, s9;
	s6 =	sadd.s32 @!p0 $0x88, s6;
	s7 =	simm.s32 @p2 $0x1082  }
0x22: {  	[simem:s7], [sflag:s8] =	dma.local @!p0 [hbm:s6], $0xF7A  }
0x23: {  	s9 =	sor.u32 $0xD0000000, s2;
	s6 =	simm.s32 $0x108;
	_ =	swait.ge @!p0 [sflag:s8], $0x0  }
0x24: {  	s3 =	sadd.s32 $0x88, s3;
	s6 =	simm.s32 @!p1 $0x1082;
	[sflag:s4] =	ssyncset.s32 $0xFFFFF086  }
0x25: {  	[simem:s6], [sflag:s4] =	dma.local [hbm:s3], $0xF7A  }
0x26: {  	[smem:$0x3F99] =	sst s1;
	(tag) =	ssettag s2;
	_ =	strace s9  }
0x27: {  	s1 =	sld [smem:$0x3FA9]  }
0x28: {  	s2 =	sld [smem:$0x3FAA]  }
0x29: {  	s4 =	sld [smem:$0x3FAC]  }
0x2a: {  	p0 =	seq.s32 s5, $0x0;
	s5 =	sld [smem:$0x3FAD]  }
0x2b: {  	s6 =	sld [smem:$0x3FAE]  }
0x2c: {  	s7 =	sld [smem:$0x3FAF]  }
0x2d: {  	s3 =	simm.s32 $0x108;
	s8 =	sld [smem:$0x3FB0]  }
0x2e: {  	s3 =	simm.s32 @!p0 $0x1082;
	s9 =	sld [smem:$0x3FB1]  }
0x2f: {  	lr =	sadd.s32 s0, s3;
	s0 =	sld [smem:$0x3FA8]  }
0x30: {  	s3 =	sld [smem:$0x3FAB]  }
0x31: {  	[smem:$0x3FB4] =	sst s10  }
0x32: {  	s10 =	sld [smem:$0x3FB2];
	_ =	sdelay $0x3  }
0x33: {  	p0 =	seq.s32 s10, $0x1;
	s10 =	sld [smem:$0x3FB4];
	_ =	sdelay $0x3  }
0x34: {  	[smem:$0x3FB4] =	sst s10  }
0x35: {  	s10 =	sld [smem:$0x3FB3];
	_ =	sdelay $0x3  }
0x36: {  	p1 =	seq.s32 s10, $0x1;
	s10 =	sld [smem:$0x3FB4];
	_ =	sdelay $0x3  }
0x37: {  	[smem:$0x3FB4] =	sst s10  }
0x38: {  	s10 =	sld [smem:$0x3FB5]  }
0x39: {  	_ = 	snop;
	(pc) =	sbr.ind lr, $3  }
0x3a: {  	_ = 	snop  }
0x3b: {  	_ = 	snop  }
0x3c: {  	p2 =	seq.s32 s10, $0x1;
	s10 =	sld [smem:$0x3FB4]  }
0x3d: {  	_ =	shalt  }
0x3e: {  	_ =	shalt  }
0x3f: {  	_ =	shalt  }
0x40: {  	_ =	shalt  }
0x41: {  	_ =	shalt  }
0x42: {  	_ =	shalt  }
0x43: {  	_ =	shalt  }
0x44: {  	_ =	shalt  }
0x45: {  	_ =	shalt  }
0x46: {  	_ =	shalt  }
0x47: {  	_ =	shalt  }
0x48: {  	_ =	shalt  }
0x49: {  	_ =	shalt  }
0x4a: {  	_ =	shalt  }
0x4b: {  	_ =	shalt  }
0x4c: {  	_ =	shalt  }
0x4d: {  	_ =	shalt  }
0x4e: {  	_ =	shalt  }
0x4f: {  	_ =	shalt  }
0x50: {  	_ =	shalt  }
0x51: {  	_ =	shalt  }
0x52: {  	_ =	shalt  }
0x53: {  	_ =	shalt  }
0x54: {  	_ =	shalt  }
0x55: {  	_ =	shalt  }
0x56: {  	_ =	shalt  }
0x57: {  	_ =	shalt  }
0x58: {  	_ =	shalt  }
0x59: {  	_ =	shalt  }
0x5a: {  	_ =	shalt  }
0x5b: {  	_ =	shalt  }
0x5c: {  	_ =	shalt  }
0x5d: {  	_ =	shalt  }
0x5e: {  	_ =	shalt  }
0x5f: {  	_ =	shalt  }
0x60: {  	_ =	shalt  }
0x61: {  	_ =	shalt  }
0x62: {  	_ =	shalt  }
0x63: {  	_ =	shalt  }
0x64: {  	_ =	shalt  }
0x65: {  	_ =	shalt  }
0x66: {  	_ =	shalt  }
0x67: {  	_ =	shalt  }
0x68: {  	_ =	shalt  }
0x69: {  	_ =	shalt  }
0x6a: {  	_ =	shalt  }
0x6b: {  	_ =	shalt  }
0x6c: {  	_ =	shalt  }
0x6d: {  	_ =	shalt  }
0x6e: {  	_ =	shalt  }
0x6f: {  	_ =	shalt  }
0x70: {  	_ =	shalt  }
0x71: {  	_ =	shalt  }
0x72: {  	_ =	shalt  }
0x73: {  	_ =	shalt  }
0x74: {  	_ =	shalt  }
0x75: {  	_ =	shalt  }
0x76: {  	_ =	shalt  }
0x77: {  	_ =	shalt  }
0x78: {  	_ =	shalt  }
0x79: {  	_ =	shalt  }
0x7a: {  	_ =	shalt  }
0x7b: {  	_ =	shalt  }
0x7c: {  	_ =	shalt  }
0x7d: {  	_ =	shalt  }
0x7e: {  	_ =	shalt  }
0x7f: {  	_ =	shalt  }
0x80: {  	_ =	shalt  }
0x81: {  	_ =	shalt  }
0x82: {  	_ =	shalt  }
0x83: {  	_ =	shalt  }
0x84: {  	_ =	shalt  }
0x85: {  	_ =	shalt  }
0x86: {  	_ =	shalt  }
0x87: {  	_ =	shalt  }
.Lfunc_end0:
.L_simem_size_0:
called_computation.1_lowered:
.L_overlay_start_0:
0x88: {  	s2 =	sld [smem:$0x3FD9]  }
0x89: {  	s3 =	sld [smem:$0x3FFE];
	_ =	sdelay $0x1  }
0x8a: {  	s1 =	srdreg.scid  }
0x8b: {  	s0 =	sand.u32 $0x1, s1  }
0x8c: {  	s17 =	sshll.u32 s0, $0xA;
	s2 =	sadd.s32 s3, s2  }
0x8d: {  	s2 =	sadd.s32 s2, s17  }
0x8e: {  	[smem:$0x3FC0] =	sst s2  }
0x8f: {  	_ = 	snop  }
0x90: {  	s18 =	sld [smem:$0x3FC3];
	(tm) =	ssettm $0x1  }
0x91: {  	s19 =	sld [smem:$0x3FFB];
	_ =	sdelay $0x3  }
0x92: {  	_ =	strace s19  }
0x93: {  	s2 =	sld [smem:$0x3FFC];
	_ =	sdelay $0x3  }
0x94: {  	_ =	strace s2  }
0x95: {  	s2 =	sld [smem:$0x3FFD];
	_ =	sdelay $0x3  }
0x96: {  	_ =	strace s2  }
0x97: {  	_ =	strace $0x8FFFFFFF  }
0x98: {  	s20 =	sld [smem:$0x3FDB];
	_ =	sdelay $0x1  }
0x99: {  	s4 =	simm.s32 $_scs_section_size  }
0x9a: {  	s5 =	simm.s32 $_size__tile_overlayer_lowered;
	s6 =	simm.s32 $_tile_overlayer_lowered  }
0x9b: {  	s7 =	simm.s32 $0x1BFF;
	s21 =	sshll.u32 s6, $0x1;
	s4 =	sadd.s32 s4, s20  }
0x9c: {  	s22 =	simm.s32 $0x0;
	s5 =	sshll.u32 s5, $0x1;
	s6 =	sadd.s32 s21, s4  }
0x9d: {  	[timem:s22], [sflag:s7] =	dma.local [hbm:s6], s5  }
0x9e: {  	_ =	swait.ge [sflag:s7], s5  }
0x9f: {  	s5 =	ssub.s32 $0x0, s5;
	[sflag:s7] =	ssyncset.done $0x0  }
0xa0: {  	[sflag:s7] =	ssyncadd.s32 s5;
	_ =	sdelay $0x1  }
0xa1: {  	s23 =	simm.s32 $0x1B8B  }
0xa2: {  	_ =	swait.ge [sflag:s23], $0x1  }
0xa3: {  	[sflag:s23] =	ssyncset.done $0x0  }
0xa4: {  	[sflag:s23] =	ssyncadd.s32 $0xFFFFFFFF  }
0xa5: {  	s5 =	sld [smem:$0x0]  }
0xa6: {  	s6 =	sand.u32 $0xFFFFFFFE, s1  }
0xa7: {  	p0 =	sne.s32 s1, s6  }
0xa8: {  	s6 =	sshll.u32 @p0 s6, $0xE  }
0xa9: {  	s6 =	sadd.s32 @p0 $0x11B8D, s6;
	s7 =	sshll.u32 @p0 s5, $0x11  }
0xaa: {  	s6 =	sor.u32 @p0 s7, s6  }
0xab: {  	[sflag:s6] =	ssyncadd.remote.s32 @p0 $0x1;
	_ =	sdelay $0x1  }
0xac: {  	s6 =	simm.s32 @p0 $0x1B8D  }
0xad: {  	_ =	swait.eq @p0 [sflag:s6], $0x1  }
0xae: {  	[sflag:s6] =	ssyncadd.s32 @p0 $0xFFFFFFFF  }
0xaf: {  	s7 =	sshll.u32 @!p0 s1, $0xE  }
0xb0: {  	s7 =	sor.u32 @!p0 $0x4000, s7;
	s6 =	simm.s32 @!p0 $0x1B8D  }
0xb1: {  	s5 =	sshll.u32 @!p0 s5, $0x11;
	s7 =	sadd.s32 @!p0 $0x11B8D, s7;
	_ =	swait.eq @!p0 [sflag:s6], $0x1  }
0xb2: {  	s5 =	sor.u32 @!p0 s5, s7;
	[sflag:s6] =	ssyncadd.s32 @!p0 $0xFFFFFFFF  }
0xb3: {  	s25 =	simm.s32 $0x1B8E;
	s24 =	sld [smem:$0x3FFE];
	[sflag:s5] =	ssyncadd.remote.s32 @!p0 $0x1  }
0xb4: {  	s26 =	simm.s32 $execute0_lowered;
	[smem:$0x3FD2] =	sst s25  }
0xb5: {  	s6 =	sshll.u32 s26, $0x1;
	_ =	strace $0x80000049;
	[dreg:$0x1] =	wrdreg $0xFFFFFFFF  }
0xb6: {  	s28 =	simm.s32 $_size_execute0_lowered;
	s4 =	sadd.s32 s4, s6;
	[dreg:$0x0] =	wrdreg $0x0  }
0xb7: {  	s6 =	sshll.u32 s28, $0x1;
	[dreg:$0x2] =	wrdreg s4  }
0xb8: {  	[dreg:$0x3] =	wrdreg s6  }
0xb9: {  	[dreg:$0x4] =	wrdreg $0xC0  }
0xba: {  	_ =	task [dreg:s22], $0x5FFFF  }
0xbb: {  	[dreg:$0x1] =	wrdreg $0xFFFFFFFF  }
0xbc: {  	[dreg:$0x0] =	wrdreg $0x60  }
0xbd: {  	[dreg:$0x2] =	wrdreg s24  }
0xbe: {  	[dreg:$0x3] =	wrdreg s18  }
0xbf: {  	[dreg:$0x4] =	wrdreg $0xA  }
0xc0: {  	_ =	task.clear_ibuf [dreg:s22], $0x5FFFF;
	_ =	strace $0x90000049  }
0xc1: {  	s29 =	simm.s32 $0xA;
	_ =	strace $0x8000004B  }
0xc2: {  	_ =	swait.ge [sflag:s29], $0x1  }
0xc3: {  	[sflag:s29] =	ssyncadd.s32 $0xFFFFFFFF  }
0xc4: {  	_ =	strace $0x9000004B  }
0xc5: {  	_ =	sfence  }
0xc6: {  	s30 =	sld [smem:$0x0];
	_ =	sdelay $0x2  }
0xc7: {  	s31 =	sshll.u32 s1, $0xD;
	s1 =	sshrl.u32 s1, $0x2  }
0xc8: {  	s4 =	sand.u32 $0x4000, s31;
	s1 =	sadd.s32 s1, s30  }
0xc9: {  	s0 =	sor.u32 s4, s0;
	s1 =	sshll.u32 s1, $0x11  }
0xca: {  	s0 =	sor.u32 s1, s0  }
0xcb: {  	s0 =	sadd.s32 $0x8F2B, s0  }
0xcc: {  	[sflag:s0] =	ssyncadd.remote.s32 $0x1  }
0xcd: {  	_ =	sfence.sel $0xFFFF  }
0xce: {  	[dreg:$0x0] =	wrdreg $0xFFFFFFFF;
	(pc) =	sbr.abs _section_cstart, $3  }
0xcf: {  	[dreg:$0x1] =	wrdreg $0xFFFFFFFF  }
0xd0: {  	_ =	task.clear_ibuf [dreg:s22], $0x2FFFF;
	_ =	strace $0x9FFFFFFF  }
0xd1: {  	(tm) =	ssettm $0x7FFFFFFF  }
tec
execute0_lowered:
.L_overlay_start_1:
0x0: {  	(tag) =	ssettag $0x1  }
0x1: {  	s0 =	srdreg.scid  }
0x2: {  	s2 =	stileid.u32;
	s0 =	sand.u32 $0x1, s0  }
0x3: {  	s1 =	rddreg [dreg:$0x0];
	s4 =	sshll.u32 s2, $0xA;
	s5 =	sshll.u32 s0, $0x9  }
0x4: {  	s3 =	rddreg [dreg:$0x1];
	s4 =	sor.u32 s5, s4  }
0x5: {  	s2 =	simm.s32 $0x0;
	s5 =	sshll.u32 s4, $0x7;
	s4 =	sshrl.u32 s4, $0x3  }
0x6: {  	[smem:$0x7FF] =	sst s2;
	s7 =	sadd.s32 s5, s1;
	s3 =	sadd.s32 s3, s4  }
0x7: {  	_ =	strace $0x8000004A;
	[dreg:$0x3] =	wrdreg s3;
	s14 =	sadd.s32 $0xA01400, s7  }
0x8: {  	s15 =	sadd.s32 $0xA02400, s7;
	[dreg:$0x4] =	wrdreg s14  }
0x9: {  	s16 =	sadd.s32 $0xA03400, s7;
	[dreg:$0x5] =	wrdreg s15  }
0xa: {  	s17 =	sadd.s32 $0xA04400, s7;
	[dreg:$0x6] =	wrdreg s16  }
0xb: {  	s18 =	sadd.s32 $0xA05400, s7;
	[dreg:$0x7] =	wrdreg s17  }
0xc: {  	s19 =	sadd.s32 $0xA06400, s7;
	[dreg:$0x8] =	wrdreg s18  }
0xd: {  	s20 =	sadd.s32 $0xA07400, s7;
	[dreg:$0x9] =	wrdreg s19  }
0xe: {  	s28 =	simm.s32 $0x5;
	s21 =	sadd.s32 $0xA08400, s7;
	[dreg:$0xa] =	wrdreg s20  }
0xf: {  	s29 =	simm.s32 $0x6;
	s22 =	sadd.s32 $0xA09400, s7;
	[dreg:$0xb] =	wrdreg s21  }
0x10: {  	s0 =	ssub.s32 $0x2, s0;
	s23 =	sadd.s32 $0xA0A400, s7;
	[dreg:$0xc] =	wrdreg s22  }
0x11: {  	s25 =	sshrl.u32 s0, $0x1;
	s24 =	sadd.s32 $0xA0B400, s7;
	[dreg:$0xd] =	wrdreg s23  }
0x12: {  	s0 =	ssub.s32 s0, s25;
	s26 =	sadd.s32 $0xA0C400, s7;
	[dreg:$0xe] =	wrdreg s24  }
0x13: {  	s4 =	sadd.s32 $0x601500, s1;
	s30 =	sadd.s32 $0xA0D400, s7;
	[dreg:$0xf] =	wrdreg s26  }
0x14: {  	s5 =	sadd.s32 $0x601600, s1;
	s6 =	sadd.s32 $0xA0E400, s7;
	[dreg:$0x10] =	wrdreg s30  }
0x15: {  	s3 =	sadd.s32 $0x601400, s1;
	s8 =	sadd.s32 $0xA0F400, s7;
	[dreg:$0x11] =	wrdreg s6  }
0x16: {  	v2 =	vlaneseq.u32;
	s31 =	sadd.s32 $0xA10400, s7;
	s7 =	smax.u32 s0, $0x1;
	[dreg:$0x12] =	wrdreg s8  }
0x17: {  	vm0 =	vmmov $0xffff;
	v1 =	vshrl.u32 v2, $0x3;
	s0 =	simm.s32 $0x3;
	s6 =	sadd.s32 $0x601700, s1;
	[dreg:$0x13] =	wrdreg s31  }
0x18: {  	v0 =	vand.u32 $0x7, v2;
	v2 =	vor.u32 $0x8, v2;
	v1 =	vmul.u32 $0x8, v1;
	s8 =	simm.s32 $0x1;
	s14 =	simm.s32 $0x2;
	s1 =	simm.s32 $0x4  }
.LBB2_1:
0x19: {  	[dreg:$0x14] =	wrdreg s7  }
0x1a: {  	s30 =	rddreg [dreg:$0x3];
	s18 =	simm.s32 $0x7  }
0x1b: {  	[tilespmem:s2], [sflag:$0x7] =	stream.linear.gather [hbm4b:s30+s2], $0x200, $0x38;
	[tilespmem:$0x18200] =	vst v63  }
0x1c: {  	_ =	swait.ge [sflag:s18], $0x200  }
0x1d: {  	[sflag:s18] =	ssyncset.done $0x0  }
0x1e: {  	[sflag:s18] =	ssyncadd.s32 $0xFFFFFE00  }
0x1f: {  	v3 =	vld [tilespmem:$0x0];
	_ =	sdelay $0x4  }
0x20: {  	v4 =	vshll.u32 v3, $0x3  }
0x21: {  	v3 =	vand.u32 $0x7, v3;
	v4 =	vand.u32 $0xFFFFFFC0, v4  }
0x22: {  	v3 =	vor.u32 v3, v4  }
0x23: {  	v4 =	vperm.xlane v3, v0;
	_ =	sdelay $0x1  }
0x24: {  	v4 =	vadd.s32 v1, v4;
	_ =	sdelay $0x3  }
0x25: {  	s19 =	simm.s32 $0x200  }
0x26: {  	[tilespmem:s19], [sflag:$0x1] =	stream.indirect_vreg.gather [hbm4b:s3+s2], $0x80, v4, vm0, $0xb8;
	[tilespmem:$0x18200] =	vst v63  }
0x27: {  	s10 =	simm.s32 $0xA00;
	v3 =	vperm.xlane v3, v2  }
0x28: {  	[tilespmem:s10], [sflag:$0x1] =	stream.indirect_vreg.gather [hbm4b:s4+s2], $0x80, v4, vm0, $0xb8;
	[tilespmem:$0x18200] =	vst v63  }
0x29: {  	s20 =	simm.s32 $0x1200;
	v3 =	vadd.s32 v1, v3  }
0x2a: {  	[tilespmem:s20], [sflag:$0x1] =	stream.indirect_vreg.gather [hbm4b:s5+s2], $0x80, v4, vm0, $0xb8;
	[tilespmem:$0x18200] =	vst v63  }
0x2b: {  	s21 =	simm.s32 $0x1A00  }
0x2c: {  	[tilespmem:s21], [sflag:$0x1] =	stream.indirect_vreg.gather [hbm4b:s6+s2], $0x80, v4, vm0, $0xb8;
	[tilespmem:$0x18200] =	vst v63  }
0x2d: {  	s22 =	simm.s32 $0x2200  }
0x2e: {  	[tilespmem:s22], [sflag:$0x1] =	stream.indirect_vreg.gather [hbm4b:s3+s2], $0x80, v3, vm0, $0xb8;
	[tilespmem:$0x18200] =	vst v63  }
0x2f: {  	s23 =	simm.s32 $0x2A00  }
0x30: {  	[tilespmem:s23], [sflag:$0x1] =	stream.indirect_vreg.gather [hbm4b:s4+s2], $0x80, v3, vm0, $0xb8;
	[tilespmem:$0x18200] =	vst v63  }
0x31: {  	s24 =	simm.s32 $0x3200  }
0x32: {  	[tilespmem:s24], [sflag:$0x1] =	stream.indirect_vreg.gather [hbm4b:s5+s2], $0x80, v3, vm0, $0xb8;
	[tilespmem:$0x18200] =	vst v63  }
0x33: {  	s25 =	simm.s32 $0x3A00  }
0x34: {  	[tilespmem:s25], [sflag:$0x1] =	stream.indirect_vreg.gather [hbm4b:s6+s2], $0x80, v3, vm0, $0xb8;
	[tilespmem:$0x18200] =	vst v63  }
0x35: {  	v3 =	vld [tilespmem:$0x10];
	_ =	sdelay $0x4  }
0x36: {  	v33 =	vshll.u32 v3, $0x3  }
0x37: {  	v3 =	vand.u32 $0x7, v3;
	v4 =	vand.u32 $0xFFFFFFC0, v33  }
0x38: {  	v3 =	vor.u32 v3, v4  }
0x39: {  	v4 =	vperm.xlane v3, v0;
	_ =	sdelay $0x1  }
0x3a: {  	v4 =	vadd.s32 v1, v4;
	_ =	sdelay $0x3  }
0x3b: {  	s26 =	simm.s32 $0x4200  }
0x3c: {  	[tilespmem:s26], [sflag:$0x1] =	stream.indirect_vreg.gather [hbm4b:s3+s2], $0x80, v4, vm0, $0xb8;
	[tilespmem:$0x18200] =	vst v63  }
0x3d: {  	s30 =	simm.s32 $0x4A00;
	v3 =	vperm.xlane v3, v2  }
0x3e: {  	[tilespmem:s30], [sflag:$0x1] =	stream.indirect_vreg.gather [hbm4b:s4+s2], $0x80, v4, vm0, $0xb8;
	[tilespmem:$0x18200] =	vst v63  }
0x3f: {  	s31 =	simm.s32 $0x5200;
	v3 =	vadd.s32 v1, v3  }
0x40: {  	[tilespmem:s31], [sflag:$0x1] =	stream.indirect_vreg.gather [hbm4b:s5+s2], $0x80, v4, vm0, $0xb8;
	[tilespmem:$0x18200] =	vst v63  }
0x41: {  	s7 =	simm.s32 $0x5A00  }
0x42: {  	[tilespmem:s7], [sflag:$0x1] =	stream.indirect_vreg.gather [hbm4b:s6+s2], $0x80, v4, vm0, $0xb8;
	[tilespmem:$0x18200] =	vst v63  }
0x43: {  	s9 =	simm.s32 $0x6200  }
0x44: {  	[tilespmem:s9], [sflag:$0x1] =	stream.indirect_vreg.gather [hbm4b:s3+s2], $0x80, v3, vm0, $0xb8;
	[tilespmem:$0x18200] =	vst v63  }
0x45: {  	s11 =	simm.s32 $0x6A00  }
0x46: {  	[tilespmem:s11], [sflag:$0x1] =	stream.indirect_vreg.gather [hbm4b:s4+s2], $0x80, v3, vm0, $0xb8;
	[tilespmem:$0x18200] =	vst v63  }
0x47: {  	s12 =	simm.s32 $0x7200  }
0x48: {  	[tilespmem:s12], [sflag:$0x1] =	stream.indirect_vreg.gather [hbm4b:s5+s2], $0x80, v3, vm0, $0xb8;
	[tilespmem:$0x18200] =	vst v63  }
0x49: {  	s18 =	simm.s32 $0x7A00  }
0x4a: {  	[tilespmem:s18], [sflag:$0x1] =	stream.indirect_vreg.gather [hbm4b:s6+s2], $0x80, v3, vm0, $0xb8;
	[tilespmem:$0x18200] =	vst v63  }
0x4b: {  	v3 =	vld [tilespmem:$0x20];
	_ =	sdelay $0x4  }
0x4c: {  	v34 =	vshll.u32 v3, $0x3  }
0x4d: {  	v3 =	vand.u32 $0x7, v3;
	v4 =	vand.u32 $0xFFFFFFC0, v34  }
0x4e: {  	v3 =	vor.u32 v3, v4  }
0x4f: {  	v4 =	vperm.xlane v3, v0;
	_ =	sdelay $0x1  }
0x50: {  	v4 =	vadd.s32 v1, v4;
	_ =	sdelay $0x3  }
0x51: {  	s19 =	simm.s32 $0x8200  }
0x52: {  	[tilespmem:s19], [sflag:$0x2] =	stream.indirect_vreg.gather [hbm4b:s3+s2], $0x80, v4, vm0, $0xb8;
	[tilespmem:$0x18200] =	vst v63  }
0x53: {  	s20 =	simm.s32 $0x8A00;
	v3 =	vperm.xlane v3, v2  }
0x54: {  	[tilespmem:s20], [sflag:$0x2] =	stream.indirect_vreg.gather [hbm4b:s4+s2], $0x80, v4, vm0, $0xb8;
	[tilespmem:$0x18200] =	vst v63  }
0x55: {  	s21 =	simm.s32 $0x9200;
	v3 =	vadd.s32 v1, v3  }
0x56: {  	[tilespmem:s21], [sflag:$0x2] =	stream.indirect_vreg.gather [hbm4b:s5+s2], $0x80, v4, vm0, $0xb8;
	[tilespmem:$0x18200] =	vst v63  }
0x57: {  	s22 =	simm.s32 $0x9A00  }
0x58: {  	[tilespmem:s22], [sflag:$0x2] =	stream.indirect_vreg.gather [hbm4b:s6+s2], $0x80, v4, vm0, $0xb8;
	[tilespmem:$0x18200] =	vst v63  }
0x59: {  	s23 =	simm.s32 $0xA200  }
0x5a: {  	[tilespmem:s23], [sflag:$0x2] =	stream.indirect_vreg.gather [hbm4b:s3+s2], $0x80, v3, vm0, $0xb8;
	[tilespmem:$0x18200] =	vst v63  }
0x5b: {  	s24 =	simm.s32 $0xAA00  }
0x5c: {  	[tilespmem:s24], [sflag:$0x2] =	stream.indirect_vreg.gather [hbm4b:s4+s2], $0x80, v3, vm0, $0xb8;
	[tilespmem:$0x18200] =	vst v63  }
0x5d: {  	s25 =	simm.s32 $0xB200  }
0x5e: {  	[tilespmem:s25], [sflag:$0x2] =	stream.indirect_vreg.gather [hbm4b:s5+s2], $0x80, v3, vm0, $0xb8;
	[tilespmem:$0x18200] =	vst v63  }
0x5f: {  	s26 =	simm.s32 $0xBA00  }
0x60: {  	[tilespmem:s26], [sflag:$0x2] =	stream.indirect_vreg.gather [hbm4b:s6+s2], $0x80, v3, vm0, $0xb8;
	[tilespmem:$0x18200] =	vst v63  }
0x61: {  	v3 =	vld [tilespmem:$0x30];
	_ =	sdelay $0x4  }
0x62: {  	v35 =	vshll.u32 v3, $0x3  }
0x63: {  	v3 =	vand.u32 $0x7, v3;
	v4 =	vand.u32 $0xFFFFFFC0, v35  }
0x64: {  	v3 =	vor.u32 v3, v4  }
0x65: {  	v4 =	vperm.xlane v3, v0;
	_ =	sdelay $0x1  }
0x66: {  	v4 =	vadd.s32 v1, v4;
	_ =	sdelay $0x3  }
0x67: {  	s30 =	simm.s32 $0xC200  }
0x68: {  	[tilespmem:s30], [sflag:$0x2] =	stream.indirect_vreg.gather [hbm4b:s3+s2], $0x80, v4, vm0, $0xb8;
	[tilespmem:$0x18200] =	vst v63  }
0x69: {  	s31 =	simm.s32 $0xCA00;
	v3 =	vperm.xlane v3, v2  }
0x6a: {  	[tilespmem:s31], [sflag:$0x2] =	stream.indirect_vreg.gather [hbm4b:s4+s2], $0x80, v4, vm0, $0xb8;
	[tilespmem:$0x18200] =	vst v63  }
0x6b: {  	s9 =	simm.s32 $0xD200;
	v3 =	vadd.s32 v1, v3  }
0x6c: {  	[tilespmem:s9], [sflag:$0x2] =	stream.indirect_vreg.gather [hbm4b:s5+s2], $0x80, v4, vm0, $0xb8;
	[tilespmem:$0x18200] =	vst v63  }
0x6d: {  	s11 =	simm.s32 $0xDA00  }
0x6e: {  	[tilespmem:s11], [sflag:$0x2] =	stream.indirect_vreg.gather [hbm4b:s6+s2], $0x80, v4, vm0, $0xb8;
	[tilespmem:$0x18200] =	vst v63  }
0x6f: {  	s12 =	simm.s32 $0xE200  }
0x70: {  	[tilespmem:s12], [sflag:$0x2] =	stream.indirect_vreg.gather [hbm4b:s3+s2], $0x80, v3, vm0, $0xb8;
	[tilespmem:$0x18200] =	vst v63  }
0x71: {  	s18 =	simm.s32 $0xEA00  }
0x72: {  	[tilespmem:s18], [sflag:$0x2] =	stream.indirect_vreg.gather [hbm4b:s4+s2], $0x80, v3, vm0, $0xb8;
	[tilespmem:$0x18200] =	vst v63  }
0x73: {  	s19 =	simm.s32 $0xF200  }
0x74: {  	[tilespmem:s19], [sflag:$0x2] =	stream.indirect_vreg.gather [hbm4b:s5+s2], $0x80, v3, vm0, $0xb8;
	[tilespmem:$0x18200] =	vst v63  }
0x75: {  	s20 =	simm.s32 $0xFA00  }
0x76: {  	[tilespmem:s20], [sflag:$0x2] =	stream.indirect_vreg.gather [hbm4b:s6+s2], $0x80, v3, vm0, $0xb8;
	[tilespmem:$0x18200] =	vst v63  }
0x77: {  	_ =	swait.ge [sflag:s8], $0x8000  }
0x78: {  	[sflag:s8] =	ssyncset.done $0x0  }
0x79: {  	s9 =	simm.s32 $0x200;
	s24 =	rddreg [dreg:$0x4];
	[sflag:s8] =	ssyncadd.s32 $0xFFFF8000  }
0x7a: {  	[hbm4b:s24+s2] =	stream.linear.scatter [tilespmem:s9], [sflag:$0x4], $0x8000, $0x38;
	[tilespmem:$0x18200] =	vst v63  }
0x7b: {  	v3 =	vld [tilespmem:$0x40];
	_ =	sdelay $0x4  }
0x7c: {  	v36 =	vshll.u32 v3, $0x3  }
0x7d: {  	v3 =	vand.u32 $0x7, v3;
	v4 =	vand.u32 $0xFFFFFFC0, v36  }
0x7e: {  	v3 =	vor.u32 v3, v4  }
0x7f: {  	v4 =	vperm.xlane v3, v0;
	_ =	sdelay $0x1  }
0x80: {  	v4 =	vadd.s32 v1, v4;
	_ =	sdelay $0x3  }
0x81: {  	s12 =	simm.s32 $0x10200  }
0x82: {  	[tilespmem:s12], [sflag:$0x3] =	stream.indirect_vreg.gather [hbm4b:s3+s2], $0x80, v4, vm0, $0xb8;
	[tilespmem:$0x18200] =	vst v63  }
0x83: {  	s25 =	simm.s32 $0x10A00;
	v3 =	vperm.xlane v3, v2  }
0x84: {  	[tilespmem:s25], [sflag:$0x3] =	stream.indirect_vreg.gather [hbm4b:s4+s2], $0x80, v4, vm0, $0xb8;
	[tilespmem:$0x18200] =	vst v63  }
0x85: {  	s26 =	simm.s32 $0x11200;
	v3 =	vadd.s32 v1, v3  }
0x86: {  	[tilespmem:s26], [sflag:$0x3] =	stream.indirect_vreg.gather [hbm4b:s5+s2], $0x80, v4, vm0, $0xb8;
	[tilespmem:$0x18200] =	vst v63  }
0x87: {  	s30 =	simm.s32 $0x11A00  }
0x88: {  	[tilespmem:s30], [sflag:$0x3] =	stream.indirect_vreg.gather [hbm4b:s6+s2], $0x80, v4, vm0, $0xb8;
	[tilespmem:$0x18200] =	vst v63  }
0x89: {  	s31 =	simm.s32 $0x12200  }
0x8a: {  	[tilespmem:s31], [sflag:$0x3] =	stream.indirect_vreg.gather [hbm4b:s3+s2], $0x80, v3, vm0, $0xb8;
	[tilespmem:$0x18200] =	vst v63  }
0x8b: {  	s7 =	simm.s32 $0x12A00  }
0x8c: {  	[tilespmem:s7], [sflag:$0x3] =	stream.indirect_vreg.gather [hbm4b:s4+s2], $0x80, v3, vm0, $0xb8;
	[tilespmem:$0x18200] =	vst v63  }
0x8d: {  	s11 =	simm.s32 $0x13200  }
0x8e: {  	[tilespmem:s11], [sflag:$0x3] =	stream.indirect_vreg.gather [hbm4b:s5+s2], $0x80, v3, vm0, $0xb8;
	[tilespmem:$0x18200] =	vst v63  }
0x8f: {  	s18 =	simm.s32 $0x13A00  }
0x90: {  	[tilespmem:s18], [sflag:$0x3] =	stream.indirect_vreg.gather [hbm4b:s6+s2], $0x80, v3, vm0, $0xb8;
	[tilespmem:$0x18200] =	vst v63  }
0x91: {  	v3 =	vld [tilespmem:$0x50];
	_ =	sdelay $0x4  }
0x92: {  	v37 =	vshll.u32 v3, $0x3  }
0x93: {  	v3 =	vand.u32 $0x7, v3;
	v4 =	vand.u32 $0xFFFFFFC0, v37  }
0x94: {  	v3 =	vor.u32 v3, v4  }
0x95: {  	v4 =	vperm.xlane v3, v0;
	_ =	sdelay $0x1  }
0x96: {  	v4 =	vadd.s32 v1, v4;
	_ =	sdelay $0x3  }
0x97: {  	s19 =	simm.s32 $0x14200  }
0x98: {  	[tilespmem:s19], [sflag:$0x3] =	stream.indirect_vreg.gather [hbm4b:s3+s2], $0x80, v4, vm0, $0xb8;
	[tilespmem:$0x18200] =	vst v63  }
0x99: {  	s25 =	simm.s32 $0x14A00;
	v3 =	vperm.xlane v3, v2  }
0x9a: {  	[tilespmem:s25], [sflag:$0x3] =	stream.indirect_vreg.gather [hbm4b:s4+s2], $0x80, v4, vm0, $0xb8;
	[tilespmem:$0x18200] =	vst v63  }
0x9b: {  	s30 =	simm.s32 $0x15200;
	v3 =	vadd.s32 v1, v3  }
0x9c: {  	[tilespmem:s30], [sflag:$0x3] =	stream.indirect_vreg.gather [hbm4b:s5+s2], $0x80, v4, vm0, $0xb8;
	[tilespmem:$0x18200] =	vst v63  }
0x9d: {  	s31 =	simm.s32 $0x15A00  }
0x9e: {  	[tilespmem:s31], [sflag:$0x3] =	stream.indirect_vreg.gather [hbm4b:s6+s2], $0x80, v4, vm0, $0xb8;
	[tilespmem:$0x18200] =	vst v63  }
0x9f: {  	s7 =	simm.s32 $0x16200  }
0xa0: {  	[tilespmem:s7], [sflag:$0x3] =	stream.indirect_vreg.gather [hbm4b:s3+s2], $0x80, v3, vm0, $0xb8;
	[tilespmem:$0x18200] =	vst v63  }
0xa1: {  	s11 =	simm.s32 $0x16A00  }
0xa2: {  	[tilespmem:s11], [sflag:$0x3] =	stream.indirect_vreg.gather [hbm4b:s4+s2], $0x80, v3, vm0, $0xb8;
	[tilespmem:$0x18200] =	vst v63  }
0xa3: {  	s18 =	simm.s32 $0x17200  }
0xa4: {  	[tilespmem:s18], [sflag:$0x3] =	stream.indirect_vreg.gather [hbm4b:s5+s2], $0x80, v3, vm0, $0xb8;
	[tilespmem:$0x18200] =	vst v63  }
0xa5: {  	s19 =	simm.s32 $0x17A00  }
0xa6: {  	[tilespmem:s19], [sflag:$0x3] =	stream.indirect_vreg.gather [hbm4b:s6+s2], $0x80, v3, vm0, $0xb8;
	[tilespmem:$0x18200] =	vst v63  }
0xa7: {  	_ =	swait.ge [sflag:s14], $0x8000  }
0xa8: {  	[sflag:s14] =	ssyncset.done $0x0  }
0xa9: {  	s7 =	simm.s32 $0x8200;
	s25 =	rddreg [dreg:$0x5];
	[sflag:s14] =	ssyncadd.s32 $0xFFFF8000  }
0xaa: {  	[hbm4b:s25+s2] =	stream.linear.scatter [tilespmem:s7], [sflag:$0x5], $0x8000, $0x38;
	[tilespmem:$0x18200] =	vst v63  }
0xab: {  	_ =	swait.ge [sflag:s1], $0x8000  }
0xac: {  	[sflag:s1] =	ssyncset.done $0x0  }
0xad: {  	[sflag:s1] =	ssyncadd.s32 $0xFFFF8000  }
0xae: {  	v3 =	vld [tilespmem:$0x60];
	_ =	sdelay $0x4  }
0xaf: {  	v38 =	vshll.u32 v3, $0x3  }
0xb0: {  	v3 =	vand.u32 $0x7, v3;
	v4 =	vand.u32 $0xFFFFFFC0, v38  }
0xb1: {  	v3 =	vor.u32 v3, v4  }
0xb2: {  	v4 =	vperm.xlane v3, v0;
	_ =	sdelay $0x1  }
0xb3: {  	v4 =	vadd.s32 v1, v4;
	_ =	sdelay $0x4  }
0xb4: {  	[tilespmem:s9], [sflag:$0x1] =	stream.indirect_vreg.gather [hbm4b:s3+s2], $0x80, v4, vm0, $0xb8;
	[tilespmem:$0x18200] =	vst v63  }
0xb5: {  	s13 =	simm.s32 $0xA00;
	v3 =	vperm.xlane v3, v2  }
0xb6: {  	[tilespmem:s13], [sflag:$0x1] =	stream.indirect_vreg.gather [hbm4b:s4+s2], $0x80, v4, vm0, $0xb8;
	[tilespmem:$0x18200] =	vst v63  }
0xb7: {  	s25 =	simm.s32 $0x1200;
	v3 =	vadd.s32 v1, v3  }
0xb8: {  	[tilespmem:s25], [sflag:$0x1] =	stream.indirect_vreg.gather [hbm4b:s5+s2], $0x80, v4, vm0, $0xb8;
	[tilespmem:$0x18200] =	vst v63  }
0xb9: {  	s11 =	simm.s32 $0x1A00  }
0xba: {  	[tilespmem:s11], [sflag:$0x1] =	stream.indirect_vreg.gather [hbm4b:s6+s2], $0x80, v4, vm0, $0xb8;
	[tilespmem:$0x18200] =	vst v63  }
0xbb: {  	s30 =	simm.s32 $0x2200  }
0xbc: {  	[tilespmem:s30], [sflag:$0x1] =	stream.indirect_vreg.gather [hbm4b:s3+s2], $0x80, v3, vm0, $0xb8;
	[tilespmem:$0x18200] =	vst v63  }
0xbd: {  	s31 =	simm.s32 $0x2A00  }
0xbe: {  	[tilespmem:s31], [sflag:$0x1] =	stream.indirect_vreg.gather [hbm4b:s4+s2], $0x80, v3, vm0, $0xb8;
	[tilespmem:$0x18200] =	vst v63  }
0xbf: {  	s12 =	simm.s32 $0x3200  }
0xc0: {  	[tilespmem:s12], [sflag:$0x1] =	stream.indirect_vreg.gather [hbm4b:s5+s2], $0x80, v3, vm0, $0xb8;
	[tilespmem:$0x18200] =	vst v63  }
0xc1: {  	s15 =	simm.s32 $0x3A00  }
0xc2: {  	[tilespmem:s15], [sflag:$0x1] =	stream.indirect_vreg.gather [hbm4b:s6+s2], $0x80, v3, vm0, $0xb8;
	[tilespmem:$0x18200] =	vst v63  }
0xc3: {  	v3 =	vld [tilespmem:$0x70];
	_ =	sdelay $0x4  }
0xc4: {  	v39 =	vshll.u32 v3, $0x3  }
0xc5: {  	v3 =	vand.u32 $0x7, v3;
	v4 =	vand.u32 $0xFFFFFFC0, v39  }
0xc6: {  	v3 =	vor.u32 v3, v4  }
0xc7: {  	v4 =	vperm.xlane v3, v0;
	_ =	sdelay $0x1  }
0xc8: {  	v4 =	vadd.s32 v1, v4;
	_ =	sdelay $0x3  }
0xc9: {  	s16 =	simm.s32 $0x4200  }
0xca: {  	[tilespmem:s16], [sflag:$0x1] =	stream.indirect_vreg.gather [hbm4b:s3+s2], $0x80, v4, vm0, $0xb8;
	[tilespmem:$0x18200] =	vst v63  }
0xcb: {  	s17 =	simm.s32 $0x4A00;
	v3 =	vperm.xlane v3, v2  }
0xcc: {  	[tilespmem:s17], [sflag:$0x1] =	stream.indirect_vreg.gather [hbm4b:s4+s2], $0x80, v4, vm0, $0xb8;
	[tilespmem:$0x18200] =	vst v63  }
0xcd: {  	s15 =	simm.s32 $0x5200;
	v3 =	vadd.s32 v1, v3  }
0xce: {  	[tilespmem:s15], [sflag:$0x1] =	stream.indirect_vreg.gather [hbm4b:s5+s2], $0x80, v4, vm0, $0xb8;
	[tilespmem:$0x18200] =	vst v63  }
0xcf: {  	s16 =	simm.s32 $0x5A00  }
0xd0: {  	[tilespmem:s16], [sflag:$0x1] =	stream.indirect_vreg.gather [hbm4b:s6+s2], $0x80, v4, vm0, $0xb8;
	[tilespmem:$0x18200] =	vst v63  }
0xd1: {  	s17 =	simm.s32 $0x6200  }
0xd2: {  	[tilespmem:s17], [sflag:$0x1] =	stream.indirect_vreg.gather [hbm4b:s3+s2], $0x80, v3, vm0, $0xb8;
	[tilespmem:$0x18200] =	vst v63  }
0xd3: {  	s18 =	simm.s32 $0x6A00  }
0xd4: {  	[tilespmem:s18], [sflag:$0x1] =	stream.indirect_vreg.gather [hbm4b:s4+s2], $0x80, v3, vm0, $0xb8;
	[tilespmem:$0x18200] =	vst v63  }
0xd5: {  	s19 =	simm.s32 $0x7200  }
0xd6: {  	[tilespmem:s19], [sflag:$0x1] =	stream.indirect_vreg.gather [hbm4b:s5+s2], $0x80, v3, vm0, $0xb8;
	[tilespmem:$0x18200] =	vst v63  }
0xd7: {  	s10 =	simm.s32 $0x7A00  }
0xd8: {  	[tilespmem:s10], [sflag:$0x1] =	stream.indirect_vreg.gather [hbm4b:s6+s2], $0x80, v3, vm0, $0xb8;
	[tilespmem:$0x18200] =	vst v63  }
0xd9: {  	_ =	swait.ge [sflag:s0], $0x8000  }
0xda: {  	[sflag:s0] =	ssyncset.done $0x0  }
0xdb: {  	s10 =	simm.s32 $0x10200;
	s13 =	rddreg [dreg:$0x6];
	[sflag:s0] =	ssyncadd.s32 $0xFFFF8000  }
0xdc: {  	[hbm4b:s13+s2] =	stream.linear.scatter [tilespmem:s10], [sflag:$0x6], $0x8000, $0x38;
	[tilespmem:$0x18200] =	vst v63  }
0xdd: {  	_ =	swait.ge [sflag:s28], $0x8000  }
0xde: {  	[sflag:s28] =	ssyncset.done $0x0  }
0xdf: {  	[sflag:s28] =	ssyncadd.s32 $0xFFFF8000  }
0xe0: {  	v3 =	vld [tilespmem:$0x80];
	_ =	sdelay $0x4  }
0xe1: {  	v40 =	vshll.u32 v3, $0x3  }
0xe2: {  	v3 =	vand.u32 $0x7, v3;
	v4 =	vand.u32 $0xFFFFFFC0, v40  }
0xe3: {  	v3 =	vor.u32 v3, v4  }
0xe4: {  	v4 =	vperm.xlane v3, v0;
	_ =	sdelay $0x1  }
0xe5: {  	v4 =	vadd.s32 v1, v4;
	_ =	sdelay $0x4  }
0xe6: {  	[tilespmem:s7], [sflag:$0x2] =	stream.indirect_vreg.gather [hbm4b:s3+s2], $0x80, v4, vm0, $0xb8;
	[tilespmem:$0x18200] =	vst v63  }
0xe7: {  	s30 =	simm.s32 $0x8A00;
	v3 =	vperm.xlane v3, v2  }
0xe8: {  	[tilespmem:s30], [sflag:$0x2] =	stream.indirect_vreg.gather [hbm4b:s4+s2], $0x80, v4, vm0, $0xb8;
	[tilespmem:$0x18200] =	vst v63  }
0xe9: {  	s21 =	simm.s32 $0x9200;
	v3 =	vadd.s32 v1, v3  }
0xea: {  	[tilespmem:s21], [sflag:$0x2] =	stream.indirect_vreg.gather [hbm4b:s5+s2], $0x80, v4, vm0, $0xb8;
	[tilespmem:$0x18200] =	vst v63  }
0xeb: {  	s22 =	simm.s32 $0x9A00  }
0xec: {  	[tilespmem:s22], [sflag:$0x2] =	stream.indirect_vreg.gather [hbm4b:s6+s2], $0x80, v4, vm0, $0xb8;
	[tilespmem:$0x18200] =	vst v63  }
0xed: {  	s23 =	simm.s32 $0xA200  }
0xee: {  	[tilespmem:s23], [sflag:$0x2] =	stream.indirect_vreg.gather [hbm4b:s3+s2], $0x80, v3, vm0, $0xb8;
	[tilespmem:$0x18200] =	vst v63  }
0xef: {  	s13 =	simm.s32 $0xAA00  }
0xf0: {  	[tilespmem:s13], [sflag:$0x2] =	stream.indirect_vreg.gather [hbm4b:s4+s2], $0x80, v3, vm0, $0xb8;
	[tilespmem:$0x18200] =	vst v63  }
0xf1: {  	s31 =	simm.s32 $0xB200  }
0xf2: {  	[tilespmem:s31], [sflag:$0x2] =	stream.indirect_vreg.gather [hbm4b:s5+s2], $0x80, v3, vm0, $0xb8;
	[tilespmem:$0x18200] =	vst v63  }
0xf3: {  	s11 =	simm.s32 $0xBA00  }
0xf4: {  	[tilespmem:s11], [sflag:$0x2] =	stream.indirect_vreg.gather [hbm4b:s6+s2], $0x80, v3, vm0, $0xb8;
	[tilespmem:$0x18200] =	vst v63  }
0xf5: {  	v3 =	vld [tilespmem:$0x90];
	_ =	sdelay $0x4  }
0xf6: {  	v41 =	vshll.u32 v3, $0x3  }
0xf7: {  	v3 =	vand.u32 $0x7, v3;
	v4 =	vand.u32 $0xFFFFFFC0, v41  }
0xf8: {  	v3 =	vor.u32 v3, v4  }
0xf9: {  	v4 =	vperm.xlane v3, v0;
	_ =	sdelay $0x1  }
0xfa: {  	v4 =	vadd.s32 v1, v4;
	_ =	sdelay $0x3  }
0xfb: {  	s21 =	simm.s32 $0xC200  }
0xfc: {  	[tilespmem:s21], [sflag:$0x2] =	stream.indirect_vreg.gather [hbm4b:s3+s2], $0x80, v4, vm0, $0xb8;
	[tilespmem:$0x18200] =	vst v63  }
0xfd: {  	s22 =	simm.s32 $0xCA00;
	v3 =	vperm.xlane v3, v2  }
0xfe: {  	[tilespmem:s22], [sflag:$0x2] =	stream.indirect_vreg.gather [hbm4b:s4+s2], $0x80, v4, vm0, $0xb8;
	[tilespmem:$0x18200] =	vst v63  }
0xff: {  	s23 =	simm.s32 $0xD200;
	v3 =	vadd.s32 v1, v3  }
0x100: {  	[tilespmem:s23], [sflag:$0x2] =	stream.indirect_vreg.gather [hbm4b:s5+s2], $0x80, v4, vm0, $0xb8;
	[tilespmem:$0x18200] =	vst v63  }
0x101: {  	s30 =	simm.s32 $0xDA00  }
0x102: {  	[tilespmem:s30], [sflag:$0x2] =	stream.indirect_vreg.gather [hbm4b:s6+s2], $0x80, v4, vm0, $0xb8;
	[tilespmem:$0x18200] =	vst v63  }
0x103: {  	s31 =	simm.s32 $0xE200  }
0x104: {  	[tilespmem:s31], [sflag:$0x2] =	stream.indirect_vreg.gather [hbm4b:s3+s2], $0x80, v3, vm0, $0xb8;
	[tilespmem:$0x18200] =	vst v63  }
0x105: {  	s11 =	simm.s32 $0xEA00  }
0x106: {  	[tilespmem:s11], [sflag:$0x2] =	stream.indirect_vreg.gather [hbm4b:s4+s2], $0x80, v3, vm0, $0xb8;
	[tilespmem:$0x18200] =	vst v63  }
0x107: {  	s21 =	simm.s32 $0xF200  }
0x108: {  	[tilespmem:s21], [sflag:$0x2] =	stream.indirect_vreg.gather [hbm4b:s5+s2], $0x80, v3, vm0, $0xb8;
	[tilespmem:$0x18200] =	vst v63  }
0x109: {  	s22 =	simm.s32 $0xFA00  }
0x10a: {  	[tilespmem:s22], [sflag:$0x2] =	stream.indirect_vreg.gather [hbm4b:s6+s2], $0x80, v3, vm0, $0xb8;
	[tilespmem:$0x18200] =	vst v63  }
0x10b: {  	_ =	swait.ge [sflag:s8], $0x8000  }
0x10c: {  	[sflag:s8] =	ssyncset.done $0x0  }
0x10d: {  	s9 =	simm.s32 $0x200;
	s23 =	rddreg [dreg:$0x7];
	[sflag:s8] =	ssyncadd.s32 $0xFFFF8000  }
0x10e: {  	[hbm4b:s23+s2] =	stream.linear.scatter [tilespmem:s9], [sflag:$0x4], $0x8000, $0x38;
	[tilespmem:$0x18200] =	vst v63  }
0x10f: {  	_ =	swait.ge [sflag:s29], $0x8000  }
0x110: {  	[sflag:s29] =	ssyncset.done $0x0  }
0x111: {  	[sflag:s29] =	ssyncadd.s32 $0xFFFF8000  }
0x112: {  	v3 =	vld [tilespmem:$0xA0];
	_ =	sdelay $0x4  }
0x113: {  	v42 =	vshll.u32 v3, $0x3  }
0x114: {  	v3 =	vand.u32 $0x7, v3;
	v4 =	vand.u32 $0xFFFFFFC0, v42  }
0x115: {  	v3 =	vor.u32 v3, v4  }
0x116: {  	v4 =	vperm.xlane v3, v0;
	_ =	sdelay $0x1  }
0x117: {  	v4 =	vadd.s32 v1, v4;
	_ =	sdelay $0x4  }
0x118: {  	[tilespmem:s10], [sflag:$0x3] =	stream.indirect_vreg.gather [hbm4b:s3+s2], $0x80, v4, vm0, $0xb8;
	[tilespmem:$0x18200] =	vst v63  }
0x119: {  	s20 =	simm.s32 $0x10A00;
	v3 =	vperm.xlane v3, v2  }
0x11a: {  	[tilespmem:s20], [sflag:$0x3] =	stream.indirect_vreg.gather [hbm4b:s4+s2], $0x80, v4, vm0, $0xb8;
	[tilespmem:$0x18200] =	vst v63  }
0x11b: {  	v3 =	vadd.s32 v1, v3;
	s10 =	simm.s32 $0x11200  }
0x11c: {  	[tilespmem:s10], [sflag:$0x3] =	stream.indirect_vreg.gather [hbm4b:s5+s2], $0x80, v4, vm0, $0xb8;
	[tilespmem:$0x18200] =	vst v63  }
0x11d: {  	s20 =	simm.s32 $0x11A00  }
0x11e: {  	[tilespmem:s20], [sflag:$0x3] =	stream.indirect_vreg.gather [hbm4b:s6+s2], $0x80, v4, vm0, $0xb8;
	[tilespmem:$0x18200] =	vst v63  }
0x11f: {  	s21 =	simm.s32 $0x12200  }
0x120: {  	[tilespmem:s21], [sflag:$0x3] =	stream.indirect_vreg.gather [hbm4b:s3+s2], $0x80, v3, vm0, $0xb8;
	[tilespmem:$0x18200] =	vst v63  }
0x121: {  	s22 =	simm.s32 $0x12A00  }
0x122: {  	[tilespmem:s22], [sflag:$0x3] =	stream.indirect_vreg.gather [hbm4b:s4+s2], $0x80, v3, vm0, $0xb8;
	[tilespmem:$0x18200] =	vst v63  }
0x123: {  	s23 =	simm.s32 $0x13200  }
0x124: {  	[tilespmem:s23], [sflag:$0x3] =	stream.indirect_vreg.gather [hbm4b:s5+s2], $0x80, v3, vm0, $0xb8;
	[tilespmem:$0x18200] =	vst v63  }
0x125: {  	s24 =	simm.s32 $0x13A00  }
0x126: {  	[tilespmem:s24], [sflag:$0x3] =	stream.indirect_vreg.gather [hbm4b:s6+s2], $0x80, v3, vm0, $0xb8;
	[tilespmem:$0x18200] =	vst v63  }
0x127: {  	v3 =	vld [tilespmem:$0xB0];
	_ =	sdelay $0x4  }
0x128: {  	v43 =	vshll.u32 v3, $0x3  }
0x129: {  	v3 =	vand.u32 $0x7, v3;
	v4 =	vand.u32 $0xFFFFFFC0, v43  }
0x12a: {  	v3 =	vor.u32 v3, v4  }
0x12b: {  	v4 =	vperm.xlane v3, v0;
	_ =	sdelay $0x1  }
0x12c: {  	v4 =	vadd.s32 v1, v4;
	_ =	sdelay $0x3  }
0x12d: {  	s26 =	simm.s32 $0x14200  }
0x12e: {  	[tilespmem:s26], [sflag:$0x3] =	stream.indirect_vreg.gather [hbm4b:s3+s2], $0x80, v4, vm0, $0xb8;
	[tilespmem:$0x18200] =	vst v63  }
0x12f: {  	s24 =	simm.s32 $0x14A00;
	v3 =	vperm.xlane v3, v2  }
0x130: {  	[tilespmem:s24], [sflag:$0x3] =	stream.indirect_vreg.gather [hbm4b:s4+s2], $0x80, v4, vm0, $0xb8;
	[tilespmem:$0x18200] =	vst v63  }
0x131: {  	v3 =	vadd.s32 v1, v3;
	s24 =	simm.s32 $0x15200  }
0x132: {  	[tilespmem:s24], [sflag:$0x3] =	stream.indirect_vreg.gather [hbm4b:s5+s2], $0x80, v4, vm0, $0xb8;
	[tilespmem:$0x18200] =	vst v63  }
0x133: {  	s9 =	simm.s32 $0x15A00  }
0x134: {  	[tilespmem:s9], [sflag:$0x3] =	stream.indirect_vreg.gather [hbm4b:s6+s2], $0x80, v4, vm0, $0xb8;
	[tilespmem:$0x18200] =	vst v63  }
0x135: {  	s26 =	simm.s32 $0x16200  }
0x136: {  	[tilespmem:s26], [sflag:$0x3] =	stream.indirect_vreg.gather [hbm4b:s3+s2], $0x80, v3, vm0, $0xb8;
	[tilespmem:$0x18200] =	vst v63  }
0x137: {  	s26 =	simm.s32 $0x16A00  }
0x138: {  	[tilespmem:s26], [sflag:$0x3] =	stream.indirect_vreg.gather [hbm4b:s4+s2], $0x80, v3, vm0, $0xb8;
	[tilespmem:$0x18200] =	vst v63  }
0x139: {  	s30 =	simm.s32 $0x17200  }
0x13a: {  	[tilespmem:s30], [sflag:$0x3] =	stream.indirect_vreg.gather [hbm4b:s5+s2], $0x80, v3, vm0, $0xb8;
	[tilespmem:$0x18200] =	vst v63  }
0x13b: {  	s30 =	simm.s32 $0x17A00  }
0x13c: {  	[tilespmem:s30], [sflag:$0x3] =	stream.indirect_vreg.gather [hbm4b:s6+s2], $0x80, v3, vm0, $0xb8;
	[tilespmem:$0x18200] =	vst v63  }
0x13d: {  	_ =	swait.ge [sflag:s14], $0x8000  }
0x13e: {  	[sflag:s14] =	ssyncset.done $0x0  }
0x13f: {  	s12 =	simm.s32 $0x8200;
	s11 =	rddreg [dreg:$0x8];
	[sflag:s14] =	ssyncadd.s32 $0xFFFF8000  }
0x140: {  	[hbm4b:s11+s2] =	stream.linear.scatter [tilespmem:s12], [sflag:$0x5], $0x8000, $0x38;
	[tilespmem:$0x18200] =	vst v63  }
0x141: {  	_ =	swait.ge [sflag:s1], $0x8000  }
0x142: {  	[sflag:s1] =	ssyncset.done $0x0  }
0x143: {  	[sflag:s1] =	ssyncadd.s32 $0xFFFF8000  }
0x144: {  	v3 =	vld [tilespmem:$0xC0];
	_ =	sdelay $0x4  }
0x145: {  	v44 =	vshll.u32 v3, $0x3  }
0x146: {  	v3 =	vand.u32 $0x7, v3;
	v4 =	vand.u32 $0xFFFFFFC0, v44  }
0x147: {  	v3 =	vor.u32 v3, v4  }
0x148: {  	v4 =	vperm.xlane v3, v0;
	_ =	sdelay $0x1  }
0x149: {  	v4 =	vadd.s32 v1, v4;
	_ =	sdelay $0x3  }
0x14a: {  	s31 =	simm.s32 $0x200  }
0x14b: {  	[tilespmem:s31], [sflag:$0x1] =	stream.indirect_vreg.gather [hbm4b:s3+s2], $0x80, v4, vm0, $0xb8;
	[tilespmem:$0x18200] =	vst v63  }
0x14c: {  	s30 =	simm.s32 $0xA00;
	v3 =	vperm.xlane v3, v2  }
0x14d: {  	[tilespmem:s30], [sflag:$0x1] =	stream.indirect_vreg.gather [hbm4b:s4+s2], $0x80, v4, vm0, $0xb8;
	[tilespmem:$0x18200] =	vst v63  }
0x14e: {  	v3 =	vadd.s32 v1, v3  }
0x14f: {  	[tilespmem:s25], [sflag:$0x1] =	stream.indirect_vreg.gather [hbm4b:s5+s2], $0x80, v4, vm0, $0xb8;
	[tilespmem:$0x18200] =	vst v63  }
0x150: {  	s25 =	simm.s32 $0x1A00  }
0x151: {  	[tilespmem:s25], [sflag:$0x1] =	stream.indirect_vreg.gather [hbm4b:s6+s2], $0x80, v4, vm0, $0xb8;
	[tilespmem:$0x18200] =	vst v63  }
0x152: {  	s30 =	simm.s32 $0x2200  }
0x153: {  	[tilespmem:s30], [sflag:$0x1] =	stream.indirect_vreg.gather [hbm4b:s3+s2], $0x80, v3, vm0, $0xb8;
	[tilespmem:$0x18200] =	vst v63  }
0x154: {  	s25 =	simm.s32 $0x2A00  }
0x155: {  	[tilespmem:s25], [sflag:$0x1] =	stream.indirect_vreg.gather [hbm4b:s4+s2], $0x80, v3, vm0, $0xb8;
	[tilespmem:$0x18200] =	vst v63  }
0x156: {  	s30 =	simm.s32 $0x3200  }
0x157: {  	[tilespmem:s30], [sflag:$0x1] =	stream.indirect_vreg.gather [hbm4b:s5+s2], $0x80, v3, vm0, $0xb8;
	[tilespmem:$0x18200] =	vst v63  }
0x158: {  	s12 =	simm.s32 $0x3A00  }
0x159: {  	[tilespmem:s12], [sflag:$0x1] =	stream.indirect_vreg.gather [hbm4b:s6+s2], $0x80, v3, vm0, $0xb8;
	[tilespmem:$0x18200] =	vst v63  }
0x15a: {  	v3 =	vld [tilespmem:$0xD0];
	_ =	sdelay $0x4  }
0x15b: {  	v45 =	vshll.u32 v3, $0x3  }
0x15c: {  	v3 =	vand.u32 $0x7, v3;
	v4 =	vand.u32 $0xFFFFFFC0, v45  }
0x15d: {  	v3 =	vor.u32 v3, v4  }
0x15e: {  	v4 =	vperm.xlane v3, v0;
	_ =	sdelay $0x1  }
0x15f: {  	v4 =	vadd.s32 v1, v4;
	_ =	sdelay $0x3  }
0x160: {  	s25 =	simm.s32 $0x4200  }
0x161: {  	[tilespmem:s25], [sflag:$0x1] =	stream.indirect_vreg.gather [hbm4b:s3+s2], $0x80, v4, vm0, $0xb8;
	[tilespmem:$0x18200] =	vst v63  }
0x162: {  	s30 =	simm.s32 $0x4A00;
	v3 =	vperm.xlane v3, v2  }
0x163: {  	[tilespmem:s30], [sflag:$0x1] =	stream.indirect_vreg.gather [hbm4b:s4+s2], $0x80, v4, vm0, $0xb8;
	[tilespmem:$0x18200] =	vst v63  }
0x164: {  	v3 =	vadd.s32 v1, v3  }
0x165: {  	[tilespmem:s15], [sflag:$0x1] =	stream.indirect_vreg.gather [hbm4b:s5+s2], $0x80, v4, vm0, $0xb8;
	[tilespmem:$0x18200] =	vst v63  }
0x166: {  	_ = 	snop  }
0x167: {  	[tilespmem:s16], [sflag:$0x1] =	stream.indirect_vreg.gather [hbm4b:s6+s2], $0x80, v4, vm0, $0xb8;
	[tilespmem:$0x18200] =	vst v63  }
0x168: {  	_ = 	snop  }
0x169: {  	[tilespmem:s17], [sflag:$0x1] =	stream.indirect_vreg.gather [hbm4b:s3+s2], $0x80, v3, vm0, $0xb8;
	[tilespmem:$0x18200] =	vst v63  }
0x16a: {  	_ = 	snop  }
0x16b: {  	[tilespmem:s18], [sflag:$0x1] =	stream.indirect_vreg.gather [hbm4b:s4+s2], $0x80, v3, vm0, $0xb8;
	[tilespmem:$0x18200] =	vst v63  }
0x16c: {  	_ = 	snop  }
0x16d: {  	[tilespmem:s19], [sflag:$0x1] =	stream.indirect_vreg.gather [hbm4b:s5+s2], $0x80, v3, vm0, $0xb8;
	[tilespmem:$0x18200] =	vst v63  }
0x16e: {  	s15 =	simm.s32 $0x7A00  }
0x16f: {  	[tilespmem:s15], [sflag:$0x1] =	stream.indirect_vreg.gather [hbm4b:s6+s2], $0x80, v3, vm0, $0xb8;
	[tilespmem:$0x18200] =	vst v63  }
0x170: {  	_ =	swait.ge [sflag:s0], $0x8000  }
0x171: {  	[sflag:s0] =	ssyncset.done $0x0  }
0x172: {  	s7 =	simm.s32 $0x10200;
	s19 =	rddreg [dreg:$0x9];
	[sflag:s0] =	ssyncadd.s32 $0xFFFF8000  }
0x173: {  	[hbm4b:s19+s2] =	stream.linear.scatter [tilespmem:s7], [sflag:$0x6], $0x8000, $0x38;
	[tilespmem:$0x18200] =	vst v63  }
0x174: {  	_ =	swait.ge [sflag:s28], $0x8000  }
0x175: {  	[sflag:s28] =	ssyncset.done $0x0  }
0x176: {  	[sflag:s28] =	ssyncadd.s32 $0xFFFF8000  }
0x177: {  	v3 =	vld [tilespmem:$0xE0];
	_ =	sdelay $0x4  }
0x178: {  	v46 =	vshll.u32 v3, $0x3  }
0x179: {  	v3 =	vand.u32 $0x7, v3;
	v4 =	vand.u32 $0xFFFFFFC0, v46  }
0x17a: {  	v3 =	vor.u32 v3, v4  }
0x17b: {  	v4 =	vperm.xlane v3, v0;
	_ =	sdelay $0x1  }
0x17c: {  	v4 =	vadd.s32 v1, v4;
	_ =	sdelay $0x3  }
0x17d: {  	s11 =	simm.s32 $0x8200  }
0x17e: {  	[tilespmem:s11], [sflag:$0x2] =	stream.indirect_vreg.gather [hbm4b:s3+s2], $0x80, v4, vm0, $0xb8;
	[tilespmem:$0x18200] =	vst v63  }
0x17f: {  	v3 =	vperm.xlane v3, v2;
	s11 =	simm.s32 $0x8A00  }
0x180: {  	[tilespmem:s11], [sflag:$0x2] =	stream.indirect_vreg.gather [hbm4b:s4+s2], $0x80, v4, vm0, $0xb8;
	[tilespmem:$0x18200] =	vst v63  }
0x181: {  	s7 =	simm.s32 $0x9200;
	v3 =	vadd.s32 v1, v3  }
0x182: {  	[tilespmem:s7], [sflag:$0x2] =	stream.indirect_vreg.gather [hbm4b:s5+s2], $0x80, v4, vm0, $0xb8;
	[tilespmem:$0x18200] =	vst v63  }
0x183: {  	s16 =	simm.s32 $0x9A00  }
0x184: {  	[tilespmem:s16], [sflag:$0x2] =	stream.indirect_vreg.gather [hbm4b:s6+s2], $0x80, v4, vm0, $0xb8;
	[tilespmem:$0x18200] =	vst v63  }
0x185: {  	s17 =	simm.s32 $0xA200  }
0x186: {  	[tilespmem:s17], [sflag:$0x2] =	stream.indirect_vreg.gather [hbm4b:s3+s2], $0x80, v3, vm0, $0xb8;
	[tilespmem:$0x18200] =	vst v63  }
0x187: {  	_ = 	snop  }
0x188: {  	[tilespmem:s13], [sflag:$0x2] =	stream.indirect_vreg.gather [hbm4b:s4+s2], $0x80, v3, vm0, $0xb8;
	[tilespmem:$0x18200] =	vst v63  }
0x189: {  	s13 =	simm.s32 $0xB200  }
0x18a: {  	[tilespmem:s13], [sflag:$0x2] =	stream.indirect_vreg.gather [hbm4b:s5+s2], $0x80, v3, vm0, $0xb8;
	[tilespmem:$0x18200] =	vst v63  }
0x18b: {  	s30 =	simm.s32 $0xBA00  }
0x18c: {  	[tilespmem:s30], [sflag:$0x2] =	stream.indirect_vreg.gather [hbm4b:s6+s2], $0x80, v3, vm0, $0xb8;
	[tilespmem:$0x18200] =	vst v63  }
0x18d: {  	v3 =	vld [tilespmem:$0xF0];
	_ =	sdelay $0x4  }
0x18e: {  	v47 =	vshll.u32 v3, $0x3  }
0x18f: {  	v3 =	vand.u32 $0x7, v3;
	v4 =	vand.u32 $0xFFFFFFC0, v47  }
0x190: {  	v3 =	vor.u32 v3, v4  }
0x191: {  	v4 =	vperm.xlane v3, v0;
	_ =	sdelay $0x1  }
0x192: {  	v4 =	vadd.s32 v1, v4;
	_ =	sdelay $0x3  }
0x193: {  	s13 =	simm.s32 $0xC200  }
0x194: {  	[tilespmem:s13], [sflag:$0x2] =	stream.indirect_vreg.gather [hbm4b:s3+s2], $0x80, v4, vm0, $0xb8;
	[tilespmem:$0x18200] =	vst v63  }
0x195: {  	s30 =	simm.s32 $0xCA00;
	v3 =	vperm.xlane v3, v2  }
0x196: {  	[tilespmem:s30], [sflag:$0x2] =	stream.indirect_vreg.gather [hbm4b:s4+s2], $0x80, v4, vm0, $0xb8;
	[tilespmem:$0x18200] =	vst v63  }
0x197: {  	v3 =	vadd.s32 v1, v3;
	s13 =	simm.s32 $0xD200  }
0x198: {  	[tilespmem:s13], [sflag:$0x2] =	stream.indirect_vreg.gather [hbm4b:s5+s2], $0x80, v4, vm0, $0xb8;
	[tilespmem:$0x18200] =	vst v63  }
0x199: {  	s30 =	simm.s32 $0xDA00  }
0x19a: {  	[tilespmem:s30], [sflag:$0x2] =	stream.indirect_vreg.gather [hbm4b:s6+s2], $0x80, v4, vm0, $0xb8;
	[tilespmem:$0x18200] =	vst v63  }
0x19b: {  	s13 =	simm.s32 $0xE200  }
0x19c: {  	[tilespmem:s13], [sflag:$0x2] =	stream.indirect_vreg.gather [hbm4b:s3+s2], $0x80, v3, vm0, $0xb8;
	[tilespmem:$0x18200] =	vst v63  }
0x19d: {  	s30 =	simm.s32 $0xEA00  }
0x19e: {  	[tilespmem:s30], [sflag:$0x2] =	stream.indirect_vreg.gather [hbm4b:s4+s2], $0x80, v3, vm0, $0xb8;
	[tilespmem:$0x18200] =	vst v63  }
0x19f: {  	s13 =	simm.s32 $0xF200  }
0x1a0: {  	[tilespmem:s13], [sflag:$0x2] =	stream.indirect_vreg.gather [hbm4b:s5+s2], $0x80, v3, vm0, $0xb8;
	[tilespmem:$0x18200] =	vst v63  }
0x1a1: {  	s30 =	simm.s32 $0xFA00  }
0x1a2: {  	[tilespmem:s30], [sflag:$0x2] =	stream.indirect_vreg.gather [hbm4b:s6+s2], $0x80, v3, vm0, $0xb8;
	[tilespmem:$0x18200] =	vst v63  }
0x1a3: {  	_ =	swait.ge [sflag:s8], $0x8000  }
0x1a4: {  	[sflag:s8] =	ssyncset.done $0x0  }
0x1a5: {  	s31 =	simm.s32 $0x200;
	s13 =	rddreg [dreg:$0xa];
	[sflag:s8] =	ssyncadd.s32 $0xFFFF8000  }
0x1a6: {  	[hbm4b:s13+s2] =	stream.linear.scatter [tilespmem:s31], [sflag:$0x4], $0x8000, $0x38;
	[tilespmem:$0x18200] =	vst v63  }
0x1a7: {  	_ =	swait.ge [sflag:s29], $0x8000  }
0x1a8: {  	[sflag:s29] =	ssyncset.done $0x0  }
0x1a9: {  	[sflag:s29] =	ssyncadd.s32 $0xFFFF8000  }
0x1aa: {  	v3 =	vld [tilespmem:$0x100];
	_ =	sdelay $0x4  }
0x1ab: {  	v48 =	vshll.u32 v3, $0x3  }
0x1ac: {  	v3 =	vand.u32 $0x7, v3;
	v4 =	vand.u32 $0xFFFFFFC0, v48  }
0x1ad: {  	v3 =	vor.u32 v3, v4  }
0x1ae: {  	v4 =	vperm.xlane v3, v0;
	_ =	sdelay $0x1  }
0x1af: {  	v4 =	vadd.s32 v1, v4;
	_ =	sdelay $0x3  }
0x1b0: {  	s18 =	simm.s32 $0x10200  }
0x1b1: {  	[tilespmem:s18], [sflag:$0x3] =	stream.indirect_vreg.gather [hbm4b:s3+s2], $0x80, v4, vm0, $0xb8;
	[tilespmem:$0x18200] =	vst v63  }
0x1b2: {  	s30 =	simm.s32 $0x10A00;
	v3 =	vperm.xlane v3, v2  }
0x1b3: {  	[tilespmem:s30], [sflag:$0x3] =	stream.indirect_vreg.gather [hbm4b:s4+s2], $0x80, v4, vm0, $0xb8;
	[tilespmem:$0x18200] =	vst v63  }
0x1b4: {  	v3 =	vadd.s32 v1, v3  }
0x1b5: {  	[tilespmem:s10], [sflag:$0x3] =	stream.indirect_vreg.gather [hbm4b:s5+s2], $0x80, v4, vm0, $0xb8;
	[tilespmem:$0x18200] =	vst v63  }
0x1b6: {  	_ = 	snop  }
0x1b7: {  	[tilespmem:s20], [sflag:$0x3] =	stream.indirect_vreg.gather [hbm4b:s6+s2], $0x80, v4, vm0, $0xb8;
	[tilespmem:$0x18200] =	vst v63  }
0x1b8: {  	_ = 	snop  }
0x1b9: {  	[tilespmem:s21], [sflag:$0x3] =	stream.indirect_vreg.gather [hbm4b:s3+s2], $0x80, v3, vm0, $0xb8;
	[tilespmem:$0x18200] =	vst v63  }
0x1ba: {  	_ = 	snop  }
0x1bb: {  	[tilespmem:s22], [sflag:$0x3] =	stream.indirect_vreg.gather [hbm4b:s4+s2], $0x80, v3, vm0, $0xb8;
	[tilespmem:$0x18200] =	vst v63  }
0x1bc: {  	_ = 	snop  }
0x1bd: {  	[tilespmem:s23], [sflag:$0x3] =	stream.indirect_vreg.gather [hbm4b:s5+s2], $0x80, v3, vm0, $0xb8;
	[tilespmem:$0x18200] =	vst v63  }
0x1be: {  	s31 =	simm.s32 $0x13A00  }
0x1bf: {  	[tilespmem:s31], [sflag:$0x3] =	stream.indirect_vreg.gather [hbm4b:s6+s2], $0x80, v3, vm0, $0xb8;
	[tilespmem:$0x18200] =	vst v63  }
0x1c0: {  	v3 =	vld [tilespmem:$0x110];
	_ =	sdelay $0x4  }
0x1c1: {  	v49 =	vshll.u32 v3, $0x3  }
0x1c2: {  	v3 =	vand.u32 $0x7, v3;
	v4 =	vand.u32 $0xFFFFFFC0, v49  }
0x1c3: {  	v3 =	vor.u32 v3, v4  }
0x1c4: {  	v4 =	vperm.xlane v3, v0;
	_ =	sdelay $0x1  }
0x1c5: {  	v4 =	vadd.s32 v1, v4;
	_ =	sdelay $0x3  }
0x1c6: {  	s30 =	simm.s32 $0x14200  }
0x1c7: {  	[tilespmem:s30], [sflag:$0x3] =	stream.indirect_vreg.gather [hbm4b:s3+s2], $0x80, v4, vm0, $0xb8;
	[tilespmem:$0x18200] =	vst v63  }
0x1c8: {  	s31 =	simm.s32 $0x14A00;
	v3 =	vperm.xlane v3, v2  }
0x1c9: {  	[tilespmem:s31], [sflag:$0x3] =	stream.indirect_vreg.gather [hbm4b:s4+s2], $0x80, v4, vm0, $0xb8;
	[tilespmem:$0x18200] =	vst v63  }
0x1ca: {  	v3 =	vadd.s32 v1, v3  }
0x1cb: {  	[tilespmem:s24], [sflag:$0x3] =	stream.indirect_vreg.gather [hbm4b:s5+s2], $0x80, v4, vm0, $0xb8;
	[tilespmem:$0x18200] =	vst v63  }
0x1cc: {  	_ = 	snop  }
0x1cd: {  	[tilespmem:s9], [sflag:$0x3] =	stream.indirect_vreg.gather [hbm4b:s6+s2], $0x80, v4, vm0, $0xb8;
	[tilespmem:$0x18200] =	vst v63  }
0x1ce: {  	s20 =	simm.s32 $0x16200  }
0x1cf: {  	[tilespmem:s20], [sflag:$0x3] =	stream.indirect_vreg.gather [hbm4b:s3+s2], $0x80, v3, vm0, $0xb8;
	[tilespmem:$0x18200] =	vst v63  }
0x1d0: {  	_ = 	snop  }
0x1d1: {  	[tilespmem:s26], [sflag:$0x3] =	stream.indirect_vreg.gather [hbm4b:s4+s2], $0x80, v3, vm0, $0xb8;
	[tilespmem:$0x18200] =	vst v63  }
0x1d2: {  	s30 =	simm.s32 $0x17200  }
0x1d3: {  	[tilespmem:s30], [sflag:$0x3] =	stream.indirect_vreg.gather [hbm4b:s5+s2], $0x80, v3, vm0, $0xb8;
	[tilespmem:$0x18200] =	vst v63  }
0x1d4: {  	s30 =	simm.s32 $0x17A00  }
0x1d5: {  	[tilespmem:s30], [sflag:$0x3] =	stream.indirect_vreg.gather [hbm4b:s6+s2], $0x80, v3, vm0, $0xb8;
	[tilespmem:$0x18200] =	vst v63  }
0x1d6: {  	_ =	swait.ge [sflag:s14], $0x8000  }
0x1d7: {  	[sflag:s14] =	ssyncset.done $0x0  }
0x1d8: {  	s19 =	simm.s32 $0x8200;
	s9 =	rddreg [dreg:$0xb];
	[sflag:s14] =	ssyncadd.s32 $0xFFFF8000  }
0x1d9: {  	[hbm4b:s9+s2] =	stream.linear.scatter [tilespmem:s19], [sflag:$0x5], $0x8000, $0x38;
	[tilespmem:$0x18200] =	vst v63  }
0x1da: {  	_ =	swait.ge [sflag:s1], $0x8000  }
0x1db: {  	[sflag:s1] =	ssyncset.done $0x0  }
0x1dc: {  	[sflag:s1] =	ssyncadd.s32 $0xFFFF8000  }
0x1dd: {  	v3 =	vld [tilespmem:$0x120];
	_ =	sdelay $0x4  }
0x1de: {  	v50 =	vshll.u32 v3, $0x3  }
0x1df: {  	v3 =	vand.u32 $0x7, v3;
	v4 =	vand.u32 $0xFFFFFFC0, v50  }
0x1e0: {  	v3 =	vor.u32 v3, v4  }
0x1e1: {  	v4 =	vperm.xlane v3, v0;
	_ =	sdelay $0x1  }
0x1e2: {  	v4 =	vadd.s32 v1, v4;
	_ =	sdelay $0x3  }
0x1e3: {  	s13 =	simm.s32 $0x200  }
0x1e4: {  	[tilespmem:s13], [sflag:$0x1] =	stream.indirect_vreg.gather [hbm4b:s3+s2], $0x80, v4, vm0, $0xb8;
	[tilespmem:$0x18200] =	vst v63  }
0x1e5: {  	s30 =	simm.s32 $0xA00;
	v3 =	vperm.xlane v3, v2  }
0x1e6: {  	[tilespmem:s30], [sflag:$0x1] =	stream.indirect_vreg.gather [hbm4b:s4+s2], $0x80, v4, vm0, $0xb8;
	[tilespmem:$0x18200] =	vst v63  }
0x1e7: {  	v3 =	vadd.s32 v1, v3;
	s30 =	simm.s32 $0x1200  }
0x1e8: {  	[tilespmem:s30], [sflag:$0x1] =	stream.indirect_vreg.gather [hbm4b:s5+s2], $0x80, v4, vm0, $0xb8;
	[tilespmem:$0x18200] =	vst v63  }
0x1e9: {  	s30 =	simm.s32 $0x1A00  }
0x1ea: {  	[tilespmem:s30], [sflag:$0x1] =	stream.indirect_vreg.gather [hbm4b:s6+s2], $0x80, v4, vm0, $0xb8;
	[tilespmem:$0x18200] =	vst v63  }
0x1eb: {  	s30 =	simm.s32 $0x2200  }
0x1ec: {  	[tilespmem:s30], [sflag:$0x1] =	stream.indirect_vreg.gather [hbm4b:s3+s2], $0x80, v3, vm0, $0xb8;
	[tilespmem:$0x18200] =	vst v63  }
0x1ed: {  	s30 =	simm.s32 $0x2A00  }
0x1ee: {  	[tilespmem:s30], [sflag:$0x1] =	stream.indirect_vreg.gather [hbm4b:s4+s2], $0x80, v3, vm0, $0xb8;
	[tilespmem:$0x18200] =	vst v63  }
0x1ef: {  	s30 =	simm.s32 $0x3200  }
0x1f0: {  	[tilespmem:s30], [sflag:$0x1] =	stream.indirect_vreg.gather [hbm4b:s5+s2], $0x80, v3, vm0, $0xb8;
	[tilespmem:$0x18200] =	vst v63  }
0x1f1: {  	_ = 	snop  }
0x1f2: {  	[tilespmem:s12], [sflag:$0x1] =	stream.indirect_vreg.gather [hbm4b:s6+s2], $0x80, v3, vm0, $0xb8;
	[tilespmem:$0x18200] =	vst v63  }
0x1f3: {  	v3 =	vld [tilespmem:$0x130];
	_ =	sdelay $0x4  }
0x1f4: {  	v51 =	vshll.u32 v3, $0x3  }
0x1f5: {  	v3 =	vand.u32 $0x7, v3;
	v4 =	vand.u32 $0xFFFFFFC0, v51  }
0x1f6: {  	v3 =	vor.u32 v3, v4  }
0x1f7: {  	v4 =	vperm.xlane v3, v0;
	_ =	sdelay $0x1  }
0x1f8: {  	v4 =	vadd.s32 v1, v4;
	_ =	sdelay $0x4  }
0x1f9: {  	[tilespmem:s25], [sflag:$0x1] =	stream.indirect_vreg.gather [hbm4b:s3+s2], $0x80, v4, vm0, $0xb8;
	[tilespmem:$0x18200] =	vst v63  }
0x1fa: {  	s12 =	simm.s32 $0x4A00;
	v3 =	vperm.xlane v3, v2  }
0x1fb: {  	[tilespmem:s12], [sflag:$0x1] =	stream.indirect_vreg.gather [hbm4b:s4+s2], $0x80, v4, vm0, $0xb8;
	[tilespmem:$0x18200] =	vst v63  }
0x1fc: {  	s30 =	simm.s32 $0x5200;
	v3 =	vadd.s32 v1, v3  }
0x1fd: {  	[tilespmem:s30], [sflag:$0x1] =	stream.indirect_vreg.gather [hbm4b:s5+s2], $0x80, v4, vm0, $0xb8;
	[tilespmem:$0x18200] =	vst v63  }
0x1fe: {  	s12 =	simm.s32 $0x5A00  }
0x1ff: {  	[tilespmem:s12], [sflag:$0x1] =	stream.indirect_vreg.gather [hbm4b:s6+s2], $0x80, v4, vm0, $0xb8;
	[tilespmem:$0x18200] =	vst v63  }
0x200: {  	s30 =	simm.s32 $0x6200  }
0x201: {  	[tilespmem:s30], [sflag:$0x1] =	stream.indirect_vreg.gather [hbm4b:s3+s2], $0x80, v3, vm0, $0xb8;
	[tilespmem:$0x18200] =	vst v63  }
0x202: {  	s12 =	simm.s32 $0x6A00  }
0x203: {  	[tilespmem:s12], [sflag:$0x1] =	stream.indirect_vreg.gather [hbm4b:s4+s2], $0x80, v3, vm0, $0xb8;
	[tilespmem:$0x18200] =	vst v63  }
0x204: {  	s30 =	simm.s32 $0x7200  }
0x205: {  	[tilespmem:s30], [sflag:$0x1] =	stream.indirect_vreg.gather [hbm4b:s5+s2], $0x80, v3, vm0, $0xb8;
	[tilespmem:$0x18200] =	vst v63  }
0x206: {  	_ = 	snop  }
0x207: {  	[tilespmem:s15], [sflag:$0x1] =	stream.indirect_vreg.gather [hbm4b:s6+s2], $0x80, v3, vm0, $0xb8;
	[tilespmem:$0x18200] =	vst v63  }
0x208: {  	_ =	swait.ge [sflag:s0], $0x8000  }
0x209: {  	[sflag:s0] =	ssyncset.done $0x0  }
0x20a: {  	s9 =	rddreg [dreg:$0xc];
	[sflag:s0] =	ssyncadd.s32 $0xFFFF8000  }
0x20b: {  	[hbm4b:s9+s2] =	stream.linear.scatter [tilespmem:s18], [sflag:$0x6], $0x8000, $0x38;
	[tilespmem:$0x18200] =	vst v63  }
0x20c: {  	_ =	swait.ge [sflag:s28], $0x8000  }
0x20d: {  	[sflag:s28] =	ssyncset.done $0x0  }
0x20e: {  	[sflag:s28] =	ssyncadd.s32 $0xFFFF8000  }
0x20f: {  	v3 =	vld [tilespmem:$0x140];
	_ =	sdelay $0x4  }
0x210: {  	v52 =	vshll.u32 v3, $0x3  }
0x211: {  	v3 =	vand.u32 $0x7, v3;
	v4 =	vand.u32 $0xFFFFFFC0, v52  }
0x212: {  	v3 =	vor.u32 v3, v4  }
0x213: {  	v4 =	vperm.xlane v3, v0;
	_ =	sdelay $0x1  }
0x214: {  	v4 =	vadd.s32 v1, v4;
	_ =	sdelay $0x4  }
0x215: {  	[tilespmem:s19], [sflag:$0x2] =	stream.indirect_vreg.gather [hbm4b:s3+s2], $0x80, v4, vm0, $0xb8;
	[tilespmem:$0x18200] =	vst v63  }
0x216: {  	s12 =	simm.s32 $0x8A00;
	v3 =	vperm.xlane v3, v2  }
0x217: {  	[tilespmem:s12], [sflag:$0x2] =	stream.indirect_vreg.gather [hbm4b:s4+s2], $0x80, v4, vm0, $0xb8;
	[tilespmem:$0x18200] =	vst v63  }
0x218: {  	v3 =	vadd.s32 v1, v3  }
0x219: {  	[tilespmem:s7], [sflag:$0x2] =	stream.indirect_vreg.gather [hbm4b:s5+s2], $0x80, v4, vm0, $0xb8;
	[tilespmem:$0x18200] =	vst v63  }
0x21a: {  	_ = 	snop  }
0x21b: {  	[tilespmem:s16], [sflag:$0x2] =	stream.indirect_vreg.gather [hbm4b:s6+s2], $0x80, v4, vm0, $0xb8;
	[tilespmem:$0x18200] =	vst v63  }
0x21c: {  	_ = 	snop  }
0x21d: {  	[tilespmem:s17], [sflag:$0x2] =	stream.indirect_vreg.gather [hbm4b:s3+s2], $0x80, v3, vm0, $0xb8;
	[tilespmem:$0x18200] =	vst v63  }
0x21e: {  	s15 =	simm.s32 $0xAA00  }
0x21f: {  	[tilespmem:s15], [sflag:$0x2] =	stream.indirect_vreg.gather [hbm4b:s4+s2], $0x80, v3, vm0, $0xb8;
	[tilespmem:$0x18200] =	vst v63  }
0x220: {  	s30 =	simm.s32 $0xB200  }
0x221: {  	[tilespmem:s30], [sflag:$0x2] =	stream.indirect_vreg.gather [hbm4b:s5+s2], $0x80, v3, vm0, $0xb8;
	[tilespmem:$0x18200] =	vst v63  }
0x222: {  	s12 =	simm.s32 $0xBA00  }
0x223: {  	[tilespmem:s12], [sflag:$0x2] =	stream.indirect_vreg.gather [hbm4b:s6+s2], $0x80, v3, vm0, $0xb8;
	[tilespmem:$0x18200] =	vst v63  }
0x224: {  	v3 =	vld [tilespmem:$0x150];
	_ =	sdelay $0x4  }
0x225: {  	v53 =	vshll.u32 v3, $0x3  }
0x226: {  	v3 =	vand.u32 $0x7, v3;
	v4 =	vand.u32 $0xFFFFFFC0, v53  }
0x227: {  	v3 =	vor.u32 v3, v4  }
0x228: {  	v4 =	vperm.xlane v3, v0;
	_ =	sdelay $0x1  }
0x229: {  	v4 =	vadd.s32 v1, v4;
	_ =	sdelay $0x3  }
0x22a: {  	s15 =	simm.s32 $0xC200  }
0x22b: {  	[tilespmem:s15], [sflag:$0x2] =	stream.indirect_vreg.gather [hbm4b:s3+s2], $0x80, v4, vm0, $0xb8;
	[tilespmem:$0x18200] =	vst v63  }
0x22c: {  	s30 =	simm.s32 $0xCA00;
	v3 =	vperm.xlane v3, v2  }
0x22d: {  	[tilespmem:s30], [sflag:$0x2] =	stream.indirect_vreg.gather [hbm4b:s4+s2], $0x80, v4, vm0, $0xb8;
	[tilespmem:$0x18200] =	vst v63  }
0x22e: {  	s12 =	simm.s32 $0xD200;
	v3 =	vadd.s32 v1, v3  }
0x22f: {  	[tilespmem:s12], [sflag:$0x2] =	stream.indirect_vreg.gather [hbm4b:s5+s2], $0x80, v4, vm0, $0xb8;
	[tilespmem:$0x18200] =	vst v63  }
0x230: {  	s15 =	simm.s32 $0xDA00  }
0x231: {  	[tilespmem:s15], [sflag:$0x2] =	stream.indirect_vreg.gather [hbm4b:s6+s2], $0x80, v4, vm0, $0xb8;
	[tilespmem:$0x18200] =	vst v63  }
0x232: {  	s30 =	simm.s32 $0xE200  }
0x233: {  	[tilespmem:s30], [sflag:$0x2] =	stream.indirect_vreg.gather [hbm4b:s3+s2], $0x80, v3, vm0, $0xb8;
	[tilespmem:$0x18200] =	vst v63  }
0x234: {  	s12 =	simm.s32 $0xEA00  }
0x235: {  	[tilespmem:s12], [sflag:$0x2] =	stream.indirect_vreg.gather [hbm4b:s4+s2], $0x80, v3, vm0, $0xb8;
	[tilespmem:$0x18200] =	vst v63  }
0x236: {  	s15 =	simm.s32 $0xF200  }
0x237: {  	[tilespmem:s15], [sflag:$0x2] =	stream.indirect_vreg.gather [hbm4b:s5+s2], $0x80, v3, vm0, $0xb8;
	[tilespmem:$0x18200] =	vst v63  }
0x238: {  	s30 =	simm.s32 $0xFA00  }
0x239: {  	[tilespmem:s30], [sflag:$0x2] =	stream.indirect_vreg.gather [hbm4b:s6+s2], $0x80, v3, vm0, $0xb8;
	[tilespmem:$0x18200] =	vst v63  }
0x23a: {  	_ =	swait.ge [sflag:s8], $0x8000  }
0x23b: {  	[sflag:s8] =	ssyncset.done $0x0  }
0x23c: {  	s9 =	rddreg [dreg:$0xd];
	[sflag:s8] =	ssyncadd.s32 $0xFFFF8000  }
0x23d: {  	[hbm4b:s9+s2] =	stream.linear.scatter [tilespmem:s13], [sflag:$0x4], $0x8000, $0x38;
	[tilespmem:$0x18200] =	vst v63  }
0x23e: {  	_ =	swait.ge [sflag:s29], $0x8000  }
0x23f: {  	[sflag:s29] =	ssyncset.done $0x0  }
0x240: {  	[sflag:s29] =	ssyncadd.s32 $0xFFFF8000  }
0x241: {  	v3 =	vld [tilespmem:$0x160];
	_ =	sdelay $0x4  }
0x242: {  	v54 =	vshll.u32 v3, $0x3  }
0x243: {  	v3 =	vand.u32 $0x7, v3;
	v4 =	vand.u32 $0xFFFFFFC0, v54  }
0x244: {  	v3 =	vor.u32 v3, v4  }
0x245: {  	v4 =	vperm.xlane v3, v0;
	_ =	sdelay $0x1  }
0x246: {  	v4 =	vadd.s32 v1, v4;
	_ =	sdelay $0x4  }
0x247: {  	[tilespmem:s18], [sflag:$0x3] =	stream.indirect_vreg.gather [hbm4b:s3+s2], $0x80, v4, vm0, $0xb8;
	[tilespmem:$0x18200] =	vst v63  }
0x248: {  	s12 =	simm.s32 $0x10A00;
	v3 =	vperm.xlane v3, v2  }
0x249: {  	[tilespmem:s12], [sflag:$0x3] =	stream.indirect_vreg.gather [hbm4b:s4+s2], $0x80, v4, vm0, $0xb8;
	[tilespmem:$0x18200] =	vst v63  }
0x24a: {  	s11 =	simm.s32 $0x11200;
	v3 =	vadd.s32 v1, v3  }
0x24b: {  	[tilespmem:s11], [sflag:$0x3] =	stream.indirect_vreg.gather [hbm4b:s5+s2], $0x80, v4, vm0, $0xb8;
	[tilespmem:$0x18200] =	vst v63  }
0x24c: {  	s10 =	simm.s32 $0x11A00  }
0x24d: {  	[tilespmem:s10], [sflag:$0x3] =	stream.indirect_vreg.gather [hbm4b:s6+s2], $0x80, v4, vm0, $0xb8;
	[tilespmem:$0x18200] =	vst v63  }
0x24e: {  	s21 =	simm.s32 $0x12200  }
0x24f: {  	[tilespmem:s21], [sflag:$0x3] =	stream.indirect_vreg.gather [hbm4b:s3+s2], $0x80, v3, vm0, $0xb8;
	[tilespmem:$0x18200] =	vst v63  }
0x250: {  	s22 =	simm.s32 $0x12A00  }
0x251: {  	[tilespmem:s22], [sflag:$0x3] =	stream.indirect_vreg.gather [hbm4b:s4+s2], $0x80, v3, vm0, $0xb8;
	[tilespmem:$0x18200] =	vst v63  }
0x252: {  	s23 =	simm.s32 $0x13200  }
0x253: {  	[tilespmem:s23], [sflag:$0x3] =	stream.indirect_vreg.gather [hbm4b:s5+s2], $0x80, v3, vm0, $0xb8;
	[tilespmem:$0x18200] =	vst v63  }
0x254: {  	s15 =	simm.s32 $0x13A00  }
0x255: {  	[tilespmem:s15], [sflag:$0x3] =	stream.indirect_vreg.gather [hbm4b:s6+s2], $0x80, v3, vm0, $0xb8;
	[tilespmem:$0x18200] =	vst v63  }
0x256: {  	v3 =	vld [tilespmem:$0x170];
	_ =	sdelay $0x4  }
0x257: {  	v55 =	vshll.u32 v3, $0x3  }
0x258: {  	v3 =	vand.u32 $0x7, v3;
	v4 =	vand.u32 $0xFFFFFFC0, v55  }
0x259: {  	v3 =	vor.u32 v3, v4  }
0x25a: {  	v4 =	vperm.xlane v3, v0;
	_ =	sdelay $0x1  }
0x25b: {  	v4 =	vadd.s32 v1, v4;
	_ =	sdelay $0x3  }
0x25c: {  	s23 =	simm.s32 $0x14200  }
0x25d: {  	[tilespmem:s23], [sflag:$0x3] =	stream.indirect_vreg.gather [hbm4b:s3+s2], $0x80, v4, vm0, $0xb8;
	[tilespmem:$0x18200] =	vst v63  }
0x25e: {  	s30 =	simm.s32 $0x14A00;
	v3 =	vperm.xlane v3, v2  }
0x25f: {  	[tilespmem:s30], [sflag:$0x3] =	stream.indirect_vreg.gather [hbm4b:s4+s2], $0x80, v4, vm0, $0xb8;
	[tilespmem:$0x18200] =	vst v63  }
0x260: {  	s24 =	simm.s32 $0x15200;
	v3 =	vadd.s32 v1, v3  }
0x261: {  	[tilespmem:s24], [sflag:$0x3] =	stream.indirect_vreg.gather [hbm4b:s5+s2], $0x80, v4, vm0, $0xb8;
	[tilespmem:$0x18200] =	vst v63  }
0x262: {  	s31 =	simm.s32 $0x15A00  }
0x263: {  	[tilespmem:s31], [sflag:$0x3] =	stream.indirect_vreg.gather [hbm4b:s6+s2], $0x80, v4, vm0, $0xb8;
	[tilespmem:$0x18200] =	vst v63  }
0x264: {  	s20 =	simm.s32 $0x16200  }
0x265: {  	[tilespmem:s20], [sflag:$0x3] =	stream.indirect_vreg.gather [hbm4b:s3+s2], $0x80, v3, vm0, $0xb8;
	[tilespmem:$0x18200] =	vst v63  }
0x266: {  	s26 =	simm.s32 $0x16A00  }
0x267: {  	[tilespmem:s26], [sflag:$0x3] =	stream.indirect_vreg.gather [hbm4b:s4+s2], $0x80, v3, vm0, $0xb8;
	[tilespmem:$0x18200] =	vst v63  }
0x268: {  	s15 =	simm.s32 $0x17200  }
0x269: {  	[tilespmem:s15], [sflag:$0x3] =	stream.indirect_vreg.gather [hbm4b:s5+s2], $0x80, v3, vm0, $0xb8;
	[tilespmem:$0x18200] =	vst v63  }
0x26a: {  	s30 =	simm.s32 $0x17A00  }
0x26b: {  	[tilespmem:s30], [sflag:$0x3] =	stream.indirect_vreg.gather [hbm4b:s6+s2], $0x80, v3, vm0, $0xb8;
	[tilespmem:$0x18200] =	vst v63  }
0x26c: {  	_ =	swait.ge [sflag:s14], $0x8000  }
0x26d: {  	[sflag:s14] =	ssyncset.done $0x0  }
0x26e: {  	s31 =	rddreg [dreg:$0xe];
	[sflag:s14] =	ssyncadd.s32 $0xFFFF8000  }
0x26f: {  	[hbm4b:s31+s2] =	stream.linear.scatter [tilespmem:s19], [sflag:$0x5], $0x8000, $0x38;
	[tilespmem:$0x18200] =	vst v63  }
0x270: {  	_ =	swait.ge [sflag:s1], $0x8000  }
0x271: {  	[sflag:s1] =	ssyncset.done $0x0  }
0x272: {  	[sflag:s1] =	ssyncadd.s32 $0xFFFF8000  }
0x273: {  	v3 =	vld [tilespmem:$0x180];
	_ =	sdelay $0x4  }
0x274: {  	v56 =	vshll.u32 v3, $0x3  }
0x275: {  	v3 =	vand.u32 $0x7, v3;
	v4 =	vand.u32 $0xFFFFFFC0, v56  }
0x276: {  	v3 =	vor.u32 v3, v4  }
0x277: {  	v4 =	vperm.xlane v3, v0;
	_ =	sdelay $0x1  }
0x278: {  	v4 =	vadd.s32 v1, v4;
	_ =	sdelay $0x4  }
0x279: {  	[tilespmem:s13], [sflag:$0x1] =	stream.indirect_vreg.gather [hbm4b:s3+s2], $0x80, v4, vm0, $0xb8;
	[tilespmem:$0x18200] =	vst v63  }
0x27a: {  	s15 =	simm.s32 $0xA00;
	v3 =	vperm.xlane v3, v2  }
0x27b: {  	[tilespmem:s15], [sflag:$0x1] =	stream.indirect_vreg.gather [hbm4b:s4+s2], $0x80, v4, vm0, $0xb8;
	[tilespmem:$0x18200] =	vst v63  }
0x27c: {  	s30 =	simm.s32 $0x1200;
	v3 =	vadd.s32 v1, v3  }
0x27d: {  	[tilespmem:s30], [sflag:$0x1] =	stream.indirect_vreg.gather [hbm4b:s5+s2], $0x80, v4, vm0, $0xb8;
	[tilespmem:$0x18200] =	vst v63  }
0x27e: {  	s30 =	simm.s32 $0x1A00  }
0x27f: {  	[tilespmem:s30], [sflag:$0x1] =	stream.indirect_vreg.gather [hbm4b:s6+s2], $0x80, v4, vm0, $0xb8;
	[tilespmem:$0x18200] =	vst v63  }
0x280: {  	s30 =	simm.s32 $0x2200  }
0x281: {  	[tilespmem:s30], [sflag:$0x1] =	stream.indirect_vreg.gather [hbm4b:s3+s2], $0x80, v3, vm0, $0xb8;
	[tilespmem:$0x18200] =	vst v63  }
0x282: {  	s30 =	simm.s32 $0x2A00  }
0x283: {  	[tilespmem:s30], [sflag:$0x1] =	stream.indirect_vreg.gather [hbm4b:s4+s2], $0x80, v3, vm0, $0xb8;
	[tilespmem:$0x18200] =	vst v63  }
0x284: {  	s30 =	simm.s32 $0x3200  }
0x285: {  	[tilespmem:s30], [sflag:$0x1] =	stream.indirect_vreg.gather [hbm4b:s5+s2], $0x80, v3, vm0, $0xb8;
	[tilespmem:$0x18200] =	vst v63  }
0x286: {  	s30 =	simm.s32 $0x3A00  }
0x287: {  	[tilespmem:s30], [sflag:$0x1] =	stream.indirect_vreg.gather [hbm4b:s6+s2], $0x80, v3, vm0, $0xb8;
	[tilespmem:$0x18200] =	vst v63  }
0x288: {  	v3 =	vld [tilespmem:$0x190];
	_ =	sdelay $0x4  }
0x289: {  	v57 =	vshll.u32 v3, $0x3  }
0x28a: {  	v3 =	vand.u32 $0x7, v3;
	v4 =	vand.u32 $0xFFFFFFC0, v57  }
0x28b: {  	v3 =	vor.u32 v3, v4  }
0x28c: {  	v4 =	vperm.xlane v3, v0;
	_ =	sdelay $0x1  }
0x28d: {  	v4 =	vadd.s32 v1, v4;
	_ =	sdelay $0x3  }
0x28e: {  	s25 =	simm.s32 $0x4200  }
0x28f: {  	[tilespmem:s25], [sflag:$0x1] =	stream.indirect_vreg.gather [hbm4b:s3+s2], $0x80, v4, vm0, $0xb8;
	[tilespmem:$0x18200] =	vst v63  }
0x290: {  	s30 =	simm.s32 $0x4A00;
	v3 =	vperm.xlane v3, v2  }
0x291: {  	[tilespmem:s30], [sflag:$0x1] =	stream.indirect_vreg.gather [hbm4b:s4+s2], $0x80, v4, vm0, $0xb8;
	[tilespmem:$0x18200] =	vst v63  }
0x292: {  	v3 =	vadd.s32 v1, v3;
	s30 =	simm.s32 $0x5200  }
0x293: {  	[tilespmem:s30], [sflag:$0x1] =	stream.indirect_vreg.gather [hbm4b:s5+s2], $0x80, v4, vm0, $0xb8;
	[tilespmem:$0x18200] =	vst v63  }
0x294: {  	s30 =	simm.s32 $0x5A00  }
0x295: {  	[tilespmem:s30], [sflag:$0x1] =	stream.indirect_vreg.gather [hbm4b:s6+s2], $0x80, v4, vm0, $0xb8;
	[tilespmem:$0x18200] =	vst v63  }
0x296: {  	s30 =	simm.s32 $0x6200  }
0x297: {  	[tilespmem:s30], [sflag:$0x1] =	stream.indirect_vreg.gather [hbm4b:s3+s2], $0x80, v3, vm0, $0xb8;
	[tilespmem:$0x18200] =	vst v63  }
0x298: {  	s30 =	simm.s32 $0x6A00  }
0x299: {  	[tilespmem:s30], [sflag:$0x1] =	stream.indirect_vreg.gather [hbm4b:s4+s2], $0x80, v3, vm0, $0xb8;
	[tilespmem:$0x18200] =	vst v63  }
0x29a: {  	s30 =	simm.s32 $0x7200  }
0x29b: {  	[tilespmem:s30], [sflag:$0x1] =	stream.indirect_vreg.gather [hbm4b:s5+s2], $0x80, v3, vm0, $0xb8;
	[tilespmem:$0x18200] =	vst v63  }
0x29c: {  	s30 =	simm.s32 $0x7A00  }
0x29d: {  	[tilespmem:s30], [sflag:$0x1] =	stream.indirect_vreg.gather [hbm4b:s6+s2], $0x80, v3, vm0, $0xb8;
	[tilespmem:$0x18200] =	vst v63  }
0x29e: {  	_ =	swait.ge [sflag:s0], $0x8000  }
0x29f: {  	[sflag:s0] =	ssyncset.done $0x0  }
0x2a0: {  	s30 =	rddreg [dreg:$0xf];
	[sflag:s0] =	ssyncadd.s32 $0xFFFF8000  }
0x2a1: {  	[hbm4b:s30+s2] =	stream.linear.scatter [tilespmem:s18], [sflag:$0x6], $0x8000, $0x38;
	[tilespmem:$0x18200] =	vst v63  }
0x2a2: {  	_ =	swait.ge [sflag:s28], $0x8000  }
0x2a3: {  	[sflag:s28] =	ssyncset.done $0x0  }
0x2a4: {  	[sflag:s28] =	ssyncadd.s32 $0xFFFF8000  }
0x2a5: {  	v3 =	vld [tilespmem:$0x1A0];
	_ =	sdelay $0x4  }
0x2a6: {  	v58 =	vshll.u32 v3, $0x3  }
0x2a7: {  	v3 =	vand.u32 $0x7, v3;
	v4 =	vand.u32 $0xFFFFFFC0, v58  }
0x2a8: {  	v3 =	vor.u32 v3, v4  }
0x2a9: {  	v4 =	vperm.xlane v3, v0;
	_ =	sdelay $0x1  }
0x2aa: {  	v4 =	vadd.s32 v1, v4;
	_ =	sdelay $0x4  }
0x2ab: {  	[tilespmem:s19], [sflag:$0x2] =	stream.indirect_vreg.gather [hbm4b:s3+s2], $0x80, v4, vm0, $0xb8;
	[tilespmem:$0x18200] =	vst v63  }
0x2ac: {  	s30 =	simm.s32 $0x8A00;
	v3 =	vperm.xlane v3, v2  }
0x2ad: {  	[tilespmem:s30], [sflag:$0x2] =	stream.indirect_vreg.gather [hbm4b:s4+s2], $0x80, v4, vm0, $0xb8;
	[tilespmem:$0x18200] =	vst v63  }
0x2ae: {  	s7 =	simm.s32 $0x9200;
	v3 =	vadd.s32 v1, v3  }
0x2af: {  	[tilespmem:s7], [sflag:$0x2] =	stream.indirect_vreg.gather [hbm4b:s5+s2], $0x80, v4, vm0, $0xb8;
	[tilespmem:$0x18200] =	vst v63  }
0x2b0: {  	s16 =	simm.s32 $0x9A00  }
0x2b1: {  	[tilespmem:s16], [sflag:$0x2] =	stream.indirect_vreg.gather [hbm4b:s6+s2], $0x80, v4, vm0, $0xb8;
	[tilespmem:$0x18200] =	vst v63  }
0x2b2: {  	s17 =	simm.s32 $0xA200  }
0x2b3: {  	[tilespmem:s17], [sflag:$0x2] =	stream.indirect_vreg.gather [hbm4b:s3+s2], $0x80, v3, vm0, $0xb8;
	[tilespmem:$0x18200] =	vst v63  }
0x2b4: {  	s17 =	simm.s32 $0xAA00  }
0x2b5: {  	[tilespmem:s17], [sflag:$0x2] =	stream.indirect_vreg.gather [hbm4b:s4+s2], $0x80, v3, vm0, $0xb8;
	[tilespmem:$0x18200] =	vst v63  }
0x2b6: {  	s30 =	simm.s32 $0xB200  }
0x2b7: {  	[tilespmem:s30], [sflag:$0x2] =	stream.indirect_vreg.gather [hbm4b:s5+s2], $0x80, v3, vm0, $0xb8;
	[tilespmem:$0x18200] =	vst v63  }
0x2b8: {  	s16 =	simm.s32 $0xBA00  }
0x2b9: {  	[tilespmem:s16], [sflag:$0x2] =	stream.indirect_vreg.gather [hbm4b:s6+s2], $0x80, v3, vm0, $0xb8;
	[tilespmem:$0x18200] =	vst v63  }
0x2ba: {  	v3 =	vld [tilespmem:$0x1B0];
	_ =	sdelay $0x4  }
0x2bb: {  	v59 =	vshll.u32 v3, $0x3  }
0x2bc: {  	v3 =	vand.u32 $0x7, v3;
	v4 =	vand.u32 $0xFFFFFFC0, v59  }
0x2bd: {  	v3 =	vor.u32 v3, v4  }
0x2be: {  	v4 =	vperm.xlane v3, v0;
	_ =	sdelay $0x1  }
0x2bf: {  	v4 =	vadd.s32 v1, v4;
	_ =	sdelay $0x3  }
0x2c0: {  	s17 =	simm.s32 $0xC200  }
0x2c1: {  	[tilespmem:s17], [sflag:$0x2] =	stream.indirect_vreg.gather [hbm4b:s3+s2], $0x80, v4, vm0, $0xb8;
	[tilespmem:$0x18200] =	vst v63  }
0x2c2: {  	s30 =	simm.s32 $0xCA00;
	v3 =	vperm.xlane v3, v2  }
0x2c3: {  	[tilespmem:s30], [sflag:$0x2] =	stream.indirect_vreg.gather [hbm4b:s4+s2], $0x80, v4, vm0, $0xb8;
	[tilespmem:$0x18200] =	vst v63  }
0x2c4: {  	s16 =	simm.s32 $0xD200;
	v3 =	vadd.s32 v1, v3  }
0x2c5: {  	[tilespmem:s16], [sflag:$0x2] =	stream.indirect_vreg.gather [hbm4b:s5+s2], $0x80, v4, vm0, $0xb8;
	[tilespmem:$0x18200] =	vst v63  }
0x2c6: {  	s17 =	simm.s32 $0xDA00  }
0x2c7: {  	[tilespmem:s17], [sflag:$0x2] =	stream.indirect_vreg.gather [hbm4b:s6+s2], $0x80, v4, vm0, $0xb8;
	[tilespmem:$0x18200] =	vst v63  }
0x2c8: {  	s30 =	simm.s32 $0xE200  }
0x2c9: {  	[tilespmem:s30], [sflag:$0x2] =	stream.indirect_vreg.gather [hbm4b:s3+s2], $0x80, v3, vm0, $0xb8;
	[tilespmem:$0x18200] =	vst v63  }
0x2ca: {  	s16 =	simm.s32 $0xEA00  }
0x2cb: {  	[tilespmem:s16], [sflag:$0x2] =	stream.indirect_vreg.gather [hbm4b:s4+s2], $0x80, v3, vm0, $0xb8;
	[tilespmem:$0x18200] =	vst v63  }
0x2cc: {  	s17 =	simm.s32 $0xF200  }
0x2cd: {  	[tilespmem:s17], [sflag:$0x2] =	stream.indirect_vreg.gather [hbm4b:s5+s2], $0x80, v3, vm0, $0xb8;
	[tilespmem:$0x18200] =	vst v63  }
0x2ce: {  	s30 =	simm.s32 $0xFA00  }
0x2cf: {  	[tilespmem:s30], [sflag:$0x2] =	stream.indirect_vreg.gather [hbm4b:s6+s2], $0x80, v3, vm0, $0xb8;
	[tilespmem:$0x18200] =	vst v63  }
0x2d0: {  	_ =	swait.ge [sflag:s8], $0x8000  }
0x2d1: {  	[sflag:s8] =	ssyncset.done $0x0  }
0x2d2: {  	s7 =	rddreg [dreg:$0x10];
	[sflag:s8] =	ssyncadd.s32 $0xFFFF8000  }
0x2d3: {  	[hbm4b:s7+s2] =	stream.linear.scatter [tilespmem:s13], [sflag:$0x4], $0x8000, $0x38;
	[tilespmem:$0x18200] =	vst v63  }
0x2d4: {  	_ =	swait.ge [sflag:s29], $0x8000  }
0x2d5: {  	[sflag:s29] =	ssyncset.done $0x0  }
0x2d6: {  	[sflag:s29] =	ssyncadd.s32 $0xFFFF8000  }
0x2d7: {  	v3 =	vld [tilespmem:$0x1C0];
	_ =	sdelay $0x4  }
0x2d8: {  	v60 =	vshll.u32 v3, $0x3  }
0x2d9: {  	v3 =	vand.u32 $0x7, v3;
	v4 =	vand.u32 $0xFFFFFFC0, v60  }
0x2da: {  	v3 =	vor.u32 v3, v4  }
0x2db: {  	v4 =	vperm.xlane v3, v0;
	_ =	sdelay $0x1  }
0x2dc: {  	v4 =	vadd.s32 v1, v4;
	_ =	sdelay $0x4  }
0x2dd: {  	[tilespmem:s18], [sflag:$0x3] =	stream.indirect_vreg.gather [hbm4b:s3+s2], $0x80, v4, vm0, $0xb8;
	[tilespmem:$0x18200] =	vst v63  }
0x2de: {  	s16 =	simm.s32 $0x10A00;
	v3 =	vperm.xlane v3, v2  }
0x2df: {  	[tilespmem:s16], [sflag:$0x3] =	stream.indirect_vreg.gather [hbm4b:s4+s2], $0x80, v4, vm0, $0xb8;
	[tilespmem:$0x18200] =	vst v63  }
0x2e0: {  	s11 =	simm.s32 $0x11200;
	v3 =	vadd.s32 v1, v3  }
0x2e1: {  	[tilespmem:s11], [sflag:$0x3] =	stream.indirect_vreg.gather [hbm4b:s5+s2], $0x80, v4, vm0, $0xb8;
	[tilespmem:$0x18200] =	vst v63  }
0x2e2: {  	s9 =	simm.s32 $0x11A00  }
0x2e3: {  	[tilespmem:s9], [sflag:$0x3] =	stream.indirect_vreg.gather [hbm4b:s6+s2], $0x80, v4, vm0, $0xb8;
	[tilespmem:$0x18200] =	vst v63  }
0x2e4: {  	s12 =	simm.s32 $0x12200  }
0x2e5: {  	[tilespmem:s12], [sflag:$0x3] =	stream.indirect_vreg.gather [hbm4b:s3+s2], $0x80, v3, vm0, $0xb8;
	[tilespmem:$0x18200] =	vst v63  }
0x2e6: {  	s21 =	simm.s32 $0x12A00  }
0x2e7: {  	[tilespmem:s21], [sflag:$0x3] =	stream.indirect_vreg.gather [hbm4b:s4+s2], $0x80, v3, vm0, $0xb8;
	[tilespmem:$0x18200] =	vst v63  }
0x2e8: {  	s22 =	simm.s32 $0x13200  }
0x2e9: {  	[tilespmem:s22], [sflag:$0x3] =	stream.indirect_vreg.gather [hbm4b:s5+s2], $0x80, v3, vm0, $0xb8;
	[tilespmem:$0x18200] =	vst v63  }
0x2ea: {  	s17 =	simm.s32 $0x13A00  }
0x2eb: {  	[tilespmem:s17], [sflag:$0x3] =	stream.indirect_vreg.gather [hbm4b:s6+s2], $0x80, v3, vm0, $0xb8;
	[tilespmem:$0x18200] =	vst v63  }
0x2ec: {  	v3 =	vld [tilespmem:$0x1D0];
	_ =	sdelay $0x4  }
0x2ed: {  	v61 =	vshll.u32 v3, $0x3  }
0x2ee: {  	v3 =	vand.u32 $0x7, v3;
	v4 =	vand.u32 $0xFFFFFFC0, v61  }
0x2ef: {  	v3 =	vor.u32 v3, v4  }
0x2f0: {  	v4 =	vperm.xlane v3, v0;
	_ =	sdelay $0x1  }
0x2f1: {  	v4 =	vadd.s32 v1, v4;
	_ =	sdelay $0x3  }
0x2f2: {  	s21 =	simm.s32 $0x14200  }
0x2f3: {  	[tilespmem:s21], [sflag:$0x3] =	stream.indirect_vreg.gather [hbm4b:s3+s2], $0x80, v4, vm0, $0xb8;
	[tilespmem:$0x18200] =	vst v63  }
0x2f4: {  	s22 =	simm.s32 $0x14A00;
	v3 =	vperm.xlane v3, v2  }
0x2f5: {  	[tilespmem:s22], [sflag:$0x3] =	stream.indirect_vreg.gather [hbm4b:s4+s2], $0x80, v4, vm0, $0xb8;
	[tilespmem:$0x18200] =	vst v63  }
0x2f6: {  	s23 =	simm.s32 $0x15200;
	v3 =	vadd.s32 v1, v3  }
0x2f7: {  	[tilespmem:s23], [sflag:$0x3] =	stream.indirect_vreg.gather [hbm4b:s5+s2], $0x80, v4, vm0, $0xb8;
	[tilespmem:$0x18200] =	vst v63  }
0x2f8: {  	s24 =	simm.s32 $0x15A00  }
0x2f9: {  	[tilespmem:s24], [sflag:$0x3] =	stream.indirect_vreg.gather [hbm4b:s6+s2], $0x80, v4, vm0, $0xb8;
	[tilespmem:$0x18200] =	vst v63  }
0x2fa: {  	s10 =	simm.s32 $0x16200  }
0x2fb: {  	[tilespmem:s10], [sflag:$0x3] =	stream.indirect_vreg.gather [hbm4b:s3+s2], $0x80, v3, vm0, $0xb8;
	[tilespmem:$0x18200] =	vst v63  }
0x2fc: {  	s20 =	simm.s32 $0x16A00  }
0x2fd: {  	[tilespmem:s20], [sflag:$0x3] =	stream.indirect_vreg.gather [hbm4b:s4+s2], $0x80, v3, vm0, $0xb8;
	[tilespmem:$0x18200] =	vst v63  }
0x2fe: {  	s26 =	simm.s32 $0x17200  }
0x2ff: {  	[tilespmem:s26], [sflag:$0x3] =	stream.indirect_vreg.gather [hbm4b:s5+s2], $0x80, v3, vm0, $0xb8;
	[tilespmem:$0x18200] =	vst v63  }
0x300: {  	s30 =	simm.s32 $0x17A00  }
0x301: {  	[tilespmem:s30], [sflag:$0x3] =	stream.indirect_vreg.gather [hbm4b:s6+s2], $0x80, v3, vm0, $0xb8;
	[tilespmem:$0x18200] =	vst v63  }
0x302: {  	_ =	swait.ge [sflag:s14], $0x8000  }
0x303: {  	[sflag:s14] =	ssyncset.done $0x0  }
0x304: {  	s7 =	rddreg [dreg:$0x11];
	[sflag:s14] =	ssyncadd.s32 $0xFFFF8000  }
0x305: {  	[hbm4b:s7+s2] =	stream.linear.scatter [tilespmem:s19], [sflag:$0x5], $0x8000, $0x38;
	[tilespmem:$0x18200] =	vst v63  }
0x306: {  	_ =	swait.ge [sflag:s1], $0x8000  }
0x307: {  	[sflag:s1] =	ssyncset.done $0x0  }
0x308: {  	[sflag:s1] =	ssyncadd.s32 $0xFFFF8000  }
0x309: {  	v3 =	vld [tilespmem:$0x1E0];
	_ =	sdelay $0x4  }
0x30a: {  	v62 =	vshll.u32 v3, $0x3  }
0x30b: {  	v3 =	vand.u32 $0x7, v3;
	v4 =	vand.u32 $0xFFFFFFC0, v62  }
0x30c: {  	v3 =	vor.u32 v3, v4  }
0x30d: {  	v4 =	vperm.xlane v3, v0;
	_ =	sdelay $0x1  }
0x30e: {  	v4 =	vadd.s32 v1, v4;
	_ =	sdelay $0x4  }
0x30f: {  	[tilespmem:s13], [sflag:$0x1] =	stream.indirect_vreg.gather [hbm4b:s3+s2], $0x80, v4, vm0, $0xb8;
	[tilespmem:$0x18200] =	vst v63  }
0x310: {  	s31 =	simm.s32 $0xA00;
	v3 =	vperm.xlane v3, v2  }
0x311: {  	[tilespmem:s31], [sflag:$0x1] =	stream.indirect_vreg.gather [hbm4b:s4+s2], $0x80, v4, vm0, $0xb8;
	[tilespmem:$0x18200] =	vst v63  }
0x312: {  	s9 =	simm.s32 $0x1200;
	v3 =	vadd.s32 v1, v3  }
0x313: {  	[tilespmem:s9], [sflag:$0x1] =	stream.indirect_vreg.gather [hbm4b:s5+s2], $0x80, v4, vm0, $0xb8;
	[tilespmem:$0x18200] =	vst v63  }
0x314: {  	s10 =	simm.s32 $0x1A00  }
0x315: {  	[tilespmem:s10], [sflag:$0x1] =	stream.indirect_vreg.gather [hbm4b:s6+s2], $0x80, v4, vm0, $0xb8;
	[tilespmem:$0x18200] =	vst v63  }
0x316: {  	s11 =	simm.s32 $0x2200  }
0x317: {  	[tilespmem:s11], [sflag:$0x1] =	stream.indirect_vreg.gather [hbm4b:s3+s2], $0x80, v3, vm0, $0xb8;
	[tilespmem:$0x18200] =	vst v63  }
0x318: {  	s12 =	simm.s32 $0x2A00  }
0x319: {  	[tilespmem:s12], [sflag:$0x1] =	stream.indirect_vreg.gather [hbm4b:s4+s2], $0x80, v3, vm0, $0xb8;
	[tilespmem:$0x18200] =	vst v63  }
0x31a: {  	s16 =	simm.s32 $0x3200  }
0x31b: {  	[tilespmem:s16], [sflag:$0x1] =	stream.indirect_vreg.gather [hbm4b:s5+s2], $0x80, v3, vm0, $0xb8;
	[tilespmem:$0x18200] =	vst v63  }
0x31c: {  	s15 =	simm.s32 $0x3A00  }
0x31d: {  	[tilespmem:s15], [sflag:$0x1] =	stream.indirect_vreg.gather [hbm4b:s6+s2], $0x80, v3, vm0, $0xb8;
	[tilespmem:$0x18200] =	vst v63  }
0x31e: {  	v3 =	vld [tilespmem:$0x1F0];
	_ =	sdelay $0x4  }
0x31f: {  	v63 =	vshll.u32 v3, $0x3  }
0x320: {  	v3 =	vand.u32 $0x7, v3;
	v4 =	vand.u32 $0xFFFFFFC0, v63  }
0x321: {  	v3 =	vor.u32 v3, v4  }
0x322: {  	v4 =	vperm.xlane v3, v0;
	_ =	sdelay $0x1  }
0x323: {  	v4 =	vadd.s32 v1, v4;
	_ =	sdelay $0x3  }
0x324: {  	s25 =	simm.s32 $0x4200  }
0x325: {  	[tilespmem:s25], [sflag:$0x1] =	stream.indirect_vreg.gather [hbm4b:s3+s2], $0x80, v4, vm0, $0xb8;
	[tilespmem:$0x18200] =	vst v63  }
0x326: {  	s17 =	simm.s32 $0x4A00;
	v3 =	vperm.xlane v3, v2  }
0x327: {  	[tilespmem:s17], [sflag:$0x1] =	stream.indirect_vreg.gather [hbm4b:s4+s2], $0x80, v4, vm0, $0xb8;
	[tilespmem:$0x18200] =	vst v63  }
0x328: {  	s19 =	simm.s32 $0x5200;
	v3 =	vadd.s32 v1, v3  }
0x329: {  	[tilespmem:s19], [sflag:$0x1] =	stream.indirect_vreg.gather [hbm4b:s5+s2], $0x80, v4, vm0, $0xb8;
	[tilespmem:$0x18200] =	vst v63  }
0x32a: {  	s20 =	simm.s32 $0x5A00  }
0x32b: {  	[tilespmem:s20], [sflag:$0x1] =	stream.indirect_vreg.gather [hbm4b:s6+s2], $0x80, v4, vm0, $0xb8;
	[tilespmem:$0x18200] =	vst v63  }
0x32c: {  	s21 =	simm.s32 $0x6200  }
0x32d: {  	[tilespmem:s21], [sflag:$0x1] =	stream.indirect_vreg.gather [hbm4b:s3+s2], $0x80, v3, vm0, $0xb8;
	[tilespmem:$0x18200] =	vst v63  }
0x32e: {  	s22 =	simm.s32 $0x6A00  }
0x32f: {  	[tilespmem:s22], [sflag:$0x1] =	stream.indirect_vreg.gather [hbm4b:s4+s2], $0x80, v3, vm0, $0xb8;
	[tilespmem:$0x18200] =	vst v63  }
0x330: {  	s23 =	simm.s32 $0x7200  }
0x331: {  	[tilespmem:s23], [sflag:$0x1] =	stream.indirect_vreg.gather [hbm4b:s5+s2], $0x80, v3, vm0, $0xb8;
	[tilespmem:$0x18200] =	vst v63  }
0x332: {  	s24 =	simm.s32 $0x7A00  }
0x333: {  	[tilespmem:s24], [sflag:$0x1] =	stream.indirect_vreg.gather [hbm4b:s6+s2], $0x80, v3, vm0, $0xb8;
	[tilespmem:$0x18200] =	vst v63  }
0x334: {  	_ =	swait.ge [sflag:s0], $0x8000  }
0x335: {  	[sflag:s0] =	ssyncset.done $0x0  }
0x336: {  	s25 =	rddreg [dreg:$0x12];
	[sflag:s0] =	ssyncadd.s32 $0xFFFF8000  }
0x337: {  	[hbm4b:s25+s2] =	stream.linear.scatter [tilespmem:s18], [sflag:$0x6], $0x8000, $0x38;
	[tilespmem:$0x18200] =	vst v63  }
0x338: {  	_ =	swait.ge [sflag:s8], $0x8000  }
0x339: {  	[sflag:s8] =	ssyncset.done $0x0  }
0x33a: {  	s26 =	rddreg [dreg:$0x13];
	[sflag:s8] =	ssyncadd.s32 $0xFFFF8000  }
0x33b: {  	[hbm4b:s26+s2] =	stream.linear.scatter [tilespmem:s13], [sflag:$0x4], $0x8000, $0x38;
	[tilespmem:$0x18200] =	vst v63  }
0x33c: {  	s31 =	rddreg [dreg:$0x14];
	_ =	swait.ge [sflag:s28], $0x8000  }
0x33d: {  	[sflag:s28] =	ssyncset.done $0x0  }
0x33e: {  	[sflag:s28] =	ssyncadd.s32 $0xFFFF8000  }
0x33f: {  	p0 =	sne.s32 s31, $0x1;
	_ =	swait.ge [sflag:s29], $0x8000  }
.Ltmp0:
0x340: {  	[sflag:s29] =	ssyncset.done $0x0;
	(pc) =	sbr.rel @p0 .LBB2_1-.Ltmp0, $4  }
0x341: {  	[sflag:s29] =	ssyncadd.s32 $0xFFFF8000  }
0x342: {  	_ =	swait.ge [sflag:s1], $0x8000  }
0x343: {  	[sflag:s1] =	ssyncset.done $0x0  }
0x344: {  	s7 =	sadd.s32 $0xFFFFFFFF, s31;
	[sflag:s1] =	ssyncadd.s32 $0xFFFF8000  }
0x345: {  	_ =	sfence.sel $0x180000  }
0x346: {  	[bflag:$0x0] =	sbarrier.arrive $0xFFFF  }
0x347: {  	_ =	strace $0x9000004A  }
0x348: {  	s0 =	stileid.u32;
	[bflag:$0x2] =	sbarrier.arrive $0xFFFF  }
0x349: {  	p0 =	sne.s32 s0, $0x0;
	s0 =	rddreg [dreg:$0x2]  }
0x34a: {  	s0 =	sadd.s32 @!p0 $0x100000, s0  }
0x34b: {  	[sflag:s0] =	ssyncadd.tile.s32 @!p0 $0x1;
	_ =	shalt  }
.Lfunc_end2:
_tile_overlayer_lowered:
.L_overlay_start_2:
0x34c: {  	(tag) =	ssettag $0x2  }
0x34d: {  	s0 =	rddreg [dreg:$0x0];
	s2 =	stileid.u32  }
0x34e: {  	s1 =	rddreg [dreg:$0x1];
	p0 =	sne.s32 s2, $0x0  }
0x34f: {  	s3 =	rddreg [dreg:$0x2];
	[bflag:$0x3] =	sbarrier.arrive $0xFFFF;
	s2 =	simm.s32 @!p0 $0x1C07  }
0x350: {  	[timem:s3], [sflag:s2] =	dma.local @!p0 [hbm:s0], s1  }
0x351: {  	s0 =	simm.s32 @!p0 $0x7  }
0x352: {  	_ =	swait.ge @!p0 [sflag:s0], s1  }
0x353: {  	s1 =	ssub.s32 @!p0 $0x0, s1;
	[sflag:s0] =	ssyncset.done @!p0 $0x0  }
0x354: {  	[sflag:s0] =	ssyncadd.s32 @!p0 s1  }
0x355: {  	[bflag:$0x3] =	sbarrier.arrive $0xFFFF  }
0x356: {  	_ =	shalt  }

</sc_bundles>
